<compile_context>
chip_gen: v7x
topology: tpu7x:2x2x1
jax: 0.10.2.dev20260603
libtpu: 0.0.44.dev20260713+nightly
codegen_flags: <defaults>
</compile_context>

<pallas_src>
import functools

import jax
import jax.numpy as jnp
from jax import lax
from jax.experimental import pallas as pl
from jax.experimental.pallas import tpu as pltpu
from jax.experimental.pallas import tpu_sc as plsc

DIM = 4
NPAD = 10240
NW = 32
BLK = 1024
SLICE_C = NPAD // 16
SLICE_W = NPAD // NW
GCHUNK = 64


def _dense_body(embT_ref, WT_ref, b_ref, e1_ref, e2_ref,
                det_ref, pred_ref, z_ref, kcol_ref):
    UT = lax.dot_general(WT_ref[...], embT_ref[...], (((1,), (1,)), ((), ())),
                         preferred_element_type=jnp.float32) + b_ref[...]
    sig1 = jnp.clip(jax.nn.softplus(UT[0:1, :]), 1e-06, 1e6)
    sig2 = jnp.clip(jax.nn.softplus(UT[1:2, :]), 1e-06, 1e6)
    u = [UT[2 + m:3 + m, :] for m in range(16)]
    ub = [x.astype(jnp.bfloat16).astype(jnp.float32) for x in u]

    P = [[None] * 4 for _ in range(4)]
    for a in range(4):
        for b in range(4):
            if b < a:
                P[a][b] = P[b][a]
                continue
            acc = ub[4 * a + 0] * ub[4 * b + 0]
            for k in range(1, 4):
                acc = acc + ub[4 * a + k] * ub[4 * b + k]
            p = sig1 * acc
            if a == b:
                p = p + sig2
            P[a][b] = p

    def m2(i, j):
        return P[2][i] * P[3][j] - P[2][j] * P[3][i]
    A01, A02, A03 = m2(0, 1), m2(0, 2), m2(0, 3)
    A12, A13, A23 = m2(1, 2), m2(1, 3), m2(2, 3)
    M0 = P[1][1] * A23 - P[1][2] * A13 + P[1][3] * A12
    M1 = P[1][0] * A23 - P[1][2] * A03 + P[1][3] * A02
    M2 = P[1][0] * A13 - P[1][1] * A03 + P[1][3] * A01
    M3 = P[1][0] * A12 - P[1][1] * A02 + P[1][2] * A01
    det = P[0][0] * M0 - P[0][1] * M1 + P[0][2] * M2 - P[0][3] * M3

    trace = P[0][0] + P[1][1] + P[2][2] + P[3][3]
    first = jnp.log(1.0 / (jnp.abs(det) + 1e-06))
    kcol = (first + (-float(DIM)) + trace) / 2.0

    rs1 = jnp.sqrt(sig1)
    rs2 = jnp.sqrt(sig2)
    det_ref[0:1, :] = det
    kcol_ref[0:1, :] = kcol
    for a in range(4):
        acc = u[4 * a + 0] * e1_ref[0:1, :]
        for k in range(1, 4):
            acc = acc + u[4 * a + k] * e1_ref[k:k + 1, :]
        z_ref[a:a + 1, :] = rs1 * acc + rs2 * e2_ref[a:a + 1, :]
    for a in range(4):
        for b in range(4):
            m = 4 * a + b
            pred_ref[m:m + 1, :] = P[a][b]


def _dense_tc(embT, WT, b2, e1T, e2T):
    nblk = NPAD // BLK
    return pl.pallas_call(
        _dense_body,
        grid=(nblk,),
        in_specs=[
            pl.BlockSpec((BLK, 128), lambda i: (i, 0)),
            pl.BlockSpec((18, 128), lambda i: (0, 0)),
            pl.BlockSpec((18, 1), lambda i: (0, 0)),
            pl.BlockSpec((4, BLK), lambda i: (0, i)),
            pl.BlockSpec((4, BLK), lambda i: (0, i)),
        ],
        out_specs=[
            pl.BlockSpec((1, BLK), lambda i: (0, i)),
            pl.BlockSpec((16, BLK), lambda i: (0, i)),
            pl.BlockSpec((4, BLK), lambda i: (0, i)),
            pl.BlockSpec((1, BLK), lambda i: (0, i)),
        ],
        out_shape=[
            jax.ShapeDtypeStruct((1, NPAD), jnp.float32),
            jax.ShapeDtypeStruct((16, NPAD), jnp.float32),
            jax.ShapeDtypeStruct((4, NPAD), jnp.float32),
            jax.ShapeDtypeStruct((1, NPAD), jnp.float32),
        ],
    )(embT, WT, b2, e1T, e2T)


def _mesh():
    return plsc.VectorSubcoreMesh(core_axis_name="c", subcore_axis_name="s",
                                  num_cores=2, num_subcores=16)


def _lex_better(v_new, a_new, v_old, a_old):
    return (v_new > v_old) | ((v_new == v_old) & (a_new > a_old))


def _sc_partial(det, src, dst):
    E = src.shape[0]
    epw = E // NW
    nvec = epw // 16

    def body(det_hbm, src_hbm, dst_hbm, pv_hbm, pa_hbm,
             det_v, src_v, dst_v, val_v, arg_v,
             tval, targ, aval, aarg, tv2, ta2, shv, sha, sem):
        cid = lax.axis_index("c")
        sid = lax.axis_index("s")
        wid = cid * 16 + sid
        e0 = wid * epw
        stage = [pltpu.async_copy(det_hbm, det_v, sem),
                 pltpu.async_copy(src_hbm.at[pl.ds(e0, epw)], src_v, sem),
                 pltpu.async_copy(dst_hbm.at[pl.ds(e0, epw)], dst_v, sem)]
        for d in stage:
            d.wait()

        neg_inf = jnp.full((16,), -jnp.inf, jnp.float32)
        neg_one = jnp.full((16,), -1, jnp.int32)

        def init(i, _):
            sl = pl.ds(i * 16, 16)
            val_v[sl] = neg_inf
            arg_v[sl] = neg_one
            return 0
        lax.fori_loop(0, NPAD // 16, init, 0)

        lane = lax.iota(jnp.int32, 16)

        def edge2(i, unres):
            sl = pl.ds(i * 16, 16)
            s_idx = src_v[sl]
            d_idx = dst_v[sl]
            key = plsc.load_gather(det_v, [d_idx])
            eid = e0 + i * 16 + lane
            for _ in range(2):
                cur_v = plsc.load_gather(val_v, [s_idx])
                cur_a = plsc.load_gather(arg_v, [s_idx])
                better = _lex_better(key, eid, cur_v, cur_a)
                plsc.store_scatter(val_v, [s_idx], key, mask=better)
                plsc.store_scatter(arg_v, [s_idx], eid, mask=better)
            cur_v = plsc.load_gather(val_v, [s_idx])
            cur_a = plsc.load_gather(arg_v, [s_idx])
            better = _lex_better(key, eid, cur_v, cur_a)
            return unres | jnp.where(better, 1, 0)
        unres = lax.fori_loop(0, nvec, edge2, jnp.zeros((16,), jnp.int32))

        @pl.when(jnp.any(unres != 0))
        def _fixpoint():
            def edge_fix(i, _):
                sl = pl.ds(i * 16, 16)
                s_idx = src_v[sl]
                d_idx = dst_v[sl]
                key = plsc.load_gather(det_v, [d_idx])
                eid = e0 + i * 16 + lane

                def wbody(go):
                    cur_v = plsc.load_gather(val_v, [s_idx])
                    cur_a = plsc.load_gather(arg_v, [s_idx])
                    better = _lex_better(key, eid, cur_v, cur_a)
                    plsc.store_scatter(val_v, [s_idx], key, mask=better)
                    plsc.store_scatter(arg_v, [s_idx], eid, mask=better)
                    return jnp.any(better)
                lax.while_loop(lambda go: go, wbody, jnp.bool_(True))
                return 0
            lax.fori_loop(0, nvec, edge_fix, 0)

        pltpu.sync_copy(val_v, shv.at[pl.ds(sid * NPAD, NPAD)])
        pltpu.sync_copy(arg_v, sha.at[pl.ds(sid * NPAD, NPAD)])
        plsc.subcore_barrier()

        off = sid * SLICE_C
        pltpu.sync_copy(shv.at[pl.ds(off, SLICE_C)], aval)
        pltpu.sync_copy(sha.at[pl.ds(off, SLICE_C)], aarg)

        bufs = ((tval, targ), (tv2, ta2))

        def fire(t, b):
            tv, ta = bufs[b]
            return (pltpu.async_copy(shv.at[pl.ds(t * NPAD + off, SLICE_C)],
                                     tv, sem),
                    pltpu.async_copy(sha.at[pl.ds(t * NPAD + off, SLICE_C)],
                                     ta, sem))
        pend = fire(1, 0)
        for t in range(1, 16):
            b = (t - 1) & 1
            for d in pend:
                d.wait()
            if t < 15:
                nxt = fire(t + 1, 1 - b)
            tv, ta = bufs[b]

            def mj(j, _, tv=tv, ta=ta):
                sl = pl.ds(j * 16, 16)
                av, aa = aval[sl], aarg[sl]
                better = _lex_better(tv[sl], ta[sl], av, aa)
                aval[sl] = jnp.where(better, tv[sl], av)
                aarg[sl] = jnp.where(better, ta[sl], aa)
                return 0
            lax.fori_loop(0, SLICE_C // 16, mj, 0)
            if t < 15:
                pend = nxt

        pltpu.sync_copy(aval, pv_hbm.at[pl.ds(cid * NPAD + off, SLICE_C)])
        pltpu.sync_copy(aarg, pa_hbm.at[pl.ds(cid * NPAD + off, SLICE_C)])

    f = pl.kernel(
        body,
        out_type=(jax.ShapeDtypeStruct((2 * NPAD,), jnp.float32),
                  jax.ShapeDtypeStruct((2 * NPAD,), jnp.int32)),
        mesh=_mesh(),
        compiler_params=pltpu.CompilerParams(needs_layout_passes=False),
        scratch_types=[
            pltpu.VMEM((NPAD,), jnp.float32),
            pltpu.VMEM((epw,), jnp.int32),
            pltpu.VMEM((epw,), jnp.int32),
            pltpu.VMEM((NPAD,), jnp.float32),
            pltpu.VMEM((NPAD,), jnp.int32),
            pltpu.VMEM((SLICE_C,), jnp.float32),
            pltpu.VMEM((SLICE_C,), jnp.int32),
            pltpu.VMEM((SLICE_C,), jnp.float32),
            pltpu.VMEM((SLICE_C,), jnp.int32),
            pltpu.VMEM((SLICE_C,), jnp.float32),
            pltpu.VMEM((SLICE_C,), jnp.int32),
            pltpu.VMEM_SHARED((16 * NPAD,), jnp.float32),
            pltpu.VMEM_SHARED((16 * NPAD,), jnp.int32),
            pltpu.SemaphoreType.DMA,
        ],
    )
    return f(det, src, dst)


def _merge_and_arg(pv_hbm, pa_hbm, v0, v1, a0, a1, argm, off, sem):
    stage = [pltpu.async_copy(pv_hbm.at[pl.ds(off, SLICE_W)], v0, sem),
             pltpu.async_copy(pv_hbm.at[pl.ds(NPAD + off, SLICE_W)], v1, sem),
             pltpu.async_copy(pa_hbm.at[pl.ds(off, SLICE_W)], a0, sem),
             pltpu.async_copy(pa_hbm.at[pl.ds(NPAD + off, SLICE_W)], a1, sem)]
    for d in stage:
        d.wait()

    def mj(j, _):
        sl = pl.ds(j * 16, 16)
        b = _lex_better(v1[sl], a1[sl], v0[sl], a0[sl])
        am = jnp.where(b, a1[sl], a0[sl])
        argm[sl] = jnp.maximum(am, 0)
        return 0
    lax.fori_loop(0, SLICE_W // 16, mj, 0)


def _gather_rows_1d(tab_hbm, idx_ref, out_ref, sem):
    descs = []
    for ch in range(SLICE_W // GCHUNK):
        sl = pl.ds(ch * GCHUNK, GCHUNK)
        descs.append(pltpu.async_copy(tab_hbm.at[idx_ref.at[sl]],
                                      out_ref.at[sl], sem))
    for d in descs:
        d.wait()


def _sc_merge1(pv, pa, dst, det):
    def body(pv_hbm, pa_hbm, dst_hbm, det_hbm, sel_hbm, det2_hbm,
             v0, v1, a0, a1, argm, sel_v, dtab, det2_v, sem):
        cid = lax.axis_index("c")
        sid = lax.axis_index("s")
        wid = cid * 16 + sid
        off = wid * SLICE_W
        _merge_and_arg(pv_hbm, pa_hbm, v0, v1, a0, a1, argm, off, sem)
        _gather_rows_1d(dst_hbm, argm, sel_v, sem)
        pltpu.sync_copy(det_hbm, dtab)

        def gj(j, _):
            sl = pl.ds(j * 16, 16)
            det2_v[sl] = plsc.load_gather(dtab, [sel_v[sl]])
            return 0
        lax.fori_loop(0, SLICE_W // 16, gj, 0)
        pltpu.sync_copy(sel_v, sel_hbm.at[pl.ds(off, SLICE_W)])
        pltpu.sync_copy(det2_v, det2_hbm.at[pl.ds(off, SLICE_W)])

    f = pl.kernel(
        body,
        out_type=(jax.ShapeDtypeStruct((NPAD,), jnp.int32),
                  jax.ShapeDtypeStruct((NPAD,), jnp.float32)),
        mesh=_mesh(),
        compiler_params=pltpu.CompilerParams(needs_layout_passes=False),
        scratch_types=[
            pltpu.VMEM((SLICE_W,), jnp.float32),
            pltpu.VMEM((SLICE_W,), jnp.float32),
            pltpu.VMEM((SLICE_W,), jnp.int32),
            pltpu.VMEM((SLICE_W,), jnp.int32),
            pltpu.VMEM((SLICE_W,), jnp.int32),
            pltpu.VMEM((SLICE_W,), jnp.int32),
            pltpu.VMEM((NPAD,), jnp.float32),
            pltpu.VMEM((SLICE_W,), jnp.float32),
            pltpu.SemaphoreType.DMA,
        ],
    )
    return f(pv, pa, dst, det)


def _sc_final(pv, pa, dst, sel1, tbl, kcol):
    def body(pv_hbm, pa_hbm, dst_hbm, sel1_hbm, tbl_hbm, kcol_hbm,
             rows_hbm, kl_hbm,
             v0, v1, a0, a1, argm, sel2_v, s1tab, ktab, sf_v, kl_v,
             rows_v, sem):
        cid = lax.axis_index("c")
        sid = lax.axis_index("s")
        wid = cid * 16 + sid
        off = wid * SLICE_W
        _merge_and_arg(pv_hbm, pa_hbm, v0, v1, a0, a1, argm, off, sem)
        _gather_rows_1d(dst_hbm, argm, sel2_v, sem)
        pltpu.sync_copy(sel1_hbm, s1tab)
        pltpu.sync_copy(kcol_hbm, ktab)

        def gj(j, _):
            sl = pl.ds(j * 16, 16)
            sf = plsc.load_gather(s1tab, [sel2_v[sl]])
            sf_v[sl] = sf
            kl_v[sl] = plsc.load_gather(ktab, [sf])
            return 0
        lax.fori_loop(0, SLICE_W // 16, gj, 0)

        descs = []
        for ch in range(SLICE_W // GCHUNK):
            sl = pl.ds(ch * GCHUNK, GCHUNK)
            descs.append(pltpu.async_copy(tbl_hbm.at[sf_v.at[sl]],
                                          rows_v.at[sl, :], sem))
        for d in descs:
            d.wait()
        pltpu.sync_copy(rows_v, rows_hbm.at[pl.ds(off, SLICE_W), :])
        pltpu.sync_copy(kl_v, kl_hbm.at[pl.ds(off, SLICE_W)])

    f = pl.kernel(
        body,
        out_type=(jax.ShapeDtypeStruct((NPAD, 16), jnp.float32),
                  jax.ShapeDtypeStruct((NPAD,), jnp.float32)),
        mesh=_mesh(),
        compiler_params=pltpu.CompilerParams(needs_layout_passes=False,
                                             use_tc_tiling_on_sc=False),
        scratch_types=[
            pltpu.VMEM((SLICE_W,), jnp.float32),
            pltpu.VMEM((SLICE_W,), jnp.float32),
            pltpu.VMEM((SLICE_W,), jnp.int32),
            pltpu.VMEM((SLICE_W,), jnp.int32),
            pltpu.VMEM((SLICE_W,), jnp.int32),
            pltpu.VMEM((SLICE_W,), jnp.int32),
            pltpu.VMEM((NPAD,), jnp.int32),
            pltpu.VMEM((NPAD,), jnp.float32),
            pltpu.VMEM((SLICE_W,), jnp.int32),
            pltpu.VMEM((SLICE_W,), jnp.float32),
            pltpu.VMEM((SLICE_W, 16), jnp.float32),
            pltpu.SemaphoreType.DMA,
        ],
    )
    return f(pv, pa, dst, sel1, tbl, kcol)


def kernel(emb, W_ext, b_ext, eps1, eps2, edge_index):
    N = emb.shape[0]
    embT = jnp.pad(emb, ((0, NPAD - N), (0, 0)))
    WT = W_ext.T
    b2 = b_ext[:, None]
    e1T = jnp.pad(eps1[:, :, 0], ((0, NPAD - N), (0, 0))).T
    e2T = jnp.pad(eps2[:, :, 0], ((0, NPAD - N), (0, 0))).T

    detT, predT, zT, kcolT = _dense_tc(embT, WT, b2, e1T, e2T)
    det1 = detT[0]
    z = zT.T[:N]
    tbl = predT.T
    kcol = kcolT[0]

    src_n = edge_index[0]
    dst_n = edge_index[1]
    pv, pa = _sc_partial(det1, src_n, dst_n)
    sel1, det2 = _sc_merge1(pv, pa, dst_n, det1)
    pv2, pa2 = _sc_partial(det2, src_n, dst_n)
    rows, klsel = _sc_final(pv2, pa2, dst_n, sel1, tbl, kcol)

    return jnp.concatenate([rows[:N], z, klsel[:N, None]], axis=1)

# --- scband reference (transcript-rebuilt; emitter-appended) ---
"""Pipeline reference for scband-lrigaussian-51067161149950 (READ-ONLY COPY).

The authoritative reference and input builder live on the scoring server;
editing this copy changes nothing except your own understanding.
"""

import jax, jax.numpy as jnp
import numpy as np

DIM = 4
N_NODES = 10000
N_EDGES = 320000
D_FEAT = 128


def scatter_max(src, index, num_segments):
    seg_max = jax.ops.segment_max(src, index, num_segments=num_segments)
    is_max = src == seg_max[index]
    eids = jnp.arange(src.shape[0])
    arg = jax.ops.segment_max(jnp.where(is_max, eids, -1), index, num_segments=num_segments)
    arg = jnp.maximum(arg, 0)
    return seg_max, arg


def setup_inputs(seed: int = 0) -> dict:
    key = jax.random.key(seed)
    k1, k2, k3, k4, k5 = jax.random.split(key, 5)
    emb = jax.random.normal(k1, (N_NODES, D_FEAT), dtype=jnp.float32)
    W_ext = jax.random.normal(k2, (D_FEAT, 2 + DIM * DIM), dtype=jnp.float32) * 0.1
    b_ext = jnp.zeros((2 + DIM * DIM,), dtype=jnp.float32)
    eps1 = jax.random.normal(k3, (N_NODES, DIM, 1), dtype=jnp.float32)
    eps2 = jax.random.normal(k4, (N_NODES, DIM, 1), dtype=jnp.float32)
    edge_index = jax.random.randint(k5, (2, N_EDGES), 0, N_NODES, dtype=jnp.int32)
    return {"emb": emb, "W_ext": W_ext, "b_ext": b_ext, "eps1": eps1, "eps2": eps2, "edge_index": edge_index}


def reference(emb, W_ext, b_ext, eps1, eps2, edge_index):
    N = emb.shape[0]
    # extractor (linear) producing U
    U_full = emb @ W_ext + b_ext
    sig1 = jnp.clip(jax.nn.softplus(U_full[:, 0:1]), 1e-06, 1000000.0)
    sig2 = jnp.clip(jax.nn.softplus(U_full[:, 1:2]), 1e-06, 1000000.0)
    U = U_full[:, 2:].reshape(N, DIM, DIM)
    eye = jnp.eye(DIM, dtype=emb.dtype)
    pred_sigma = sig1[:, :, None] * (U @ jnp.swapaxes(U, 1, 2)) + sig2[:, :, None] * eye[None, :, :]
    # smooth_min: two rounds of scatter_max over det + gather
    src_n = edge_index[0]
    dst_n = edge_index[1]
    ps = pred_sigma
    for _ in range(2):
        det = jnp.linalg.det(ps)
        _, arg = scatter_max(det[dst_n], src_n, N)
        sel = dst_n[arg]
        ps = ps[sel]
    pred_sigma_sm = ps
    # sampling node noise (uses pre-smooth_min U, sig1, sig2)
    z = jnp.sqrt(sig1) * jnp.squeeze(U @ eps1, -1) + jnp.sqrt(sig2) * jnp.squeeze(eps2, -1)
    # KL against reg_sigma = I (det=1, trace term = trace(pred_sigma))
    det_p = jnp.linalg.det(pred_sigma_sm)
    first_term = jnp.log(1.0 / (jnp.abs(det_p) + 1e-06))
    second_term = -DIM
    third_term = jnp.trace(pred_sigma_sm, axis1=-2, axis2=-1)
    kl = (first_term + second_term + third_term) / 2.0
    out = jnp.concatenate([pred_sigma_sm.reshape(N, DIM * DIM), z, kl[:, None]], axis=1)
    return out

if __name__ == "__main__":
    import jax
    _d = setup_inputs()
    print(jax.jit(kernel)(*tuple(_d.values())))

</pallas_src>

<mosaic_0001>
#map = affine_map<(d0, d1) -> (0)>
module attributes {stable_mosaic.version = 14 : i64} {
  func.func @body(%arg0: i32, %arg1: i32, %arg2: memref<10240xf32, #tpu.memory_space<hbm>>, %arg3: memref<320000xi32, #tpu.memory_space<hbm>>, %arg4: memref<320000xi32, #tpu.memory_space<hbm>>, %arg5: memref<20480xf32, #tpu.memory_space<hbm>>, %arg6: memref<20480xi32, #tpu.memory_space<hbm>>, %arg7: memref<10240xf32, #tpu.memory_space<vmem>>, %arg8: memref<10000xi32, #tpu.memory_space<vmem>>, %arg9: memref<10000xi32, #tpu.memory_space<vmem>>, %arg10: memref<10240xf32, #tpu.memory_space<vmem>>, %arg11: memref<10240xi32, #tpu.memory_space<vmem>>, %arg12: memref<640xf32, #tpu.memory_space<vmem>>, %arg13: memref<640xi32, #tpu.memory_space<vmem>>, %arg14: memref<640xf32, #tpu.memory_space<vmem>>, %arg15: memref<640xi32, #tpu.memory_space<vmem>>, %arg16: memref<640xf32, #tpu.memory_space<vmem>>, %arg17: memref<640xi32, #tpu.memory_space<vmem>>, %arg18: memref<163840xf32, #tpu.memory_space<vmem_shared>>, %arg19: memref<163840xi32, #tpu.memory_space<vmem_shared>>, %arg20: memref<!tpu.dma_semaphore, #tpu.memory_space<semaphore_mem>>) attributes {dimension_semantics = [#tpu.dimension_semantics<core_parallel>, #tpu.dimension_semantics<subcore_parallel>], iteration_bounds = array<i64: 2, 16>, scalar_prefetch = 0 : i64, scratch_operands = 14 : i64, tpu.core_type = #tpu.core_type<sc_vector_subcore>, window_params = [{transform_indices = #map}, {transform_indices = #map}, {transform_indices = #map}, {transform_indices = #map}, {transform_indices = #map}]} {
    %mul3A = arith.constant 16 : i32
    %mul3A_0 = arith.muli %arg0, %mul3A : i32
    %add3A = arith.addi %mul3A_0, %arg1 : i32
    %mul3A_1 = arith.constant 10000 : i32
    %mul3A_2 = arith.muli %add3A, %mul3A_1 : i32
    tpu.enqueue_dma source(%arg2 : memref<10240xf32, #tpu.memory_space<hbm>>) target(%arg7 : memref<10240xf32, #tpu.memory_space<vmem>>) target_semaphore(%arg20 : memref<!tpu.dma_semaphore, #tpu.memory_space<semaphore_mem>>)
    %dma_start3A = tpu.memref_slice %arg3[%mul3A_2] : memref<320000xi32, #tpu.memory_space<hbm>> -> memref<10000xi32, #tpu.memory_space<hbm>>
    %dma_start3A_3 = tpu.memref_slice %arg3[%mul3A_2] : memref<320000xi32, #tpu.memory_space<hbm>> -> memref<10000xi32, #tpu.memory_space<hbm>>
    tpu.enqueue_dma source(%dma_start3A_3 : memref<10000xi32, #tpu.memory_space<hbm>>) target(%arg8 : memref<10000xi32, #tpu.memory_space<vmem>>) target_semaphore(%arg20 : memref<!tpu.dma_semaphore, #tpu.memory_space<semaphore_mem>>)
    %dma_start3A_4 = tpu.memref_slice %arg4[%mul3A_2] : memref<320000xi32, #tpu.memory_space<hbm>> -> memref<10000xi32, #tpu.memory_space<hbm>>
    %dma_start3A_5 = tpu.memref_slice %arg4[%mul3A_2] : memref<320000xi32, #tpu.memory_space<hbm>> -> memref<10000xi32, #tpu.memory_space<hbm>>
    tpu.enqueue_dma source(%dma_start3A_5 : memref<10000xi32, #tpu.memory_space<hbm>>) target(%arg9 : memref<10000xi32, #tpu.memory_space<vmem>>) target_semaphore(%arg20 : memref<!tpu.dma_semaphore, #tpu.memory_space<semaphore_mem>>)
    tpu.wait_dma2 semaphore(%arg20 : memref<!tpu.dma_semaphore, #tpu.memory_space<semaphore_mem>>) src(%arg2 : memref<10240xf32, #tpu.memory_space<hbm>>) dst(%arg7 : memref<10240xf32, #tpu.memory_space<vmem>>)
    %dma_wait3A = tpu.memref_slice %arg3[%mul3A_2] : memref<320000xi32, #tpu.memory_space<hbm>> -> memref<10000xi32, #tpu.memory_space<hbm>>
    %dma_wait3A_6 = tpu.memref_slice %arg3[%mul3A_2] : memref<320000xi32, #tpu.memory_space<hbm>> -> memref<10000xi32, #tpu.memory_space<hbm>>
    tpu.wait_dma2 semaphore(%arg20 : memref<!tpu.dma_semaphore, #tpu.memory_space<semaphore_mem>>) src(%dma_wait3A_6 : memref<10000xi32, #tpu.memory_space<hbm>>) dst(%arg8 : memref<10000xi32, #tpu.memory_space<vmem>>)
    %dma_wait3A_7 = tpu.memref_slice %arg4[%mul3A_2] : memref<320000xi32, #tpu.memory_space<hbm>> -> memref<10000xi32, #tpu.memory_space<hbm>>
    %dma_wait3A_8 = tpu.memref_slice %arg4[%mul3A_2] : memref<320000xi32, #tpu.memory_space<hbm>> -> memref<10000xi32, #tpu.memory_space<hbm>>
    tpu.wait_dma2 semaphore(%arg20 : memref<!tpu.dma_semaphore, #tpu.memory_space<semaphore_mem>>) src(%dma_wait3A_8 : memref<10000xi32, #tpu.memory_space<hbm>>) dst(%arg9 : memref<10000xi32, #tpu.memory_space<vmem>>)
    %broadcast_in_dim3A = arith.constant 0xFF800000 : f32
    %broadcast_in_dim3A_9 = vector.broadcast %broadcast_in_dim3A : f32 to vector<16xf32>
    %broadcast_in_dim3A_10 = arith.constant -1 : i32
    %broadcast_in_dim3A_11 = vector.broadcast %broadcast_in_dim3A_10 : i32 to vector<16xi32>
    %scan3A = arith.constant 0 : i32
    %scan3A_12 = arith.constant 0 : i32
    %scan3A_13 = arith.constant 640 : i32
    %scan3A_14 = arith.addi %scan3A_12, %scan3A_13 : i32
    %scan3A_15 = arith.constant 1 : i32
    %scan3A_16 = scf.for %scan3A_336 = %scan3A_12 to %scan3A_14 step %scan3A_15 iter_args(%scan3A_337 = %scan3A) -> (i32)  : i32 {
      %mul3A_338 = arith.constant 16 : i32
      %mul3A_339 = arith.muli %scan3A_336, %mul3A_338 : i32
      %swap3A = arith.index_cast %mul3A_339 : i32 to index
      %swap3A_340 = tpu.vector_load %arg10[%swap3A] {strides = array<i32>} : memref<10240xf32, #tpu.memory_space<vmem>>, vector<16xf32>,
      tpu.vector_store %arg10[%swap3A], %broadcast_in_dim3A_9 {strides = array<i32>} : memref<10240xf32, #tpu.memory_space<vmem>>, vector<16xf32>,
      %swap3A_341 = arith.index_cast %mul3A_339 : i32 to index
      %swap3A_342 = tpu.vector_load %arg11[%swap3A_341] {strides = array<i32>} : memref<10240xi32, #tpu.memory_space<vmem>>, vector<16xi32>,
      tpu.vector_store %arg11[%swap3A_341], %broadcast_in_dim3A_11 {strides = array<i32>} : memref<10240xi32, #tpu.memory_space<vmem>>, vector<16xi32>,
      %scan3A_343 = arith.constant 0 : i32
      scf.yield %scan3A_343 : i32
    }
    %scan3A_17 = arith.constant 640 : i32
    %iota3A = tpu.iota {dimensions = array<i32: 0>} : vector<16xi32>
    %broadcast_in_dim3A_18 = arith.constant 0 : i32
    %broadcast_in_dim3A_19 = vector.broadcast %broadcast_in_dim3A_18 : i32 to vector<16xi32>
    %scan3A_20 = arith.constant 0 : i32
    %scan3A_21 = arith.constant 625 : i32
    %scan3A_22 = arith.addi %scan3A_20, %scan3A_21 : i32
    %scan3A_23 = arith.constant 1 : i32
    %scan3A_24 = scf.for %scan3A_336 = %scan3A_20 to %scan3A_22 step %scan3A_23 iter_args(%scan3A_337 = %broadcast_in_dim3A_19) -> (vector<16xi32>)  : i32 {
      %mul3A_338 = arith.constant 16 : i32
      %mul3A_339 = arith.muli %scan3A_336, %mul3A_338 : i32
      %get3A = arith.index_cast %mul3A_339 : i32 to index
      %get3A_340 = tpu.vector_load %arg8[%get3A] {strides = array<i32>} : memref<10000xi32, #tpu.memory_space<vmem>>, vector<16xi32>,
      %get3A_341 = arith.index_cast %mul3A_339 : i32 to index
      %get3A_342 = tpu.vector_load %arg9[%get3A_341] {strides = array<i32>} : memref<10000xi32, #tpu.memory_space<vmem>>, vector<16xi32>,
      %gather3A = tpu.vector_load_idx %arg7[%get3A_342] : memref<10240xf32, #tpu.memory_space<vmem>>[vector<16xi32>], vector<16xf32>,
      %mul3A_343 = arith.constant 16 : i32
      %mul3A_344 = arith.muli %scan3A_336, %mul3A_343 : i32
      %add3A_345 = arith.addi %mul3A_2, %mul3A_344 : i32
      %add3A_346 = vector.broadcast %add3A_345 : i32 to vector<16xi32>
      %add3A_347 = arith.addi %add3A_346, %iota3A : vector<16xi32>
      %gather3A_348 = tpu.vector_load_idx %arg10[%get3A_340] : memref<10240xf32, #tpu.memory_space<vmem>>[vector<16xi32>], vector<16xf32>,
      %gather3A_349 = tpu.vector_load_idx %arg11[%get3A_340] : memref<10240xi32, #tpu.memory_space<vmem>>[vector<16xi32>], vector<16xi32>,
      %gt3A = arith.cmpf ogt, %gather3A, %gather3A_348 : vector<16xf32>
      %eq3A = arith.cmpf oeq, %gather3A, %gather3A_348 : vector<16xf32>
      %gt3A_350 = arith.cmpi sgt, %add3A_347, %gather3A_349 : vector<16xi32>
      %and3A = arith.andi %eq3A, %gt3A_350 : vector<16xi1>
      %or3A = arith.ori %gt3A, %and3A : vector<16xi1>
      tpu.vector_store_idx %arg10[%get3A_340], %gather3A masked %or3A : memref<10240xf32, #tpu.memory_space<vmem>>[vector<16xi32>], vector<16xf32>, vector<16xi1>
      tpu.vector_store_idx %arg11[%get3A_340], %add3A_347 masked %or3A : memref<10240xi32, #tpu.memory_space<vmem>>[vector<16xi32>], vector<16xi32>, vector<16xi1>
      %gather3A_351 = tpu.vector_load_idx %arg10[%get3A_340] : memref<10240xf32, #tpu.memory_space<vmem>>[vector<16xi32>], vector<16xf32>,
      %gather3A_352 = tpu.vector_load_idx %arg11[%get3A_340] : memref<10240xi32, #tpu.memory_space<vmem>>[vector<16xi32>], vector<16xi32>,
      %gt3A_353 = arith.cmpf ogt, %gather3A, %gather3A_351 : vector<16xf32>
      %eq3A_354 = arith.cmpf oeq, %gather3A, %gather3A_351 : vector<16xf32>
      %gt3A_355 = arith.cmpi sgt, %add3A_347, %gather3A_352 : vector<16xi32>
      %and3A_356 = arith.andi %eq3A_354, %gt3A_355 : vector<16xi1>
      %or3A_357 = arith.ori %gt3A_353, %and3A_356 : vector<16xi1>
      tpu.vector_store_idx %arg10[%get3A_340], %gather3A masked %or3A_357 : memref<10240xf32, #tpu.memory_space<vmem>>[vector<16xi32>], vector<16xf32>, vector<16xi1>
      tpu.vector_store_idx %arg11[%get3A_340], %add3A_347 masked %or3A_357 : memref<10240xi32, #tpu.memory_space<vmem>>[vector<16xi32>], vector<16xi32>, vector<16xi1>
      %gather3A_358 = tpu.vector_load_idx %arg10[%get3A_340] : memref<10240xf32, #tpu.memory_space<vmem>>[vector<16xi32>], vector<16xf32>,
      %gather3A_359 = tpu.vector_load_idx %arg11[%get3A_340] : memref<10240xi32, #tpu.memory_space<vmem>>[vector<16xi32>], vector<16xi32>,
      %gt3A_360 = arith.cmpf ogt, %gather3A, %gather3A_358 : vector<16xf32>
      %eq3A_361 = arith.cmpf oeq, %gather3A, %gather3A_358 : vector<16xf32>
      %gt3A_362 = arith.cmpi sgt, %add3A_347, %gather3A_359 : vector<16xi32>
      %and3A_363 = arith.andi %eq3A_361, %gt3A_362 : vector<16xi1>
      %or3A_364 = arith.ori %gt3A_360, %and3A_363 : vector<16xi1>
      %jit3A = arith.constant 1 : i32
      %jit3A_365 = arith.constant 0 : i32
      %broadcast_in_dim3A_366 = vector.broadcast %jit3A : i32 to vector<16xi32>
      %broadcast_in_dim3A_367 = vector.broadcast %jit3A_365 : i32 to vector<16xi32>
      %select_n3A = arith.select %or3A_364, %broadcast_in_dim3A_366, %broadcast_in_dim3A_367 : vector<16xi1>, vector<16xi32>
      %or3A_368 = arith.ori %scan3A_337, %select_n3A : vector<16xi32>
      scf.yield %or3A_368 : vector<16xi32>
    }
    %scan3A_25 = arith.constant 625 : i32
    %ne3A = arith.constant 0 : i32
    %ne3A_26 = vector.broadcast %ne3A : i32 to vector<16xi32>
    %ne3A_27 = arith.cmpi ne, %scan3A_24, %ne3A_26 : vector<16xi32>
    %reduce_or3A = arith.constant 1.000000e+00 : f32
    %reduce_or3A_28 = arith.constant 0.000000e+00 : f32
    %reduce_or3A_29 = vector.broadcast %reduce_or3A : f32 to vector<16xf32>
    %reduce_or3A_30 = vector.broadcast %reduce_or3A_28 : f32 to vector<16xf32>
    %reduce_or3A_31 = arith.select %ne3A_27, %reduce_or3A_29, %reduce_or3A_30 : vector<16xi1>, vector<16xf32>
    %reduce_or3A_32 = arith.constant true
    %reduce_or3A_33 = vector.broadcast %reduce_or3A_32 : i1 to vector<16xi1>
    %reduce_or3A_34 = tpu.scan <max>, %reduce_or3A_31 masked %reduce_or3A_33 : vector<16xf32>, vector<16xi1> -> vector<16xf32>
    %reduce_or3A_35 = vector.extract %reduce_or3A_34[15] : f32 from vector<16xf32>
    %reduce_or3A_36 = arith.constant 0.000000e+00 : f32
    %reduce_or3A_37 = arith.cmpf ogt, %reduce_or3A_35, %reduce_or3A_36 : f32
    %convert_element_type3A = arith.extui %reduce_or3A_37 : i1 to i32
    %cond3A = arith.constant 0 : i32
    %cond3A_38 = arith.cmpi ne, %convert_element_type3A, %cond3A : i32
    scf.if %cond3A_38 {
      %scan3A_336 = arith.constant 0 : i32
      %scan3A_337 = arith.constant 0 : i32
      %scan3A_338 = arith.constant 625 : i32
      %scan3A_339 = arith.addi %scan3A_337, %scan3A_338 : i32
      %scan3A_340 = arith.constant 1 : i32
      %scan3A_341 = scf.for %scan3A_343 = %scan3A_337 to %scan3A_339 step %scan3A_340 iter_args(%scan3A_344 = %scan3A_336) -> (i32)  : i32 {
        %mul3A_345 = arith.constant 16 : i32
        %mul3A_346 = arith.muli %scan3A_343, %mul3A_345 : i32
        %get3A = arith.index_cast %mul3A_346 : i32 to index
        %get3A_347 = tpu.vector_load %arg8[%get3A] {strides = array<i32>} : memref<10000xi32, #tpu.memory_space<vmem>>, vector<16xi32>,
        %get3A_348 = arith.index_cast %mul3A_346 : i32 to index
        %get3A_349 = tpu.vector_load %arg9[%get3A_348] {strides = array<i32>} : memref<10000xi32, #tpu.memory_space<vmem>>, vector<16xi32>,
        %gather3A = tpu.vector_load_idx %arg7[%get3A_349] : memref<10240xf32, #tpu.memory_space<vmem>>[vector<16xi32>], vector<16xf32>,
        %mul3A_350 = arith.constant 16 : i32
        %mul3A_351 = arith.muli %scan3A_343, %mul3A_350 : i32
        %add3A_352 = arith.addi %mul3A_2, %mul3A_351 : i32
        %add3A_353 = vector.broadcast %add3A_352 : i32 to vector<16xi32>
        %add3A_354 = arith.addi %add3A_353, %iota3A : vector<16xi32>
        %while3A = arith.constant true
        %while3A_355 = scf.while (%while3A_357 = %while3A) : (i1) -> i1 {
          scf.condition(%while3A_357) %while3A_357 : i1
        } do {
        ^bb0(%while3A_357: i1):
          %gather3A_358 = tpu.vector_load_idx %arg10[%get3A_347] : memref<10240xf32, #tpu.memory_space<vmem>>[vector<16xi32>], vector<16xf32>,
          %gather3A_359 = tpu.vector_load_idx %arg11[%get3A_347] : memref<10240xi32, #tpu.memory_space<vmem>>[vector<16xi32>], vector<16xi32>,
          %gt3A = arith.cmpf ogt, %gather3A, %gather3A_358 : vector<16xf32>
          %eq3A = arith.cmpf oeq, %gather3A, %gather3A_358 : vector<16xf32>
          %gt3A_360 = arith.cmpi sgt, %add3A_354, %gather3A_359 : vector<16xi32>
          %and3A = arith.andi %eq3A, %gt3A_360 : vector<16xi1>
          %or3A = arith.ori %gt3A, %and3A : vector<16xi1>
          tpu.vector_store_idx %arg10[%get3A_347], %gather3A masked %or3A : memref<10240xf32, #tpu.memory_space<vmem>>[vector<16xi32>], vector<16xf32>, vector<16xi1>
          tpu.vector_store_idx %arg11[%get3A_347], %add3A_354 masked %or3A : memref<10240xi32, #tpu.memory_space<vmem>>[vector<16xi32>], vector<16xi32>, vector<16xi1>
          %reduce_or3A_361 = arith.constant 1.000000e+00 : f32
          %reduce_or3A_362 = arith.constant 0.000000e+00 : f32
          %reduce_or3A_363 = vector.broadcast %reduce_or3A_361 : f32 to vector<16xf32>
          %reduce_or3A_364 = vector.broadcast %reduce_or3A_362 : f32 to vector<16xf32>
          %reduce_or3A_365 = arith.select %or3A, %reduce_or3A_363, %reduce_or3A_364 : vector<16xi1>, vector<16xf32>
          %reduce_or3A_366 = arith.constant true
          %reduce_or3A_367 = vector.broadcast %reduce_or3A_366 : i1 to vector<16xi1>
          %reduce_or3A_368 = tpu.scan <max>, %reduce_or3A_365 masked %reduce_or3A_367 : vector<16xf32>, vector<16xi1> -> vector<16xf32>
          %reduce_or3A_369 = vector.extract %reduce_or3A_368[15] : f32 from vector<16xf32>
          %reduce_or3A_370 = arith.constant 0.000000e+00 : f32
          %reduce_or3A_371 = arith.cmpf ogt, %reduce_or3A_369, %reduce_or3A_370 : f32
          scf.yield %reduce_or3A_371 : i1
        }
        %scan3A_356 = arith.constant 0 : i32
        scf.yield %scan3A_356 : i32
      }
      %scan3A_342 = arith.constant 625 : i32
    } else {
    }
    %mul3A_39 = arith.constant 10240 : i32
    %mul3A_40 = arith.muli %arg1, %mul3A_39 : i32
    "tpu.region"() ({
      %run_scoped3A = tpu.sem_alloc : memref<!tpu.dma_semaphore, #tpu.memory_space<semaphore_mem>>
      %dma_start3A_336 = tpu.memref_slice %arg18[%mul3A_40] : memref<163840xf32, #tpu.memory_space<vmem_shared>> -> memref<10240xf32, #tpu.memory_space<vmem_shared>>
      %dma_start3A_337 = tpu.memref_slice %arg18[%mul3A_40] : memref<163840xf32, #tpu.memory_space<vmem_shared>> -> memref<10240xf32, #tpu.memory_space<vmem_shared>>
      tpu.enqueue_dma source(%arg10 : memref<10240xf32, #tpu.memory_space<vmem>>) target(%dma_start3A_337 : memref<10240xf32, #tpu.memory_space<vmem_shared>>) target_semaphore(%run_scoped3A : memref<!tpu.dma_semaphore, #tpu.memory_space<semaphore_mem>>)
      %dma_wait3A_338 = tpu.memref_slice %arg18[%mul3A_40] : memref<163840xf32, #tpu.memory_space<vmem_shared>> -> memref<10240xf32, #tpu.memory_space<vmem_shared>>
      %dma_wait3A_339 = tpu.memref_slice %arg18[%mul3A_40] : memref<163840xf32, #tpu.memory_space<vmem_shared>> -> memref<10240xf32, #tpu.memory_space<vmem_shared>>
      tpu.wait_dma2 semaphore(%run_scoped3A : memref<!tpu.dma_semaphore, #tpu.memory_space<semaphore_mem>>) src(%arg10 : memref<10240xf32, #tpu.memory_space<vmem>>) dst(%dma_wait3A_339 : memref<10240xf32, #tpu.memory_space<vmem_shared>>)
      tpu.yield
    }) : () -> ()
    %mul3A_41 = arith.constant 10240 : i32
    %mul3A_42 = arith.muli %arg1, %mul3A_41 : i32
    "tpu.region"() ({
      %run_scoped3A = tpu.sem_alloc : memref<!tpu.dma_semaphore, #tpu.memory_space<semaphore_mem>>
      %dma_start3A_336 = tpu.memref_slice %arg19[%mul3A_42] : memref<163840xi32, #tpu.memory_space<vmem_shared>> -> memref<10240xi32, #tpu.memory_space<vmem_shared>>
      %dma_start3A_337 = tpu.memref_slice %arg19[%mul3A_42] : memref<163840xi32, #tpu.memory_space<vmem_shared>> -> memref<10240xi32, #tpu.memory_space<vmem_shared>>
      tpu.enqueue_dma source(%arg11 : memref<10240xi32, #tpu.memory_space<vmem>>) target(%dma_start3A_337 : memref<10240xi32, #tpu.memory_space<vmem_shared>>) target_semaphore(%run_scoped3A : memref<!tpu.dma_semaphore, #tpu.memory_space<semaphore_mem>>)
      %dma_wait3A_338 = tpu.memref_slice %arg19[%mul3A_42] : memref<163840xi32, #tpu.memory_space<vmem_shared>> -> memref<10240xi32, #tpu.memory_space<vmem_shared>>
      %dma_wait3A_339 = tpu.memref_slice %arg19[%mul3A_42] : memref<163840xi32, #tpu.memory_space<vmem_shared>> -> memref<10240xi32, #tpu.memory_space<vmem_shared>>
      tpu.wait_dma2 semaphore(%run_scoped3A : memref<!tpu.dma_semaphore, #tpu.memory_space<semaphore_mem>>) src(%arg11 : memref<10240xi32, #tpu.memory_space<vmem>>) dst(%dma_wait3A_339 : memref<10240xi32, #tpu.memory_space<vmem_shared>>)
      tpu.yield
    }) : () -> ()
    %barrier3A = arith.constant 0 : index
    tpu.barrier barrier_id(%barrier3A)
    %mul3A_43 = arith.constant 640 : i32
    %mul3A_44 = arith.muli %arg1, %mul3A_43 : i32
    "tpu.region"() ({
      %run_scoped3A = tpu.sem_alloc : memref<!tpu.dma_semaphore, #tpu.memory_space<semaphore_mem>>
      %dma_start3A_336 = tpu.memref_slice %arg18[%mul3A_44] : memref<163840xf32, #tpu.memory_space<vmem_shared>> -> memref<640xf32, #tpu.memory_space<vmem_shared>>
      %dma_start3A_337 = tpu.memref_slice %arg18[%mul3A_44] : memref<163840xf32, #tpu.memory_space<vmem_shared>> -> memref<640xf32, #tpu.memory_space<vmem_shared>>
      tpu.enqueue_dma source(%dma_start3A_337 : memref<640xf32, #tpu.memory_space<vmem_shared>>) target(%arg14 : memref<640xf32, #tpu.memory_space<vmem>>) target_semaphore(%run_scoped3A : memref<!tpu.dma_semaphore, #tpu.memory_space<semaphore_mem>>)
      %dma_wait3A_338 = tpu.memref_slice %arg18[%mul3A_44] : memref<163840xf32, #tpu.memory_space<vmem_shared>> -> memref<640xf32, #tpu.memory_space<vmem_shared>>
      %dma_wait3A_339 = tpu.memref_slice %arg18[%mul3A_44] : memref<163840xf32, #tpu.memory_space<vmem_shared>> -> memref<640xf32, #tpu.memory_space<vmem_shared>>
      tpu.wait_dma2 semaphore(%run_scoped3A : memref<!tpu.dma_semaphore, #tpu.memory_space<semaphore_mem>>) src(%dma_wait3A_339 : memref<640xf32, #tpu.memory_space<vmem_shared>>) dst(%arg14 : memref<640xf32, #tpu.memory_space<vmem>>)
      tpu.yield
    }) : () -> ()
    "tpu.region"() ({
      %run_scoped3A = tpu.sem_alloc : memref<!tpu.dma_semaphore, #tpu.memory_space<semaphore_mem>>
      %dma_start3A_336 = tpu.memref_slice %arg19[%mul3A_44] : memref<163840xi32, #tpu.memory_space<vmem_shared>> -> memref<640xi32, #tpu.memory_space<vmem_shared>>
      %dma_start3A_337 = tpu.memref_slice %arg19[%mul3A_44] : memref<163840xi32, #tpu.memory_space<vmem_shared>> -> memref<640xi32, #tpu.memory_space<vmem_shared>>
      tpu.enqueue_dma source(%dma_start3A_337 : memref<640xi32, #tpu.memory_space<vmem_shared>>) target(%arg15 : memref<640xi32, #tpu.memory_space<vmem>>) target_semaphore(%run_scoped3A : memref<!tpu.dma_semaphore, #tpu.memory_space<semaphore_mem>>)
      %dma_wait3A_338 = tpu.memref_slice %arg19[%mul3A_44] : memref<163840xi32, #tpu.memory_space<vmem_shared>> -> memref<640xi32, #tpu.memory_space<vmem_shared>>
      %dma_wait3A_339 = tpu.memref_slice %arg19[%mul3A_44] : memref<163840xi32, #tpu.memory_space<vmem_shared>> -> memref<640xi32, #tpu.memory_space<vmem_shared>>
      tpu.wait_dma2 semaphore(%run_scoped3A : memref<!tpu.dma_semaphore, #tpu.memory_space<semaphore_mem>>) src(%dma_wait3A_339 : memref<640xi32, #tpu.memory_space<vmem_shared>>) dst(%arg15 : memref<640xi32, #tpu.memory_space<vmem>>)
      tpu.yield
    }) : () -> ()
    %add3A_45 = arith.constant 10240 : i32
    %add3A_46 = arith.addi %add3A_45, %mul3A_44 : i32
    %dma_start3A_47 = tpu.memref_slice %arg18[%add3A_46] : memref<163840xf32, #tpu.memory_space<vmem_shared>> -> memref<640xf32, #tpu.memory_space<vmem_shared>>
    %dma_start3A_48 = tpu.memref_slice %arg18[%add3A_46] : memref<163840xf32, #tpu.memory_space<vmem_shared>> -> memref<640xf32, #tpu.memory_space<vmem_shared>>
    tpu.enqueue_dma source(%dma_start3A_48 : memref<640xf32, #tpu.memory_space<vmem_shared>>) target(%arg12 : memref<640xf32, #tpu.memory_space<vmem>>) target_semaphore(%arg20 : memref<!tpu.dma_semaphore, #tpu.memory_space<semaphore_mem>>)
    %add3A_49 = arith.constant 10240 : i32
    %add3A_50 = arith.addi %add3A_49, %mul3A_44 : i32
    %dma_start3A_51 = tpu.memref_slice %arg19[%add3A_50] : memref<163840xi32, #tpu.memory_space<vmem_shared>> -> memref<640xi32, #tpu.memory_space<vmem_shared>>
    %dma_start3A_52 = tpu.memref_slice %arg19[%add3A_50] : memref<163840xi32, #tpu.memory_space<vmem_shared>> -> memref<640xi32, #tpu.memory_space<vmem_shared>>
    tpu.enqueue_dma source(%dma_start3A_52 : memref<640xi32, #tpu.memory_space<vmem_shared>>) target(%arg13 : memref<640xi32, #tpu.memory_space<vmem>>) target_semaphore(%arg20 : memref<!tpu.dma_semaphore, #tpu.memory_space<semaphore_mem>>)
    %dma_wait3A_53 = tpu.memref_slice %arg18[%add3A_46] : memref<163840xf32, #tpu.memory_space<vmem_shared>> -> memref<640xf32, #tpu.memory_space<vmem_shared>>
    %dma_wait3A_54 = tpu.memref_slice %arg18[%add3A_46] : memref<163840xf32, #tpu.memory_space<vmem_shared>> -> memref<640xf32, #tpu.memory_space<vmem_shared>>
    tpu.wait_dma2 semaphore(%arg20 : memref<!tpu.dma_semaphore, #tpu.memory_space<semaphore_mem>>) src(%dma_wait3A_54 : memref<640xf32, #tpu.memory_space<vmem_shared>>) dst(%arg12 : memref<640xf32, #tpu.memory_space<vmem>>)
    %dma_wait3A_55 = tpu.memref_slice %arg19[%add3A_50] : memref<163840xi32, #tpu.memory_space<vmem_shared>> -> memref<640xi32, #tpu.memory_space<vmem_shared>>
    %dma_wait3A_56 = tpu.memref_slice %arg19[%add3A_50] : memref<163840xi32, #tpu.memory_space<vmem_shared>> -> memref<640xi32, #tpu.memory_space<vmem_shared>>
    tpu.wait_dma2 semaphore(%arg20 : memref<!tpu.dma_semaphore, #tpu.memory_space<semaphore_mem>>) src(%dma_wait3A_56 : memref<640xi32, #tpu.memory_space<vmem_shared>>) dst(%arg13 : memref<640xi32, #tpu.memory_space<vmem>>)
    %add3A_57 = arith.constant 20480 : i32
    %add3A_58 = arith.addi %add3A_57, %mul3A_44 : i32
    %dma_start3A_59 = tpu.memref_slice %arg18[%add3A_58] : memref<163840xf32, #tpu.memory_space<vmem_shared>> -> memref<640xf32, #tpu.memory_space<vmem_shared>>
    %dma_start3A_60 = tpu.memref_slice %arg18[%add3A_58] : memref<163840xf32, #tpu.memory_space<vmem_shared>> -> memref<640xf32, #tpu.memory_space<vmem_shared>>
    tpu.enqueue_dma source(%dma_start3A_60 : memref<640xf32, #tpu.memory_space<vmem_shared>>) target(%arg16 : memref<640xf32, #tpu.memory_space<vmem>>) target_semaphore(%arg20 : memref<!tpu.dma_semaphore, #tpu.memory_space<semaphore_mem>>)
    %add3A_61 = arith.constant 20480 : i32
    %add3A_62 = arith.addi %add3A_61, %mul3A_44 : i32
    %dma_start3A_63 = tpu.memref_slice %arg19[%add3A_62] : memref<163840xi32, #tpu.memory_space<vmem_shared>> -> memref<640xi32, #tpu.memory_space<vmem_shared>>
    %dma_start3A_64 = tpu.memref_slice %arg19[%add3A_62] : memref<163840xi32, #tpu.memory_space<vmem_shared>> -> memref<640xi32, #tpu.memory_space<vmem_shared>>
    tpu.enqueue_dma source(%dma_start3A_64 : memref<640xi32, #tpu.memory_space<vmem_shared>>) target(%arg17 : memref<640xi32, #tpu.memory_space<vmem>>) target_semaphore(%arg20 : memref<!tpu.dma_semaphore, #tpu.memory_space<semaphore_mem>>)
    %scan3A_65 = arith.constant 0 : i32
    %scan3A_66 = arith.constant 0 : i32
    %scan3A_67 = arith.constant 40 : i32
    %scan3A_68 = arith.addi %scan3A_66, %scan3A_67 : i32
    %scan3A_69 = arith.constant 1 : i32
    %scan3A_70 = scf.for %scan3A_336 = %scan3A_66 to %scan3A_68 step %scan3A_69 iter_args(%scan3A_337 = %scan3A_65) -> (i32)  : i32 {
      %mul3A_338 = arith.constant 16 : i32
      %mul3A_339 = arith.muli %scan3A_336, %mul3A_338 : i32
      %get3A = arith.index_cast %mul3A_339 : i32 to index
      %get3A_340 = tpu.vector_load %arg14[%get3A] {strides = array<i32>} : memref<640xf32, #tpu.memory_space<vmem>>, vector<16xf32>,
      %get3A_341 = arith.index_cast %mul3A_339 : i32 to index
      %get3A_342 = tpu.vector_load %arg15[%get3A_341] {strides = array<i32>} : memref<640xi32, #tpu.memory_space<vmem>>, vector<16xi32>,
      %get3A_343 = arith.index_cast %mul3A_339 : i32 to index
      %get3A_344 = tpu.vector_load %arg12[%get3A_343] {strides = array<i32>} : memref<640xf32, #tpu.memory_space<vmem>>, vector<16xf32>,
      %get3A_345 = arith.index_cast %mul3A_339 : i32 to index
      %get3A_346 = tpu.vector_load %arg13[%get3A_345] {strides = array<i32>} : memref<640xi32, #tpu.memory_space<vmem>>, vector<16xi32>,
      %gt3A = arith.cmpf ogt, %get3A_344, %get3A_340 : vector<16xf32>
      %eq3A = arith.cmpf oeq, %get3A_344, %get3A_340 : vector<16xf32>
      %gt3A_347 = arith.cmpi sgt, %get3A_346, %get3A_342 : vector<16xi32>
      %and3A = arith.andi %eq3A, %gt3A_347 : vector<16xi1>
      %or3A = arith.ori %gt3A, %and3A : vector<16xi1>
      %get3A_348 = arith.index_cast %mul3A_339 : i32 to index
      %get3A_349 = tpu.vector_load %arg12[%get3A_348] {strides = array<i32>} : memref<640xf32, #tpu.memory_space<vmem>>, vector<16xf32>,
      %select_n3A = arith.select %or3A, %get3A_349, %get3A_340 : vector<16xi1>, vector<16xf32>
      %swap3A = arith.index_cast %mul3A_339 : i32 to index
      %swap3A_350 = tpu.vector_load %arg14[%swap3A] {strides = array<i32>} : memref<640xf32, #tpu.memory_space<vmem>>, vector<16xf32>,
      tpu.vector_store %arg14[%swap3A], %select_n3A {strides = array<i32>} : memref<640xf32, #tpu.memory_space<vmem>>, vector<16xf32>,
      %get3A_351 = arith.index_cast %mul3A_339 : i32 to index
      %get3A_352 = tpu.vector_load %arg13[%get3A_351] {strides = array<i32>} : memref<640xi32, #tpu.memory_space<vmem>>, vector<16xi32>,
      %select_n3A_353 = arith.select %or3A, %get3A_352, %get3A_342 : vector<16xi1>, vector<16xi32>
      %swap3A_354 = arith.index_cast %mul3A_339 : i32 to index
      %swap3A_355 = tpu.vector_load %arg15[%swap3A_354] {strides = array<i32>} : memref<640xi32, #tpu.memory_space<vmem>>, vector<16xi32>,
      tpu.vector_store %arg15[%swap3A_354], %select_n3A_353 {strides = array<i32>} : memref<640xi32, #tpu.memory_space<vmem>>, vector<16xi32>,
      %scan3A_356 = arith.constant 0 : i32
      scf.yield %scan3A_356 : i32
    }
    %scan3A_71 = arith.constant 40 : i32
    %dma_wait3A_72 = tpu.memref_slice %arg18[%add3A_58] : memref<163840xf32, #tpu.memory_space<vmem_shared>> -> memref<640xf32, #tpu.memory_space<vmem_shared>>
    %dma_wait3A_73 = tpu.memref_slice %arg18[%add3A_58] : memref<163840xf32, #tpu.memory_space<vmem_shared>> -> memref<640xf32, #tpu.memory_space<vmem_shared>>
    tpu.wait_dma2 semaphore(%arg20 : memref<!tpu.dma_semaphore, #tpu.memory_space<semaphore_mem>>) src(%dma_wait3A_73 : memref<640xf32, #tpu.memory_space<vmem_shared>>) dst(%arg16 : memref<640xf32, #tpu.memory_space<vmem>>)
    %dma_wait3A_74 = tpu.memref_slice %arg19[%add3A_62] : memref<163840xi32, #tpu.memory_space<vmem_shared>> -> memref<640xi32, #tpu.memory_space<vmem_shared>>
    %dma_wait3A_75 = tpu.memref_slice %arg19[%add3A_62] : memref<163840xi32, #tpu.memory_space<vmem_shared>> -> memref<640xi32, #tpu.memory_space<vmem_shared>>
    tpu.wait_dma2 semaphore(%arg20 : memref<!tpu.dma_semaphore, #tpu.memory_space<semaphore_mem>>) src(%dma_wait3A_75 : memref<640xi32, #tpu.memory_space<vmem_shared>>) dst(%arg17 : memref<640xi32, #tpu.memory_space<vmem>>)
    %add3A_76 = arith.constant 30720 : i32
    %add3A_77 = arith.addi %add3A_76, %mul3A_44 : i32
    %dma_start3A_78 = tpu.memref_slice %arg18[%add3A_77] : memref<163840xf32, #tpu.memory_space<vmem_shared>> -> memref<640xf32, #tpu.memory_space<vmem_shared>>
    %dma_start3A_79 = tpu.memref_slice %arg18[%add3A_77] : memref<163840xf32, #tpu.memory_space<vmem_shared>> -> memref<640xf32, #tpu.memory_space<vmem_shared>>
    tpu.enqueue_dma source(%dma_start3A_79 : memref<640xf32, #tpu.memory_space<vmem_shared>>) target(%arg12 : memref<640xf32, #tpu.memory_space<vmem>>) target_semaphore(%arg20 : memref<!tpu.dma_semaphore, #tpu.memory_space<semaphore_mem>>)
    %add3A_80 = arith.constant 30720 : i32
    %add3A_81 = arith.addi %add3A_80, %mul3A_44 : i32
    %dma_start3A_82 = tpu.memref_slice %arg19[%add3A_81] : memref<163840xi32, #tpu.memory_space<vmem_shared>> -> memref<640xi32, #tpu.memory_space<vmem_shared>>
    %dma_start3A_83 = tpu.memref_slice %arg19[%add3A_81] : memref<163840xi32, #tpu.memory_space<vmem_shared>> -> memref<640xi32, #tpu.memory_space<vmem_shared>>
    tpu.enqueue_dma source(%dma_start3A_83 : memref<640xi32, #tpu.memory_space<vmem_shared>>) target(%arg13 : memref<640xi32, #tpu.memory_space<vmem>>) target_semaphore(%arg20 : memref<!tpu.dma_semaphore, #tpu.memory_space<semaphore_mem>>)
    %scan3A_84 = arith.constant 0 : i32
    %scan3A_85 = arith.constant 0 : i32
    %scan3A_86 = arith.constant 40 : i32
    %scan3A_87 = arith.addi %scan3A_85, %scan3A_86 : i32
    %scan3A_88 = arith.constant 1 : i32
    %scan3A_89 = scf.for %scan3A_336 = %scan3A_85 to %scan3A_87 step %scan3A_88 iter_args(%scan3A_337 = %scan3A_84) -> (i32)  : i32 {
      %mul3A_338 = arith.constant 16 : i32
      %mul3A_339 = arith.muli %scan3A_336, %mul3A_338 : i32
      %get3A = arith.index_cast %mul3A_339 : i32 to index
      %get3A_340 = tpu.vector_load %arg14[%get3A] {strides = array<i32>} : memref<640xf32, #tpu.memory_space<vmem>>, vector<16xf32>,
      %get3A_341 = arith.index_cast %mul3A_339 : i32 to index
      %get3A_342 = tpu.vector_load %arg15[%get3A_341] {strides = array<i32>} : memref<640xi32, #tpu.memory_space<vmem>>, vector<16xi32>,
      %get3A_343 = arith.index_cast %mul3A_339 : i32 to index
      %get3A_344 = tpu.vector_load %arg16[%get3A_343] {strides = array<i32>} : memref<640xf32, #tpu.memory_space<vmem>>, vector<16xf32>,
      %get3A_345 = arith.index_cast %mul3A_339 : i32 to index
      %get3A_346 = tpu.vector_load %arg17[%get3A_345] {strides = array<i32>} : memref<640xi32, #tpu.memory_space<vmem>>, vector<16xi32>,
      %gt3A = arith.cmpf ogt, %get3A_344, %get3A_340 : vector<16xf32>
      %eq3A = arith.cmpf oeq, %get3A_344, %get3A_340 : vector<16xf32>
      %gt3A_347 = arith.cmpi sgt, %get3A_346, %get3A_342 : vector<16xi32>
      %and3A = arith.andi %eq3A, %gt3A_347 : vector<16xi1>
      %or3A = arith.ori %gt3A, %and3A : vector<16xi1>
      %get3A_348 = arith.index_cast %mul3A_339 : i32 to index
      %get3A_349 = tpu.vector_load %arg16[%get3A_348] {strides = array<i32>} : memref<640xf32, #tpu.memory_space<vmem>>, vector<16xf32>,
      %select_n3A = arith.select %or3A, %get3A_349, %get3A_340 : vector<16xi1>, vector<16xf32>
      %swap3A = arith.index_cast %mul3A_339 : i32 to index
      %swap3A_350 = tpu.vector_load %arg14[%swap3A] {strides = array<i32>} : memref<640xf32, #tpu.memory_space<vmem>>, vector<16xf32>,
      tpu.vector_store %arg14[%swap3A], %select_n3A {strides = array<i32>} : memref<640xf32, #tpu.memory_space<vmem>>, vector<16xf32>,
      %get3A_351 = arith.index_cast %mul3A_339 : i32 to index
      %get3A_352 = tpu.vector_load %arg17[%get3A_351] {strides = array<i32>} : memref<640xi32, #tpu.memory_space<vmem>>, vector<16xi32>,
      %select_n3A_353 = arith.select %or3A, %get3A_352, %get3A_342 : vector<16xi1>, vector<16xi32>
      %swap3A_354 = arith.index_cast %mul3A_339 : i32 to index
      %swap3A_355 = tpu.vector_load %arg15[%swap3A_354] {strides = array<i32>} : memref<640xi32, #tpu.memory_space<vmem>>, vector<16xi32>,
      tpu.vector_store %arg15[%swap3A_354], %select_n3A_353 {strides = array<i32>} : memref<640xi32, #tpu.memory_space<vmem>>, vector<16xi32>,
      %scan3A_356 = arith.constant 0 : i32
      scf.yield %scan3A_356 : i32
    }
    %scan3A_90 = arith.constant 40 : i32
    %dma_wait3A_91 = tpu.memref_slice %arg18[%add3A_77] : memref<163840xf32, #tpu.memory_space<vmem_shared>> -> memref<640xf32, #tpu.memory_space<vmem_shared>>
    %dma_wait3A_92 = tpu.memref_slice %arg18[%add3A_77] : memref<163840xf32, #tpu.memory_space<vmem_shared>> -> memref<640xf32, #tpu.memory_space<vmem_shared>>
    tpu.wait_dma2 semaphore(%arg20 : memref<!tpu.dma_semaphore, #tpu.memory_space<semaphore_mem>>) src(%dma_wait3A_92 : memref<640xf32, #tpu.memory_space<vmem_shared>>) dst(%arg12 : memref<640xf32, #tpu.memory_space<vmem>>)
    %dma_wait3A_93 = tpu.memref_slice %arg19[%add3A_81] : memref<163840xi32, #tpu.memory_space<vmem_shared>> -> memref<640xi32, #tpu.memory_space<vmem_shared>>
    %dma_wait3A_94 = tpu.memref_slice %arg19[%add3A_81] : memref<163840xi32, #tpu.memory_space<vmem_shared>> -> memref<640xi32, #tpu.memory_space<vmem_shared>>
    tpu.wait_dma2 semaphore(%arg20 : memref<!tpu.dma_semaphore, #tpu.memory_space<semaphore_mem>>) src(%dma_wait3A_94 : memref<640xi32, #tpu.memory_space<vmem_shared>>) dst(%arg13 : memref<640xi32, #tpu.memory_space<vmem>>)
    %add3A_95 = arith.constant 40960 : i32
    %add3A_96 = arith.addi %add3A_95, %mul3A_44 : i32
    %dma_start3A_97 = tpu.memref_slice %arg18[%add3A_96] : memref<163840xf32, #tpu.memory_space<vmem_shared>> -> memref<640xf32, #tpu.memory_space<vmem_shared>>
    %dma_start3A_98 = tpu.memref_slice %arg18[%add3A_96] : memref<163840xf32, #tpu.memory_space<vmem_shared>> -> memref<640xf32, #tpu.memory_space<vmem_shared>>
    tpu.enqueue_dma source(%dma_start3A_98 : memref<640xf32, #tpu.memory_space<vmem_shared>>) target(%arg16 : memref<640xf32, #tpu.memory_space<vmem>>) target_semaphore(%arg20 : memref<!tpu.dma_semaphore, #tpu.memory_space<semaphore_mem>>)
    %add3A_99 = arith.constant 40960 : i32
    %add3A_100 = arith.addi %add3A_99, %mul3A_44 : i32
    %dma_start3A_101 = tpu.memref_slice %arg19[%add3A_100] : memref<163840xi32, #tpu.memory_space<vmem_shared>> -> memref<640xi32, #tpu.memory_space<vmem_shared>>
    %dma_start3A_102 = tpu.memref_slice %arg19[%add3A_100] : memref<163840xi32, #tpu.memory_space<vmem_shared>> -> memref<640xi32, #tpu.memory_space<vmem_shared>>
    tpu.enqueue_dma source(%dma_start3A_102 : memref<640xi32, #tpu.memory_space<vmem_shared>>) target(%arg17 : memref<640xi32, #tpu.memory_space<vmem>>) target_semaphore(%arg20 : memref<!tpu.dma_semaphore, #tpu.memory_space<semaphore_mem>>)
    %scan3A_103 = arith.constant 0 : i32
    %scan3A_104 = arith.constant 0 : i32
    %scan3A_105 = arith.constant 40 : i32
    %scan3A_106 = arith.addi %scan3A_104, %scan3A_105 : i32
    %scan3A_107 = arith.constant 1 : i32
    %scan3A_108 = scf.for %scan3A_336 = %scan3A_104 to %scan3A_106 step %scan3A_107 iter_args(%scan3A_337 = %scan3A_103) -> (i32)  : i32 {
      %mul3A_338 = arith.constant 16 : i32
      %mul3A_339 = arith.muli %scan3A_336, %mul3A_338 : i32
      %get3A = arith.index_cast %mul3A_339 : i32 to index
      %get3A_340 = tpu.vector_load %arg14[%get3A] {strides = array<i32>} : memref<640xf32, #tpu.memory_space<vmem>>, vector<16xf32>,
      %get3A_341 = arith.index_cast %mul3A_339 : i32 to index
      %get3A_342 = tpu.vector_load %arg15[%get3A_341] {strides = array<i32>} : memref<640xi32, #tpu.memory_space<vmem>>, vector<16xi32>,
      %get3A_343 = arith.index_cast %mul3A_339 : i32 to index
      %get3A_344 = tpu.vector_load %arg12[%get3A_343] {strides = array<i32>} : memref<640xf32, #tpu.memory_space<vmem>>, vector<16xf32>,
      %get3A_345 = arith.index_cast %mul3A_339 : i32 to index
      %get3A_346 = tpu.vector_load %arg13[%get3A_345] {strides = array<i32>} : memref<640xi32, #tpu.memory_space<vmem>>, vector<16xi32>,
      %gt3A = arith.cmpf ogt, %get3A_344, %get3A_340 : vector<16xf32>
      %eq3A = arith.cmpf oeq, %get3A_344, %get3A_340 : vector<16xf32>
      %gt3A_347 = arith.cmpi sgt, %get3A_346, %get3A_342 : vector<16xi32>
      %and3A = arith.andi %eq3A, %gt3A_347 : vector<16xi1>
      %or3A = arith.ori %gt3A, %and3A : vector<16xi1>
      %get3A_348 = arith.index_cast %mul3A_339 : i32 to index
      %get3A_349 = tpu.vector_load %arg12[%get3A_348] {strides = array<i32>} : memref<640xf32, #tpu.memory_space<vmem>>, vector<16xf32>,
      %select_n3A = arith.select %or3A, %get3A_349, %get3A_340 : vector<16xi1>, vector<16xf32>
      %swap3A = arith.index_cast %mul3A_339 : i32 to index
      %swap3A_350 = tpu.vector_load %arg14[%swap3A] {strides = array<i32>} : memref<640xf32, #tpu.memory_space<vmem>>, vector<16xf32>,
      tpu.vector_store %arg14[%swap3A], %select_n3A {strides = array<i32>} : memref<640xf32, #tpu.memory_space<vmem>>, vector<16xf32>,
      %get3A_351 = arith.index_cast %mul3A_339 : i32 to index
      %get3A_352 = tpu.vector_load %arg13[%get3A_351] {strides = array<i32>} : memref<640xi32, #tpu.memory_space<vmem>>, vector<16xi32>,
      %select_n3A_353 = arith.select %or3A, %get3A_352, %get3A_342 : vector<16xi1>, vector<16xi32>
      %swap3A_354 = arith.index_cast %mul3A_339 : i32 to index
      %swap3A_355 = tpu.vector_load %arg15[%swap3A_354] {strides = array<i32>} : memref<640xi32, #tpu.memory_space<vmem>>, vector<16xi32>,
      tpu.vector_store %arg15[%swap3A_354], %select_n3A_353 {strides = array<i32>} : memref<640xi32, #tpu.memory_space<vmem>>, vector<16xi32>,
      %scan3A_356 = arith.constant 0 : i32
      scf.yield %scan3A_356 : i32
    }
    %scan3A_109 = arith.constant 40 : i32
    %dma_wait3A_110 = tpu.memref_slice %arg18[%add3A_96] : memref<163840xf32, #tpu.memory_space<vmem_shared>> -> memref<640xf32, #tpu.memory_space<vmem_shared>>
    %dma_wait3A_111 = tpu.memref_slice %arg18[%add3A_96] : memref<163840xf32, #tpu.memory_space<vmem_shared>> -> memref<640xf32, #tpu.memory_space<vmem_shared>>
    tpu.wait_dma2 semaphore(%arg20 : memref<!tpu.dma_semaphore, #tpu.memory_space<semaphore_mem>>) src(%dma_wait3A_111 : memref<640xf32, #tpu.memory_space<vmem_shared>>) dst(%arg16 : memref<640xf32, #tpu.memory_space<vmem>>)
    %dma_wait3A_112 = tpu.memref_slice %arg19[%add3A_100] : memref<163840xi32, #tpu.memory_space<vmem_shared>> -> memref<640xi32, #tpu.memory_space<vmem_shared>>
    %dma_wait3A_113 = tpu.memref_slice %arg19[%add3A_100] : memref<163840xi32, #tpu.memory_space<vmem_shared>> -> memref<640xi32, #tpu.memory_space<vmem_shared>>
    tpu.wait_dma2 semaphore(%arg20 : memref<!tpu.dma_semaphore, #tpu.memory_space<semaphore_mem>>) src(%dma_wait3A_113 : memref<640xi32, #tpu.memory_space<vmem_shared>>) dst(%arg17 : memref<640xi32, #tpu.memory_space<vmem>>)
    %add3A_114 = arith.constant 51200 : i32
    %add3A_115 = arith.addi %add3A_114, %mul3A_44 : i32
    %dma_start3A_116 = tpu.memref_slice %arg18[%add3A_115] : memref<163840xf32, #tpu.memory_space<vmem_shared>> -> memref<640xf32, #tpu.memory_space<vmem_shared>>
    %dma_start3A_117 = tpu.memref_slice %arg18[%add3A_115] : memref<163840xf32, #tpu.memory_space<vmem_shared>> -> memref<640xf32, #tpu.memory_space<vmem_shared>>
    tpu.enqueue_dma source(%dma_start3A_117 : memref<640xf32, #tpu.memory_space<vmem_shared>>) target(%arg12 : memref<640xf32, #tpu.memory_space<vmem>>) target_semaphore(%arg20 : memref<!tpu.dma_semaphore, #tpu.memory_space<semaphore_mem>>)
    %add3A_118 = arith.constant 51200 : i32
    %add3A_119 = arith.addi %add3A_118, %mul3A_44 : i32
    %dma_start3A_120 = tpu.memref_slice %arg19[%add3A_119] : memref<163840xi32, #tpu.memory_space<vmem_shared>> -> memref<640xi32, #tpu.memory_space<vmem_shared>>
    %dma_start3A_121 = tpu.memref_slice %arg19[%add3A_119] : memref<163840xi32, #tpu.memory_space<vmem_shared>> -> memref<640xi32, #tpu.memory_space<vmem_shared>>
    tpu.enqueue_dma source(%dma_start3A_121 : memref<640xi32, #tpu.memory_space<vmem_shared>>) target(%arg13 : memref<640xi32, #tpu.memory_space<vmem>>) target_semaphore(%arg20 : memref<!tpu.dma_semaphore, #tpu.memory_space<semaphore_mem>>)
    %scan3A_122 = arith.constant 0 : i32
    %scan3A_123 = arith.constant 0 : i32
    %scan3A_124 = arith.constant 40 : i32
    %scan3A_125 = arith.addi %scan3A_123, %scan3A_124 : i32
    %scan3A_126 = arith.constant 1 : i32
    %scan3A_127 = scf.for %scan3A_336 = %scan3A_123 to %scan3A_125 step %scan3A_126 iter_args(%scan3A_337 = %scan3A_122) -> (i32)  : i32 {
      %mul3A_338 = arith.constant 16 : i32
      %mul3A_339 = arith.muli %scan3A_336, %mul3A_338 : i32
      %get3A = arith.index_cast %mul3A_339 : i32 to index
      %get3A_340 = tpu.vector_load %arg14[%get3A] {strides = array<i32>} : memref<640xf32, #tpu.memory_space<vmem>>, vector<16xf32>,
      %get3A_341 = arith.index_cast %mul3A_339 : i32 to index
      %get3A_342 = tpu.vector_load %arg15[%get3A_341] {strides = array<i32>} : memref<640xi32, #tpu.memory_space<vmem>>, vector<16xi32>,
      %get3A_343 = arith.index_cast %mul3A_339 : i32 to index
      %get3A_344 = tpu.vector_load %arg16[%get3A_343] {strides = array<i32>} : memref<640xf32, #tpu.memory_space<vmem>>, vector<16xf32>,
      %get3A_345 = arith.index_cast %mul3A_339 : i32 to index
      %get3A_346 = tpu.vector_load %arg17[%get3A_345] {strides = array<i32>} : memref<640xi32, #tpu.memory_space<vmem>>, vector<16xi32>,
      %gt3A = arith.cmpf ogt, %get3A_344, %get3A_340 : vector<16xf32>
      %eq3A = arith.cmpf oeq, %get3A_344, %get3A_340 : vector<16xf32>
      %gt3A_347 = arith.cmpi sgt, %get3A_346, %get3A_342 : vector<16xi32>
      %and3A = arith.andi %eq3A, %gt3A_347 : vector<16xi1>
      %or3A = arith.ori %gt3A, %and3A : vector<16xi1>
      %get3A_348 = arith.index_cast %mul3A_339 : i32 to index
      %get3A_349 = tpu.vector_load %arg16[%get3A_348] {strides = array<i32>} : memref<640xf32, #tpu.memory_space<vmem>>, vector<16xf32>,
      %select_n3A = arith.select %or3A, %get3A_349, %get3A_340 : vector<16xi1>, vector<16xf32>
      %swap3A = arith.index_cast %mul3A_339 : i32 to index
      %swap3A_350 = tpu.vector_load %arg14[%swap3A] {strides = array<i32>} : memref<640xf32, #tpu.memory_space<vmem>>, vector<16xf32>,
      tpu.vector_store %arg14[%swap3A], %select_n3A {strides = array<i32>} : memref<640xf32, #tpu.memory_space<vmem>>, vector<16xf32>,
      %get3A_351 = arith.index_cast %mul3A_339 : i32 to index
      %get3A_352 = tpu.vector_load %arg17[%get3A_351] {strides = array<i32>} : memref<640xi32, #tpu.memory_space<vmem>>, vector<16xi32>,
      %select_n3A_353 = arith.select %or3A, %get3A_352, %get3A_342 : vector<16xi1>, vector<16xi32>
      %swap3A_354 = arith.index_cast %mul3A_339 : i32 to index
      %swap3A_355 = tpu.vector_load %arg15[%swap3A_354] {strides = array<i32>} : memref<640xi32, #tpu.memory_space<vmem>>, vector<16xi32>,
      tpu.vector_store %arg15[%swap3A_354], %select_n3A_353 {strides = array<i32>} : memref<640xi32, #tpu.memory_space<vmem>>, vector<16xi32>,
      %scan3A_356 = arith.constant 0 : i32
      scf.yield %scan3A_356 : i32
    }
    %scan3A_128 = arith.constant 40 : i32
    %dma_wait3A_129 = tpu.memref_slice %arg18[%add3A_115] : memref<163840xf32, #tpu.memory_space<vmem_shared>> -> memref<640xf32, #tpu.memory_space<vmem_shared>>
    %dma_wait3A_130 = tpu.memref_slice %arg18[%add3A_115] : memref<163840xf32, #tpu.memory_space<vmem_shared>> -> memref<640xf32, #tpu.memory_space<vmem_shared>>
    tpu.wait_dma2 semaphore(%arg20 : memref<!tpu.dma_semaphore, #tpu.memory_space<semaphore_mem>>) src(%dma_wait3A_130 : memref<640xf32, #tpu.memory_space<vmem_shared>>) dst(%arg12 : memref<640xf32, #tpu.memory_space<vmem>>)
    %dma_wait3A_131 = tpu.memref_slice %arg19[%add3A_119] : memref<163840xi32, #tpu.memory_space<vmem_shared>> -> memref<640xi32, #tpu.memory_space<vmem_shared>>
    %dma_wait3A_132 = tpu.memref_slice %arg19[%add3A_119] : memref<163840xi32, #tpu.memory_space<vmem_shared>> -> memref<640xi32, #tpu.memory_space<vmem_shared>>
    tpu.wait_dma2 semaphore(%arg20 : memref<!tpu.dma_semaphore, #tpu.memory_space<semaphore_mem>>) src(%dma_wait3A_132 : memref<640xi32, #tpu.memory_space<vmem_shared>>) dst(%arg13 : memref<640xi32, #tpu.memory_space<vmem>>)
    %add3A_133 = arith.constant 61440 : i32
    %add3A_134 = arith.addi %add3A_133, %mul3A_44 : i32
    %dma_start3A_135 = tpu.memref_slice %arg18[%add3A_134] : memref<163840xf32, #tpu.memory_space<vmem_shared>> -> memref<640xf32, #tpu.memory_space<vmem_shared>>
    %dma_start3A_136 = tpu.memref_slice %arg18[%add3A_134] : memref<163840xf32, #tpu.memory_space<vmem_shared>> -> memref<640xf32, #tpu.memory_space<vmem_shared>>
    tpu.enqueue_dma source(%dma_start3A_136 : memref<640xf32, #tpu.memory_space<vmem_shared>>) target(%arg16 : memref<640xf32, #tpu.memory_space<vmem>>) target_semaphore(%arg20 : memref<!tpu.dma_semaphore, #tpu.memory_space<semaphore_mem>>)
    %add3A_137 = arith.constant 61440 : i32
    %add3A_138 = arith.addi %add3A_137, %mul3A_44 : i32
    %dma_start3A_139 = tpu.memref_slice %arg19[%add3A_138] : memref<163840xi32, #tpu.memory_space<vmem_shared>> -> memref<640xi32, #tpu.memory_space<vmem_shared>>
    %dma_start3A_140 = tpu.memref_slice %arg19[%add3A_138] : memref<163840xi32, #tpu.memory_space<vmem_shared>> -> memref<640xi32, #tpu.memory_space<vmem_shared>>
    tpu.enqueue_dma source(%dma_start3A_140 : memref<640xi32, #tpu.memory_space<vmem_shared>>) target(%arg17 : memref<640xi32, #tpu.memory_space<vmem>>) target_semaphore(%arg20 : memref<!tpu.dma_semaphore, #tpu.memory_space<semaphore_mem>>)
    %scan3A_141 = arith.constant 0 : i32
    %scan3A_142 = arith.constant 0 : i32
    %scan3A_143 = arith.constant 40 : i32
    %scan3A_144 = arith.addi %scan3A_142, %scan3A_143 : i32
    %scan3A_145 = arith.constant 1 : i32
    %scan3A_146 = scf.for %scan3A_336 = %scan3A_142 to %scan3A_144 step %scan3A_145 iter_args(%scan3A_337 = %scan3A_141) -> (i32)  : i32 {
      %mul3A_338 = arith.constant 16 : i32
      %mul3A_339 = arith.muli %scan3A_336, %mul3A_338 : i32
      %get3A = arith.index_cast %mul3A_339 : i32 to index
      %get3A_340 = tpu.vector_load %arg14[%get3A] {strides = array<i32>} : memref<640xf32, #tpu.memory_space<vmem>>, vector<16xf32>,
      %get3A_341 = arith.index_cast %mul3A_339 : i32 to index
      %get3A_342 = tpu.vector_load %arg15[%get3A_341] {strides = array<i32>} : memref<640xi32, #tpu.memory_space<vmem>>, vector<16xi32>,
      %get3A_343 = arith.index_cast %mul3A_339 : i32 to index
      %get3A_344 = tpu.vector_load %arg12[%get3A_343] {strides = array<i32>} : memref<640xf32, #tpu.memory_space<vmem>>, vector<16xf32>,
      %get3A_345 = arith.index_cast %mul3A_339 : i32 to index
      %get3A_346 = tpu.vector_load %arg13[%get3A_345] {strides = array<i32>} : memref<640xi32, #tpu.memory_space<vmem>>, vector<16xi32>,
      %gt3A = arith.cmpf ogt, %get3A_344, %get3A_340 : vector<16xf32>
      %eq3A = arith.cmpf oeq, %get3A_344, %get3A_340 : vector<16xf32>
      %gt3A_347 = arith.cmpi sgt, %get3A_346, %get3A_342 : vector<16xi32>
      %and3A = arith.andi %eq3A, %gt3A_347 : vector<16xi1>
      %or3A = arith.ori %gt3A, %and3A : vector<16xi1>
      %get3A_348 = arith.index_cast %mul3A_339 : i32 to index
      %get3A_349 = tpu.vector_load %arg12[%get3A_348] {strides = array<i32>} : memref<640xf32, #tpu.memory_space<vmem>>, vector<16xf32>,
      %select_n3A = arith.select %or3A, %get3A_349, %get3A_340 : vector<16xi1>, vector<16xf32>
      %swap3A = arith.index_cast %mul3A_339 : i32 to index
      %swap3A_350 = tpu.vector_load %arg14[%swap3A] {strides = array<i32>} : memref<640xf32, #tpu.memory_space<vmem>>, vector<16xf32>,
      tpu.vector_store %arg14[%swap3A], %select_n3A {strides = array<i32>} : memref<640xf32, #tpu.memory_space<vmem>>, vector<16xf32>,
      %get3A_351 = arith.index_cast %mul3A_339 : i32 to index
      %get3A_352 = tpu.vector_load %arg13[%get3A_351] {strides = array<i32>} : memref<640xi32, #tpu.memory_space<vmem>>, vector<16xi32>,
      %select_n3A_353 = arith.select %or3A, %get3A_352, %get3A_342 : vector<16xi1>, vector<16xi32>
      %swap3A_354 = arith.index_cast %mul3A_339 : i32 to index
      %swap3A_355 = tpu.vector_load %arg15[%swap3A_354] {strides = array<i32>} : memref<640xi32, #tpu.memory_space<vmem>>, vector<16xi32>,
      tpu.vector_store %arg15[%swap3A_354], %select_n3A_353 {strides = array<i32>} : memref<640xi32, #tpu.memory_space<vmem>>, vector<16xi32>,
      %scan3A_356 = arith.constant 0 : i32
      scf.yield %scan3A_356 : i32
    }
    %scan3A_147 = arith.constant 40 : i32
    %dma_wait3A_148 = tpu.memref_slice %arg18[%add3A_134] : memref<163840xf32, #tpu.memory_space<vmem_shared>> -> memref<640xf32, #tpu.memory_space<vmem_shared>>
    %dma_wait3A_149 = tpu.memref_slice %arg18[%add3A_134] : memref<163840xf32, #tpu.memory_space<vmem_shared>> -> memref<640xf32, #tpu.memory_space<vmem_shared>>
    tpu.wait_dma2 semaphore(%arg20 : memref<!tpu.dma_semaphore, #tpu.memory_space<semaphore_mem>>) src(%dma_wait3A_149 : memref<640xf32, #tpu.memory_space<vmem_shared>>) dst(%arg16 : memref<640xf32, #tpu.memory_space<vmem>>)
    %dma_wait3A_150 = tpu.memref_slice %arg19[%add3A_138] : memref<163840xi32, #tpu.memory_space<vmem_shared>> -> memref<640xi32, #tpu.memory_space<vmem_shared>>
    %dma_wait3A_151 = tpu.memref_slice %arg19[%add3A_138] : memref<163840xi32, #tpu.memory_space<vmem_shared>> -> memref<640xi32, #tpu.memory_space<vmem_shared>>
    tpu.wait_dma2 semaphore(%arg20 : memref<!tpu.dma_semaphore, #tpu.memory_space<semaphore_mem>>) src(%dma_wait3A_151 : memref<640xi32, #tpu.memory_space<vmem_shared>>) dst(%arg17 : memref<640xi32, #tpu.memory_space<vmem>>)
    %add3A_152 = arith.constant 71680 : i32
    %add3A_153 = arith.addi %add3A_152, %mul3A_44 : i32
    %dma_start3A_154 = tpu.memref_slice %arg18[%add3A_153] : memref<163840xf32, #tpu.memory_space<vmem_shared>> -> memref<640xf32, #tpu.memory_space<vmem_shared>>
    %dma_start3A_155 = tpu.memref_slice %arg18[%add3A_153] : memref<163840xf32, #tpu.memory_space<vmem_shared>> -> memref<640xf32, #tpu.memory_space<vmem_shared>>
    tpu.enqueue_dma source(%dma_start3A_155 : memref<640xf32, #tpu.memory_space<vmem_shared>>) target(%arg12 : memref<640xf32, #tpu.memory_space<vmem>>) target_semaphore(%arg20 : memref<!tpu.dma_semaphore, #tpu.memory_space<semaphore_mem>>)
    %add3A_156 = arith.constant 71680 : i32
    %add3A_157 = arith.addi %add3A_156, %mul3A_44 : i32
    %dma_start3A_158 = tpu.memref_slice %arg19[%add3A_157] : memref<163840xi32, #tpu.memory_space<vmem_shared>> -> memref<640xi32, #tpu.memory_space<vmem_shared>>
    %dma_start3A_159 = tpu.memref_slice %arg19[%add3A_157] : memref<163840xi32, #tpu.memory_space<vmem_shared>> -> memref<640xi32, #tpu.memory_space<vmem_shared>>
    tpu.enqueue_dma source(%dma_start3A_159 : memref<640xi32, #tpu.memory_space<vmem_shared>>) target(%arg13 : memref<640xi32, #tpu.memory_space<vmem>>) target_semaphore(%arg20 : memref<!tpu.dma_semaphore, #tpu.memory_space<semaphore_mem>>)
    %scan3A_160 = arith.constant 0 : i32
    %scan3A_161 = arith.constant 0 : i32
    %scan3A_162 = arith.constant 40 : i32
    %scan3A_163 = arith.addi %scan3A_161, %scan3A_162 : i32
    %scan3A_164 = arith.constant 1 : i32
    %scan3A_165 = scf.for %scan3A_336 = %scan3A_161 to %scan3A_163 step %scan3A_164 iter_args(%scan3A_337 = %scan3A_160) -> (i32)  : i32 {
      %mul3A_338 = arith.constant 16 : i32
      %mul3A_339 = arith.muli %scan3A_336, %mul3A_338 : i32
      %get3A = arith.index_cast %mul3A_339 : i32 to index
      %get3A_340 = tpu.vector_load %arg14[%get3A] {strides = array<i32>} : memref<640xf32, #tpu.memory_space<vmem>>, vector<16xf32>,
      %get3A_341 = arith.index_cast %mul3A_339 : i32 to index
      %get3A_342 = tpu.vector_load %arg15[%get3A_341] {strides = array<i32>} : memref<640xi32, #tpu.memory_space<vmem>>, vector<16xi32>,
      %get3A_343 = arith.index_cast %mul3A_339 : i32 to index
      %get3A_344 = tpu.vector_load %arg16[%get3A_343] {strides = array<i32>} : memref<640xf32, #tpu.memory_space<vmem>>, vector<16xf32>,
      %get3A_345 = arith.index_cast %mul3A_339 : i32 to index
      %get3A_346 = tpu.vector_load %arg17[%get3A_345] {strides = array<i32>} : memref<640xi32, #tpu.memory_space<vmem>>, vector<16xi32>,
      %gt3A = arith.cmpf ogt, %get3A_344, %get3A_340 : vector<16xf32>
      %eq3A = arith.cmpf oeq, %get3A_344, %get3A_340 : vector<16xf32>
      %gt3A_347 = arith.cmpi sgt, %get3A_346, %get3A_342 : vector<16xi32>
      %and3A = arith.andi %eq3A, %gt3A_347 : vector<16xi1>
      %or3A = arith.ori %gt3A, %and3A : vector<16xi1>
      %get3A_348 = arith.index_cast %mul3A_339 : i32 to index
      %get3A_349 = tpu.vector_load %arg16[%get3A_348] {strides = array<i32>} : memref<640xf32, #tpu.memory_space<vmem>>, vector<16xf32>,
      %select_n3A = arith.select %or3A, %get3A_349, %get3A_340 : vector<16xi1>, vector<16xf32>
      %swap3A = arith.index_cast %mul3A_339 : i32 to index
      %swap3A_350 = tpu.vector_load %arg14[%swap3A] {strides = array<i32>} : memref<640xf32, #tpu.memory_space<vmem>>, vector<16xf32>,
      tpu.vector_store %arg14[%swap3A], %select_n3A {strides = array<i32>} : memref<640xf32, #tpu.memory_space<vmem>>, vector<16xf32>,
      %get3A_351 = arith.index_cast %mul3A_339 : i32 to index
      %get3A_352 = tpu.vector_load %arg17[%get3A_351] {strides = array<i32>} : memref<640xi32, #tpu.memory_space<vmem>>, vector<16xi32>,
      %select_n3A_353 = arith.select %or3A, %get3A_352, %get3A_342 : vector<16xi1>, vector<16xi32>
      %swap3A_354 = arith.index_cast %mul3A_339 : i32 to index
      %swap3A_355 = tpu.vector_load %arg15[%swap3A_354] {strides = array<i32>} : memref<640xi32, #tpu.memory_space<vmem>>, vector<16xi32>,
      tpu.vector_store %arg15[%swap3A_354], %select_n3A_353 {strides = array<i32>} : memref<640xi32, #tpu.memory_space<vmem>>, vector<16xi32>,
      %scan3A_356 = arith.constant 0 : i32
      scf.yield %scan3A_356 : i32
    }
    %scan3A_166 = arith.constant 40 : i32
    %dma_wait3A_167 = tpu.memref_slice %arg18[%add3A_153] : memref<163840xf32, #tpu.memory_space<vmem_shared>> -> memref<640xf32, #tpu.memory_space<vmem_shared>>
    %dma_wait3A_168 = tpu.memref_slice %arg18[%add3A_153] : memref<163840xf32, #tpu.memory_space<vmem_shared>> -> memref<640xf32, #tpu.memory_space<vmem_shared>>
    tpu.wait_dma2 semaphore(%arg20 : memref<!tpu.dma_semaphore, #tpu.memory_space<semaphore_mem>>) src(%dma_wait3A_168 : memref<640xf32, #tpu.memory_space<vmem_shared>>) dst(%arg12 : memref<640xf32, #tpu.memory_space<vmem>>)
    %dma_wait3A_169 = tpu.memref_slice %arg19[%add3A_157] : memref<163840xi32, #tpu.memory_space<vmem_shared>> -> memref<640xi32, #tpu.memory_space<vmem_shared>>
    %dma_wait3A_170 = tpu.memref_slice %arg19[%add3A_157] : memref<163840xi32, #tpu.memory_space<vmem_shared>> -> memref<640xi32, #tpu.memory_space<vmem_shared>>
    tpu.wait_dma2 semaphore(%arg20 : memref<!tpu.dma_semaphore, #tpu.memory_space<semaphore_mem>>) src(%dma_wait3A_170 : memref<640xi32, #tpu.memory_space<vmem_shared>>) dst(%arg13 : memref<640xi32, #tpu.memory_space<vmem>>)
    %add3A_171 = arith.constant 81920 : i32
    %add3A_172 = arith.addi %add3A_171, %mul3A_44 : i32
    %dma_start3A_173 = tpu.memref_slice %arg18[%add3A_172] : memref<163840xf32, #tpu.memory_space<vmem_shared>> -> memref<640xf32, #tpu.memory_space<vmem_shared>>
    %dma_start3A_174 = tpu.memref_slice %arg18[%add3A_172] : memref<163840xf32, #tpu.memory_space<vmem_shared>> -> memref<640xf32, #tpu.memory_space<vmem_shared>>
    tpu.enqueue_dma source(%dma_start3A_174 : memref<640xf32, #tpu.memory_space<vmem_shared>>) target(%arg16 : memref<640xf32, #tpu.memory_space<vmem>>) target_semaphore(%arg20 : memref<!tpu.dma_semaphore, #tpu.memory_space<semaphore_mem>>)
    %add3A_175 = arith.constant 81920 : i32
    %add3A_176 = arith.addi %add3A_175, %mul3A_44 : i32
    %dma_start3A_177 = tpu.memref_slice %arg19[%add3A_176] : memref<163840xi32, #tpu.memory_space<vmem_shared>> -> memref<640xi32, #tpu.memory_space<vmem_shared>>
    %dma_start3A_178 = tpu.memref_slice %arg19[%add3A_176] : memref<163840xi32, #tpu.memory_space<vmem_shared>> -> memref<640xi32, #tpu.memory_space<vmem_shared>>
    tpu.enqueue_dma source(%dma_start3A_178 : memref<640xi32, #tpu.memory_space<vmem_shared>>) target(%arg17 : memref<640xi32, #tpu.memory_space<vmem>>) target_semaphore(%arg20 : memref<!tpu.dma_semaphore, #tpu.memory_space<semaphore_mem>>)
    %scan3A_179 = arith.constant 0 : i32
    %scan3A_180 = arith.constant 0 : i32
    %scan3A_181 = arith.constant 40 : i32
    %scan3A_182 = arith.addi %scan3A_180, %scan3A_181 : i32
    %scan3A_183 = arith.constant 1 : i32
    %scan3A_184 = scf.for %scan3A_336 = %scan3A_180 to %scan3A_182 step %scan3A_183 iter_args(%scan3A_337 = %scan3A_179) -> (i32)  : i32 {
      %mul3A_338 = arith.constant 16 : i32
      %mul3A_339 = arith.muli %scan3A_336, %mul3A_338 : i32
      %get3A = arith.index_cast %mul3A_339 : i32 to index
      %get3A_340 = tpu.vector_load %arg14[%get3A] {strides = array<i32>} : memref<640xf32, #tpu.memory_space<vmem>>, vector<16xf32>,
      %get3A_341 = arith.index_cast %mul3A_339 : i32 to index
      %get3A_342 = tpu.vector_load %arg15[%get3A_341] {strides = array<i32>} : memref<640xi32, #tpu.memory_space<vmem>>, vector<16xi32>,
      %get3A_343 = arith.index_cast %mul3A_339 : i32 to index
      %get3A_344 = tpu.vector_load %arg12[%get3A_343] {strides = array<i32>} : memref<640xf32, #tpu.memory_space<vmem>>, vector<16xf32>,
      %get3A_345 = arith.index_cast %mul3A_339 : i32 to index
      %get3A_346 = tpu.vector_load %arg13[%get3A_345] {strides = array<i32>} : memref<640xi32, #tpu.memory_space<vmem>>, vector<16xi32>,
      %gt3A = arith.cmpf ogt, %get3A_344, %get3A_340 : vector<16xf32>
      %eq3A = arith.cmpf oeq, %get3A_344, %get3A_340 : vector<16xf32>
      %gt3A_347 = arith.cmpi sgt, %get3A_346, %get3A_342 : vector<16xi32>
      %and3A = arith.andi %eq3A, %gt3A_347 : vector<16xi1>
      %or3A = arith.ori %gt3A, %and3A : vector<16xi1>
      %get3A_348 = arith.index_cast %mul3A_339 : i32 to index
      %get3A_349 = tpu.vector_load %arg12[%get3A_348] {strides = array<i32>} : memref<640xf32, #tpu.memory_space<vmem>>, vector<16xf32>,
      %select_n3A = arith.select %or3A, %get3A_349, %get3A_340 : vector<16xi1>, vector<16xf32>
      %swap3A = arith.index_cast %mul3A_339 : i32 to index
      %swap3A_350 = tpu.vector_load %arg14[%swap3A] {strides = array<i32>} : memref<640xf32, #tpu.memory_space<vmem>>, vector<16xf32>,
      tpu.vector_store %arg14[%swap3A], %select_n3A {strides = array<i32>} : memref<640xf32, #tpu.memory_space<vmem>>, vector<16xf32>,
      %get3A_351 = arith.index_cast %mul3A_339 : i32 to index
      %get3A_352 = tpu.vector_load %arg13[%get3A_351] {strides = array<i32>} : memref<640xi32, #tpu.memory_space<vmem>>, vector<16xi32>,
      %select_n3A_353 = arith.select %or3A, %get3A_352, %get3A_342 : vector<16xi1>, vector<16xi32>
      %swap3A_354 = arith.index_cast %mul3A_339 : i32 to index
      %swap3A_355 = tpu.vector_load %arg15[%swap3A_354] {strides = array<i32>} : memref<640xi32, #tpu.memory_space<vmem>>, vector<16xi32>,
      tpu.vector_store %arg15[%swap3A_354], %select_n3A_353 {strides = array<i32>} : memref<640xi32, #tpu.memory_space<vmem>>, vector<16xi32>,
      %scan3A_356 = arith.constant 0 : i32
      scf.yield %scan3A_356 : i32
    }
    %scan3A_185 = arith.constant 40 : i32
    %dma_wait3A_186 = tpu.memref_slice %arg18[%add3A_172] : memref<163840xf32, #tpu.memory_space<vmem_shared>> -> memref<640xf32, #tpu.memory_space<vmem_shared>>
    %dma_wait3A_187 = tpu.memref_slice %arg18[%add3A_172] : memref<163840xf32, #tpu.memory_space<vmem_shared>> -> memref<640xf32, #tpu.memory_space<vmem_shared>>
    tpu.wait_dma2 semaphore(%arg20 : memref<!tpu.dma_semaphore, #tpu.memory_space<semaphore_mem>>) src(%dma_wait3A_187 : memref<640xf32, #tpu.memory_space<vmem_shared>>) dst(%arg16 : memref<640xf32, #tpu.memory_space<vmem>>)
    %dma_wait3A_188 = tpu.memref_slice %arg19[%add3A_176] : memref<163840xi32, #tpu.memory_space<vmem_shared>> -> memref<640xi32, #tpu.memory_space<vmem_shared>>
    %dma_wait3A_189 = tpu.memref_slice %arg19[%add3A_176] : memref<163840xi32, #tpu.memory_space<vmem_shared>> -> memref<640xi32, #tpu.memory_space<vmem_shared>>
    tpu.wait_dma2 semaphore(%arg20 : memref<!tpu.dma_semaphore, #tpu.memory_space<semaphore_mem>>) src(%dma_wait3A_189 : memref<640xi32, #tpu.memory_space<vmem_shared>>) dst(%arg17 : memref<640xi32, #tpu.memory_space<vmem>>)
    %add3A_190 = arith.constant 92160 : i32
    %add3A_191 = arith.addi %add3A_190, %mul3A_44 : i32
    %dma_start3A_192 = tpu.memref_slice %arg18[%add3A_191] : memref<163840xf32, #tpu.memory_space<vmem_shared>> -> memref<640xf32, #tpu.memory_space<vmem_shared>>
    %dma_start3A_193 = tpu.memref_slice %arg18[%add3A_191] : memref<163840xf32, #tpu.memory_space<vmem_shared>> -> memref<640xf32, #tpu.memory_space<vmem_shared>>
    tpu.enqueue_dma source(%dma_start3A_193 : memref<640xf32, #tpu.memory_space<vmem_shared>>) target(%arg12 : memref<640xf32, #tpu.memory_space<vmem>>) target_semaphore(%arg20 : memref<!tpu.dma_semaphore, #tpu.memory_space<semaphore_mem>>)
    %add3A_194 = arith.constant 92160 : i32
    %add3A_195 = arith.addi %add3A_194, %mul3A_44 : i32
    %dma_start3A_196 = tpu.memref_slice %arg19[%add3A_195] : memref<163840xi32, #tpu.memory_space<vmem_shared>> -> memref<640xi32, #tpu.memory_space<vmem_shared>>
    %dma_start3A_197 = tpu.memref_slice %arg19[%add3A_195] : memref<163840xi32, #tpu.memory_space<vmem_shared>> -> memref<640xi32, #tpu.memory_space<vmem_shared>>
    tpu.enqueue_dma source(%dma_start3A_197 : memref<640xi32, #tpu.memory_space<vmem_shared>>) target(%arg13 : memref<640xi32, #tpu.memory_space<vmem>>) target_semaphore(%arg20 : memref<!tpu.dma_semaphore, #tpu.memory_space<semaphore_mem>>)
    %scan3A_198 = arith.constant 0 : i32
    %scan3A_199 = arith.constant 0 : i32
    %scan3A_200 = arith.constant 40 : i32
    %scan3A_201 = arith.addi %scan3A_199, %scan3A_200 : i32
    %scan3A_202 = arith.constant 1 : i32
    %scan3A_203 = scf.for %scan3A_336 = %scan3A_199 to %scan3A_201 step %scan3A_202 iter_args(%scan3A_337 = %scan3A_198) -> (i32)  : i32 {
      %mul3A_338 = arith.constant 16 : i32
      %mul3A_339 = arith.muli %scan3A_336, %mul3A_338 : i32
      %get3A = arith.index_cast %mul3A_339 : i32 to index
      %get3A_340 = tpu.vector_load %arg14[%get3A] {strides = array<i32>} : memref<640xf32, #tpu.memory_space<vmem>>, vector<16xf32>,
      %get3A_341 = arith.index_cast %mul3A_339 : i32 to index
      %get3A_342 = tpu.vector_load %arg15[%get3A_341] {strides = array<i32>} : memref<640xi32, #tpu.memory_space<vmem>>, vector<16xi32>,
      %get3A_343 = arith.index_cast %mul3A_339 : i32 to index
      %get3A_344 = tpu.vector_load %arg16[%get3A_343] {strides = array<i32>} : memref<640xf32, #tpu.memory_space<vmem>>, vector<16xf32>,
      %get3A_345 = arith.index_cast %mul3A_339 : i32 to index
      %get3A_346 = tpu.vector_load %arg17[%get3A_345] {strides = array<i32>} : memref<640xi32, #tpu.memory_space<vmem>>, vector<16xi32>,
      %gt3A = arith.cmpf ogt, %get3A_344, %get3A_340 : vector<16xf32>
      %eq3A = arith.cmpf oeq, %get3A_344, %get3A_340 : vector<16xf32>
      %gt3A_347 = arith.cmpi sgt, %get3A_346, %get3A_342 : vector<16xi32>
      %and3A = arith.andi %eq3A, %gt3A_347 : vector<16xi1>
      %or3A = arith.ori %gt3A, %and3A : vector<16xi1>
      %get3A_348 = arith.index_cast %mul3A_339 : i32 to index
      %get3A_349 = tpu.vector_load %arg16[%get3A_348] {strides = array<i32>} : memref<640xf32, #tpu.memory_space<vmem>>, vector<16xf32>,
      %select_n3A = arith.select %or3A, %get3A_349, %get3A_340 : vector<16xi1>, vector<16xf32>
      %swap3A = arith.index_cast %mul3A_339 : i32 to index
      %swap3A_350 = tpu.vector_load %arg14[%swap3A] {strides = array<i32>} : memref<640xf32, #tpu.memory_space<vmem>>, vector<16xf32>,
      tpu.vector_store %arg14[%swap3A], %select_n3A {strides = array<i32>} : memref<640xf32, #tpu.memory_space<vmem>>, vector<16xf32>,
      %get3A_351 = arith.index_cast %mul3A_339 : i32 to index
      %get3A_352 = tpu.vector_load %arg17[%get3A_351] {strides = array<i32>} : memref<640xi32, #tpu.memory_space<vmem>>, vector<16xi32>,
      %select_n3A_353 = arith.select %or3A, %get3A_352, %get3A_342 : vector<16xi1>, vector<16xi32>
      %swap3A_354 = arith.index_cast %mul3A_339 : i32 to index
      %swap3A_355 = tpu.vector_load %arg15[%swap3A_354] {strides = array<i32>} : memref<640xi32, #tpu.memory_space<vmem>>, vector<16xi32>,
      tpu.vector_store %arg15[%swap3A_354], %select_n3A_353 {strides = array<i32>} : memref<640xi32, #tpu.memory_space<vmem>>, vector<16xi32>,
      %scan3A_356 = arith.constant 0 : i32
      scf.yield %scan3A_356 : i32
    }
    %scan3A_204 = arith.constant 40 : i32
    %dma_wait3A_205 = tpu.memref_slice %arg18[%add3A_191] : memref<163840xf32, #tpu.memory_space<vmem_shared>> -> memref<640xf32, #tpu.memory_space<vmem_shared>>
    %dma_wait3A_206 = tpu.memref_slice %arg18[%add3A_191] : memref<163840xf32, #tpu.memory_space<vmem_shared>> -> memref<640xf32, #tpu.memory_space<vmem_shared>>
    tpu.wait_dma2 semaphore(%arg20 : memref<!tpu.dma_semaphore, #tpu.memory_space<semaphore_mem>>) src(%dma_wait3A_206 : memref<640xf32, #tpu.memory_space<vmem_shared>>) dst(%arg12 : memref<640xf32, #tpu.memory_space<vmem>>)
    %dma_wait3A_207 = tpu.memref_slice %arg19[%add3A_195] : memref<163840xi32, #tpu.memory_space<vmem_shared>> -> memref<640xi32, #tpu.memory_space<vmem_shared>>
    %dma_wait3A_208 = tpu.memref_slice %arg19[%add3A_195] : memref<163840xi32, #tpu.memory_space<vmem_shared>> -> memref<640xi32, #tpu.memory_space<vmem_shared>>
    tpu.wait_dma2 semaphore(%arg20 : memref<!tpu.dma_semaphore, #tpu.memory_space<semaphore_mem>>) src(%dma_wait3A_208 : memref<640xi32, #tpu.memory_space<vmem_shared>>) dst(%arg13 : memref<640xi32, #tpu.memory_space<vmem>>)
    %add3A_209 = arith.constant 102400 : i32
    %add3A_210 = arith.addi %add3A_209, %mul3A_44 : i32
    %dma_start3A_211 = tpu.memref_slice %arg18[%add3A_210] : memref<163840xf32, #tpu.memory_space<vmem_shared>> -> memref<640xf32, #tpu.memory_space<vmem_shared>>
    %dma_start3A_212 = tpu.memref_slice %arg18[%add3A_210] : memref<163840xf32, #tpu.memory_space<vmem_shared>> -> memref<640xf32, #tpu.memory_space<vmem_shared>>
    tpu.enqueue_dma source(%dma_start3A_212 : memref<640xf32, #tpu.memory_space<vmem_shared>>) target(%arg16 : memref<640xf32, #tpu.memory_space<vmem>>) target_semaphore(%arg20 : memref<!tpu.dma_semaphore, #tpu.memory_space<semaphore_mem>>)
    %add3A_213 = arith.constant 102400 : i32
    %add3A_214 = arith.addi %add3A_213, %mul3A_44 : i32
    %dma_start3A_215 = tpu.memref_slice %arg19[%add3A_214] : memref<163840xi32, #tpu.memory_space<vmem_shared>> -> memref<640xi32, #tpu.memory_space<vmem_shared>>
    %dma_start3A_216 = tpu.memref_slice %arg19[%add3A_214] : memref<163840xi32, #tpu.memory_space<vmem_shared>> -> memref<640xi32, #tpu.memory_space<vmem_shared>>
    tpu.enqueue_dma source(%dma_start3A_216 : memref<640xi32, #tpu.memory_space<vmem_shared>>) target(%arg17 : memref<640xi32, #tpu.memory_space<vmem>>) target_semaphore(%arg20 : memref<!tpu.dma_semaphore, #tpu.memory_space<semaphore_mem>>)
    %scan3A_217 = arith.constant 0 : i32
    %scan3A_218 = arith.constant 0 : i32
    %scan3A_219 = arith.constant 40 : i32
    %scan3A_220 = arith.addi %scan3A_218, %scan3A_219 : i32
    %scan3A_221 = arith.constant 1 : i32
    %scan3A_222 = scf.for %scan3A_336 = %scan3A_218 to %scan3A_220 step %scan3A_221 iter_args(%scan3A_337 = %scan3A_217) -> (i32)  : i32 {
      %mul3A_338 = arith.constant 16 : i32
      %mul3A_339 = arith.muli %scan3A_336, %mul3A_338 : i32
      %get3A = arith.index_cast %mul3A_339 : i32 to index
      %get3A_340 = tpu.vector_load %arg14[%get3A] {strides = array<i32>} : memref<640xf32, #tpu.memory_space<vmem>>, vector<16xf32>,
      %get3A_341 = arith.index_cast %mul3A_339 : i32 to index
      %get3A_342 = tpu.vector_load %arg15[%get3A_341] {strides = array<i32>} : memref<640xi32, #tpu.memory_space<vmem>>, vector<16xi32>,
      %get3A_343 = arith.index_cast %mul3A_339 : i32 to index
      %get3A_344 = tpu.vector_load %arg12[%get3A_343] {strides = array<i32>} : memref<640xf32, #tpu.memory_space<vmem>>, vector<16xf32>,
      %get3A_345 = arith.index_cast %mul3A_339 : i32 to index
      %get3A_346 = tpu.vector_load %arg13[%get3A_345] {strides = array<i32>} : memref<640xi32, #tpu.memory_space<vmem>>, vector<16xi32>,
      %gt3A = arith.cmpf ogt, %get3A_344, %get3A_340 : vector<16xf32>
      %eq3A = arith.cmpf oeq, %get3A_344, %get3A_340 : vector<16xf32>
      %gt3A_347 = arith.cmpi sgt, %get3A_346, %get3A_342 : vector<16xi32>
      %and3A = arith.andi %eq3A, %gt3A_347 : vector<16xi1>
      %or3A = arith.ori %gt3A, %and3A : vector<16xi1>
      %get3A_348 = arith.index_cast %mul3A_339 : i32 to index
      %get3A_349 = tpu.vector_load %arg12[%get3A_348] {strides = array<i32>} : memref<640xf32, #tpu.memory_space<vmem>>, vector<16xf32>,
      %select_n3A = arith.select %or3A, %get3A_349, %get3A_340 : vector<16xi1>, vector<16xf32>
      %swap3A = arith.index_cast %mul3A_339 : i32 to index
      %swap3A_350 = tpu.vector_load %arg14[%swap3A] {strides = array<i32>} : memref<640xf32, #tpu.memory_space<vmem>>, vector<16xf32>,
      tpu.vector_store %arg14[%swap3A], %select_n3A {strides = array<i32>} : memref<640xf32, #tpu.memory_space<vmem>>, vector<16xf32>,
      %get3A_351 = arith.index_cast %mul3A_339 : i32 to index
      %get3A_352 = tpu.vector_load %arg13[%get3A_351] {strides = array<i32>} : memref<640xi32, #tpu.memory_space<vmem>>, vector<16xi32>,
      %select_n3A_353 = arith.select %or3A, %get3A_352, %get3A_342 : vector<16xi1>, vector<16xi32>
      %swap3A_354 = arith.index_cast %mul3A_339 : i32 to index
      %swap3A_355 = tpu.vector_load %arg15[%swap3A_354] {strides = array<i32>} : memref<640xi32, #tpu.memory_space<vmem>>, vector<16xi32>,
      tpu.vector_store %arg15[%swap3A_354], %select_n3A_353 {strides = array<i32>} : memref<640xi32, #tpu.memory_space<vmem>>, vector<16xi32>,
      %scan3A_356 = arith.constant 0 : i32
      scf.yield %scan3A_356 : i32
    }
    %scan3A_223 = arith.constant 40 : i32
    %dma_wait3A_224 = tpu.memref_slice %arg18[%add3A_210] : memref<163840xf32, #tpu.memory_space<vmem_shared>> -> memref<640xf32, #tpu.memory_space<vmem_shared>>
    %dma_wait3A_225 = tpu.memref_slice %arg18[%add3A_210] : memref<163840xf32, #tpu.memory_space<vmem_shared>> -> memref<640xf32, #tpu.memory_space<vmem_shared>>
    tpu.wait_dma2 semaphore(%arg20 : memref<!tpu.dma_semaphore, #tpu.memory_space<semaphore_mem>>) src(%dma_wait3A_225 : memref<640xf32, #tpu.memory_space<vmem_shared>>) dst(%arg16 : memref<640xf32, #tpu.memory_space<vmem>>)
    %dma_wait3A_226 = tpu.memref_slice %arg19[%add3A_214] : memref<163840xi32, #tpu.memory_space<vmem_shared>> -> memref<640xi32, #tpu.memory_space<vmem_shared>>
    %dma_wait3A_227 = tpu.memref_slice %arg19[%add3A_214] : memref<163840xi32, #tpu.memory_space<vmem_shared>> -> memref<640xi32, #tpu.memory_space<vmem_shared>>
    tpu.wait_dma2 semaphore(%arg20 : memref<!tpu.dma_semaphore, #tpu.memory_space<semaphore_mem>>) src(%dma_wait3A_227 : memref<640xi32, #tpu.memory_space<vmem_shared>>) dst(%arg17 : memref<640xi32, #tpu.memory_space<vmem>>)
    %add3A_228 = arith.constant 112640 : i32
    %add3A_229 = arith.addi %add3A_228, %mul3A_44 : i32
    %dma_start3A_230 = tpu.memref_slice %arg18[%add3A_229] : memref<163840xf32, #tpu.memory_space<vmem_shared>> -> memref<640xf32, #tpu.memory_space<vmem_shared>>
    %dma_start3A_231 = tpu.memref_slice %arg18[%add3A_229] : memref<163840xf32, #tpu.memory_space<vmem_shared>> -> memref<640xf32, #tpu.memory_space<vmem_shared>>
    tpu.enqueue_dma source(%dma_start3A_231 : memref<640xf32, #tpu.memory_space<vmem_shared>>) target(%arg12 : memref<640xf32, #tpu.memory_space<vmem>>) target_semaphore(%arg20 : memref<!tpu.dma_semaphore, #tpu.memory_space<semaphore_mem>>)
    %add3A_232 = arith.constant 112640 : i32
    %add3A_233 = arith.addi %add3A_232, %mul3A_44 : i32
    %dma_start3A_234 = tpu.memref_slice %arg19[%add3A_233] : memref<163840xi32, #tpu.memory_space<vmem_shared>> -> memref<640xi32, #tpu.memory_space<vmem_shared>>
    %dma_start3A_235 = tpu.memref_slice %arg19[%add3A_233] : memref<163840xi32, #tpu.memory_space<vmem_shared>> -> memref<640xi32, #tpu.memory_space<vmem_shared>>
    tpu.enqueue_dma source(%dma_start3A_235 : memref<640xi32, #tpu.memory_space<vmem_shared>>) target(%arg13 : memref<640xi32, #tpu.memory_space<vmem>>) target_semaphore(%arg20 : memref<!tpu.dma_semaphore, #tpu.memory_space<semaphore_mem>>)
    %scan3A_236 = arith.constant 0 : i32
    %scan3A_237 = arith.constant 0 : i32
    %scan3A_238 = arith.constant 40 : i32
    %scan3A_239 = arith.addi %scan3A_237, %scan3A_238 : i32
    %scan3A_240 = arith.constant 1 : i32
    %scan3A_241 = scf.for %scan3A_336 = %scan3A_237 to %scan3A_239 step %scan3A_240 iter_args(%scan3A_337 = %scan3A_236) -> (i32)  : i32 {
      %mul3A_338 = arith.constant 16 : i32
      %mul3A_339 = arith.muli %scan3A_336, %mul3A_338 : i32
      %get3A = arith.index_cast %mul3A_339 : i32 to index
      %get3A_340 = tpu.vector_load %arg14[%get3A] {strides = array<i32>} : memref<640xf32, #tpu.memory_space<vmem>>, vector<16xf32>,
      %get3A_341 = arith.index_cast %mul3A_339 : i32 to index
      %get3A_342 = tpu.vector_load %arg15[%get3A_341] {strides = array<i32>} : memref<640xi32, #tpu.memory_space<vmem>>, vector<16xi32>,
      %get3A_343 = arith.index_cast %mul3A_339 : i32 to index
      %get3A_344 = tpu.vector_load %arg16[%get3A_343] {strides = array<i32>} : memref<640xf32, #tpu.memory_space<vmem>>, vector<16xf32>,
      %get3A_345 = arith.index_cast %mul3A_339 : i32 to index
      %get3A_346 = tpu.vector_load %arg17[%get3A_345] {strides = array<i32>} : memref<640xi32, #tpu.memory_space<vmem>>, vector<16xi32>,
      %gt3A = arith.cmpf ogt, %get3A_344, %get3A_340 : vector<16xf32>
      %eq3A = arith.cmpf oeq, %get3A_344, %get3A_340 : vector<16xf32>
      %gt3A_347 = arith.cmpi sgt, %get3A_346, %get3A_342 : vector<16xi32>
      %and3A = arith.andi %eq3A, %gt3A_347 : vector<16xi1>
      %or3A = arith.ori %gt3A, %and3A : vector<16xi1>
      %get3A_348 = arith.index_cast %mul3A_339 : i32 to index
      %get3A_349 = tpu.vector_load %arg16[%get3A_348] {strides = array<i32>} : memref<640xf32, #tpu.memory_space<vmem>>, vector<16xf32>,
      %select_n3A = arith.select %or3A, %get3A_349, %get3A_340 : vector<16xi1>, vector<16xf32>
      %swap3A = arith.index_cast %mul3A_339 : i32 to index
      %swap3A_350 = tpu.vector_load %arg14[%swap3A] {strides = array<i32>} : memref<640xf32, #tpu.memory_space<vmem>>, vector<16xf32>,
      tpu.vector_store %arg14[%swap3A], %select_n3A {strides = array<i32>} : memref<640xf32, #tpu.memory_space<vmem>>, vector<16xf32>,
      %get3A_351 = arith.index_cast %mul3A_339 : i32 to index
      %get3A_352 = tpu.vector_load %arg17[%get3A_351] {strides = array<i32>} : memref<640xi32, #tpu.memory_space<vmem>>, vector<16xi32>,
      %select_n3A_353 = arith.select %or3A, %get3A_352, %get3A_342 : vector<16xi1>, vector<16xi32>
      %swap3A_354 = arith.index_cast %mul3A_339 : i32 to index
      %swap3A_355 = tpu.vector_load %arg15[%swap3A_354] {strides = array<i32>} : memref<640xi32, #tpu.memory_space<vmem>>, vector<16xi32>,
      tpu.vector_store %arg15[%swap3A_354], %select_n3A_353 {strides = array<i32>} : memref<640xi32, #tpu.memory_space<vmem>>, vector<16xi32>,
      %scan3A_356 = arith.constant 0 : i32
      scf.yield %scan3A_356 : i32
    }
    %scan3A_242 = arith.constant 40 : i32
    %dma_wait3A_243 = tpu.memref_slice %arg18[%add3A_229] : memref<163840xf32, #tpu.memory_space<vmem_shared>> -> memref<640xf32, #tpu.memory_space<vmem_shared>>
    %dma_wait3A_244 = tpu.memref_slice %arg18[%add3A_229] : memref<163840xf32, #tpu.memory_space<vmem_shared>> -> memref<640xf32, #tpu.memory_space<vmem_shared>>
    tpu.wait_dma2 semaphore(%arg20 : memref<!tpu.dma_semaphore, #tpu.memory_space<semaphore_mem>>) src(%dma_wait3A_244 : memref<640xf32, #tpu.memory_space<vmem_shared>>) dst(%arg12 : memref<640xf32, #tpu.memory_space<vmem>>)
    %dma_wait3A_245 = tpu.memref_slice %arg19[%add3A_233] : memref<163840xi32, #tpu.memory_space<vmem_shared>> -> memref<640xi32, #tpu.memory_space<vmem_shared>>
    %dma_wait3A_246 = tpu.memref_slice %arg19[%add3A_233] : memref<163840xi32, #tpu.memory_space<vmem_shared>> -> memref<640xi32, #tpu.memory_space<vmem_shared>>
    tpu.wait_dma2 semaphore(%arg20 : memref<!tpu.dma_semaphore, #tpu.memory_space<semaphore_mem>>) src(%dma_wait3A_246 : memref<640xi32, #tpu.memory_space<vmem_shared>>) dst(%arg13 : memref<640xi32, #tpu.memory_space<vmem>>)
    %add3A_247 = arith.constant 122880 : i32
    %add3A_248 = arith.addi %add3A_247, %mul3A_44 : i32
    %dma_start3A_249 = tpu.memref_slice %arg18[%add3A_248] : memref<163840xf32, #tpu.memory_space<vmem_shared>> -> memref<640xf32, #tpu.memory_space<vmem_shared>>
    %dma_start3A_250 = tpu.memref_slice %arg18[%add3A_248] : memref<163840xf32, #tpu.memory_space<vmem_shared>> -> memref<640xf32, #tpu.memory_space<vmem_shared>>
    tpu.enqueue_dma source(%dma_start3A_250 : memref<640xf32, #tpu.memory_space<vmem_shared>>) target(%arg16 : memref<640xf32, #tpu.memory_space<vmem>>) target_semaphore(%arg20 : memref<!tpu.dma_semaphore, #tpu.memory_space<semaphore_mem>>)
    %add3A_251 = arith.constant 122880 : i32
    %add3A_252 = arith.addi %add3A_251, %mul3A_44 : i32
    %dma_start3A_253 = tpu.memref_slice %arg19[%add3A_252] : memref<163840xi32, #tpu.memory_space<vmem_shared>> -> memref<640xi32, #tpu.memory_space<vmem_shared>>
    %dma_start3A_254 = tpu.memref_slice %arg19[%add3A_252] : memref<163840xi32, #tpu.memory_space<vmem_shared>> -> memref<640xi32, #tpu.memory_space<vmem_shared>>
    tpu.enqueue_dma source(%dma_start3A_254 : memref<640xi32, #tpu.memory_space<vmem_shared>>) target(%arg17 : memref<640xi32, #tpu.memory_space<vmem>>) target_semaphore(%arg20 : memref<!tpu.dma_semaphore, #tpu.memory_space<semaphore_mem>>)
    %scan3A_255 = arith.constant 0 : i32
    %scan3A_256 = arith.constant 0 : i32
    %scan3A_257 = arith.constant 40 : i32
    %scan3A_258 = arith.addi %scan3A_256, %scan3A_257 : i32
    %scan3A_259 = arith.constant 1 : i32
    %scan3A_260 = scf.for %scan3A_336 = %scan3A_256 to %scan3A_258 step %scan3A_259 iter_args(%scan3A_337 = %scan3A_255) -> (i32)  : i32 {
      %mul3A_338 = arith.constant 16 : i32
      %mul3A_339 = arith.muli %scan3A_336, %mul3A_338 : i32
      %get3A = arith.index_cast %mul3A_339 : i32 to index
      %get3A_340 = tpu.vector_load %arg14[%get3A] {strides = array<i32>} : memref<640xf32, #tpu.memory_space<vmem>>, vector<16xf32>,
      %get3A_341 = arith.index_cast %mul3A_339 : i32 to index
      %get3A_342 = tpu.vector_load %arg15[%get3A_341] {strides = array<i32>} : memref<640xi32, #tpu.memory_space<vmem>>, vector<16xi32>,
      %get3A_343 = arith.index_cast %mul3A_339 : i32 to index
      %get3A_344 = tpu.vector_load %arg12[%get3A_343] {strides = array<i32>} : memref<640xf32, #tpu.memory_space<vmem>>, vector<16xf32>,
      %get3A_345 = arith.index_cast %mul3A_339 : i32 to index
      %get3A_346 = tpu.vector_load %arg13[%get3A_345] {strides = array<i32>} : memref<640xi32, #tpu.memory_space<vmem>>, vector<16xi32>,
      %gt3A = arith.cmpf ogt, %get3A_344, %get3A_340 : vector<16xf32>
      %eq3A = arith.cmpf oeq, %get3A_344, %get3A_340 : vector<16xf32>
      %gt3A_347 = arith.cmpi sgt, %get3A_346, %get3A_342 : vector<16xi32>
      %and3A = arith.andi %eq3A, %gt3A_347 : vector<16xi1>
      %or3A = arith.ori %gt3A, %and3A : vector<16xi1>
      %get3A_348 = arith.index_cast %mul3A_339 : i32 to index
      %get3A_349 = tpu.vector_load %arg12[%get3A_348] {strides = array<i32>} : memref<640xf32, #tpu.memory_space<vmem>>, vector<16xf32>,
      %select_n3A = arith.select %or3A, %get3A_349, %get3A_340 : vector<16xi1>, vector<16xf32>
      %swap3A = arith.index_cast %mul3A_339 : i32 to index
      %swap3A_350 = tpu.vector_load %arg14[%swap3A] {strides = array<i32>} : memref<640xf32, #tpu.memory_space<vmem>>, vector<16xf32>,
      tpu.vector_store %arg14[%swap3A], %select_n3A {strides = array<i32>} : memref<640xf32, #tpu.memory_space<vmem>>, vector<16xf32>,
      %get3A_351 = arith.index_cast %mul3A_339 : i32 to index
      %get3A_352 = tpu.vector_load %arg13[%get3A_351] {strides = array<i32>} : memref<640xi32, #tpu.memory_space<vmem>>, vector<16xi32>,
      %select_n3A_353 = arith.select %or3A, %get3A_352, %get3A_342 : vector<16xi1>, vector<16xi32>
      %swap3A_354 = arith.index_cast %mul3A_339 : i32 to index
      %swap3A_355 = tpu.vector_load %arg15[%swap3A_354] {strides = array<i32>} : memref<640xi32, #tpu.memory_space<vmem>>, vector<16xi32>,
      tpu.vector_store %arg15[%swap3A_354], %select_n3A_353 {strides = array<i32>} : memref<640xi32, #tpu.memory_space<vmem>>, vector<16xi32>,
      %scan3A_356 = arith.constant 0 : i32
      scf.yield %scan3A_356 : i32
    }
    %scan3A_261 = arith.constant 40 : i32
    %dma_wait3A_262 = tpu.memref_slice %arg18[%add3A_248] : memref<163840xf32, #tpu.memory_space<vmem_shared>> -> memref<640xf32, #tpu.memory_space<vmem_shared>>
    %dma_wait3A_263 = tpu.memref_slice %arg18[%add3A_248] : memref<163840xf32, #tpu.memory_space<vmem_shared>> -> memref<640xf32, #tpu.memory_space<vmem_shared>>
    tpu.wait_dma2 semaphore(%arg20 : memref<!tpu.dma_semaphore, #tpu.memory_space<semaphore_mem>>) src(%dma_wait3A_263 : memref<640xf32, #tpu.memory_space<vmem_shared>>) dst(%arg16 : memref<640xf32, #tpu.memory_space<vmem>>)
    %dma_wait3A_264 = tpu.memref_slice %arg19[%add3A_252] : memref<163840xi32, #tpu.memory_space<vmem_shared>> -> memref<640xi32, #tpu.memory_space<vmem_shared>>
    %dma_wait3A_265 = tpu.memref_slice %arg19[%add3A_252] : memref<163840xi32, #tpu.memory_space<vmem_shared>> -> memref<640xi32, #tpu.memory_space<vmem_shared>>
    tpu.wait_dma2 semaphore(%arg20 : memref<!tpu.dma_semaphore, #tpu.memory_space<semaphore_mem>>) src(%dma_wait3A_265 : memref<640xi32, #tpu.memory_space<vmem_shared>>) dst(%arg17 : memref<640xi32, #tpu.memory_space<vmem>>)
    %add3A_266 = arith.constant 133120 : i32
    %add3A_267 = arith.addi %add3A_266, %mul3A_44 : i32
    %dma_start3A_268 = tpu.memref_slice %arg18[%add3A_267] : memref<163840xf32, #tpu.memory_space<vmem_shared>> -> memref<640xf32, #tpu.memory_space<vmem_shared>>
    %dma_start3A_269 = tpu.memref_slice %arg18[%add3A_267] : memref<163840xf32, #tpu.memory_space<vmem_shared>> -> memref<640xf32, #tpu.memory_space<vmem_shared>>
    tpu.enqueue_dma source(%dma_start3A_269 : memref<640xf32, #tpu.memory_space<vmem_shared>>) target(%arg12 : memref<640xf32, #tpu.memory_space<vmem>>) target_semaphore(%arg20 : memref<!tpu.dma_semaphore, #tpu.memory_space<semaphore_mem>>)
    %add3A_270 = arith.constant 133120 : i32
    %add3A_271 = arith.addi %add3A_270, %mul3A_44 : i32
    %dma_start3A_272 = tpu.memref_slice %arg19[%add3A_271] : memref<163840xi32, #tpu.memory_space<vmem_shared>> -> memref<640xi32, #tpu.memory_space<vmem_shared>>
    %dma_start3A_273 = tpu.memref_slice %arg19[%add3A_271] : memref<163840xi32, #tpu.memory_space<vmem_shared>> -> memref<640xi32, #tpu.memory_space<vmem_shared>>
    tpu.enqueue_dma source(%dma_start3A_273 : memref<640xi32, #tpu.memory_space<vmem_shared>>) target(%arg13 : memref<640xi32, #tpu.memory_space<vmem>>) target_semaphore(%arg20 : memref<!tpu.dma_semaphore, #tpu.memory_space<semaphore_mem>>)
    %scan3A_274 = arith.constant 0 : i32
    %scan3A_275 = arith.constant 0 : i32
    %scan3A_276 = arith.constant 40 : i32
    %scan3A_277 = arith.addi %scan3A_275, %scan3A_276 : i32
    %scan3A_278 = arith.constant 1 : i32
    %scan3A_279 = scf.for %scan3A_336 = %scan3A_275 to %scan3A_277 step %scan3A_278 iter_args(%scan3A_337 = %scan3A_274) -> (i32)  : i32 {
      %mul3A_338 = arith.constant 16 : i32
      %mul3A_339 = arith.muli %scan3A_336, %mul3A_338 : i32
      %get3A = arith.index_cast %mul3A_339 : i32 to index
      %get3A_340 = tpu.vector_load %arg14[%get3A] {strides = array<i32>} : memref<640xf32, #tpu.memory_space<vmem>>, vector<16xf32>,
      %get3A_341 = arith.index_cast %mul3A_339 : i32 to index
      %get3A_342 = tpu.vector_load %arg15[%get3A_341] {strides = array<i32>} : memref<640xi32, #tpu.memory_space<vmem>>, vector<16xi32>,
      %get3A_343 = arith.index_cast %mul3A_339 : i32 to index
      %get3A_344 = tpu.vector_load %arg16[%get3A_343] {strides = array<i32>} : memref<640xf32, #tpu.memory_space<vmem>>, vector<16xf32>,
      %get3A_345 = arith.index_cast %mul3A_339 : i32 to index
      %get3A_346 = tpu.vector_load %arg17[%get3A_345] {strides = array<i32>} : memref<640xi32, #tpu.memory_space<vmem>>, vector<16xi32>,
      %gt3A = arith.cmpf ogt, %get3A_344, %get3A_340 : vector<16xf32>
      %eq3A = arith.cmpf oeq, %get3A_344, %get3A_340 : vector<16xf32>
      %gt3A_347 = arith.cmpi sgt, %get3A_346, %get3A_342 : vector<16xi32>
      %and3A = arith.andi %eq3A, %gt3A_347 : vector<16xi1>
      %or3A = arith.ori %gt3A, %and3A : vector<16xi1>
      %get3A_348 = arith.index_cast %mul3A_339 : i32 to index
      %get3A_349 = tpu.vector_load %arg16[%get3A_348] {strides = array<i32>} : memref<640xf32, #tpu.memory_space<vmem>>, vector<16xf32>,
      %select_n3A = arith.select %or3A, %get3A_349, %get3A_340 : vector<16xi1>, vector<16xf32>
      %swap3A = arith.index_cast %mul3A_339 : i32 to index
      %swap3A_350 = tpu.vector_load %arg14[%swap3A] {strides = array<i32>} : memref<640xf32, #tpu.memory_space<vmem>>, vector<16xf32>,
      tpu.vector_store %arg14[%swap3A], %select_n3A {strides = array<i32>} : memref<640xf32, #tpu.memory_space<vmem>>, vector<16xf32>,
      %get3A_351 = arith.index_cast %mul3A_339 : i32 to index
      %get3A_352 = tpu.vector_load %arg17[%get3A_351] {strides = array<i32>} : memref<640xi32, #tpu.memory_space<vmem>>, vector<16xi32>,
      %select_n3A_353 = arith.select %or3A, %get3A_352, %get3A_342 : vector<16xi1>, vector<16xi32>
      %swap3A_354 = arith.index_cast %mul3A_339 : i32 to index
      %swap3A_355 = tpu.vector_load %arg15[%swap3A_354] {strides = array<i32>} : memref<640xi32, #tpu.memory_space<vmem>>, vector<16xi32>,
      tpu.vector_store %arg15[%swap3A_354], %select_n3A_353 {strides = array<i32>} : memref<640xi32, #tpu.memory_space<vmem>>, vector<16xi32>,
      %scan3A_356 = arith.constant 0 : i32
      scf.yield %scan3A_356 : i32
    }
    %scan3A_280 = arith.constant 40 : i32
    %dma_wait3A_281 = tpu.memref_slice %arg18[%add3A_267] : memref<163840xf32, #tpu.memory_space<vmem_shared>> -> memref<640xf32, #tpu.memory_space<vmem_shared>>
    %dma_wait3A_282 = tpu.memref_slice %arg18[%add3A_267] : memref<163840xf32, #tpu.memory_space<vmem_shared>> -> memref<640xf32, #tpu.memory_space<vmem_shared>>
    tpu.wait_dma2 semaphore(%arg20 : memref<!tpu.dma_semaphore, #tpu.memory_space<semaphore_mem>>) src(%dma_wait3A_282 : memref<640xf32, #tpu.memory_space<vmem_shared>>) dst(%arg12 : memref<640xf32, #tpu.memory_space<vmem>>)
    %dma_wait3A_283 = tpu.memref_slice %arg19[%add3A_271] : memref<163840xi32, #tpu.memory_space<vmem_shared>> -> memref<640xi32, #tpu.memory_space<vmem_shared>>
    %dma_wait3A_284 = tpu.memref_slice %arg19[%add3A_271] : memref<163840xi32, #tpu.memory_space<vmem_shared>> -> memref<640xi32, #tpu.memory_space<vmem_shared>>
    tpu.wait_dma2 semaphore(%arg20 : memref<!tpu.dma_semaphore, #tpu.memory_space<semaphore_mem>>) src(%dma_wait3A_284 : memref<640xi32, #tpu.memory_space<vmem_shared>>) dst(%arg13 : memref<640xi32, #tpu.memory_space<vmem>>)
    %add3A_285 = arith.constant 143360 : i32
    %add3A_286 = arith.addi %add3A_285, %mul3A_44 : i32
    %dma_start3A_287 = tpu.memref_slice %arg18[%add3A_286] : memref<163840xf32, #tpu.memory_space<vmem_shared>> -> memref<640xf32, #tpu.memory_space<vmem_shared>>
    %dma_start3A_288 = tpu.memref_slice %arg18[%add3A_286] : memref<163840xf32, #tpu.memory_space<vmem_shared>> -> memref<640xf32, #tpu.memory_space<vmem_shared>>
    tpu.enqueue_dma source(%dma_start3A_288 : memref<640xf32, #tpu.memory_space<vmem_shared>>) target(%arg16 : memref<640xf32, #tpu.memory_space<vmem>>) target_semaphore(%arg20 : memref<!tpu.dma_semaphore, #tpu.memory_space<semaphore_mem>>)
    %add3A_289 = arith.constant 143360 : i32
    %add3A_290 = arith.addi %add3A_289, %mul3A_44 : i32
    %dma_start3A_291 = tpu.memref_slice %arg19[%add3A_290] : memref<163840xi32, #tpu.memory_space<vmem_shared>> -> memref<640xi32, #tpu.memory_space<vmem_shared>>
    %dma_start3A_292 = tpu.memref_slice %arg19[%add3A_290] : memref<163840xi32, #tpu.memory_space<vmem_shared>> -> memref<640xi32, #tpu.memory_space<vmem_shared>>
    tpu.enqueue_dma source(%dma_start3A_292 : memref<640xi32, #tpu.memory_space<vmem_shared>>) target(%arg17 : memref<640xi32, #tpu.memory_space<vmem>>) target_semaphore(%arg20 : memref<!tpu.dma_semaphore, #tpu.memory_space<semaphore_mem>>)
    %scan3A_293 = arith.constant 0 : i32
    %scan3A_294 = arith.constant 0 : i32
    %scan3A_295 = arith.constant 40 : i32
    %scan3A_296 = arith.addi %scan3A_294, %scan3A_295 : i32
    %scan3A_297 = arith.constant 1 : i32
    %scan3A_298 = scf.for %scan3A_336 = %scan3A_294 to %scan3A_296 step %scan3A_297 iter_args(%scan3A_337 = %scan3A_293) -> (i32)  : i32 {
      %mul3A_338 = arith.constant 16 : i32
      %mul3A_339 = arith.muli %scan3A_336, %mul3A_338 : i32
      %get3A = arith.index_cast %mul3A_339 : i32 to index
      %get3A_340 = tpu.vector_load %arg14[%get3A] {strides = array<i32>} : memref<640xf32, #tpu.memory_space<vmem>>, vector<16xf32>,
      %get3A_341 = arith.index_cast %mul3A_339 : i32 to index
      %get3A_342 = tpu.vector_load %arg15[%get3A_341] {strides = array<i32>} : memref<640xi32, #tpu.memory_space<vmem>>, vector<16xi32>,
      %get3A_343 = arith.index_cast %mul3A_339 : i32 to index
      %get3A_344 = tpu.vector_load %arg12[%get3A_343] {strides = array<i32>} : memref<640xf32, #tpu.memory_space<vmem>>, vector<16xf32>,
      %get3A_345 = arith.index_cast %mul3A_339 : i32 to index
      %get3A_346 = tpu.vector_load %arg13[%get3A_345] {strides = array<i32>} : memref<640xi32, #tpu.memory_space<vmem>>, vector<16xi32>,
      %gt3A = arith.cmpf ogt, %get3A_344, %get3A_340 : vector<16xf32>
      %eq3A = arith.cmpf oeq, %get3A_344, %get3A_340 : vector<16xf32>
      %gt3A_347 = arith.cmpi sgt, %get3A_346, %get3A_342 : vector<16xi32>
      %and3A = arith.andi %eq3A, %gt3A_347 : vector<16xi1>
      %or3A = arith.ori %gt3A, %and3A : vector<16xi1>
      %get3A_348 = arith.index_cast %mul3A_339 : i32 to index
      %get3A_349 = tpu.vector_load %arg12[%get3A_348] {strides = array<i32>} : memref<640xf32, #tpu.memory_space<vmem>>, vector<16xf32>,
      %select_n3A = arith.select %or3A, %get3A_349, %get3A_340 : vector<16xi1>, vector<16xf32>
      %swap3A = arith.index_cast %mul3A_339 : i32 to index
      %swap3A_350 = tpu.vector_load %arg14[%swap3A] {strides = array<i32>} : memref<640xf32, #tpu.memory_space<vmem>>, vector<16xf32>,
      tpu.vector_store %arg14[%swap3A], %select_n3A {strides = array<i32>} : memref<640xf32, #tpu.memory_space<vmem>>, vector<16xf32>,
      %get3A_351 = arith.index_cast %mul3A_339 : i32 to index
      %get3A_352 = tpu.vector_load %arg13[%get3A_351] {strides = array<i32>} : memref<640xi32, #tpu.memory_space<vmem>>, vector<16xi32>,
      %select_n3A_353 = arith.select %or3A, %get3A_352, %get3A_342 : vector<16xi1>, vector<16xi32>
      %swap3A_354 = arith.index_cast %mul3A_339 : i32 to index
      %swap3A_355 = tpu.vector_load %arg15[%swap3A_354] {strides = array<i32>} : memref<640xi32, #tpu.memory_space<vmem>>, vector<16xi32>,
      tpu.vector_store %arg15[%swap3A_354], %select_n3A_353 {strides = array<i32>} : memref<640xi32, #tpu.memory_space<vmem>>, vector<16xi32>,
      %scan3A_356 = arith.constant 0 : i32
      scf.yield %scan3A_356 : i32
    }
    %scan3A_299 = arith.constant 40 : i32
    %dma_wait3A_300 = tpu.memref_slice %arg18[%add3A_286] : memref<163840xf32, #tpu.memory_space<vmem_shared>> -> memref<640xf32, #tpu.memory_space<vmem_shared>>
    %dma_wait3A_301 = tpu.memref_slice %arg18[%add3A_286] : memref<163840xf32, #tpu.memory_space<vmem_shared>> -> memref<640xf32, #tpu.memory_space<vmem_shared>>
    tpu.wait_dma2 semaphore(%arg20 : memref<!tpu.dma_semaphore, #tpu.memory_space<semaphore_mem>>) src(%dma_wait3A_301 : memref<640xf32, #tpu.memory_space<vmem_shared>>) dst(%arg16 : memref<640xf32, #tpu.memory_space<vmem>>)
    %dma_wait3A_302 = tpu.memref_slice %arg19[%add3A_290] : memref<163840xi32, #tpu.memory_space<vmem_shared>> -> memref<640xi32, #tpu.memory_space<vmem_shared>>
    %dma_wait3A_303 = tpu.memref_slice %arg19[%add3A_290] : memref<163840xi32, #tpu.memory_space<vmem_shared>> -> memref<640xi32, #tpu.memory_space<vmem_shared>>
    tpu.wait_dma2 semaphore(%arg20 : memref<!tpu.dma_semaphore, #tpu.memory_space<semaphore_mem>>) src(%dma_wait3A_303 : memref<640xi32, #tpu.memory_space<vmem_shared>>) dst(%arg17 : memref<640xi32, #tpu.memory_space<vmem>>)
    %add3A_304 = arith.constant 153600 : i32
    %add3A_305 = arith.addi %add3A_304, %mul3A_44 : i32
    %dma_start3A_306 = tpu.memref_slice %arg18[%add3A_305] : memref<163840xf32, #tpu.memory_space<vmem_shared>> -> memref<640xf32, #tpu.memory_space<vmem_shared>>
    %dma_start3A_307 = tpu.memref_slice %arg18[%add3A_305] : memref<163840xf32, #tpu.memory_space<vmem_shared>> -> memref<640xf32, #tpu.memory_space<vmem_shared>>
    tpu.enqueue_dma source(%dma_start3A_307 : memref<640xf32, #tpu.memory_space<vmem_shared>>) target(%arg12 : memref<640xf32, #tpu.memory_space<vmem>>) target_semaphore(%arg20 : memref<!tpu.dma_semaphore, #tpu.memory_space<semaphore_mem>>)
    %add3A_308 = arith.constant 153600 : i32
    %add3A_309 = arith.addi %add3A_308, %mul3A_44 : i32
    %dma_start3A_310 = tpu.memref_slice %arg19[%add3A_309] : memref<163840xi32, #tpu.memory_space<vmem_shared>> -> memref<640xi32, #tpu.memory_space<vmem_shared>>
    %dma_start3A_311 = tpu.memref_slice %arg19[%add3A_309] : memref<163840xi32, #tpu.memory_space<vmem_shared>> -> memref<640xi32, #tpu.memory_space<vmem_shared>>
    tpu.enqueue_dma source(%dma_start3A_311 : memref<640xi32, #tpu.memory_space<vmem_shared>>) target(%arg13 : memref<640xi32, #tpu.memory_space<vmem>>) target_semaphore(%arg20 : memref<!tpu.dma_semaphore, #tpu.memory_space<semaphore_mem>>)
    %scan3A_312 = arith.constant 0 : i32
    %scan3A_313 = arith.constant 0 : i32
    %scan3A_314 = arith.constant 40 : i32
    %scan3A_315 = arith.addi %scan3A_313, %scan3A_314 : i32
    %scan3A_316 = arith.constant 1 : i32
    %scan3A_317 = scf.for %scan3A_336 = %scan3A_313 to %scan3A_315 step %scan3A_316 iter_args(%scan3A_337 = %scan3A_312) -> (i32)  : i32 {
      %mul3A_338 = arith.constant 16 : i32
      %mul3A_339 = arith.muli %scan3A_336, %mul3A_338 : i32
      %get3A = arith.index_cast %mul3A_339 : i32 to index
      %get3A_340 = tpu.vector_load %arg14[%get3A] {strides = array<i32>} : memref<640xf32, #tpu.memory_space<vmem>>, vector<16xf32>,
      %get3A_341 = arith.index_cast %mul3A_339 : i32 to index
      %get3A_342 = tpu.vector_load %arg15[%get3A_341] {strides = array<i32>} : memref<640xi32, #tpu.memory_space<vmem>>, vector<16xi32>,
      %get3A_343 = arith.index_cast %mul3A_339 : i32 to index
      %get3A_344 = tpu.vector_load %arg16[%get3A_343] {strides = array<i32>} : memref<640xf32, #tpu.memory_space<vmem>>, vector<16xf32>,
      %get3A_345 = arith.index_cast %mul3A_339 : i32 to index
      %get3A_346 = tpu.vector_load %arg17[%get3A_345] {strides = array<i32>} : memref<640xi32, #tpu.memory_space<vmem>>, vector<16xi32>,
      %gt3A = arith.cmpf ogt, %get3A_344, %get3A_340 : vector<16xf32>
      %eq3A = arith.cmpf oeq, %get3A_344, %get3A_340 : vector<16xf32>
      %gt3A_347 = arith.cmpi sgt, %get3A_346, %get3A_342 : vector<16xi32>
      %and3A = arith.andi %eq3A, %gt3A_347 : vector<16xi1>
      %or3A = arith.ori %gt3A, %and3A : vector<16xi1>
      %get3A_348 = arith.index_cast %mul3A_339 : i32 to index
      %get3A_349 = tpu.vector_load %arg16[%get3A_348] {strides = array<i32>} : memref<640xf32, #tpu.memory_space<vmem>>, vector<16xf32>,
      %select_n3A = arith.select %or3A, %get3A_349, %get3A_340 : vector<16xi1>, vector<16xf32>
      %swap3A = arith.index_cast %mul3A_339 : i32 to index
      %swap3A_350 = tpu.vector_load %arg14[%swap3A] {strides = array<i32>} : memref<640xf32, #tpu.memory_space<vmem>>, vector<16xf32>,
      tpu.vector_store %arg14[%swap3A], %select_n3A {strides = array<i32>} : memref<640xf32, #tpu.memory_space<vmem>>, vector<16xf32>,
      %get3A_351 = arith.index_cast %mul3A_339 : i32 to index
      %get3A_352 = tpu.vector_load %arg17[%get3A_351] {strides = array<i32>} : memref<640xi32, #tpu.memory_space<vmem>>, vector<16xi32>,
      %select_n3A_353 = arith.select %or3A, %get3A_352, %get3A_342 : vector<16xi1>, vector<16xi32>
      %swap3A_354 = arith.index_cast %mul3A_339 : i32 to index
      %swap3A_355 = tpu.vector_load %arg15[%swap3A_354] {strides = array<i32>} : memref<640xi32, #tpu.memory_space<vmem>>, vector<16xi32>,
      tpu.vector_store %arg15[%swap3A_354], %select_n3A_353 {strides = array<i32>} : memref<640xi32, #tpu.memory_space<vmem>>, vector<16xi32>,
      %scan3A_356 = arith.constant 0 : i32
      scf.yield %scan3A_356 : i32
    }
    %scan3A_318 = arith.constant 40 : i32
    %dma_wait3A_319 = tpu.memref_slice %arg18[%add3A_305] : memref<163840xf32, #tpu.memory_space<vmem_shared>> -> memref<640xf32, #tpu.memory_space<vmem_shared>>
    %dma_wait3A_320 = tpu.memref_slice %arg18[%add3A_305] : memref<163840xf32, #tpu.memory_space<vmem_shared>> -> memref<640xf32, #tpu.memory_space<vmem_shared>>
    tpu.wait_dma2 semaphore(%arg20 : memref<!tpu.dma_semaphore, #tpu.memory_space<semaphore_mem>>) src(%dma_wait3A_320 : memref<640xf32, #tpu.memory_space<vmem_shared>>) dst(%arg12 : memref<640xf32, #tpu.memory_space<vmem>>)
    %dma_wait3A_321 = tpu.memref_slice %arg19[%add3A_309] : memref<163840xi32, #tpu.memory_space<vmem_shared>> -> memref<640xi32, #tpu.memory_space<vmem_shared>>
    %dma_wait3A_322 = tpu.memref_slice %arg19[%add3A_309] : memref<163840xi32, #tpu.memory_space<vmem_shared>> -> memref<640xi32, #tpu.memory_space<vmem_shared>>
    tpu.wait_dma2 semaphore(%arg20 : memref<!tpu.dma_semaphore, #tpu.memory_space<semaphore_mem>>) src(%dma_wait3A_322 : memref<640xi32, #tpu.memory_space<vmem_shared>>) dst(%arg13 : memref<640xi32, #tpu.memory_space<vmem>>)
    %scan3A_323 = arith.constant 0 : i32
    %scan3A_324 = arith.constant 0 : i32
    %scan3A_325 = arith.constant 40 : i32
    %scan3A_326 = arith.addi %scan3A_324, %scan3A_325 : i32
    %scan3A_327 = arith.constant 1 : i32
    %scan3A_328 = scf.for %scan3A_336 = %scan3A_324 to %scan3A_326 step %scan3A_327 iter_args(%scan3A_337 = %scan3A_323) -> (i32)  : i32 {
      %mul3A_338 = arith.constant 16 : i32
      %mul3A_339 = arith.muli %scan3A_336, %mul3A_338 : i32
      %get3A = arith.index_cast %mul3A_339 : i32 to index
      %get3A_340 = tpu.vector_load %arg14[%get3A] {strides = array<i32>} : memref<640xf32, #tpu.memory_space<vmem>>, vector<16xf32>,
      %get3A_341 = arith.index_cast %mul3A_339 : i32 to index
      %get3A_342 = tpu.vector_load %arg15[%get3A_341] {strides = array<i32>} : memref<640xi32, #tpu.memory_space<vmem>>, vector<16xi32>,
      %get3A_343 = arith.index_cast %mul3A_339 : i32 to index
      %get3A_344 = tpu.vector_load %arg12[%get3A_343] {strides = array<i32>} : memref<640xf32, #tpu.memory_space<vmem>>, vector<16xf32>,
      %get3A_345 = arith.index_cast %mul3A_339 : i32 to index
      %get3A_346 = tpu.vector_load %arg13[%get3A_345] {strides = array<i32>} : memref<640xi32, #tpu.memory_space<vmem>>, vector<16xi32>,
      %gt3A = arith.cmpf ogt, %get3A_344, %get3A_340 : vector<16xf32>
      %eq3A = arith.cmpf oeq, %get3A_344, %get3A_340 : vector<16xf32>
      %gt3A_347 = arith.cmpi sgt, %get3A_346, %get3A_342 : vector<16xi32>
      %and3A = arith.andi %eq3A, %gt3A_347 : vector<16xi1>
      %or3A = arith.ori %gt3A, %and3A : vector<16xi1>
      %get3A_348 = arith.index_cast %mul3A_339 : i32 to index
      %get3A_349 = tpu.vector_load %arg12[%get3A_348] {strides = array<i32>} : memref<640xf32, #tpu.memory_space<vmem>>, vector<16xf32>,
      %select_n3A = arith.select %or3A, %get3A_349, %get3A_340 : vector<16xi1>, vector<16xf32>
      %swap3A = arith.index_cast %mul3A_339 : i32 to index
      %swap3A_350 = tpu.vector_load %arg14[%swap3A] {strides = array<i32>} : memref<640xf32, #tpu.memory_space<vmem>>, vector<16xf32>,
      tpu.vector_store %arg14[%swap3A], %select_n3A {strides = array<i32>} : memref<640xf32, #tpu.memory_space<vmem>>, vector<16xf32>,
      %get3A_351 = arith.index_cast %mul3A_339 : i32 to index
      %get3A_352 = tpu.vector_load %arg13[%get3A_351] {strides = array<i32>} : memref<640xi32, #tpu.memory_space<vmem>>, vector<16xi32>,
      %select_n3A_353 = arith.select %or3A, %get3A_352, %get3A_342 : vector<16xi1>, vector<16xi32>
      %swap3A_354 = arith.index_cast %mul3A_339 : i32 to index
      %swap3A_355 = tpu.vector_load %arg15[%swap3A_354] {strides = array<i32>} : memref<640xi32, #tpu.memory_space<vmem>>, vector<16xi32>,
      tpu.vector_store %arg15[%swap3A_354], %select_n3A_353 {strides = array<i32>} : memref<640xi32, #tpu.memory_space<vmem>>, vector<16xi32>,
      %scan3A_356 = arith.constant 0 : i32
      scf.yield %scan3A_356 : i32
    }
    %scan3A_329 = arith.constant 40 : i32
    %mul3A_330 = arith.constant 10240 : i32
    %mul3A_331 = arith.muli %arg0, %mul3A_330 : i32
    %add3A_332 = arith.addi %mul3A_331, %mul3A_44 : i32
    "tpu.region"() ({
      %run_scoped3A = tpu.sem_alloc : memref<!tpu.dma_semaphore, #tpu.memory_space<semaphore_mem>>
      %dma_start3A_336 = tpu.memref_slice %arg5[%add3A_332] : memref<20480xf32, #tpu.memory_space<hbm>> -> memref<640xf32, #tpu.memory_space<hbm>>
      %dma_start3A_337 = tpu.memref_slice %arg5[%add3A_332] : memref<20480xf32, #tpu.memory_space<hbm>> -> memref<640xf32, #tpu.memory_space<hbm>>
      tpu.enqueue_dma source(%arg14 : memref<640xf32, #tpu.memory_space<vmem>>) target(%dma_start3A_337 : memref<640xf32, #tpu.memory_space<hbm>>) target_semaphore(%run_scoped3A : memref<!tpu.dma_semaphore, #tpu.memory_space<semaphore_mem>>)
      %dma_wait3A_338 = tpu.memref_slice %arg5[%add3A_332] : memref<20480xf32, #tpu.memory_space<hbm>> -> memref<640xf32, #tpu.memory_space<hbm>>
      %dma_wait3A_339 = tpu.memref_slice %arg5[%add3A_332] : memref<20480xf32, #tpu.memory_space<hbm>> -> memref<640xf32, #tpu.memory_space<hbm>>
      tpu.wait_dma2 semaphore(%run_scoped3A : memref<!tpu.dma_semaphore, #tpu.memory_space<semaphore_mem>>) src(%arg14 : memref<640xf32, #tpu.memory_space<vmem>>) dst(%dma_wait3A_339 : memref<640xf32, #tpu.memory_space<hbm>>)
      tpu.yield
    }) : () -> ()
    %mul3A_333 = arith.constant 10240 : i32
    %mul3A_334 = arith.muli %arg0, %mul3A_333 : i32
    %add3A_335 = arith.addi %mul3A_334, %mul3A_44 : i32
    "tpu.region"() ({
      %run_scoped3A = tpu.sem_alloc : memref<!tpu.dma_semaphore, #tpu.memory_space<semaphore_mem>>
      %dma_start3A_336 = tpu.memref_slice %arg6[%add3A_335] : memref<20480xi32, #tpu.memory_space<hbm>> -> memref<640xi32, #tpu.memory_space<hbm>>
      %dma_start3A_337 = tpu.memref_slice %arg6[%add3A_335] : memref<20480xi32, #tpu.memory_space<hbm>> -> memref<640xi32, #tpu.memory_space<hbm>>
      tpu.enqueue_dma source(%arg15 : memref<640xi32, #tpu.memory_space<vmem>>) target(%dma_start3A_337 : memref<640xi32, #tpu.memory_space<hbm>>) target_semaphore(%run_scoped3A : memref<!tpu.dma_semaphore, #tpu.memory_space<semaphore_mem>>)
      %dma_wait3A_338 = tpu.memref_slice %arg6[%add3A_335] : memref<20480xi32, #tpu.memory_space<hbm>> -> memref<640xi32, #tpu.memory_space<hbm>>
      %dma_wait3A_339 = tpu.memref_slice %arg6[%add3A_335] : memref<20480xi32, #tpu.memory_space<hbm>> -> memref<640xi32, #tpu.memory_space<hbm>>
      tpu.wait_dma2 semaphore(%run_scoped3A : memref<!tpu.dma_semaphore, #tpu.memory_space<semaphore_mem>>) src(%arg15 : memref<640xi32, #tpu.memory_space<vmem>>) dst(%dma_wait3A_339 : memref<640xi32, #tpu.memory_space<hbm>>)
      tpu.yield
    }) : () -> ()
    return
  }
}

#map = affine_map<(d0, d1) -> (0)>
module attributes {stable_mosaic.version = 14 : i64} {
  func.func @body(%arg0: i32, %arg1: i32, %arg2: memref<10240xf32, #tpu.memory_space<hbm>>, %arg3: memref<320000xi32, #tpu.memory_space<hbm>>, %arg4: memref<320000xi32, #tpu.memory_space<hbm>>, %arg5: memref<20480xf32, #tpu.memory_space<hbm>>, %arg6: memref<20480xi32, #tpu.memory_space<hbm>>, %arg7: memref<10240xf32, #tpu.memory_space<vmem>>, %arg8: memref<10000xi32, #tpu.memory_space<vmem>>, %arg9: memref<10000xi32, #tpu.memory_space<vmem>>, %arg10: memref<10240xf32, #tpu.memory_space<vmem>>, %arg11: memref<10240xi32, #tpu.memory_space<vmem>>, %arg12: memref<640xf32, #tpu.memory_space<vmem>>, %arg13: memref<640xi32, #tpu.memory_space<vmem>>, %arg14: memref<640xf32, #tpu.memory_space<vmem>>, %arg15: memref<640xi32, #tpu.memory_space<vmem>>, %arg16: memref<640xf32, #tpu.memory_space<vmem>>, %arg17: memref<640xi32, #tpu.memory_space<vmem>>, %arg18: memref<163840xf32, #tpu.memory_space<vmem_shared>>, %arg19: memref<163840xi32, #tpu.memory_space<vmem_shared>>, %arg20: memref<!tpu.dma_semaphore, #tpu.memory_space<semaphore_mem>>) attributes {dimension_semantics = [#tpu.dimension_semantics<core_parallel>, #tpu.dimension_semantics<subcore_parallel>], iteration_bounds = array<i64: 2, 16>, scalar_prefetch = 0 : i64, scratch_operands = 14 : i64, tpu.core_type = #tpu.core_type<sc_vector_subcore>, window_params = [{transform_indices = #map}, {transform_indices = #map}, {transform_indices = #map}, {transform_indices = #map}, {transform_indices = #map}]} {
    %mul3A = arith.constant 16 : i32
    %mul3A_0 = arith.muli %arg0, %mul3A : i32
    %add3A = arith.addi %mul3A_0, %arg1 : i32
    %mul3A_1 = arith.constant 10000 : i32
    %mul3A_2 = arith.muli %add3A, %mul3A_1 : i32
    tpu.enqueue_dma source(%arg2 : memref<10240xf32, #tpu.memory_space<hbm>>) target(%arg7 : memref<10240xf32, #tpu.memory_space<vmem>>) target_semaphore(%arg20 : memref<!tpu.dma_semaphore, #tpu.memory_space<semaphore_mem>>)
    %dma_start3A = tpu.memref_slice %arg3[%mul3A_2] : memref<320000xi32, #tpu.memory_space<hbm>> -> memref<10000xi32, #tpu.memory_space<hbm>>
    %dma_start3A_3 = tpu.memref_slice %arg3[%mul3A_2] : memref<320000xi32, #tpu.memory_space<hbm>> -> memref<10000xi32, #tpu.memory_space<hbm>>
    tpu.enqueue_dma source(%dma_start3A_3 : memref<10000xi32, #tpu.memory_space<hbm>>) target(%arg8 : memref<10000xi32, #tpu.memory_space<vmem>>) target_semaphore(%arg20 : memref<!tpu.dma_semaphore, #tpu.memory_space<semaphore_mem>>)
    %dma_start3A_4 = tpu.memref_slice %arg4[%mul3A_2] : memref<320000xi32, #tpu.memory_space<hbm>> -> memref<10000xi32, #tpu.memory_space<hbm>>
    %dma_start3A_5 = tpu.memref_slice %arg4[%mul3A_2] : memref<320000xi32, #tpu.memory_space<hbm>> -> memref<10000xi32, #tpu.memory_space<hbm>>
    tpu.enqueue_dma source(%dma_start3A_5 : memref<10000xi32, #tpu.memory_space<hbm>>) target(%arg9 : memref<10000xi32, #tpu.memory_space<vmem>>) target_semaphore(%arg20 : memref<!tpu.dma_semaphore, #tpu.memory_space<semaphore_mem>>)
    tpu.wait_dma2 semaphore(%arg20 : memref<!tpu.dma_semaphore, #tpu.memory_space<semaphore_mem>>) src(%arg2 : memref<10240xf32, #tpu.memory_space<hbm>>) dst(%arg7 : memref<10240xf32, #tpu.memory_space<vmem>>)
    %dma_wait3A = tpu.memref_slice %arg3[%mul3A_2] : memref<320000xi32, #tpu.memory_space<hbm>> -> memref<10000xi32, #tpu.memory_space<hbm>>
    %dma_wait3A_6 = tpu.memref_slice %arg3[%mul3A_2] : memref<320000xi32, #tpu.memory_space<hbm>> -> memref<10000xi32, #tpu.memory_space<hbm>>
    tpu.wait_dma2 semaphore(%arg20 : memref<!tpu.dma_semaphore, #tpu.memory_space<semaphore_mem>>) src(%dma_wait3A_6 : memref<10000xi32, #tpu.memory_space<hbm>>) dst(%arg8 : memref<10000xi32, #tpu.memory_space<vmem>>)
    %dma_wait3A_7 = tpu.memref_slice %arg4[%mul3A_2] : memref<320000xi32, #tpu.memory_space<hbm>> -> memref<10000xi32, #tpu.memory_space<hbm>>
    %dma_wait3A_8 = tpu.memref_slice %arg4[%mul3A_2] : memref<320000xi32, #tpu.memory_space<hbm>> -> memref<10000xi32, #tpu.memory_space<hbm>>
    tpu.wait_dma2 semaphore(%arg20 : memref<!tpu.dma_semaphore, #tpu.memory_space<semaphore_mem>>) src(%dma_wait3A_8 : memref<10000xi32, #tpu.memory_space<hbm>>) dst(%arg9 : memref<10000xi32, #tpu.memory_space<vmem>>)
    %broadcast_in_dim3A = arith.constant 0xFF800000 : f32
    %broadcast_in_dim3A_9 = vector.broadcast %broadcast_in_dim3A : f32 to vector<16xf32>
    %broadcast_in_dim3A_10 = arith.constant -1 : i32
    %broadcast_in_dim3A_11 = vector.broadcast %broadcast_in_dim3A_10 : i32 to vector<16xi32>
    %scan3A = arith.constant 0 : i32
    %scan3A_12 = arith.constant 0 : i32
    %scan3A_13 = arith.constant 640 : i32
    %scan3A_14 = arith.addi %scan3A_12, %scan3A_13 : i32
    %scan3A_15 = arith.constant 1 : i32
    %scan3A_16 = scf.for %scan3A_336 = %scan3A_12 to %scan3A_14 step %scan3A_15 iter_args(%scan3A_337 = %scan3A) -> (i32)  : i32 {
      %mul3A_338 = arith.constant 16 : i32
      %mul3A_339 = arith.muli %scan3A_336, %mul3A_338 : i32
      %swap3A = arith.index_cast %mul3A_339 : i32 to index
      %swap3A_340 = tpu.vector_load %arg10[%swap3A] {strides = array<i32>} : memref<10240xf32, #tpu.memory_space<vmem>>, vector<16xf32>,
      tpu.vector_store %arg10[%swap3A], %broadcast_in_dim3A_9 {strides = array<i32>} : memref<10240xf32, #tpu.memory_space<vmem>>, vector<16xf32>,
      %swap3A_341 = arith.index_cast %mul3A_339 : i32 to index
      %swap3A_342 = tpu.vector_load %arg11[%swap3A_341] {strides = array<i32>} : memref<10240xi32, #tpu.memory_space<vmem>>, vector<16xi32>,
      tpu.vector_store %arg11[%swap3A_341], %broadcast_in_dim3A_11 {strides = array<i32>} : memref<10240xi32, #tpu.memory_space<vmem>>, vector<16xi32>,
      %scan3A_343 = arith.constant 0 : i32
      scf.yield %scan3A_343 : i32
    }
    %scan3A_17 = arith.constant 640 : i32
    %iota3A = tpu.iota {dimensions = array<i32: 0>} : vector<16xi32>
    %broadcast_in_dim3A_18 = arith.constant 0 : i32
    %broadcast_in_dim3A_19 = vector.broadcast %broadcast_in_dim3A_18 : i32 to vector<16xi32>
    %scan3A_20 = arith.constant 0 : i32
    %scan3A_21 = arith.constant 625 : i32
    %scan3A_22 = arith.addi %scan3A_20, %scan3A_21 : i32
    %scan3A_23 = arith.constant 1 : i32
    %scan3A_24 = scf.for %scan3A_336 = %scan3A_20 to %scan3A_22 step %scan3A_23 iter_args(%scan3A_337 = %broadcast_in_dim3A_19) -> (vector<16xi32>)  : i32 {
      %mul3A_338 = arith.constant 16 : i32
      %mul3A_339 = arith.muli %scan3A_336, %mul3A_338 : i32
      %get3A = arith.index_cast %mul3A_339 : i32 to index
      %get3A_340 = tpu.vector_load %arg8[%get3A] {strides = array<i32>} : memref<10000xi32, #tpu.memory_space<vmem>>, vector<16xi32>,
      %get3A_341 = arith.index_cast %mul3A_339 : i32 to index
      %get3A_342 = tpu.vector_load %arg9[%get3A_341] {strides = array<i32>} : memref<10000xi32, #tpu.memory_space<vmem>>, vector<16xi32>,
      %gather3A = tpu.vector_load_idx %arg7[%get3A_342] : memref<10240xf32, #tpu.memory_space<vmem>>[vector<16xi32>], vector<16xf32>,
      %mul3A_343 = arith.constant 16 : i32
      %mul3A_344 = arith.muli %scan3A_336, %mul3A_343 : i32
      %add3A_345 = arith.addi %mul3A_2, %mul3A_344 : i32
      %add3A_346 = vector.broadcast %add3A_345 : i32 to vector<16xi32>
      %add3A_347 = arith.addi %add3A_346, %iota3A : vector<16xi32>
      %gather3A_348 = tpu.vector_load_idx %arg10[%get3A_340] : memref<10240xf32, #tpu.memory_space<vmem>>[vector<16xi32>], vector<16xf32>,
      %gather3A_349 = tpu.vector_load_idx %arg11[%get3A_340] : memref<10240xi32, #tpu.memory_space<vmem>>[vector<16xi32>], vector<16xi32>,
      %gt3A = arith.cmpf ogt, %gather3A, %gather3A_348 : vector<16xf32>
      %eq3A = arith.cmpf oeq, %gather3A, %gather3A_348 : vector<16xf32>
      %gt3A_350 = arith.cmpi sgt, %add3A_347, %gather3A_349 : vector<16xi32>
      %and3A = arith.andi %eq3A, %gt3A_350 : vector<16xi1>
      %or3A = arith.ori %gt3A, %and3A : vector<16xi1>
      tpu.vector_store_idx %arg10[%get3A_340], %gather3A masked %or3A : memref<10240xf32, #tpu.memory_space<vmem>>[vector<16xi32>], vector<16xf32>, vector<16xi1>
      tpu.vector_store_idx %arg11[%get3A_340], %add3A_347 masked %or3A : memref<10240xi32, #tpu.memory_space<vmem>>[vector<16xi32>], vector<16xi32>, vector<16xi1>
      %gather3A_351 = tpu.vector_load_idx %arg10[%get3A_340] : memref<10240xf32, #tpu.memory_space<vmem>>[vector<16xi32>], vector<16xf32>,
      %gather3A_352 = tpu.vector_load_idx %arg11[%get3A_340] : memref<10240xi32, #tpu.memory_space<vmem>>[vector<16xi32>], vector<16xi32>,
      %gt3A_353 = arith.cmpf ogt, %gather3A, %gather3A_351 : vector<16xf32>
      %eq3A_354 = arith.cmpf oeq, %gather3A, %gather3A_351 : vector<16xf32>
      %gt3A_355 = arith.cmpi sgt, %add3A_347, %gather3A_352 : vector<16xi32>
      %and3A_356 = arith.andi %eq3A_354, %gt3A_355 : vector<16xi1>
      %or3A_357 = arith.ori %gt3A_353, %and3A_356 : vector<16xi1>
      tpu.vector_store_idx %arg10[%get3A_340], %gather3A masked %or3A_357 : memref<10240xf32, #tpu.memory_space<vmem>>[vector<16xi32>], vector<16xf32>, vector<16xi1>
      tpu.vector_store_idx %arg11[%get3A_340], %add3A_347 masked %or3A_357 : memref<10240xi32, #tpu.memory_space<vmem>>[vector<16xi32>], vector<16xi32>, vector<16xi1>
      %gather3A_358 = tpu.vector_load_idx %arg10[%get3A_340] : memref<10240xf32, #tpu.memory_space<vmem>>[vector<16xi32>], vector<16xf32>,
      %gather3A_359 = tpu.vector_load_idx %arg11[%get3A_340] : memref<10240xi32, #tpu.memory_space<vmem>>[vector<16xi32>], vector<16xi32>,
      %gt3A_360 = arith.cmpf ogt, %gather3A, %gather3A_358 : vector<16xf32>
      %eq3A_361 = arith.cmpf oeq, %gather3A, %gather3A_358 : vector<16xf32>
      %gt3A_362 = arith.cmpi sgt, %add3A_347, %gather3A_359 : vector<16xi32>
      %and3A_363 = arith.andi %eq3A_361, %gt3A_362 : vector<16xi1>
      %or3A_364 = arith.ori %gt3A_360, %and3A_363 : vector<16xi1>
      %jit3A = arith.constant 1 : i32
      %jit3A_365 = arith.constant 0 : i32
      %broadcast_in_dim3A_366 = vector.broadcast %jit3A : i32 to vector<16xi32>
      %broadcast_in_dim3A_367 = vector.broadcast %jit3A_365 : i32 to vector<16xi32>
      %select_n3A = arith.select %or3A_364, %broadcast_in_dim3A_366, %broadcast_in_dim3A_367 : vector<16xi1>, vector<16xi32>
      %or3A_368 = arith.ori %scan3A_337, %select_n3A : vector<16xi32>
      scf.yield %or3A_368 : vector<16xi32>
    }
    %scan3A_25 = arith.constant 625 : i32
    %ne3A = arith.constant 0 : i32
    %ne3A_26 = vector.broadcast %ne3A : i32 to vector<16xi32>
    %ne3A_27 = arith.cmpi ne, %scan3A_24, %ne3A_26 : vector<16xi32>
    %reduce_or3A = arith.constant 1.000000e+00 : f32
    %reduce_or3A_28 = arith.constant 0.000000e+00 : f32
    %reduce_or3A_29 = vector.broadcast %reduce_or3A : f32 to vector<16xf32>
    %reduce_or3A_30 = vector.broadcast %reduce_or3A_28 : f32 to vector<16xf32>
    %reduce_or3A_31 = arith.select %ne3A_27, %reduce_or3A_29, %reduce_or3A_30 : vector<16xi1>, vector<16xf32>
    %reduce_or3A_32 = arith.constant true
    %reduce_or3A_33 = vector.broadcast %reduce_or3A_32 : i1 to vector<16xi1>
    %reduce_or3A_34 = tpu.scan <max>, %reduce_or3A_31 masked %reduce_or3A_33 : vector<16xf32>, vector<16xi1> -> vector<16xf32>
    %reduce_or3A_35 = vector.extract %reduce_or3A_34[15] : f32 from vector<16xf32>
    %reduce_or3A_36 = arith.constant 0.000000e+00 : f32
    %reduce_or3A_37 = arith.cmpf ogt, %reduce_or3A_35, %reduce_or3A_36 : f32
    %convert_element_type3A = arith.extui %reduce_or3A_37 : i1 to i32
    %cond3A = arith.constant 0 : i32
    %cond3A_38 = arith.cmpi ne, %convert_element_type3A, %cond3A : i32
    scf.if %cond3A_38 {
      %scan3A_336 = arith.constant 0 : i32
      %scan3A_337 = arith.constant 0 : i32
      %scan3A_338 = arith.constant 625 : i32
      %scan3A_339 = arith.addi %scan3A_337, %scan3A_338 : i32
      %scan3A_340 = arith.constant 1 : i32
      %scan3A_341 = scf.for %scan3A_343 = %scan3A_337 to %scan3A_339 step %scan3A_340 iter_args(%scan3A_344 = %scan3A_336) -> (i32)  : i32 {
        %mul3A_345 = arith.constant 16 : i32
        %mul3A_346 = arith.muli %scan3A_343, %mul3A_345 : i32
        %get3A = arith.index_cast %mul3A_346 : i32 to index
        %get3A_347 = tpu.vector_load %arg8[%get3A] {strides = array<i32>} : memref<10000xi32, #tpu.memory_space<vmem>>, vector<16xi32>,
        %get3A_348 = arith.index_cast %mul3A_346 : i32 to index
        %get3A_349 = tpu.vector_load %arg9[%get3A_348] {strides = array<i32>} : memref<10000xi32, #tpu.memory_space<vmem>>, vector<16xi32>,
        %gather3A = tpu.vector_load_idx %arg7[%get3A_349] : memref<10240xf32, #tpu.memory_space<vmem>>[vector<16xi32>], vector<16xf32>,
        %mul3A_350 = arith.constant 16 : i32
        %mul3A_351 = arith.muli %scan3A_343, %mul3A_350 : i32
        %add3A_352 = arith.addi %mul3A_2, %mul3A_351 : i32
        %add3A_353 = vector.broadcast %add3A_352 : i32 to vector<16xi32>
        %add3A_354 = arith.addi %add3A_353, %iota3A : vector<16xi32>
        %while3A = arith.constant true
        %while3A_355 = scf.while (%while3A_357 = %while3A) : (i1) -> i1 {
          scf.condition(%while3A_357) %while3A_357 : i1
        } do {
        ^bb0(%while3A_357: i1):
          %gather3A_358 = tpu.vector_load_idx %arg10[%get3A_347] : memref<10240xf32, #tpu.memory_space<vmem>>[vector<16xi32>], vector<16xf32>,
          %gather3A_359 = tpu.vector_load_idx %arg11[%get3A_347] : memref<10240xi32, #tpu.memory_space<vmem>>[vector<16xi32>], vector<16xi32>,
          %gt3A = arith.cmpf ogt, %gather3A, %gather3A_358 : vector<16xf32>
          %eq3A = arith.cmpf oeq, %gather3A, %gather3A_358 : vector<16xf32>
          %gt3A_360 = arith.cmpi sgt, %add3A_354, %gather3A_359 : vector<16xi32>
          %and3A = arith.andi %eq3A, %gt3A_360 : vector<16xi1>
          %or3A = arith.ori %gt3A, %and3A : vector<16xi1>
          tpu.vector_store_idx %arg10[%get3A_347], %gather3A masked %or3A : memref<10240xf32, #tpu.memory_space<vmem>>[vector<16xi32>], vector<16xf32>, vector<16xi1>
          tpu.vector_store_idx %arg11[%get3A_347], %add3A_354 masked %or3A : memref<10240xi32, #tpu.memory_space<vmem>>[vector<16xi32>], vector<16xi32>, vector<16xi1>
          %reduce_or3A_361 = arith.constant 1.000000e+00 : f32
          %reduce_or3A_362 = arith.constant 0.000000e+00 : f32
          %reduce_or3A_363 = vector.broadcast %reduce_or3A_361 : f32 to vector<16xf32>
          %reduce_or3A_364 = vector.broadcast %reduce_or3A_362 : f32 to vector<16xf32>
          %reduce_or3A_365 = arith.select %or3A, %reduce_or3A_363, %reduce_or3A_364 : vector<16xi1>, vector<16xf32>
          %reduce_or3A_366 = arith.constant true
          %reduce_or3A_367 = vector.broadcast %reduce_or3A_366 : i1 to vector<16xi1>
          %reduce_or3A_368 = tpu.scan <max>, %reduce_or3A_365 masked %reduce_or3A_367 : vector<16xf32>, vector<16xi1> -> vector<16xf32>
          %reduce_or3A_369 = vector.extract %reduce_or3A_368[15] : f32 from vector<16xf32>
          %reduce_or3A_370 = arith.constant 0.000000e+00 : f32
          %reduce_or3A_371 = arith.cmpf ogt, %reduce_or3A_369, %reduce_or3A_370 : f32
          scf.yield %reduce_or3A_371 : i1
        }
        %scan3A_356 = arith.constant 0 : i32
        scf.yield %scan3A_356 : i32
      }
      %scan3A_342 = arith.constant 625 : i32
    } else {
    }
    %mul3A_39 = arith.constant 10240 : i32
    %mul3A_40 = arith.muli %arg1, %mul3A_39 : i32
    "tpu.region"() ({
      %run_scoped3A = tpu.sem_alloc : memref<!tpu.dma_semaphore, #tpu.memory_space<semaphore_mem>>
      %dma_start3A_336 = tpu.memref_slice %arg18[%mul3A_40] : memref<163840xf32, #tpu.memory_space<vmem_shared>> -> memref<10240xf32, #tpu.memory_space<vmem_shared>>
      %dma_start3A_337 = tpu.memref_slice %arg18[%mul3A_40] : memref<163840xf32, #tpu.memory_space<vmem_shared>> -> memref<10240xf32, #tpu.memory_space<vmem_shared>>
      tpu.enqueue_dma source(%arg10 : memref<10240xf32, #tpu.memory_space<vmem>>) target(%dma_start3A_337 : memref<10240xf32, #tpu.memory_space<vmem_shared>>) target_semaphore(%run_scoped3A : memref<!tpu.dma_semaphore, #tpu.memory_space<semaphore_mem>>)
      %dma_wait3A_338 = tpu.memref_slice %arg18[%mul3A_40] : memref<163840xf32, #tpu.memory_space<vmem_shared>> -> memref<10240xf32, #tpu.memory_space<vmem_shared>>
      %dma_wait3A_339 = tpu.memref_slice %arg18[%mul3A_40] : memref<163840xf32, #tpu.memory_space<vmem_shared>> -> memref<10240xf32, #tpu.memory_space<vmem_shared>>
      tpu.wait_dma2 semaphore(%run_scoped3A : memref<!tpu.dma_semaphore, #tpu.memory_space<semaphore_mem>>) src(%arg10 : memref<10240xf32, #tpu.memory_space<vmem>>) dst(%dma_wait3A_339 : memref<10240xf32, #tpu.memory_space<vmem_shared>>)
      tpu.yield
    }) : () -> ()
    %mul3A_41 = arith.constant 10240 : i32
    %mul3A_42 = arith.muli %arg1, %mul3A_41 : i32
    "tpu.region"() ({
      %run_scoped3A = tpu.sem_alloc : memref<!tpu.dma_semaphore, #tpu.memory_space<semaphore_mem>>
      %dma_start3A_336 = tpu.memref_slice %arg19[%mul3A_42] : memref<163840xi32, #tpu.memory_space<vmem_shared>> -> memref<10240xi32, #tpu.memory_space<vmem_shared>>
      %dma_start3A_337 = tpu.memref_slice %arg19[%mul3A_42] : memref<163840xi32, #tpu.memory_space<vmem_shared>> -> memref<10240xi32, #tpu.memory_space<vmem_shared>>
      tpu.enqueue_dma source(%arg11 : memref<10240xi32, #tpu.memory_space<vmem>>) target(%dma_start3A_337 : memref<10240xi32, #tpu.memory_space<vmem_shared>>) target_semaphore(%run_scoped3A : memref<!tpu.dma_semaphore, #tpu.memory_space<semaphore_mem>>)
      %dma_wait3A_338 = tpu.memref_slice %arg19[%mul3A_42] : memref<163840xi32, #tpu.memory_space<vmem_shared>> -> memref<10240xi32, #tpu.memory_space<vmem_shared>>
      %dma_wait3A_339 = tpu.memref_slice %arg19[%mul3A_42] : memref<163840xi32, #tpu.memory_space<vmem_shared>> -> memref<10240xi32, #tpu.memory_space<vmem_shared>>
      tpu.wait_dma2 semaphore(%run_scoped3A : memref<!tpu.dma_semaphore, #tpu.memory_space<semaphore_mem>>) src(%arg11 : memref<10240xi32, #tpu.memory_space<vmem>>) dst(%dma_wait3A_339 : memref<10240xi32, #tpu.memory_space<vmem_shared>>)
      tpu.yield
    }) : () -> ()
    %barrier3A = arith.constant 0 : index
    tpu.barrier barrier_id(%barrier3A)
    %mul3A_43 = arith.constant 640 : i32
    %mul3A_44 = arith.muli %arg1, %mul3A_43 : i32
    "tpu.region"() ({
      %run_scoped3A = tpu.sem_alloc : memref<!tpu.dma_semaphore, #tpu.memory_space<semaphore_mem>>
      %dma_start3A_336 = tpu.memref_slice %arg18[%mul3A_44] : memref<163840xf32, #tpu.memory_space<vmem_shared>> -> memref<640xf32, #tpu.memory_space<vmem_shared>>
      %dma_start3A_337 = tpu.memref_slice %arg18[%mul3A_44] : memref<163840xf32, #tpu.memory_space<vmem_shared>> -> memref<640xf32, #tpu.memory_space<vmem_shared>>
      tpu.enqueue_dma source(%dma_start3A_337 : memref<640xf32, #tpu.memory_space<vmem_shared>>) target(%arg14 : memref<640xf32, #tpu.memory_space<vmem>>) target_semaphore(%run_scoped3A : memref<!tpu.dma_semaphore, #tpu.memory_space<semaphore_mem>>)
      %dma_wait3A_338 = tpu.memref_slice %arg18[%mul3A_44] : memref<163840xf32, #tpu.memory_space<vmem_shared>> -> memref<640xf32, #tpu.memory_space<vmem_shared>>
      %dma_wait3A_339 = tpu.memref_slice %arg18[%mul3A_44] : memref<163840xf32, #tpu.memory_space<vmem_shared>> -> memref<640xf32, #tpu.memory_space<vmem_shared>>
      tpu.wait_dma2 semaphore(%run_scoped3A : memref<!tpu.dma_semaphore, #tpu.memory_space<semaphore_mem>>) src(%dma_wait3A_339 : memref<640xf32, #tpu.memory_space<vmem_shared>>) dst(%arg14 : memref<640xf32, #tpu.memory_space<vmem>>)
      tpu.yield
    }) : () -> ()
    "tpu.region"() ({
      %run_scoped3A = tpu.sem_alloc : memref<!tpu.dma_semaphore, #tpu.memory_space<semaphore_mem>>
      %dma_start3A_336 = tpu.memref_slice %arg19[%mul3A_44] : memref<163840xi32, #tpu.memory_space<vmem_shared>> -> memref<640xi32, #tpu.memory_space<vmem_shared>>
      %dma_start3A_337 = tpu.memref_slice %arg19[%mul3A_44] : memref<163840xi32, #tpu.memory_space<vmem_shared>> -> memref<640xi32, #tpu.memory_space<vmem_shared>>
      tpu.enqueue_dma source(%dma_start3A_337 : memref<640xi32, #tpu.memory_space<vmem_shared>>) target(%arg15 : memref<640xi32, #tpu.memory_space<vmem>>) target_semaphore(%run_scoped3A : memref<!tpu.dma_semaphore, #tpu.memory_space<semaphore_mem>>)
      %dma_wait3A_338 = tpu.memref_slice %arg19[%mul3A_44] : memref<163840xi32, #tpu.memory_space<vmem_shared>> -> memref<640xi32, #tpu.memory_space<vmem_shared>>
      %dma_wait3A_339 = tpu.memref_slice %arg19[%mul3A_44] : memref<163840xi32, #tpu.memory_space<vmem_shared>> -> memref<640xi32, #tpu.memory_space<vmem_shared>>
      tpu.wait_dma2 semaphore(%run_scoped3A : memref<!tpu.dma_semaphore, #tpu.memory_space<semaphore_mem>>) src(%dma_wait3A_339 : memref<640xi32, #tpu.memory_space<vmem_shared>>) dst(%arg15 : memref<640xi32, #tpu.memory_space<vmem>>)
      tpu.yield
    }) : () -> ()
    %add3A_45 = arith.constant 10240 : i32
    %add3A_46 = arith.addi %add3A_45, %mul3A_44 : i32
    %dma_start3A_47 = tpu.memref_slice %arg18[%add3A_46] : memref<163840xf32, #tpu.memory_space<vmem_shared>> -> memref<640xf32, #tpu.memory_space<vmem_shared>>
    %dma_start3A_48 = tpu.memref_slice %arg18[%add3A_46] : memref<163840xf32, #tpu.memory_space<vmem_shared>> -> memref<640xf32, #tpu.memory_space<vmem_shared>>
    tpu.enqueue_dma source(%dma_start3A_48 : memref<640xf32, #tpu.memory_space<vmem_shared>>) target(%arg12 : memref<640xf32, #tpu.memory_space<vmem>>) target_semaphore(%arg20 : memref<!tpu.dma_semaphore, #tpu.memory_space<semaphore_mem>>)
    %add3A_49 = arith.constant 10240 : i32
    %add3A_50 = arith.addi %add3A_49, %mul3A_44 : i32
    %dma_start3A_51 = tpu.memref_slice %arg19[%add3A_50] : memref<163840xi32, #tpu.memory_space<vmem_shared>> -> memref<640xi32, #tpu.memory_space<vmem_shared>>
    %dma_start3A_52 = tpu.memref_slice %arg19[%add3A_50] : memref<163840xi32, #tpu.memory_space<vmem_shared>> -> memref<640xi32, #tpu.memory_space<vmem_shared>>
    tpu.enqueue_dma source(%dma_start3A_52 : memref<640xi32, #tpu.memory_space<vmem_shared>>) target(%arg13 : memref<640xi32, #tpu.memory_space<vmem>>) target_semaphore(%arg20 : memref<!tpu.dma_semaphore, #tpu.memory_space<semaphore_mem>>)
    %dma_wait3A_53 = tpu.memref_slice %arg18[%add3A_46] : memref<163840xf32, #tpu.memory_space<vmem_shared>> -> memref<640xf32, #tpu.memory_space<vmem_shared>>
    %dma_wait3A_54 = tpu.memref_slice %arg18[%add3A_46] : memref<163840xf32, #tpu.memory_space<vmem_shared>> -> memref<640xf32, #tpu.memory_space<vmem_shared>>
    tpu.wait_dma2 semaphore(%arg20 : memref<!tpu.dma_semaphore, #tpu.memory_space<semaphore_mem>>) src(%dma_wait3A_54 : memref<640xf32, #tpu.memory_space<vmem_shared>>) dst(%arg12 : memref<640xf32, #tpu.memory_space<vmem>>)
    %dma_wait3A_55 = tpu.memref_slice %arg19[%add3A_50] : memref<163840xi32, #tpu.memory_space<vmem_shared>> -> memref<640xi32, #tpu.memory_space<vmem_shared>>
    %dma_wait3A_56 = tpu.memref_slice %arg19[%add3A_50] : memref<163840xi32, #tpu.memory_space<vmem_shared>> -> memref<640xi32, #tpu.memory_space<vmem_shared>>
    tpu.wait_dma2 semaphore(%arg20 : memref<!tpu.dma_semaphore, #tpu.memory_space<semaphore_mem>>) src(%dma_wait3A_56 : memref<640xi32, #tpu.memory_space<vmem_shared>>) dst(%arg13 : memref<640xi32, #tpu.memory_space<vmem>>)
    %add3A_57 = arith.constant 20480 : i32
    %add3A_58 = arith.addi %add3A_57, %mul3A_44 : i32
    %dma_start3A_59 = tpu.memref_slice %arg18[%add3A_58] : memref<163840xf32, #tpu.memory_space<vmem_shared>> -> memref<640xf32, #tpu.memory_space<vmem_shared>>
    %dma_start3A_60 = tpu.memref_slice %arg18[%add3A_58] : memref<163840xf32, #tpu.memory_space<vmem_shared>> -> memref<640xf32, #tpu.memory_space<vmem_shared>>
    tpu.enqueue_dma source(%dma_start3A_60 : memref<640xf32, #tpu.memory_space<vmem_shared>>) target(%arg16 : memref<640xf32, #tpu.memory_space<vmem>>) target_semaphore(%arg20 : memref<!tpu.dma_semaphore, #tpu.memory_space<semaphore_mem>>)
    %add3A_61 = arith.constant 20480 : i32
    %add3A_62 = arith.addi %add3A_61, %mul3A_44 : i32
    %dma_start3A_63 = tpu.memref_slice %arg19[%add3A_62] : memref<163840xi32, #tpu.memory_space<vmem_shared>> -> memref<640xi32, #tpu.memory_space<vmem_shared>>
    %dma_start3A_64 = tpu.memref_slice %arg19[%add3A_62] : memref<163840xi32, #tpu.memory_space<vmem_shared>> -> memref<640xi32, #tpu.memory_space<vmem_shared>>
    tpu.enqueue_dma source(%dma_start3A_64 : memref<640xi32, #tpu.memory_space<vmem_shared>>) target(%arg17 : memref<640xi32, #tpu.memory_space<vmem>>) target_semaphore(%arg20 : memref<!tpu.dma_semaphore, #tpu.memory_space<semaphore_mem>>)
    %scan3A_65 = arith.constant 0 : i32
    %scan3A_66 = arith.constant 0 : i32
    %scan3A_67 = arith.constant 40 : i32
    %scan3A_68 = arith.addi %scan3A_66, %scan3A_67 : i32
    %scan3A_69 = arith.constant 1 : i32
    %scan3A_70 = scf.for %scan3A_336 = %scan3A_66 to %scan3A_68 step %scan3A_69 iter_args(%scan3A_337 = %scan3A_65) -> (i32)  : i32 {
      %mul3A_338 = arith.constant 16 : i32
      %mul3A_339 = arith.muli %scan3A_336, %mul3A_338 : i32
      %get3A = arith.index_cast %mul3A_339 : i32 to index
      %get3A_340 = tpu.vector_load %arg14[%get3A] {strides = array<i32>} : memref<640xf32, #tpu.memory_space<vmem>>, vector<16xf32>,
      %get3A_341 = arith.index_cast %mul3A_339 : i32 to index
      %get3A_342 = tpu.vector_load %arg15[%get3A_341] {strides = array<i32>} : memref<640xi32, #tpu.memory_space<vmem>>, vector<16xi32>,
      %get3A_343 = arith.index_cast %mul3A_339 : i32 to index
      %get3A_344 = tpu.vector_load %arg12[%get3A_343] {strides = array<i32>} : memref<640xf32, #tpu.memory_space<vmem>>, vector<16xf32>,
      %get3A_345 = arith.index_cast %mul3A_339 : i32 to index
      %get3A_346 = tpu.vector_load %arg13[%get3A_345] {strides = array<i32>} : memref<640xi32, #tpu.memory_space<vmem>>, vector<16xi32>,
      %gt3A = arith.cmpf ogt, %get3A_344, %get3A_340 : vector<16xf32>
      %eq3A = arith.cmpf oeq, %get3A_344, %get3A_340 : vector<16xf32>
      %gt3A_347 = arith.cmpi sgt, %get3A_346, %get3A_342 : vector<16xi32>
      %and3A = arith.andi %eq3A, %gt3A_347 : vector<16xi1>
      %or3A = arith.ori %gt3A, %and3A : vector<16xi1>
      %get3A_348 = arith.index_cast %mul3A_339 : i32 to index
      %get3A_349 = tpu.vector_load %arg12[%get3A_348] {strides = array<i32>} : memref<640xf32, #tpu.memory_space<vmem>>, vector<16xf32>,
      %select_n3A = arith.select %or3A, %get3A_349, %get3A_340 : vector<16xi1>, vector<16xf32>
      %swap3A = arith.index_cast %mul3A_339 : i32 to index
      %swap3A_350 = tpu.vector_load %arg14[%swap3A] {strides = array<i32>} : memref<640xf32, #tpu.memory_space<vmem>>, vector<16xf32>,
      tpu.vector_store %arg14[%swap3A], %select_n3A {strides = array<i32>} : memref<640xf32, #tpu.memory_space<vmem>>, vector<16xf32>,
      %get3A_351 = arith.index_cast %mul3A_339 : i32 to index
      %get3A_352 = tpu.vector_load %arg13[%get3A_351] {strides = array<i32>} : memref<640xi32, #tpu.memory_space<vmem>>, vector<16xi32>,
      %select_n3A_353 = arith.select %or3A, %get3A_352, %get3A_342 : vector<16xi1>, vector<16xi32>
      %swap3A_354 = arith.index_cast %mul3A_339 : i32 to index
      %swap3A_355 = tpu.vector_load %arg15[%swap3A_354] {strides = array<i32>} : memref<640xi32, #tpu.memory_space<vmem>>, vector<16xi32>,
      tpu.vector_store %arg15[%swap3A_354], %select_n3A_353 {strides = array<i32>} : memref<640xi32, #tpu.memory_space<vmem>>, vector<16xi32>,
      %scan3A_356 = arith.constant 0 : i32
      scf.yield %scan3A_356 : i32
    }
    %scan3A_71 = arith.constant 40 : i32
    %dma_wait3A_72 = tpu.memref_slice %arg18[%add3A_58] : memref<163840xf32, #tpu.memory_space<vmem_shared>> -> memref<640xf32, #tpu.memory_space<vmem_shared>>
    %dma_wait3A_73 = tpu.memref_slice %arg18[%add3A_58] : memref<163840xf32, #tpu.memory_space<vmem_shared>> -> memref<640xf32, #tpu.memory_space<vmem_shared>>
    tpu.wait_dma2 semaphore(%arg20 : memref<!tpu.dma_semaphore, #tpu.memory_space<semaphore_mem>>) src(%dma_wait3A_73 : memref<640xf32, #tpu.memory_space<vmem_shared>>) dst(%arg16 : memref<640xf32, #tpu.memory_space<vmem>>)
    %dma_wait3A_74 = tpu.memref_slice %arg19[%add3A_62] : memref<163840xi32, #tpu.memory_space<vmem_shared>> -> memref<640xi32, #tpu.memory_space<vmem_shared>>
    %dma_wait3A_75 = tpu.memref_slice %arg19[%add3A_62] : memref<163840xi32, #tpu.memory_space<vmem_shared>> -> memref<640xi32, #tpu.memory_space<vmem_shared>>
    tpu.wait_dma2 semaphore(%arg20 : memref<!tpu.dma_semaphore, #tpu.memory_space<semaphore_mem>>) src(%dma_wait3A_75 : memref<640xi32, #tpu.memory_space<vmem_shared>>) dst(%arg17 : memref<640xi32, #tpu.memory_space<vmem>>)
    %add3A_76 = arith.constant 30720 : i32
    %add3A_77 = arith.addi %add3A_76, %mul3A_44 : i32
    %dma_start3A_78 = tpu.memref_slice %arg18[%add3A_77] : memref<163840xf32, #tpu.memory_space<vmem_shared>> -> memref<640xf32, #tpu.memory_space<vmem_shared>>
    %dma_start3A_79 = tpu.memref_slice %arg18[%add3A_77] : memref<163840xf32, #tpu.memory_space<vmem_shared>> -> memref<640xf32, #tpu.memory_space<vmem_shared>>
    tpu.enqueue_dma source(%dma_start3A_79 : memref<640xf32, #tpu.memory_space<vmem_shared>>) target(%arg12 : memref<640xf32, #tpu.memory_space<vmem>>) target_semaphore(%arg20 : memref<!tpu.dma_semaphore, #tpu.memory_space<semaphore_mem>>)
    %add3A_80 = arith.constant 30720 : i32
    %add3A_81 = arith.addi %add3A_80, %mul3A_44 : i32
    %dma_start3A_82 = tpu.memref_slice %arg19[%add3A_81] : memref<163840xi32, #tpu.memory_space<vmem_shared>> -> memref<640xi32, #tpu.memory_space<vmem_shared>>
    %dma_start3A_83 = tpu.memref_slice %arg19[%add3A_81] : memref<163840xi32, #tpu.memory_space<vmem_shared>> -> memref<640xi32, #tpu.memory_space<vmem_shared>>
    tpu.enqueue_dma source(%dma_start3A_83 : memref<640xi32, #tpu.memory_space<vmem_shared>>) target(%arg13 : memref<640xi32, #tpu.memory_space<vmem>>) target_semaphore(%arg20 : memref<!tpu.dma_semaphore, #tpu.memory_space<semaphore_mem>>)
    %scan3A_84 = arith.constant 0 : i32
    %scan3A_85 = arith.constant 0 : i32
    %scan3A_86 = arith.constant 40 : i32
    %scan3A_87 = arith.addi %scan3A_85, %scan3A_86 : i32
    %scan3A_88 = arith.constant 1 : i32
    %scan3A_89 = scf.for %scan3A_336 = %scan3A_85 to %scan3A_87 step %scan3A_88 iter_args(%scan3A_337 = %scan3A_84) -> (i32)  : i32 {
      %mul3A_338 = arith.constant 16 : i32
      %mul3A_339 = arith.muli %scan3A_336, %mul3A_338 : i32
      %get3A = arith.index_cast %mul3A_339 : i32 to index
      %get3A_340 = tpu.vector_load %arg14[%get3A] {strides = array<i32>} : memref<640xf32, #tpu.memory_space<vmem>>, vector<16xf32>,
      %get3A_341 = arith.index_cast %mul3A_339 : i32 to index
      %get3A_342 = tpu.vector_load %arg15[%get3A_341] {strides = array<i32>} : memref<640xi32, #tpu.memory_space<vmem>>, vector<16xi32>,
      %get3A_343 = arith.index_cast %mul3A_339 : i32 to index
      %get3A_344 = tpu.vector_load %arg16[%get3A_343] {strides = array<i32>} : memref<640xf32, #tpu.memory_space<vmem>>, vector<16xf32>,
      %get3A_345 = arith.index_cast %mul3A_339 : i32 to index
      %get3A_346 = tpu.vector_load %arg17[%get3A_345] {strides = array<i32>} : memref<640xi32, #tpu.memory_space<vmem>>, vector<16xi32>,
      %gt3A = arith.cmpf ogt, %get3A_344, %get3A_340 : vector<16xf32>
      %eq3A = arith.cmpf oeq, %get3A_344, %get3A_340 : vector<16xf32>
      %gt3A_347 = arith.cmpi sgt, %get3A_346, %get3A_342 : vector<16xi32>
      %and3A = arith.andi %eq3A, %gt3A_347 : vector<16xi1>
      %or3A = arith.ori %gt3A, %and3A : vector<16xi1>
      %get3A_348 = arith.index_cast %mul3A_339 : i32 to index
      %get3A_349 = tpu.vector_load %arg16[%get3A_348] {strides = array<i32>} : memref<640xf32, #tpu.memory_space<vmem>>, vector<16xf32>,
      %select_n3A = arith.select %or3A, %get3A_349, %get3A_340 : vector<16xi1>, vector<16xf32>
      %swap3A = arith.index_cast %mul3A_339 : i32 to index
      %swap3A_350 = tpu.vector_load %arg14[%swap3A] {strides = array<i32>} : memref<640xf32, #tpu.memory_space<vmem>>, vector<16xf32>,
      tpu.vector_store %arg14[%swap3A], %select_n3A {strides = array<i32>} : memref<640xf32, #tpu.memory_space<vmem>>, vector<16xf32>,
      %get3A_351 = arith.index_cast %mul3A_339 : i32 to index
      %get3A_352 = tpu.vector_load %arg17[%get3A_351] {strides = array<i32>} : memref<640xi32, #tpu.memory_space<vmem>>, vector<16xi32>,
      %select_n3A_353 = arith.select %or3A, %get3A_352, %get3A_342 : vector<16xi1>, vector<16xi32>
      %swap3A_354 = arith.index_cast %mul3A_339 : i32 to index
      %swap3A_355 = tpu.vector_load %arg15[%swap3A_354] {strides = array<i32>} : memref<640xi32, #tpu.memory_space<vmem>>, vector<16xi32>,
      tpu.vector_store %arg15[%swap3A_354], %select_n3A_353 {strides = array<i32>} : memref<640xi32, #tpu.memory_space<vmem>>, vector<16xi32>,
      %scan3A_356 = arith.constant 0 : i32
      scf.yield %scan3A_356 : i32
    }
    %scan3A_90 = arith.constant 40 : i32
    %dma_wait3A_91 = tpu.memref_slice %arg18[%add3A_77] : memref<163840xf32, #tpu.memory_space<vmem_shared>> -> memref<640xf32, #tpu.memory_space<vmem_shared>>
    %dma_wait3A_92 = tpu.memref_slice %arg18[%add3A_77] : memref<163840xf32, #tpu.memory_space<vmem_shared>> -> memref<640xf32, #tpu.memory_space<vmem_shared>>
    tpu.wait_dma2 semaphore(%arg20 : memref<!tpu.dma_semaphore, #tpu.memory_space<semaphore_mem>>) src(%dma_wait3A_92 : memref<640xf32, #tpu.memory_space<vmem_shared>>) dst(%arg12 : memref<640xf32, #tpu.memory_space<vmem>>)
    %dma_wait3A_93 = tpu.memref_slice %arg19[%add3A_81] : memref<163840xi32, #tpu.memory_space<vmem_shared>> -> memref<640xi32, #tpu.memory_space<vmem_shared>>
    %dma_wait3A_94 = tpu.memref_slice %arg19[%add3A_81] : memref<163840xi32, #tpu.memory_space<vmem_shared>> -> memref<640xi32, #tpu.memory_space<vmem_shared>>
    tpu.wait_dma2 semaphore(%arg20 : memref<!tpu.dma_semaphore, #tpu.memory_space<semaphore_mem>>) src(%dma_wait3A_94 : memref<640xi32, #tpu.memory_space<vmem_shared>>) dst(%arg13 : memref<640xi32, #tpu.memory_space<vmem>>)
    %add3A_95 = arith.constant 40960 : i32
    %add3A_96 = arith.addi %add3A_95, %mul3A_44 : i32
    %dma_start3A_97 = tpu.memref_slice %arg18[%add3A_96] : memref<163840xf32, #tpu.memory_space<vmem_shared>> -> memref<640xf32, #tpu.memory_space<vmem_shared>>
    %dma_start3A_98 = tpu.memref_slice %arg18[%add3A_96] : memref<163840xf32, #tpu.memory_space<vmem_shared>> -> memref<640xf32, #tpu.memory_space<vmem_shared>>
    tpu.enqueue_dma source(%dma_start3A_98 : memref<640xf32, #tpu.memory_space<vmem_shared>>) target(%arg16 : memref<640xf32, #tpu.memory_space<vmem>>) target_semaphore(%arg20 : memref<!tpu.dma_semaphore, #tpu.memory_space<semaphore_mem>>)
    %add3A_99 = arith.constant 40960 : i32
    %add3A_100 = arith.addi %add3A_99, %mul3A_44 : i32
    %dma_start3A_101 = tpu.memref_slice %arg19[%add3A_100] : memref<163840xi32, #tpu.memory_space<vmem_shared>> -> memref<640xi32, #tpu.memory_space<vmem_shared>>
    %dma_start3A_102 = tpu.memref_slice %arg19[%add3A_100] : memref<163840xi32, #tpu.memory_space<vmem_shared>> -> memref<640xi32, #tpu.memory_space<vmem_shared>>
    tpu.enqueue_dma source(%dma_start3A_102 : memref<640xi32, #tpu.memory_space<vmem_shared>>) target(%arg17 : memref<640xi32, #tpu.memory_space<vmem>>) target_semaphore(%arg20 : memref<!tpu.dma_semaphore, #tpu.memory_space<semaphore_mem>>)
    %scan3A_103 = arith.constant 0 : i32
    %scan3A_104 = arith.constant 0 : i32
    %scan3A_105 = arith.constant 40 : i32
    %scan3A_106 = arith.addi %scan3A_104, %scan3A_105 : i32
    %scan3A_107 = arith.constant 1 : i32
    %scan3A_108 = scf.for %scan3A_336 = %scan3A_104 to %scan3A_106 step %scan3A_107 iter_args(%scan3A_337 = %scan3A_103) -> (i32)  : i32 {
      %mul3A_338 = arith.constant 16 : i32
      %mul3A_339 = arith.muli %scan3A_336, %mul3A_338 : i32
      %get3A = arith.index_cast %mul3A_339 : i32 to index
      %get3A_340 = tpu.vector_load %arg14[%get3A] {strides = array<i32>} : memref<640xf32, #tpu.memory_space<vmem>>, vector<16xf32>,
      %get3A_341 = arith.index_cast %mul3A_339 : i32 to index
      %get3A_342 = tpu.vector_load %arg15[%get3A_341] {strides = array<i32>} : memref<640xi32, #tpu.memory_space<vmem>>, vector<16xi32>,
      %get3A_343 = arith.index_cast %mul3A_339 : i32 to index
      %get3A_344 = tpu.vector_load %arg12[%get3A_343] {strides = array<i32>} : memref<640xf32, #tpu.memory_space<vmem>>, vector<16xf32>,
      %get3A_345 = arith.index_cast %mul3A_339 : i32 to index
      %get3A_346 = tpu.vector_load %arg13[%get3A_345] {strides = array<i32>} : memref<640xi32, #tpu.memory_space<vmem>>, vector<16xi32>,
      %gt3A = arith.cmpf ogt, %get3A_344, %get3A_340 : vector<16xf32>
      %eq3A = arith.cmpf oeq, %get3A_344, %get3A_340 : vector<16xf32>
      %gt3A_347 = arith.cmpi sgt, %get3A_346, %get3A_342 : vector<16xi32>
      %and3A = arith.andi %eq3A, %gt3A_347 : vector<16xi1>
      %or3A = arith.ori %gt3A, %and3A : vector<16xi1>
      %get3A_348 = arith.index_cast %mul3A_339 : i32 to index
      %get3A_349 = tpu.vector_load %arg12[%get3A_348] {strides = array<i32>} : memref<640xf32, #tpu.memory_space<vmem>>, vector<16xf32>,
      %select_n3A = arith.select %or3A, %get3A_349, %get3A_340 : vector<16xi1>, vector<16xf32>
      %swap3A = arith.index_cast %mul3A_339 : i32 to index
      %swap3A_350 = tpu.vector_load %arg14[%swap3A] {strides = array<i32>} : memref<640xf32, #tpu.memory_space<vmem>>, vector<16xf32>,
      tpu.vector_store %arg14[%swap3A], %select_n3A {strides = array<i32>} : memref<640xf32, #tpu.memory_space<vmem>>, vector<16xf32>,
      %get3A_351 = arith.index_cast %mul3A_339 : i32 to index
      %get3A_352 = tpu.vector_load %arg13[%get3A_351] {strides = array<i32>} : memref<640xi32, #tpu.memory_space<vmem>>, vector<16xi32>,
      %select_n3A_353 = arith.select %or3A, %get3A_352, %get3A_342 : vector<16xi1>, vector<16xi32>
      %swap3A_354 = arith.index_cast %mul3A_339 : i32 to index
      %swap3A_355 = tpu.vector_load %arg15[%swap3A_354] {strides = array<i32>} : memref<640xi32, #tpu.memory_space<vmem>>, vector<16xi32>,
      tpu.vector_store %arg15[%swap3A_354], %select_n3A_353 {strides = array<i32>} : memref<640xi32, #tpu.memory_space<vmem>>, vector<16xi32>,
      %scan3A_356 = arith.constant 0 : i32
      scf.yield %scan3A_356 : i32
    }
    %scan3A_109 = arith.constant 40 : i32
    %dma_wait3A_110 = tpu.memref_slice %arg18[%add3A_96] : memref<163840xf32, #tpu.memory_space<vmem_shared>> -> memref<640xf32, #tpu.memory_space<vmem_shared>>
    %dma_wait3A_111 = tpu.memref_slice %arg18[%add3A_96] : memref<163840xf32, #tpu.memory_space<vmem_shared>> -> memref<640xf32, #tpu.memory_space<vmem_shared>>
    tpu.wait_dma2 semaphore(%arg20 : memref<!tpu.dma_semaphore, #tpu.memory_space<semaphore_mem>>) src(%dma_wait3A_111 : memref<640xf32, #tpu.memory_space<vmem_shared>>) dst(%arg16 : memref<640xf32, #tpu.memory_space<vmem>>)
    %dma_wait3A_112 = tpu.memref_slice %arg19[%add3A_100] : memref<163840xi32, #tpu.memory_space<vmem_shared>> -> memref<640xi32, #tpu.memory_space<vmem_shared>>
    %dma_wait3A_113 = tpu.memref_slice %arg19[%add3A_100] : memref<163840xi32, #tpu.memory_space<vmem_shared>> -> memref<640xi32, #tpu.memory_space<vmem_shared>>
    tpu.wait_dma2 semaphore(%arg20 : memref<!tpu.dma_semaphore, #tpu.memory_space<semaphore_mem>>) src(%dma_wait3A_113 : memref<640xi32, #tpu.memory_space<vmem_shared>>) dst(%arg17 : memref<640xi32, #tpu.memory_space<vmem>>)
    %add3A_114 = arith.constant 51200 : i32
    %add3A_115 = arith.addi %add3A_114, %mul3A_44 : i32
    %dma_start3A_116 = tpu.memref_slice %arg18[%add3A_115] : memref<163840xf32, #tpu.memory_space<vmem_shared>> -> memref<640xf32, #tpu.memory_space<vmem_shared>>
    %dma_start3A_117 = tpu.memref_slice %arg18[%add3A_115] : memref<163840xf32, #tpu.memory_space<vmem_shared>> -> memref<640xf32, #tpu.memory_space<vmem_shared>>
    tpu.enqueue_dma source(%dma_start3A_117 : memref<640xf32, #tpu.memory_space<vmem_shared>>) target(%arg12 : memref<640xf32, #tpu.memory_space<vmem>>) target_semaphore(%arg20 : memref<!tpu.dma_semaphore, #tpu.memory_space<semaphore_mem>>)
    %add3A_118 = arith.constant 51200 : i32
    %add3A_119 = arith.addi %add3A_118, %mul3A_44 : i32
    %dma_start3A_120 = tpu.memref_slice %arg19[%add3A_119] : memref<163840xi32, #tpu.memory_space<vmem_shared>> -> memref<640xi32, #tpu.memory_space<vmem_shared>>
    %dma_start3A_121 = tpu.memref_slice %arg19[%add3A_119] : memref<163840xi32, #tpu.memory_space<vmem_shared>> -> memref<640xi32, #tpu.memory_space<vmem_shared>>
    tpu.enqueue_dma source(%dma_start3A_121 : memref<640xi32, #tpu.memory_space<vmem_shared>>) target(%arg13 : memref<640xi32, #tpu.memory_space<vmem>>) target_semaphore(%arg20 : memref<!tpu.dma_semaphore, #tpu.memory_space<semaphore_mem>>)
    %scan3A_122 = arith.constant 0 : i32
    %scan3A_123 = arith.constant 0 : i32
    %scan3A_124 = arith.constant 40 : i32
    %scan3A_125 = arith.addi %scan3A_123, %scan3A_124 : i32
    %scan3A_126 = arith.constant 1 : i32
    %scan3A_127 = scf.for %scan3A_336 = %scan3A_123 to %scan3A_125 step %scan3A_126 iter_args(%scan3A_337 = %scan3A_122) -> (i32)  : i32 {
      %mul3A_338 = arith.constant 16 : i32
      %mul3A_339 = arith.muli %scan3A_336, %mul3A_338 : i32
      %get3A = arith.index_cast %mul3A_339 : i32 to index
      %get3A_340 = tpu.vector_load %arg14[%get3A] {strides = array<i32>} : memref<640xf32, #tpu.memory_space<vmem>>, vector<16xf32>,
      %get3A_341 = arith.index_cast %mul3A_339 : i32 to index
      %get3A_342 = tpu.vector_load %arg15[%get3A_341] {strides = array<i32>} : memref<640xi32, #tpu.memory_space<vmem>>, vector<16xi32>,
      %get3A_343 = arith.index_cast %mul3A_339 : i32 to index
      %get3A_344 = tpu.vector_load %arg16[%get3A_343] {strides = array<i32>} : memref<640xf32, #tpu.memory_space<vmem>>, vector<16xf32>,
      %get3A_345 = arith.index_cast %mul3A_339 : i32 to index
      %get3A_346 = tpu.vector_load %arg17[%get3A_345] {strides = array<i32>} : memref<640xi32, #tpu.memory_space<vmem>>, vector<16xi32>,
      %gt3A = arith.cmpf ogt, %get3A_344, %get3A_340 : vector<16xf32>
      %eq3A = arith.cmpf oeq, %get3A_344, %get3A_340 : vector<16xf32>
      %gt3A_347 = arith.cmpi sgt, %get3A_346, %get3A_342 : vector<16xi32>
      %and3A = arith.andi %eq3A, %gt3A_347 : vector<16xi1>
      %or3A = arith.ori %gt3A, %and3A : vector<16xi1>
      %get3A_348 = arith.index_cast %mul3A_339 : i32 to index
      %get3A_349 = tpu.vector_load %arg16[%get3A_348] {strides = array<i32>} : memref<640xf32, #tpu.memory_space<vmem>>, vector<16xf32>,
      %select_n3A = arith.select %or3A, %get3A_349, %get3A_340 : vector<16xi1>, vector<16xf32>
      %swap3A = arith.index_cast %mul3A_339 : i32 to index
      %swap3A_350 = tpu.vector_load %arg14[%swap3A] {strides = array<i32>} : memref<640xf32, #tpu.memory_space<vmem>>, vector<16xf32>,
      tpu.vector_store %arg14[%swap3A], %select_n3A {strides = array<i32>} : memref<640xf32, #tpu.memory_space<vmem>>, vector<16xf32>,
      %get3A_351 = arith.index_cast %mul3A_339 : i32 to index
      %get3A_352 = tpu.vector_load %arg17[%get3A_351] {strides = array<i32>} : memref<640xi32, #tpu.memory_space<vmem>>, vector<16xi32>,
      %select_n3A_353 = arith.select %or3A, %get3A_352, %get3A_342 : vector<16xi1>, vector<16xi32>
      %swap3A_354 = arith.index_cast %mul3A_339 : i32 to index
      %swap3A_355 = tpu.vector_load %arg15[%swap3A_354] {strides = array<i32>} : memref<640xi32, #tpu.memory_space<vmem>>, vector<16xi32>,
      tpu.vector_store %arg15[%swap3A_354], %select_n3A_353 {strides = array<i32>} : memref<640xi32, #tpu.memory_space<vmem>>, vector<16xi32>,
      %scan3A_356 = arith.constant 0 : i32
      scf.yield %scan3A_356 : i32
    }
    %scan3A_128 = arith.constant 40 : i32
    %dma_wait3A_129 = tpu.memref_slice %arg18[%add3A_115] : memref<163840xf32, #tpu.memory_space<vmem_shared>> -> memref<640xf32, #tpu.memory_space<vmem_shared>>
    %dma_wait3A_130 = tpu.memref_slice %arg18[%add3A_115] : memref<163840xf32, #tpu.memory_space<vmem_shared>> -> memref<640xf32, #tpu.memory_space<vmem_shared>>
    tpu.wait_dma2 semaphore(%arg20 : memref<!tpu.dma_semaphore, #tpu.memory_space<semaphore_mem>>) src(%dma_wait3A_130 : memref<640xf32, #tpu.memory_space<vmem_shared>>) dst(%arg12 : memref<640xf32, #tpu.memory_space<vmem>>)
    %dma_wait3A_131 = tpu.memref_slice %arg19[%add3A_119] : memref<163840xi32, #tpu.memory_space<vmem_shared>> -> memref<640xi32, #tpu.memory_space<vmem_shared>>
    %dma_wait3A_132 = tpu.memref_slice %arg19[%add3A_119] : memref<163840xi32, #tpu.memory_space<vmem_shared>> -> memref<640xi32, #tpu.memory_space<vmem_shared>>
    tpu.wait_dma2 semaphore(%arg20 : memref<!tpu.dma_semaphore, #tpu.memory_space<semaphore_mem>>) src(%dma_wait3A_132 : memref<640xi32, #tpu.memory_space<vmem_shared>>) dst(%arg13 : memref<640xi32, #tpu.memory_space<vmem>>)
    %add3A_133 = arith.constant 61440 : i32
    %add3A_134 = arith.addi %add3A_133, %mul3A_44 : i32
    %dma_start3A_135 = tpu.memref_slice %arg18[%add3A_134] : memref<163840xf32, #tpu.memory_space<vmem_shared>> -> memref<640xf32, #tpu.memory_space<vmem_shared>>
    %dma_start3A_136 = tpu.memref_slice %arg18[%add3A_134] : memref<163840xf32, #tpu.memory_space<vmem_shared>> -> memref<640xf32, #tpu.memory_space<vmem_shared>>
    tpu.enqueue_dma source(%dma_start3A_136 : memref<640xf32, #tpu.memory_space<vmem_shared>>) target(%arg16 : memref<640xf32, #tpu.memory_space<vmem>>) target_semaphore(%arg20 : memref<!tpu.dma_semaphore, #tpu.memory_space<semaphore_mem>>)
    %add3A_137 = arith.constant 61440 : i32
    %add3A_138 = arith.addi %add3A_137, %mul3A_44 : i32
    %dma_start3A_139 = tpu.memref_slice %arg19[%add3A_138] : memref<163840xi32, #tpu.memory_space<vmem_shared>> -> memref<640xi32, #tpu.memory_space<vmem_shared>>
    %dma_start3A_140 = tpu.memref_slice %arg19[%add3A_138] : memref<163840xi32, #tpu.memory_space<vmem_shared>> -> memref<640xi32, #tpu.memory_space<vmem_shared>>
    tpu.enqueue_dma source(%dma_start3A_140 : memref<640xi32, #tpu.memory_space<vmem_shared>>) target(%arg17 : memref<640xi32, #tpu.memory_space<vmem>>) target_semaphore(%arg20 : memref<!tpu.dma_semaphore, #tpu.memory_space<semaphore_mem>>)
    %scan3A_141 = arith.constant 0 : i32
    %scan3A_142 = arith.constant 0 : i32
    %scan3A_143 = arith.constant 40 : i32
    %scan3A_144 = arith.addi %scan3A_142, %scan3A_143 : i32
    %scan3A_145 = arith.constant 1 : i32
    %scan3A_146 = scf.for %scan3A_336 = %scan3A_142 to %scan3A_144 step %scan3A_145 iter_args(%scan3A_337 = %scan3A_141) -> (i32)  : i32 {
      %mul3A_338 = arith.constant 16 : i32
      %mul3A_339 = arith.muli %scan3A_336, %mul3A_338 : i32
      %get3A = arith.index_cast %mul3A_339 : i32 to index
      %get3A_340 = tpu.vector_load %arg14[%get3A] {strides = array<i32>} : memref<640xf32, #tpu.memory_space<vmem>>, vector<16xf32>,
      %get3A_341 = arith.index_cast %mul3A_339 : i32 to index
      %get3A_342 = tpu.vector_load %arg15[%get3A_341] {strides = array<i32>} : memref<640xi32, #tpu.memory_space<vmem>>, vector<16xi32>,
      %get3A_343 = arith.index_cast %mul3A_339 : i32 to index
      %get3A_344 = tpu.vector_load %arg12[%get3A_343] {strides = array<i32>} : memref<640xf32, #tpu.memory_space<vmem>>, vector<16xf32>,
      %get3A_345 = arith.index_cast %mul3A_339 : i32 to index
      %get3A_346 = tpu.vector_load %arg13[%get3A_345] {strides = array<i32>} : memref<640xi32, #tpu.memory_space<vmem>>, vector<16xi32>,
      %gt3A = arith.cmpf ogt, %get3A_344, %get3A_340 : vector<16xf32>
      %eq3A = arith.cmpf oeq, %get3A_344, %get3A_340 : vector<16xf32>
      %gt3A_347 = arith.cmpi sgt, %get3A_346, %get3A_342 : vector<16xi32>
      %and3A = arith.andi %eq3A, %gt3A_347 : vector<16xi1>
      %or3A = arith.ori %gt3A, %and3A : vector<16xi1>
      %get3A_348 = arith.index_cast %mul3A_339 : i32 to index
      %get3A_349 = tpu.vector_load %arg12[%get3A_348] {strides = array<i32>} : memref<640xf32, #tpu.memory_space<vmem>>, vector<16xf32>,
      %select_n3A = arith.select %or3A, %get3A_349, %get3A_340 : vector<16xi1>, vector<16xf32>
      %swap3A = arith.index_cast %mul3A_339 : i32 to index
      %swap3A_350 = tpu.vector_load %arg14[%swap3A] {strides = array<i32>} : memref<640xf32, #tpu.memory_space<vmem>>, vector<16xf32>,
      tpu.vector_store %arg14[%swap3A], %select_n3A {strides = array<i32>} : memref<640xf32, #tpu.memory_space<vmem>>, vector<16xf32>,
      %get3A_351 = arith.index_cast %mul3A_339 : i32 to index
      %get3A_352 = tpu.vector_load %arg13[%get3A_351] {strides = array<i32>} : memref<640xi32, #tpu.memory_space<vmem>>, vector<16xi32>,
      %select_n3A_353 = arith.select %or3A, %get3A_352, %get3A_342 : vector<16xi1>, vector<16xi32>
      %swap3A_354 = arith.index_cast %mul3A_339 : i32 to index
      %swap3A_355 = tpu.vector_load %arg15[%swap3A_354] {strides = array<i32>} : memref<640xi32, #tpu.memory_space<vmem>>, vector<16xi32>,
      tpu.vector_store %arg15[%swap3A_354], %select_n3A_353 {strides = array<i32>} : memref<640xi32, #tpu.memory_space<vmem>>, vector<16xi32>,
      %scan3A_356 = arith.constant 0 : i32
      scf.yield %scan3A_356 : i32
    }
    %scan3A_147 = arith.constant 40 : i32
    %dma_wait3A_148 = tpu.memref_slice %arg18[%add3A_134] : memref<163840xf32, #tpu.memory_space<vmem_shared>> -> memref<640xf32, #tpu.memory_space<vmem_shared>>
    %dma_wait3A_149 = tpu.memref_slice %arg18[%add3A_134] : memref<163840xf32, #tpu.memory_space<vmem_shared>> -> memref<640xf32, #tpu.memory_space<vmem_shared>>
    tpu.wait_dma2 semaphore(%arg20 : memref<!tpu.dma_semaphore, #tpu.memory_space<semaphore_mem>>) src(%dma_wait3A_149 : memref<640xf32, #tpu.memory_space<vmem_shared>>) dst(%arg16 : memref<640xf32, #tpu.memory_space<vmem>>)
    %dma_wait3A_150 = tpu.memref_slice %arg19[%add3A_138] : memref<163840xi32, #tpu.memory_space<vmem_shared>> -> memref<640xi32, #tpu.memory_space<vmem_shared>>
    %dma_wait3A_151 = tpu.memref_slice %arg19[%add3A_138] : memref<163840xi32, #tpu.memory_space<vmem_shared>> -> memref<640xi32, #tpu.memory_space<vmem_shared>>
    tpu.wait_dma2 semaphore(%arg20 : memref<!tpu.dma_semaphore, #tpu.memory_space<semaphore_mem>>) src(%dma_wait3A_151 : memref<640xi32, #tpu.memory_space<vmem_shared>>) dst(%arg17 : memref<640xi32, #tpu.memory_space<vmem>>)
    %add3A_152 = arith.constant 71680 : i32
    %add3A_153 = arith.addi %add3A_152, %mul3A_44 : i32
    %dma_start3A_154 = tpu.memref_slice %arg18[%add3A_153] : memref<163840xf32, #tpu.memory_space<vmem_shared>> -> memref<640xf32, #tpu.memory_space<vmem_shared>>
    %dma_start3A_155 = tpu.memref_slice %arg18[%add3A_153] : memref<163840xf32, #tpu.memory_space<vmem_shared>> -> memref<640xf32, #tpu.memory_space<vmem_shared>>
    tpu.enqueue_dma source(%dma_start3A_155 : memref<640xf32, #tpu.memory_space<vmem_shared>>) target(%arg12 : memref<640xf32, #tpu.memory_space<vmem>>) target_semaphore(%arg20 : memref<!tpu.dma_semaphore, #tpu.memory_space<semaphore_mem>>)
    %add3A_156 = arith.constant 71680 : i32
    %add3A_157 = arith.addi %add3A_156, %mul3A_44 : i32
    %dma_start3A_158 = tpu.memref_slice %arg19[%add3A_157] : memref<163840xi32, #tpu.memory_space<vmem_shared>> -> memref<640xi32, #tpu.memory_space<vmem_shared>>
    %dma_start3A_159 = tpu.memref_slice %arg19[%add3A_157] : memref<163840xi32, #tpu.memory_space<vmem_shared>> -> memref<640xi32, #tpu.memory_space<vmem_shared>>
    tpu.enqueue_dma source(%dma_start3A_159 : memref<640xi32, #tpu.memory_space<vmem_shared>>) target(%arg13 : memref<640xi32, #tpu.memory_space<vmem>>) target_semaphore(%arg20 : memref<!tpu.dma_semaphore, #tpu.memory_space<semaphore_mem>>)
    %scan3A_160 = arith.constant 0 : i32
    %scan3A_161 = arith.constant 0 : i32
    %scan3A_162 = arith.constant 40 : i32
    %scan3A_163 = arith.addi %scan3A_161, %scan3A_162 : i32
    %scan3A_164 = arith.constant 1 : i32
    %scan3A_165 = scf.for %scan3A_336 = %scan3A_161 to %scan3A_163 step %scan3A_164 iter_args(%scan3A_337 = %scan3A_160) -> (i32)  : i32 {
      %mul3A_338 = arith.constant 16 : i32
      %mul3A_339 = arith.muli %scan3A_336, %mul3A_338 : i32
      %get3A = arith.index_cast %mul3A_339 : i32 to index
      %get3A_340 = tpu.vector_load %arg14[%get3A] {strides = array<i32>} : memref<640xf32, #tpu.memory_space<vmem>>, vector<16xf32>,
      %get3A_341 = arith.index_cast %mul3A_339 : i32 to index
      %get3A_342 = tpu.vector_load %arg15[%get3A_341] {strides = array<i32>} : memref<640xi32, #tpu.memory_space<vmem>>, vector<16xi32>,
      %get3A_343 = arith.index_cast %mul3A_339 : i32 to index
      %get3A_344 = tpu.vector_load %arg16[%get3A_343] {strides = array<i32>} : memref<640xf32, #tpu.memory_space<vmem>>, vector<16xf32>,
      %get3A_345 = arith.index_cast %mul3A_339 : i32 to index
      %get3A_346 = tpu.vector_load %arg17[%get3A_345] {strides = array<i32>} : memref<640xi32, #tpu.memory_space<vmem>>, vector<16xi32>,
      %gt3A = arith.cmpf ogt, %get3A_344, %get3A_340 : vector<16xf32>
      %eq3A = arith.cmpf oeq, %get3A_344, %get3A_340 : vector<16xf32>
      %gt3A_347 = arith.cmpi sgt, %get3A_346, %get3A_342 : vector<16xi32>
      %and3A = arith.andi %eq3A, %gt3A_347 : vector<16xi1>
      %or3A = arith.ori %gt3A, %and3A : vector<16xi1>
      %get3A_348 = arith.index_cast %mul3A_339 : i32 to index
      %get3A_349 = tpu.vector_load %arg16[%get3A_348] {strides = array<i32>} : memref<640xf32, #tpu.memory_space<vmem>>, vector<16xf32>,
      %select_n3A = arith.select %or3A, %get3A_349, %get3A_340 : vector<16xi1>, vector<16xf32>
      %swap3A = arith.index_cast %mul3A_339 : i32 to index
      %swap3A_350 = tpu.vector_load %arg14[%swap3A] {strides = array<i32>} : memref<640xf32, #tpu.memory_space<vmem>>, vector<16xf32>,
      tpu.vector_store %arg14[%swap3A], %select_n3A {strides = array<i32>} : memref<640xf32, #tpu.memory_space<vmem>>, vector<16xf32>,
      %get3A_351 = arith.index_cast %mul3A_339 : i32 to index
      %get3A_352 = tpu.vector_load %arg17[%get3A_351] {strides = array<i32>} : memref<640xi32, #tpu.memory_space<vmem>>, vector<16xi32>,
      %select_n3A_353 = arith.select %or3A, %get3A_352, %get3A_342 : vector<16xi1>, vector<16xi32>
      %swap3A_354 = arith.index_cast %mul3A_339 : i32 to index
      %swap3A_355 = tpu.vector_load %arg15[%swap3A_354] {strides = array<i32>} : memref<640xi32, #tpu.memory_space<vmem>>, vector<16xi32>,
      tpu.vector_store %arg15[%swap3A_354], %select_n3A_353 {strides = array<i32>} : memref<640xi32, #tpu.memory_space<vmem>>, vector<16xi32>,
      %scan3A_356 = arith.constant 0 : i32
      scf.yield %scan3A_356 : i32
    }
    %scan3A_166 = arith.constant 40 : i32
    %dma_wait3A_167 = tpu.memref_slice %arg18[%add3A_153] : memref<163840xf32, #tpu.memory_space<vmem_shared>> -> memref<640xf32, #tpu.memory_space<vmem_shared>>
    %dma_wait3A_168 = tpu.memref_slice %arg18[%add3A_153] : memref<163840xf32, #tpu.memory_space<vmem_shared>> -> memref<640xf32, #tpu.memory_space<vmem_shared>>
    tpu.wait_dma2 semaphore(%arg20 : memref<!tpu.dma_semaphore, #tpu.memory_space<semaphore_mem>>) src(%dma_wait3A_168 : memref<640xf32, #tpu.memory_space<vmem_shared>>) dst(%arg12 : memref<640xf32, #tpu.memory_space<vmem>>)
    %dma_wait3A_169 = tpu.memref_slice %arg19[%add3A_157] : memref<163840xi32, #tpu.memory_space<vmem_shared>> -> memref<640xi32, #tpu.memory_space<vmem_shared>>
    %dma_wait3A_170 = tpu.memref_slice %arg19[%add3A_157] : memref<163840xi32, #tpu.memory_space<vmem_shared>> -> memref<640xi32, #tpu.memory_space<vmem_shared>>
    tpu.wait_dma2 semaphore(%arg20 : memref<!tpu.dma_semaphore, #tpu.memory_space<semaphore_mem>>) src(%dma_wait3A_170 : memref<640xi32, #tpu.memory_space<vmem_shared>>) dst(%arg13 : memref<640xi32, #tpu.memory_space<vmem>>)
    %add3A_171 = arith.constant 81920 : i32
    %add3A_172 = arith.addi %add3A_171, %mul3A_44 : i32
    %dma_start3A_173 = tpu.memref_slice %arg18[%add3A_172] : memref<163840xf32, #tpu.memory_space<vmem_shared>> -> memref<640xf32, #tpu.memory_space<vmem_shared>>
    %dma_start3A_174 = tpu.memref_slice %arg18[%add3A_172] : memref<163840xf32, #tpu.memory_space<vmem_shared>> -> memref<640xf32, #tpu.memory_space<vmem_shared>>
    tpu.enqueue_dma source(%dma_start3A_174 : memref<640xf32, #tpu.memory_space<vmem_shared>>) target(%arg16 : memref<640xf32, #tpu.memory_space<vmem>>) target_semaphore(%arg20 : memref<!tpu.dma_semaphore, #tpu.memory_space<semaphore_mem>>)
    %add3A_175 = arith.constant 81920 : i32
    %add3A_176 = arith.addi %add3A_175, %mul3A_44 : i32
    %dma_start3A_177 = tpu.memref_slice %arg19[%add3A_176] : memref<163840xi32, #tpu.memory_space<vmem_shared>> -> memref<640xi32, #tpu.memory_space<vmem_shared>>
    %dma_start3A_178 = tpu.memref_slice %arg19[%add3A_176] : memref<163840xi32, #tpu.memory_space<vmem_shared>> -> memref<640xi32, #tpu.memory_space<vmem_shared>>
    tpu.enqueue_dma source(%dma_start3A_178 : memref<640xi32, #tpu.memory_space<vmem_shared>>) target(%arg17 : memref<640xi32, #tpu.memory_space<vmem>>) target_semaphore(%arg20 : memref<!tpu.dma_semaphore, #tpu.memory_space<semaphore_mem>>)
    %scan3A_179 = arith.constant 0 : i32
    %scan3A_180 = arith.constant 0 : i32
    %scan3A_181 = arith.constant 40 : i32
    %scan3A_182 = arith.addi %scan3A_180, %scan3A_181 : i32
    %scan3A_183 = arith.constant 1 : i32
    %scan3A_184 = scf.for %scan3A_336 = %scan3A_180 to %scan3A_182 step %scan3A_183 iter_args(%scan3A_337 = %scan3A_179) -> (i32)  : i32 {
      %mul3A_338 = arith.constant 16 : i32
      %mul3A_339 = arith.muli %scan3A_336, %mul3A_338 : i32
      %get3A = arith.index_cast %mul3A_339 : i32 to index
      %get3A_340 = tpu.vector_load %arg14[%get3A] {strides = array<i32>} : memref<640xf32, #tpu.memory_space<vmem>>, vector<16xf32>,
      %get3A_341 = arith.index_cast %mul3A_339 : i32 to index
      %get3A_342 = tpu.vector_load %arg15[%get3A_341] {strides = array<i32>} : memref<640xi32, #tpu.memory_space<vmem>>, vector<16xi32>,
      %get3A_343 = arith.index_cast %mul3A_339 : i32 to index
      %get3A_344 = tpu.vector_load %arg12[%get3A_343] {strides = array<i32>} : memref<640xf32, #tpu.memory_space<vmem>>, vector<16xf32>,
      %get3A_345 = arith.index_cast %mul3A_339 : i32 to index
      %get3A_346 = tpu.vector_load %arg13[%get3A_345] {strides = array<i32>} : memref<640xi32, #tpu.memory_space<vmem>>, vector<16xi32>,
      %gt3A = arith.cmpf ogt, %get3A_344, %get3A_340 : vector<16xf32>
      %eq3A = arith.cmpf oeq, %get3A_344, %get3A_340 : vector<16xf32>
      %gt3A_347 = arith.cmpi sgt, %get3A_346, %get3A_342 : vector<16xi32>
      %and3A = arith.andi %eq3A, %gt3A_347 : vector<16xi1>
      %or3A = arith.ori %gt3A, %and3A : vector<16xi1>
      %get3A_348 = arith.index_cast %mul3A_339 : i32 to index
      %get3A_349 = tpu.vector_load %arg12[%get3A_348] {strides = array<i32>} : memref<640xf32, #tpu.memory_space<vmem>>, vector<16xf32>,
      %select_n3A = arith.select %or3A, %get3A_349, %get3A_340 : vector<16xi1>, vector<16xf32>
      %swap3A = arith.index_cast %mul3A_339 : i32 to index
      %swap3A_350 = tpu.vector_load %arg14[%swap3A] {strides = array<i32>} : memref<640xf32, #tpu.memory_space<vmem>>, vector<16xf32>,
      tpu.vector_store %arg14[%swap3A], %select_n3A {strides = array<i32>} : memref<640xf32, #tpu.memory_space<vmem>>, vector<16xf32>,
      %get3A_351 = arith.index_cast %mul3A_339 : i32 to index
      %get3A_352 = tpu.vector_load %arg13[%get3A_351] {strides = array<i32>} : memref<640xi32, #tpu.memory_space<vmem>>, vector<16xi32>,
      %select_n3A_353 = arith.select %or3A, %get3A_352, %get3A_342 : vector<16xi1>, vector<16xi32>
      %swap3A_354 = arith.index_cast %mul3A_339 : i32 to index
      %swap3A_355 = tpu.vector_load %arg15[%swap3A_354] {strides = array<i32>} : memref<640xi32, #tpu.memory_space<vmem>>, vector<16xi32>,
      tpu.vector_store %arg15[%swap3A_354], %select_n3A_353 {strides = array<i32>} : memref<640xi32, #tpu.memory_space<vmem>>, vector<16xi32>,
      %scan3A_356 = arith.constant 0 : i32
      scf.yield %scan3A_356 : i32
    }
    %scan3A_185 = arith.constant 40 : i32
    %dma_wait3A_186 = tpu.memref_slice %arg18[%add3A_172] : memref<163840xf32, #tpu.memory_space<vmem_shared>> -> memref<640xf32, #tpu.memory_space<vmem_shared>>
    %dma_wait3A_187 = tpu.memref_slice %arg18[%add3A_172] : memref<163840xf32, #tpu.memory_space<vmem_shared>> -> memref<640xf32, #tpu.memory_space<vmem_shared>>
    tpu.wait_dma2 semaphore(%arg20 : memref<!tpu.dma_semaphore, #tpu.memory_space<semaphore_mem>>) src(%dma_wait3A_187 : memref<640xf32, #tpu.memory_space<vmem_shared>>) dst(%arg16 : memref<640xf32, #tpu.memory_space<vmem>>)
    %dma_wait3A_188 = tpu.memref_slice %arg19[%add3A_176] : memref<163840xi32, #tpu.memory_space<vmem_shared>> -> memref<640xi32, #tpu.memory_space<vmem_shared>>
    %dma_wait3A_189 = tpu.memref_slice %arg19[%add3A_176] : memref<163840xi32, #tpu.memory_space<vmem_shared>> -> memref<640xi32, #tpu.memory_space<vmem_shared>>
    tpu.wait_dma2 semaphore(%arg20 : memref<!tpu.dma_semaphore, #tpu.memory_space<semaphore_mem>>) src(%dma_wait3A_189 : memref<640xi32, #tpu.memory_space<vmem_shared>>) dst(%arg17 : memref<640xi32, #tpu.memory_space<vmem>>)
    %add3A_190 = arith.constant 92160 : i32
    %add3A_191 = arith.addi %add3A_190, %mul3A_44 : i32
    %dma_start3A_192 = tpu.memref_slice %arg18[%add3A_191] : memref<163840xf32, #tpu.memory_space<vmem_shared>> -> memref<640xf32, #tpu.memory_space<vmem_shared>>
    %dma_start3A_193 = tpu.memref_slice %arg18[%add3A_191] : memref<163840xf32, #tpu.memory_space<vmem_shared>> -> memref<640xf32, #tpu.memory_space<vmem_shared>>
    tpu.enqueue_dma source(%dma_start3A_193 : memref<640xf32, #tpu.memory_space<vmem_shared>>) target(%arg12 : memref<640xf32, #tpu.memory_space<vmem>>) target_semaphore(%arg20 : memref<!tpu.dma_semaphore, #tpu.memory_space<semaphore_mem>>)
    %add3A_194 = arith.constant 92160 : i32
    %add3A_195 = arith.addi %add3A_194, %mul3A_44 : i32
    %dma_start3A_196 = tpu.memref_slice %arg19[%add3A_195] : memref<163840xi32, #tpu.memory_space<vmem_shared>> -> memref<640xi32, #tpu.memory_space<vmem_shared>>
    %dma_start3A_197 = tpu.memref_slice %arg19[%add3A_195] : memref<163840xi32, #tpu.memory_space<vmem_shared>> -> memref<640xi32, #tpu.memory_space<vmem_shared>>
    tpu.enqueue_dma source(%dma_start3A_197 : memref<640xi32, #tpu.memory_space<vmem_shared>>) target(%arg13 : memref<640xi32, #tpu.memory_space<vmem>>) target_semaphore(%arg20 : memref<!tpu.dma_semaphore, #tpu.memory_space<semaphore_mem>>)
    %scan3A_198 = arith.constant 0 : i32
    %scan3A_199 = arith.constant 0 : i32
    %scan3A_200 = arith.constant 40 : i32
    %scan3A_201 = arith.addi %scan3A_199, %scan3A_200 : i32
    %scan3A_202 = arith.constant 1 : i32
    %scan3A_203 = scf.for %scan3A_336 = %scan3A_199 to %scan3A_201 step %scan3A_202 iter_args(%scan3A_337 = %scan3A_198) -> (i32)  : i32 {
      %mul3A_338 = arith.constant 16 : i32
      %mul3A_339 = arith.muli %scan3A_336, %mul3A_338 : i32
      %get3A = arith.index_cast %mul3A_339 : i32 to index
      %get3A_340 = tpu.vector_load %arg14[%get3A] {strides = array<i32>} : memref<640xf32, #tpu.memory_space<vmem>>, vector<16xf32>,
      %get3A_341 = arith.index_cast %mul3A_339 : i32 to index
      %get3A_342 = tpu.vector_load %arg15[%get3A_341] {strides = array<i32>} : memref<640xi32, #tpu.memory_space<vmem>>, vector<16xi32>,
      %get3A_343 = arith.index_cast %mul3A_339 : i32 to index
      %get3A_344 = tpu.vector_load %arg16[%get3A_343] {strides = array<i32>} : memref<640xf32, #tpu.memory_space<vmem>>, vector<16xf32>,
      %get3A_345 = arith.index_cast %mul3A_339 : i32 to index
      %get3A_346 = tpu.vector_load %arg17[%get3A_345] {strides = array<i32>} : memref<640xi32, #tpu.memory_space<vmem>>, vector<16xi32>,
      %gt3A = arith.cmpf ogt, %get3A_344, %get3A_340 : vector<16xf32>
      %eq3A = arith.cmpf oeq, %get3A_344, %get3A_340 : vector<16xf32>
      %gt3A_347 = arith.cmpi sgt, %get3A_346, %get3A_342 : vector<16xi32>
      %and3A = arith.andi %eq3A, %gt3A_347 : vector<16xi1>
      %or3A = arith.ori %gt3A, %and3A : vector<16xi1>
      %get3A_348 = arith.index_cast %mul3A_339 : i32 to index
      %get3A_349 = tpu.vector_load %arg16[%get3A_348] {strides = array<i32>} : memref<640xf32, #tpu.memory_space<vmem>>, vector<16xf32>,
      %select_n3A = arith.select %or3A, %get3A_349, %get3A_340 : vector<16xi1>, vector<16xf32>
      %swap3A = arith.index_cast %mul3A_339 : i32 to index
      %swap3A_350 = tpu.vector_load %arg14[%swap3A] {strides = array<i32>} : memref<640xf32, #tpu.memory_space<vmem>>, vector<16xf32>,
      tpu.vector_store %arg14[%swap3A], %select_n3A {strides = array<i32>} : memref<640xf32, #tpu.memory_space<vmem>>, vector<16xf32>,
      %get3A_351 = arith.index_cast %mul3A_339 : i32 to index
      %get3A_352 = tpu.vector_load %arg17[%get3A_351] {strides = array<i32>} : memref<640xi32, #tpu.memory_space<vmem>>, vector<16xi32>,
      %select_n3A_353 = arith.select %or3A, %get3A_352, %get3A_342 : vector<16xi1>, vector<16xi32>
      %swap3A_354 = arith.index_cast %mul3A_339 : i32 to index
      %swap3A_355 = tpu.vector_load %arg15[%swap3A_354] {strides = array<i32>} : memref<640xi32, #tpu.memory_space<vmem>>, vector<16xi32>,
      tpu.vector_store %arg15[%swap3A_354], %select_n3A_353 {strides = array<i32>} : memref<640xi32, #tpu.memory_space<vmem>>, vector<16xi32>,
      %scan3A_356 = arith.constant 0 : i32
      scf.yield %scan3A_356 : i32
    }
    %scan3A_204 = arith.constant 40 : i32
    %dma_wait3A_205 = tpu.memref_slice %arg18[%add3A_191] : memref<163840xf32, #tpu.memory_space<vmem_shared>> -> memref<640xf32, #tpu.memory_space<vmem_shared>>
    %dma_wait3A_206 = tpu.memref_slice %arg18[%add3A_191] : memref<163840xf32, #tpu.memory_space<vmem_shared>> -> memref<640xf32, #tpu.memory_space<vmem_shared>>
    tpu.wait_dma2 semaphore(%arg20 : memref<!tpu.dma_semaphore, #tpu.memory_space<semaphore_mem>>) src(%dma_wait3A_206 : memref<640xf32, #tpu.memory_space<vmem_shared>>) dst(%arg12 : memref<640xf32, #tpu.memory_space<vmem>>)
    %dma_wait3A_207 = tpu.memref_slice %arg19[%add3A_195] : memref<163840xi32, #tpu.memory_space<vmem_shared>> -> memref<640xi32, #tpu.memory_space<vmem_shared>>
    %dma_wait3A_208 = tpu.memref_slice %arg19[%add3A_195] : memref<163840xi32, #tpu.memory_space<vmem_shared>> -> memref<640xi32, #tpu.memory_space<vmem_shared>>
    tpu.wait_dma2 semaphore(%arg20 : memref<!tpu.dma_semaphore, #tpu.memory_space<semaphore_mem>>) src(%dma_wait3A_208 : memref<640xi32, #tpu.memory_space<vmem_shared>>) dst(%arg13 : memref<640xi32, #tpu.memory_space<vmem>>)
    %add3A_209 = arith.constant 102400 : i32
    %add3A_210 = arith.addi %add3A_209, %mul3A_44 : i32
    %dma_start3A_211 = tpu.memref_slice %arg18[%add3A_210] : memref<163840xf32, #tpu.memory_space<vmem_shared>> -> memref<640xf32, #tpu.memory_space<vmem_shared>>
    %dma_start3A_212 = tpu.memref_slice %arg18[%add3A_210] : memref<163840xf32, #tpu.memory_space<vmem_shared>> -> memref<640xf32, #tpu.memory_space<vmem_shared>>
    tpu.enqueue_dma source(%dma_start3A_212 : memref<640xf32, #tpu.memory_space<vmem_shared>>) target(%arg16 : memref<640xf32, #tpu.memory_space<vmem>>) target_semaphore(%arg20 : memref<!tpu.dma_semaphore, #tpu.memory_space<semaphore_mem>>)
    %add3A_213 = arith.constant 102400 : i32
    %add3A_214 = arith.addi %add3A_213, %mul3A_44 : i32
    %dma_start3A_215 = tpu.memref_slice %arg19[%add3A_214] : memref<163840xi32, #tpu.memory_space<vmem_shared>> -> memref<640xi32, #tpu.memory_space<vmem_shared>>
    %dma_start3A_216 = tpu.memref_slice %arg19[%add3A_214] : memref<163840xi32, #tpu.memory_space<vmem_shared>> -> memref<640xi32, #tpu.memory_space<vmem_shared>>
    tpu.enqueue_dma source(%dma_start3A_216 : memref<640xi32, #tpu.memory_space<vmem_shared>>) target(%arg17 : memref<640xi32, #tpu.memory_space<vmem>>) target_semaphore(%arg20 : memref<!tpu.dma_semaphore, #tpu.memory_space<semaphore_mem>>)
    %scan3A_217 = arith.constant 0 : i32
    %scan3A_218 = arith.constant 0 : i32
    %scan3A_219 = arith.constant 40 : i32
    %scan3A_220 = arith.addi %scan3A_218, %scan3A_219 : i32
    %scan3A_221 = arith.constant 1 : i32
    %scan3A_222 = scf.for %scan3A_336 = %scan3A_218 to %scan3A_220 step %scan3A_221 iter_args(%scan3A_337 = %scan3A_217) -> (i32)  : i32 {
      %mul3A_338 = arith.constant 16 : i32
      %mul3A_339 = arith.muli %scan3A_336, %mul3A_338 : i32
      %get3A = arith.index_cast %mul3A_339 : i32 to index
      %get3A_340 = tpu.vector_load %arg14[%get3A] {strides = array<i32>} : memref<640xf32, #tpu.memory_space<vmem>>, vector<16xf32>,
      %get3A_341 = arith.index_cast %mul3A_339 : i32 to index
      %get3A_342 = tpu.vector_load %arg15[%get3A_341] {strides = array<i32>} : memref<640xi32, #tpu.memory_space<vmem>>, vector<16xi32>,
      %get3A_343 = arith.index_cast %mul3A_339 : i32 to index
      %get3A_344 = tpu.vector_load %arg12[%get3A_343] {strides = array<i32>} : memref<640xf32, #tpu.memory_space<vmem>>, vector<16xf32>,
      %get3A_345 = arith.index_cast %mul3A_339 : i32 to index
      %get3A_346 = tpu.vector_load %arg13[%get3A_345] {strides = array<i32>} : memref<640xi32, #tpu.memory_space<vmem>>, vector<16xi32>,
      %gt3A = arith.cmpf ogt, %get3A_344, %get3A_340 : vector<16xf32>
      %eq3A = arith.cmpf oeq, %get3A_344, %get3A_340 : vector<16xf32>
      %gt3A_347 = arith.cmpi sgt, %get3A_346, %get3A_342 : vector<16xi32>
      %and3A = arith.andi %eq3A, %gt3A_347 : vector<16xi1>
      %or3A = arith.ori %gt3A, %and3A : vector<16xi1>
      %get3A_348 = arith.index_cast %mul3A_339 : i32 to index
      %get3A_349 = tpu.vector_load %arg12[%get3A_348] {strides = array<i32>} : memref<640xf32, #tpu.memory_space<vmem>>, vector<16xf32>,
      %select_n3A = arith.select %or3A, %get3A_349, %get3A_340 : vector<16xi1>, vector<16xf32>
      %swap3A = arith.index_cast %mul3A_339 : i32 to index
      %swap3A_350 = tpu.vector_load %arg14[%swap3A] {strides = array<i32>} : memref<640xf32, #tpu.memory_space<vmem>>, vector<16xf32>,
      tpu.vector_store %arg14[%swap3A], %select_n3A {strides = array<i32>} : memref<640xf32, #tpu.memory_space<vmem>>, vector<16xf32>,
      %get3A_351 = arith.index_cast %mul3A_339 : i32 to index
      %get3A_352 = tpu.vector_load %arg13[%get3A_351] {strides = array<i32>} : memref<640xi32, #tpu.memory_space<vmem>>, vector<16xi32>,
      %select_n3A_353 = arith.select %or3A, %get3A_352, %get3A_342 : vector<16xi1>, vector<16xi32>
      %swap3A_354 = arith.index_cast %mul3A_339 : i32 to index
      %swap3A_355 = tpu.vector_load %arg15[%swap3A_354] {strides = array<i32>} : memref<640xi32, #tpu.memory_space<vmem>>, vector<16xi32>,
      tpu.vector_store %arg15[%swap3A_354], %select_n3A_353 {strides = array<i32>} : memref<640xi32, #tpu.memory_space<vmem>>, vector<16xi32>,
      %scan3A_356 = arith.constant 0 : i32
      scf.yield %scan3A_356 : i32
    }
    %scan3A_223 = arith.constant 40 : i32
    %dma_wait3A_224 = tpu.memref_slice %arg18[%add3A_210] : memref<163840xf32, #tpu.memory_space<vmem_shared>> -> memref<640xf32, #tpu.memory_space<vmem_shared>>
    %dma_wait3A_225 = tpu.memref_slice %arg18[%add3A_210] : memref<163840xf32, #tpu.memory_space<vmem_shared>> -> memref<640xf32, #tpu.memory_space<vmem_shared>>
    tpu.wait_dma2 semaphore(%arg20 : memref<!tpu.dma_semaphore, #tpu.memory_space<semaphore_mem>>) src(%dma_wait3A_225 : memref<640xf32, #tpu.memory_space<vmem_shared>>) dst(%arg16 : memref<640xf32, #tpu.memory_space<vmem>>)
    %dma_wait3A_226 = tpu.memref_slice %arg19[%add3A_214] : memref<163840xi32, #tpu.memory_space<vmem_shared>> -> memref<640xi32, #tpu.memory_space<vmem_shared>>
    %dma_wait3A_227 = tpu.memref_slice %arg19[%add3A_214] : memref<163840xi32, #tpu.memory_space<vmem_shared>> -> memref<640xi32, #tpu.memory_space<vmem_shared>>
    tpu.wait_dma2 semaphore(%arg20 : memref<!tpu.dma_semaphore, #tpu.memory_space<semaphore_mem>>) src(%dma_wait3A_227 : memref<640xi32, #tpu.memory_space<vmem_shared>>) dst(%arg17 : memref<640xi32, #tpu.memory_space<vmem>>)
    %add3A_228 = arith.constant 112640 : i32
    %add3A_229 = arith.addi %add3A_228, %mul3A_44 : i32
    %dma_start3A_230 = tpu.memref_slice %arg18[%add3A_229] : memref<163840xf32, #tpu.memory_space<vmem_shared>> -> memref<640xf32, #tpu.memory_space<vmem_shared>>
    %dma_start3A_231 = tpu.memref_slice %arg18[%add3A_229] : memref<163840xf32, #tpu.memory_space<vmem_shared>> -> memref<640xf32, #tpu.memory_space<vmem_shared>>
    tpu.enqueue_dma source(%dma_start3A_231 : memref<640xf32, #tpu.memory_space<vmem_shared>>) target(%arg12 : memref<640xf32, #tpu.memory_space<vmem>>) target_semaphore(%arg20 : memref<!tpu.dma_semaphore, #tpu.memory_space<semaphore_mem>>)
    %add3A_232 = arith.constant 112640 : i32
    %add3A_233 = arith.addi %add3A_232, %mul3A_44 : i32
    %dma_start3A_234 = tpu.memref_slice %arg19[%add3A_233] : memref<163840xi32, #tpu.memory_space<vmem_shared>> -> memref<640xi32, #tpu.memory_space<vmem_shared>>
    %dma_start3A_235 = tpu.memref_slice %arg19[%add3A_233] : memref<163840xi32, #tpu.memory_space<vmem_shared>> -> memref<640xi32, #tpu.memory_space<vmem_shared>>
    tpu.enqueue_dma source(%dma_start3A_235 : memref<640xi32, #tpu.memory_space<vmem_shared>>) target(%arg13 : memref<640xi32, #tpu.memory_space<vmem>>) target_semaphore(%arg20 : memref<!tpu.dma_semaphore, #tpu.memory_space<semaphore_mem>>)
    %scan3A_236 = arith.constant 0 : i32
    %scan3A_237 = arith.constant 0 : i32
    %scan3A_238 = arith.constant 40 : i32
    %scan3A_239 = arith.addi %scan3A_237, %scan3A_238 : i32
    %scan3A_240 = arith.constant 1 : i32
    %scan3A_241 = scf.for %scan3A_336 = %scan3A_237 to %scan3A_239 step %scan3A_240 iter_args(%scan3A_337 = %scan3A_236) -> (i32)  : i32 {
      %mul3A_338 = arith.constant 16 : i32
      %mul3A_339 = arith.muli %scan3A_336, %mul3A_338 : i32
      %get3A = arith.index_cast %mul3A_339 : i32 to index
      %get3A_340 = tpu.vector_load %arg14[%get3A] {strides = array<i32>} : memref<640xf32, #tpu.memory_space<vmem>>, vector<16xf32>,
      %get3A_341 = arith.index_cast %mul3A_339 : i32 to index
      %get3A_342 = tpu.vector_load %arg15[%get3A_341] {strides = array<i32>} : memref<640xi32, #tpu.memory_space<vmem>>, vector<16xi32>,
      %get3A_343 = arith.index_cast %mul3A_339 : i32 to index
      %get3A_344 = tpu.vector_load %arg16[%get3A_343] {strides = array<i32>} : memref<640xf32, #tpu.memory_space<vmem>>, vector<16xf32>,
      %get3A_345 = arith.index_cast %mul3A_339 : i32 to index
      %get3A_346 = tpu.vector_load %arg17[%get3A_345] {strides = array<i32>} : memref<640xi32, #tpu.memory_space<vmem>>, vector<16xi32>,
      %gt3A = arith.cmpf ogt, %get3A_344, %get3A_340 : vector<16xf32>
      %eq3A = arith.cmpf oeq, %get3A_344, %get3A_340 : vector<16xf32>
      %gt3A_347 = arith.cmpi sgt, %get3A_346, %get3A_342 : vector<16xi32>
      %and3A = arith.andi %eq3A, %gt3A_347 : vector<16xi1>
      %or3A = arith.ori %gt3A, %and3A : vector<16xi1>
      %get3A_348 = arith.index_cast %mul3A_339 : i32 to index
      %get3A_349 = tpu.vector_load %arg16[%get3A_348] {strides = array<i32>} : memref<640xf32, #tpu.memory_space<vmem>>, vector<16xf32>,
      %select_n3A = arith.select %or3A, %get3A_349, %get3A_340 : vector<16xi1>, vector<16xf32>
      %swap3A = arith.index_cast %mul3A_339 : i32 to index
      %swap3A_350 = tpu.vector_load %arg14[%swap3A] {strides = array<i32>} : memref<640xf32, #tpu.memory_space<vmem>>, vector<16xf32>,
      tpu.vector_store %arg14[%swap3A], %select_n3A {strides = array<i32>} : memref<640xf32, #tpu.memory_space<vmem>>, vector<16xf32>,
      %get3A_351 = arith.index_cast %mul3A_339 : i32 to index
      %get3A_352 = tpu.vector_load %arg17[%get3A_351] {strides = array<i32>} : memref<640xi32, #tpu.memory_space<vmem>>, vector<16xi32>,
      %select_n3A_353 = arith.select %or3A, %get3A_352, %get3A_342 : vector<16xi1>, vector<16xi32>
      %swap3A_354 = arith.index_cast %mul3A_339 : i32 to index
      %swap3A_355 = tpu.vector_load %arg15[%swap3A_354] {strides = array<i32>} : memref<640xi32, #tpu.memory_space<vmem>>, vector<16xi32>,
      tpu.vector_store %arg15[%swap3A_354], %select_n3A_353 {strides = array<i32>} : memref<640xi32, #tpu.memory_space<vmem>>, vector<16xi32>,
      %scan3A_356 = arith.constant 0 : i32
      scf.yield %scan3A_356 : i32
    }
    %scan3A_242 = arith.constant 40 : i32
    %dma_wait3A_243 = tpu.memref_slice %arg18[%add3A_229] : memref<163840xf32, #tpu.memory_space<vmem_shared>> -> memref<640xf32, #tpu.memory_space<vmem_shared>>
    %dma_wait3A_244 = tpu.memref_slice %arg18[%add3A_229] : memref<163840xf32, #tpu.memory_space<vmem_shared>> -> memref<640xf32, #tpu.memory_space<vmem_shared>>
    tpu.wait_dma2 semaphore(%arg20 : memref<!tpu.dma_semaphore, #tpu.memory_space<semaphore_mem>>) src(%dma_wait3A_244 : memref<640xf32, #tpu.memory_space<vmem_shared>>) dst(%arg12 : memref<640xf32, #tpu.memory_space<vmem>>)
    %dma_wait3A_245 = tpu.memref_slice %arg19[%add3A_233] : memref<163840xi32, #tpu.memory_space<vmem_shared>> -> memref<640xi32, #tpu.memory_space<vmem_shared>>
    %dma_wait3A_246 = tpu.memref_slice %arg19[%add3A_233] : memref<163840xi32, #tpu.memory_space<vmem_shared>> -> memref<640xi32, #tpu.memory_space<vmem_shared>>
    tpu.wait_dma2 semaphore(%arg20 : memref<!tpu.dma_semaphore, #tpu.memory_space<semaphore_mem>>) src(%dma_wait3A_246 : memref<640xi32, #tpu.memory_space<vmem_shared>>) dst(%arg13 : memref<640xi32, #tpu.memory_space<vmem>>)
    %add3A_247 = arith.constant 122880 : i32
    %add3A_248 = arith.addi %add3A_247, %mul3A_44 : i32
    %dma_start3A_249 = tpu.memref_slice %arg18[%add3A_248] : memref<163840xf32, #tpu.memory_space<vmem_shared>> -> memref<640xf32, #tpu.memory_space<vmem_shared>>
    %dma_start3A_250 = tpu.memref_slice %arg18[%add3A_248] : memref<163840xf32, #tpu.memory_space<vmem_shared>> -> memref<640xf32, #tpu.memory_space<vmem_shared>>
    tpu.enqueue_dma source(%dma_start3A_250 : memref<640xf32, #tpu.memory_space<vmem_shared>>) target(%arg16 : memref<640xf32, #tpu.memory_space<vmem>>) target_semaphore(%arg20 : memref<!tpu.dma_semaphore, #tpu.memory_space<semaphore_mem>>)
    %add3A_251 = arith.constant 122880 : i32
    %add3A_252 = arith.addi %add3A_251, %mul3A_44 : i32
    %dma_start3A_253 = tpu.memref_slice %arg19[%add3A_252] : memref<163840xi32, #tpu.memory_space<vmem_shared>> -> memref<640xi32, #tpu.memory_space<vmem_shared>>
    %dma_start3A_254 = tpu.memref_slice %arg19[%add3A_252] : memref<163840xi32, #tpu.memory_space<vmem_shared>> -> memref<640xi32, #tpu.memory_space<vmem_shared>>
    tpu.enqueue_dma source(%dma_start3A_254 : memref<640xi32, #tpu.memory_space<vmem_shared>>) target(%arg17 : memref<640xi32, #tpu.memory_space<vmem>>) target_semaphore(%arg20 : memref<!tpu.dma_semaphore, #tpu.memory_space<semaphore_mem>>)
    %scan3A_255 = arith.constant 0 : i32
    %scan3A_256 = arith.constant 0 : i32
    %scan3A_257 = arith.constant 40 : i32
    %scan3A_258 = arith.addi %scan3A_256, %scan3A_257 : i32
    %scan3A_259 = arith.constant 1 : i32
    %scan3A_260 = scf.for %scan3A_336 = %scan3A_256 to %scan3A_258 step %scan3A_259 iter_args(%scan3A_337 = %scan3A_255) -> (i32)  : i32 {
      %mul3A_338 = arith.constant 16 : i32
      %mul3A_339 = arith.muli %scan3A_336, %mul3A_338 : i32
      %get3A = arith.index_cast %mul3A_339 : i32 to index
      %get3A_340 = tpu.vector_load %arg14[%get3A] {strides = array<i32>} : memref<640xf32, #tpu.memory_space<vmem>>, vector<16xf32>,
      %get3A_341 = arith.index_cast %mul3A_339 : i32 to index
      %get3A_342 = tpu.vector_load %arg15[%get3A_341] {strides = array<i32>} : memref<640xi32, #tpu.memory_space<vmem>>, vector<16xi32>,
      %get3A_343 = arith.index_cast %mul3A_339 : i32 to index
      %get3A_344 = tpu.vector_load %arg12[%get3A_343] {strides = array<i32>} : memref<640xf32, #tpu.memory_space<vmem>>, vector<16xf32>,
      %get3A_345 = arith.index_cast %mul3A_339 : i32 to index
      %get3A_346 = tpu.vector_load %arg13[%get3A_345] {strides = array<i32>} : memref<640xi32, #tpu.memory_space<vmem>>, vector<16xi32>,
      %gt3A = arith.cmpf ogt, %get3A_344, %get3A_340 : vector<16xf32>
      %eq3A = arith.cmpf oeq, %get3A_344, %get3A_340 : vector<16xf32>
      %gt3A_347 = arith.cmpi sgt, %get3A_346, %get3A_342 : vector<16xi32>
      %and3A = arith.andi %eq3A, %gt3A_347 : vector<16xi1>
      %or3A = arith.ori %gt3A, %and3A : vector<16xi1>
      %get3A_348 = arith.index_cast %mul3A_339 : i32 to index
      %get3A_349 = tpu.vector_load %arg12[%get3A_348] {strides = array<i32>} : memref<640xf32, #tpu.memory_space<vmem>>, vector<16xf32>,
      %select_n3A = arith.select %or3A, %get3A_349, %get3A_340 : vector<16xi1>, vector<16xf32>
      %swap3A = arith.index_cast %mul3A_339 : i32 to index
      %swap3A_350 = tpu.vector_load %arg14[%swap3A] {strides = array<i32>} : memref<640xf32, #tpu.memory_space<vmem>>, vector<16xf32>,
      tpu.vector_store %arg14[%swap3A], %select_n3A {strides = array<i32>} : memref<640xf32, #tpu.memory_space<vmem>>, vector<16xf32>,
      %get3A_351 = arith.index_cast %mul3A_339 : i32 to index
      %get3A_352 = tpu.vector_load %arg13[%get3A_351] {strides = array<i32>} : memref<640xi32, #tpu.memory_space<vmem>>, vector<16xi32>,
      %select_n3A_353 = arith.select %or3A, %get3A_352, %get3A_342 : vector<16xi1>, vector<16xi32>
      %swap3A_354 = arith.index_cast %mul3A_339 : i32 to index
      %swap3A_355 = tpu.vector_load %arg15[%swap3A_354] {strides = array<i32>} : memref<640xi32, #tpu.memory_space<vmem>>, vector<16xi32>,
      tpu.vector_store %arg15[%swap3A_354], %select_n3A_353 {strides = array<i32>} : memref<640xi32, #tpu.memory_space<vmem>>, vector<16xi32>,
      %scan3A_356 = arith.constant 0 : i32
      scf.yield %scan3A_356 : i32
    }
    %scan3A_261 = arith.constant 40 : i32
    %dma_wait3A_262 = tpu.memref_slice %arg18[%add3A_248] : memref<163840xf32, #tpu.memory_space<vmem_shared>> -> memref<640xf32, #tpu.memory_space<vmem_shared>>
    %dma_wait3A_263 = tpu.memref_slice %arg18[%add3A_248] : memref<163840xf32, #tpu.memory_space<vmem_shared>> -> memref<640xf32, #tpu.memory_space<vmem_shared>>
    tpu.wait_dma2 semaphore(%arg20 : memref<!tpu.dma_semaphore, #tpu.memory_space<semaphore_mem>>) src(%dma_wait3A_263 : memref<640xf32, #tpu.memory_space<vmem_shared>>) dst(%arg16 : memref<640xf32, #tpu.memory_space<vmem>>)
    %dma_wait3A_264 = tpu.memref_slice %arg19[%add3A_252] : memref<163840xi32, #tpu.memory_space<vmem_shared>> -> memref<640xi32, #tpu.memory_space<vmem_shared>>
    %dma_wait3A_265 = tpu.memref_slice %arg19[%add3A_252] : memref<163840xi32, #tpu.memory_space<vmem_shared>> -> memref<640xi32, #tpu.memory_space<vmem_shared>>
    tpu.wait_dma2 semaphore(%arg20 : memref<!tpu.dma_semaphore, #tpu.memory_space<semaphore_mem>>) src(%dma_wait3A_265 : memref<640xi32, #tpu.memory_space<vmem_shared>>) dst(%arg17 : memref<640xi32, #tpu.memory_space<vmem>>)
    %add3A_266 = arith.constant 133120 : i32
    %add3A_267 = arith.addi %add3A_266, %mul3A_44 : i32
    %dma_start3A_268 = tpu.memref_slice %arg18[%add3A_267] : memref<163840xf32, #tpu.memory_space<vmem_shared>> -> memref<640xf32, #tpu.memory_space<vmem_shared>>
    %dma_start3A_269 = tpu.memref_slice %arg18[%add3A_267] : memref<163840xf32, #tpu.memory_space<vmem_shared>> -> memref<640xf32, #tpu.memory_space<vmem_shared>>
    tpu.enqueue_dma source(%dma_start3A_269 : memref<640xf32, #tpu.memory_space<vmem_shared>>) target(%arg12 : memref<640xf32, #tpu.memory_space<vmem>>) target_semaphore(%arg20 : memref<!tpu.dma_semaphore, #tpu.memory_space<semaphore_mem>>)
    %add3A_270 = arith.constant 133120 : i32
    %add3A_271 = arith.addi %add3A_270, %mul3A_44 : i32
    %dma_start3A_272 = tpu.memref_slice %arg19[%add3A_271] : memref<163840xi32, #tpu.memory_space<vmem_shared>> -> memref<640xi32, #tpu.memory_space<vmem_shared>>
    %dma_start3A_273 = tpu.memref_slice %arg19[%add3A_271] : memref<163840xi32, #tpu.memory_space<vmem_shared>> -> memref<640xi32, #tpu.memory_space<vmem_shared>>
    tpu.enqueue_dma source(%dma_start3A_273 : memref<640xi32, #tpu.memory_space<vmem_shared>>) target(%arg13 : memref<640xi32, #tpu.memory_space<vmem>>) target_semaphore(%arg20 : memref<!tpu.dma_semaphore, #tpu.memory_space<semaphore_mem>>)
    %scan3A_274 = arith.constant 0 : i32
    %scan3A_275 = arith.constant 0 : i32
    %scan3A_276 = arith.constant 40 : i32
    %scan3A_277 = arith.addi %scan3A_275, %scan3A_276 : i32
    %scan3A_278 = arith.constant 1 : i32
    %scan3A_279 = scf.for %scan3A_336 = %scan3A_275 to %scan3A_277 step %scan3A_278 iter_args(%scan3A_337 = %scan3A_274) -> (i32)  : i32 {
      %mul3A_338 = arith.constant 16 : i32
      %mul3A_339 = arith.muli %scan3A_336, %mul3A_338 : i32
      %get3A = arith.index_cast %mul3A_339 : i32 to index
      %get3A_340 = tpu.vector_load %arg14[%get3A] {strides = array<i32>} : memref<640xf32, #tpu.memory_space<vmem>>, vector<16xf32>,
      %get3A_341 = arith.index_cast %mul3A_339 : i32 to index
      %get3A_342 = tpu.vector_load %arg15[%get3A_341] {strides = array<i32>} : memref<640xi32, #tpu.memory_space<vmem>>, vector<16xi32>,
      %get3A_343 = arith.index_cast %mul3A_339 : i32 to index
      %get3A_344 = tpu.vector_load %arg16[%get3A_343] {strides = array<i32>} : memref<640xf32, #tpu.memory_space<vmem>>, vector<16xf32>,
      %get3A_345 = arith.index_cast %mul3A_339 : i32 to index
      %get3A_346 = tpu.vector_load %arg17[%get3A_345] {strides = array<i32>} : memref<640xi32, #tpu.memory_space<vmem>>, vector<16xi32>,
      %gt3A = arith.cmpf ogt, %get3A_344, %get3A_340 : vector<16xf32>
      %eq3A = arith.cmpf oeq, %get3A_344, %get3A_340 : vector<16xf32>
      %gt3A_347 = arith.cmpi sgt, %get3A_346, %get3A_342 : vector<16xi32>
      %and3A = arith.andi %eq3A, %gt3A_347 : vector<16xi1>
      %or3A = arith.ori %gt3A, %and3A : vector<16xi1>
      %get3A_348 = arith.index_cast %mul3A_339 : i32 to index
      %get3A_349 = tpu.vector_load %arg16[%get3A_348] {strides = array<i32>} : memref<640xf32, #tpu.memory_space<vmem>>, vector<16xf32>,
      %select_n3A = arith.select %or3A, %get3A_349, %get3A_340 : vector<16xi1>, vector<16xf32>
      %swap3A = arith.index_cast %mul3A_339 : i32 to index
      %swap3A_350 = tpu.vector_load %arg14[%swap3A] {strides = array<i32>} : memref<640xf32, #tpu.memory_space<vmem>>, vector<16xf32>,
      tpu.vector_store %arg14[%swap3A], %select_n3A {strides = array<i32>} : memref<640xf32, #tpu.memory_space<vmem>>, vector<16xf32>,
      %get3A_351 = arith.index_cast %mul3A_339 : i32 to index
      %get3A_352 = tpu.vector_load %arg17[%get3A_351] {strides = array<i32>} : memref<640xi32, #tpu.memory_space<vmem>>, vector<16xi32>,
      %select_n3A_353 = arith.select %or3A, %get3A_352, %get3A_342 : vector<16xi1>, vector<16xi32>
      %swap3A_354 = arith.index_cast %mul3A_339 : i32 to index
      %swap3A_355 = tpu.vector_load %arg15[%swap3A_354] {strides = array<i32>} : memref<640xi32, #tpu.memory_space<vmem>>, vector<16xi32>,
      tpu.vector_store %arg15[%swap3A_354], %select_n3A_353 {strides = array<i32>} : memref<640xi32, #tpu.memory_space<vmem>>, vector<16xi32>,
      %scan3A_356 = arith.constant 0 : i32
      scf.yield %scan3A_356 : i32
    }
    %scan3A_280 = arith.constant 40 : i32
    %dma_wait3A_281 = tpu.memref_slice %arg18[%add3A_267] : memref<163840xf32, #tpu.memory_space<vmem_shared>> -> memref<640xf32, #tpu.memory_space<vmem_shared>>
    %dma_wait3A_282 = tpu.memref_slice %arg18[%add3A_267] : memref<163840xf32, #tpu.memory_space<vmem_shared>> -> memref<640xf32, #tpu.memory_space<vmem_shared>>
    tpu.wait_dma2 semaphore(%arg20 : memref<!tpu.dma_semaphore, #tpu.memory_space<semaphore_mem>>) src(%dma_wait3A_282 : memref<640xf32, #tpu.memory_space<vmem_shared>>) dst(%arg12 : memref<640xf32, #tpu.memory_space<vmem>>)
    %dma_wait3A_283 = tpu.memref_slice %arg19[%add3A_271] : memref<163840xi32, #tpu.memory_space<vmem_shared>> -> memref<640xi32, #tpu.memory_space<vmem_shared>>
    %dma_wait3A_284 = tpu.memref_slice %arg19[%add3A_271] : memref<163840xi32, #tpu.memory_space<vmem_shared>> -> memref<640xi32, #tpu.memory_space<vmem_shared>>
    tpu.wait_dma2 semaphore(%arg20 : memref<!tpu.dma_semaphore, #tpu.memory_space<semaphore_mem>>) src(%dma_wait3A_284 : memref<640xi32, #tpu.memory_space<vmem_shared>>) dst(%arg13 : memref<640xi32, #tpu.memory_space<vmem>>)
    %add3A_285 = arith.constant 143360 : i32
    %add3A_286 = arith.addi %add3A_285, %mul3A_44 : i32
    %dma_start3A_287 = tpu.memref_slice %arg18[%add3A_286] : memref<163840xf32, #tpu.memory_space<vmem_shared>> -> memref<640xf32, #tpu.memory_space<vmem_shared>>
    %dma_start3A_288 = tpu.memref_slice %arg18[%add3A_286] : memref<163840xf32, #tpu.memory_space<vmem_shared>> -> memref<640xf32, #tpu.memory_space<vmem_shared>>
    tpu.enqueue_dma source(%dma_start3A_288 : memref<640xf32, #tpu.memory_space<vmem_shared>>) target(%arg16 : memref<640xf32, #tpu.memory_space<vmem>>) target_semaphore(%arg20 : memref<!tpu.dma_semaphore, #tpu.memory_space<semaphore_mem>>)
    %add3A_289 = arith.constant 143360 : i32
    %add3A_290 = arith.addi %add3A_289, %mul3A_44 : i32
    %dma_start3A_291 = tpu.memref_slice %arg19[%add3A_290] : memref<163840xi32, #tpu.memory_space<vmem_shared>> -> memref<640xi32, #tpu.memory_space<vmem_shared>>
    %dma_start3A_292 = tpu.memref_slice %arg19[%add3A_290] : memref<163840xi32, #tpu.memory_space<vmem_shared>> -> memref<640xi32, #tpu.memory_space<vmem_shared>>
    tpu.enqueue_dma source(%dma_start3A_292 : memref<640xi32, #tpu.memory_space<vmem_shared>>) target(%arg17 : memref<640xi32, #tpu.memory_space<vmem>>) target_semaphore(%arg20 : memref<!tpu.dma_semaphore, #tpu.memory_space<semaphore_mem>>)
    %scan3A_293 = arith.constant 0 : i32
    %scan3A_294 = arith.constant 0 : i32
    %scan3A_295 = arith.constant 40 : i32
    %scan3A_296 = arith.addi %scan3A_294, %scan3A_295 : i32
    %scan3A_297 = arith.constant 1 : i32
    %scan3A_298 = scf.for %scan3A_336 = %scan3A_294 to %scan3A_296 step %scan3A_297 iter_args(%scan3A_337 = %scan3A_293) -> (i32)  : i32 {
      %mul3A_338 = arith.constant 16 : i32
      %mul3A_339 = arith.muli %scan3A_336, %mul3A_338 : i32
      %get3A = arith.index_cast %mul3A_339 : i32 to index
      %get3A_340 = tpu.vector_load %arg14[%get3A] {strides = array<i32>} : memref<640xf32, #tpu.memory_space<vmem>>, vector<16xf32>,
      %get3A_341 = arith.index_cast %mul3A_339 : i32 to index
      %get3A_342 = tpu.vector_load %arg15[%get3A_341] {strides = array<i32>} : memref<640xi32, #tpu.memory_space<vmem>>, vector<16xi32>,
      %get3A_343 = arith.index_cast %mul3A_339 : i32 to index
      %get3A_344 = tpu.vector_load %arg12[%get3A_343] {strides = array<i32>} : memref<640xf32, #tpu.memory_space<vmem>>, vector<16xf32>,
      %get3A_345 = arith.index_cast %mul3A_339 : i32 to index
      %get3A_346 = tpu.vector_load %arg13[%get3A_345] {strides = array<i32>} : memref<640xi32, #tpu.memory_space<vmem>>, vector<16xi32>,
      %gt3A = arith.cmpf ogt, %get3A_344, %get3A_340 : vector<16xf32>
      %eq3A = arith.cmpf oeq, %get3A_344, %get3A_340 : vector<16xf32>
      %gt3A_347 = arith.cmpi sgt, %get3A_346, %get3A_342 : vector<16xi32>
      %and3A = arith.andi %eq3A, %gt3A_347 : vector<16xi1>
      %or3A = arith.ori %gt3A, %and3A : vector<16xi1>
      %get3A_348 = arith.index_cast %mul3A_339 : i32 to index
      %get3A_349 = tpu.vector_load %arg12[%get3A_348] {strides = array<i32>} : memref<640xf32, #tpu.memory_space<vmem>>, vector<16xf32>,
      %select_n3A = arith.select %or3A, %get3A_349, %get3A_340 : vector<16xi1>, vector<16xf32>
      %swap3A = arith.index_cast %mul3A_339 : i32 to index
      %swap3A_350 = tpu.vector_load %arg14[%swap3A] {strides = array<i32>} : memref<640xf32, #tpu.memory_space<vmem>>, vector<16xf32>,
      tpu.vector_store %arg14[%swap3A], %select_n3A {strides = array<i32>} : memref<640xf32, #tpu.memory_space<vmem>>, vector<16xf32>,
      %get3A_351 = arith.index_cast %mul3A_339 : i32 to index
      %get3A_352 = tpu.vector_load %arg13[%get3A_351] {strides = array<i32>} : memref<640xi32, #tpu.memory_space<vmem>>, vector<16xi32>,
      %select_n3A_353 = arith.select %or3A, %get3A_352, %get3A_342 : vector<16xi1>, vector<16xi32>
      %swap3A_354 = arith.index_cast %mul3A_339 : i32 to index
      %swap3A_355 = tpu.vector_load %arg15[%swap3A_354] {strides = array<i32>} : memref<640xi32, #tpu.memory_space<vmem>>, vector<16xi32>,
      tpu.vector_store %arg15[%swap3A_354], %select_n3A_353 {strides = array<i32>} : memref<640xi32, #tpu.memory_space<vmem>>, vector<16xi32>,
      %scan3A_356 = arith.constant 0 : i32
      scf.yield %scan3A_356 : i32
    }
    %scan3A_299 = arith.constant 40 : i32
    %dma_wait3A_300 = tpu.memref_slice %arg18[%add3A_286] : memref<163840xf32, #tpu.memory_space<vmem_shared>> -> memref<640xf32, #tpu.memory_space<vmem_shared>>
    %dma_wait3A_301 = tpu.memref_slice %arg18[%add3A_286] : memref<163840xf32, #tpu.memory_space<vmem_shared>> -> memref<640xf32, #tpu.memory_space<vmem_shared>>
    tpu.wait_dma2 semaphore(%arg20 : memref<!tpu.dma_semaphore, #tpu.memory_space<semaphore_mem>>) src(%dma_wait3A_301 : memref<640xf32, #tpu.memory_space<vmem_shared>>) dst(%arg16 : memref<640xf32, #tpu.memory_space<vmem>>)
    %dma_wait3A_302 = tpu.memref_slice %arg19[%add3A_290] : memref<163840xi32, #tpu.memory_space<vmem_shared>> -> memref<640xi32, #tpu.memory_space<vmem_shared>>
    %dma_wait3A_303 = tpu.memref_slice %arg19[%add3A_290] : memref<163840xi32, #tpu.memory_space<vmem_shared>> -> memref<640xi32, #tpu.memory_space<vmem_shared>>
    tpu.wait_dma2 semaphore(%arg20 : memref<!tpu.dma_semaphore, #tpu.memory_space<semaphore_mem>>) src(%dma_wait3A_303 : memref<640xi32, #tpu.memory_space<vmem_shared>>) dst(%arg17 : memref<640xi32, #tpu.memory_space<vmem>>)
    %add3A_304 = arith.constant 153600 : i32
    %add3A_305 = arith.addi %add3A_304, %mul3A_44 : i32
    %dma_start3A_306 = tpu.memref_slice %arg18[%add3A_305] : memref<163840xf32, #tpu.memory_space<vmem_shared>> -> memref<640xf32, #tpu.memory_space<vmem_shared>>
    %dma_start3A_307 = tpu.memref_slice %arg18[%add3A_305] : memref<163840xf32, #tpu.memory_space<vmem_shared>> -> memref<640xf32, #tpu.memory_space<vmem_shared>>
    tpu.enqueue_dma source(%dma_start3A_307 : memref<640xf32, #tpu.memory_space<vmem_shared>>) target(%arg12 : memref<640xf32, #tpu.memory_space<vmem>>) target_semaphore(%arg20 : memref<!tpu.dma_semaphore, #tpu.memory_space<semaphore_mem>>)
    %add3A_308 = arith.constant 153600 : i32
    %add3A_309 = arith.addi %add3A_308, %mul3A_44 : i32
    %dma_start3A_310 = tpu.memref_slice %arg19[%add3A_309] : memref<163840xi32, #tpu.memory_space<vmem_shared>> -> memref<640xi32, #tpu.memory_space<vmem_shared>>
    %dma_start3A_311 = tpu.memref_slice %arg19[%add3A_309] : memref<163840xi32, #tpu.memory_space<vmem_shared>> -> memref<640xi32, #tpu.memory_space<vmem_shared>>
    tpu.enqueue_dma source(%dma_start3A_311 : memref<640xi32, #tpu.memory_space<vmem_shared>>) target(%arg13 : memref<640xi32, #tpu.memory_space<vmem>>) target_semaphore(%arg20 : memref<!tpu.dma_semaphore, #tpu.memory_space<semaphore_mem>>)
    %scan3A_312 = arith.constant 0 : i32
    %scan3A_313 = arith.constant 0 : i32
    %scan3A_314 = arith.constant 40 : i32
    %scan3A_315 = arith.addi %scan3A_313, %scan3A_314 : i32
    %scan3A_316 = arith.constant 1 : i32
    %scan3A_317 = scf.for %scan3A_336 = %scan3A_313 to %scan3A_315 step %scan3A_316 iter_args(%scan3A_337 = %scan3A_312) -> (i32)  : i32 {
      %mul3A_338 = arith.constant 16 : i32
      %mul3A_339 = arith.muli %scan3A_336, %mul3A_338 : i32
      %get3A = arith.index_cast %mul3A_339 : i32 to index
      %get3A_340 = tpu.vector_load %arg14[%get3A] {strides = array<i32>} : memref<640xf32, #tpu.memory_space<vmem>>, vector<16xf32>,
      %get3A_341 = arith.index_cast %mul3A_339 : i32 to index
      %get3A_342 = tpu.vector_load %arg15[%get3A_341] {strides = array<i32>} : memref<640xi32, #tpu.memory_space<vmem>>, vector<16xi32>,
      %get3A_343 = arith.index_cast %mul3A_339 : i32 to index
      %get3A_344 = tpu.vector_load %arg16[%get3A_343] {strides = array<i32>} : memref<640xf32, #tpu.memory_space<vmem>>, vector<16xf32>,
      %get3A_345 = arith.index_cast %mul3A_339 : i32 to index
      %get3A_346 = tpu.vector_load %arg17[%get3A_345] {strides = array<i32>} : memref<640xi32, #tpu.memory_space<vmem>>, vector<16xi32>,
      %gt3A = arith.cmpf ogt, %get3A_344, %get3A_340 : vector<16xf32>
      %eq3A = arith.cmpf oeq, %get3A_344, %get3A_340 : vector<16xf32>
      %gt3A_347 = arith.cmpi sgt, %get3A_346, %get3A_342 : vector<16xi32>
      %and3A = arith.andi %eq3A, %gt3A_347 : vector<16xi1>
      %or3A = arith.ori %gt3A, %and3A : vector<16xi1>
      %get3A_348 = arith.index_cast %mul3A_339 : i32 to index
      %get3A_349 = tpu.vector_load %arg16[%get3A_348] {strides = array<i32>} : memref<640xf32, #tpu.memory_space<vmem>>, vector<16xf32>,
      %select_n3A = arith.select %or3A, %get3A_349, %get3A_340 : vector<16xi1>, vector<16xf32>
      %swap3A = arith.index_cast %mul3A_339 : i32 to index
      %swap3A_350 = tpu.vector_load %arg14[%swap3A] {strides = array<i32>} : memref<640xf32, #tpu.memory_space<vmem>>, vector<16xf32>,
      tpu.vector_store %arg14[%swap3A], %select_n3A {strides = array<i32>} : memref<640xf32, #tpu.memory_space<vmem>>, vector<16xf32>,
      %get3A_351 = arith.index_cast %mul3A_339 : i32 to index
      %get3A_352 = tpu.vector_load %arg17[%get3A_351] {strides = array<i32>} : memref<640xi32, #tpu.memory_space<vmem>>, vector<16xi32>,
      %select_n3A_353 = arith.select %or3A, %get3A_352, %get3A_342 : vector<16xi1>, vector<16xi32>
      %swap3A_354 = arith.index_cast %mul3A_339 : i32 to index
      %swap3A_355 = tpu.vector_load %arg15[%swap3A_354] {strides = array<i32>} : memref<640xi32, #tpu.memory_space<vmem>>, vector<16xi32>,
      tpu.vector_store %arg15[%swap3A_354], %select_n3A_353 {strides = array<i32>} : memref<640xi32, #tpu.memory_space<vmem>>, vector<16xi32>,
      %scan3A_356 = arith.constant 0 : i32
      scf.yield %scan3A_356 : i32
    }
    %scan3A_318 = arith.constant 40 : i32
    %dma_wait3A_319 = tpu.memref_slice %arg18[%add3A_305] : memref<163840xf32, #tpu.memory_space<vmem_shared>> -> memref<640xf32, #tpu.memory_space<vmem_shared>>
    %dma_wait3A_320 = tpu.memref_slice %arg18[%add3A_305] : memref<163840xf32, #tpu.memory_space<vmem_shared>> -> memref<640xf32, #tpu.memory_space<vmem_shared>>
    tpu.wait_dma2 semaphore(%arg20 : memref<!tpu.dma_semaphore, #tpu.memory_space<semaphore_mem>>) src(%dma_wait3A_320 : memref<640xf32, #tpu.memory_space<vmem_shared>>) dst(%arg12 : memref<640xf32, #tpu.memory_space<vmem>>)
    %dma_wait3A_321 = tpu.memref_slice %arg19[%add3A_309] : memref<163840xi32, #tpu.memory_space<vmem_shared>> -> memref<640xi32, #tpu.memory_space<vmem_shared>>
    %dma_wait3A_322 = tpu.memref_slice %arg19[%add3A_309] : memref<163840xi32, #tpu.memory_space<vmem_shared>> -> memref<640xi32, #tpu.memory_space<vmem_shared>>
    tpu.wait_dma2 semaphore(%arg20 : memref<!tpu.dma_semaphore, #tpu.memory_space<semaphore_mem>>) src(%dma_wait3A_322 : memref<640xi32, #tpu.memory_space<vmem_shared>>) dst(%arg13 : memref<640xi32, #tpu.memory_space<vmem>>)
    %scan3A_323 = arith.constant 0 : i32
    %scan3A_324 = arith.constant 0 : i32
    %scan3A_325 = arith.constant 40 : i32
    %scan3A_326 = arith.addi %scan3A_324, %scan3A_325 : i32
    %scan3A_327 = arith.constant 1 : i32
    %scan3A_328 = scf.for %scan3A_336 = %scan3A_324 to %scan3A_326 step %scan3A_327 iter_args(%scan3A_337 = %scan3A_323) -> (i32)  : i32 {
      %mul3A_338 = arith.constant 16 : i32
      %mul3A_339 = arith.muli %scan3A_336, %mul3A_338 : i32
      %get3A = arith.index_cast %mul3A_339 : i32 to index
      %get3A_340 = tpu.vector_load %arg14[%get3A] {strides = array<i32>} : memref<640xf32, #tpu.memory_space<vmem>>, vector<16xf32>,
      %get3A_341 = arith.index_cast %mul3A_339 : i32 to index
      %get3A_342 = tpu.vector_load %arg15[%get3A_341] {strides = array<i32>} : memref<640xi32, #tpu.memory_space<vmem>>, vector<16xi32>,
      %get3A_343 = arith.index_cast %mul3A_339 : i32 to index
      %get3A_344 = tpu.vector_load %arg12[%get3A_343] {strides = array<i32>} : memref<640xf32, #tpu.memory_space<vmem>>, vector<16xf32>,
      %get3A_345 = arith.index_cast %mul3A_339 : i32 to index
      %get3A_346 = tpu.vector_load %arg13[%get3A_345] {strides = array<i32>} : memref<640xi32, #tpu.memory_space<vmem>>, vector<16xi32>,
      %gt3A = arith.cmpf ogt, %get3A_344, %get3A_340 : vector<16xf32>
      %eq3A = arith.cmpf oeq, %get3A_344, %get3A_340 : vector<16xf32>
      %gt3A_347 = arith.cmpi sgt, %get3A_346, %get3A_342 : vector<16xi32>
      %and3A = arith.andi %eq3A, %gt3A_347 : vector<16xi1>
      %or3A = arith.ori %gt3A, %and3A : vector<16xi1>
      %get3A_348 = arith.index_cast %mul3A_339 : i32 to index
      %get3A_349 = tpu.vector_load %arg12[%get3A_348] {strides = array<i32>} : memref<640xf32, #tpu.memory_space<vmem>>, vector<16xf32>,
      %select_n3A = arith.select %or3A, %get3A_349, %get3A_340 : vector<16xi1>, vector<16xf32>
      %swap3A = arith.index_cast %mul3A_339 : i32 to index
      %swap3A_350 = tpu.vector_load %arg14[%swap3A] {strides = array<i32>} : memref<640xf32, #tpu.memory_space<vmem>>, vector<16xf32>,
      tpu.vector_store %arg14[%swap3A], %select_n3A {strides = array<i32>} : memref<640xf32, #tpu.memory_space<vmem>>, vector<16xf32>,
      %get3A_351 = arith.index_cast %mul3A_339 : i32 to index
      %get3A_352 = tpu.vector_load %arg13[%get3A_351] {strides = array<i32>} : memref<640xi32, #tpu.memory_space<vmem>>, vector<16xi32>,
      %select_n3A_353 = arith.select %or3A, %get3A_352, %get3A_342 : vector<16xi1>, vector<16xi32>
      %swap3A_354 = arith.index_cast %mul3A_339 : i32 to index
      %swap3A_355 = tpu.vector_load %arg15[%swap3A_354] {strides = array<i32>} : memref<640xi32, #tpu.memory_space<vmem>>, vector<16xi32>,
      tpu.vector_store %arg15[%swap3A_354], %select_n3A_353 {strides = array<i32>} : memref<640xi32, #tpu.memory_space<vmem>>, vector<16xi32>,
      %scan3A_356 = arith.constant 0 : i32
      scf.yield %scan3A_356 : i32
    }
    %scan3A_329 = arith.constant 40 : i32
    %mul3A_330 = arith.constant 10240 : i32
    %mul3A_331 = arith.muli %arg0, %mul3A_330 : i32
    %add3A_332 = arith.addi %mul3A_331, %mul3A_44 : i32
    "tpu.region"() ({
      %run_scoped3A = tpu.sem_alloc : memref<!tpu.dma_semaphore, #tpu.memory_space<semaphore_mem>>
      %dma_start3A_336 = tpu.memref_slice %arg5[%add3A_332] : memref<20480xf32, #tpu.memory_space<hbm>> -> memref<640xf32, #tpu.memory_space<hbm>>
      %dma_start3A_337 = tpu.memref_slice %arg5[%add3A_332] : memref<20480xf32, #tpu.memory_space<hbm>> -> memref<640xf32, #tpu.memory_space<hbm>>
      tpu.enqueue_dma source(%arg14 : memref<640xf32, #tpu.memory_space<vmem>>) target(%dma_start3A_337 : memref<640xf32, #tpu.memory_space<hbm>>) target_semaphore(%run_scoped3A : memref<!tpu.dma_semaphore, #tpu.memory_space<semaphore_mem>>)
      %dma_wait3A_338 = tpu.memref_slice %arg5[%add3A_332] : memref<20480xf32, #tpu.memory_space<hbm>> -> memref<640xf32, #tpu.memory_space<hbm>>
      %dma_wait3A_339 = tpu.memref_slice %arg5[%add3A_332] : memref<20480xf32, #tpu.memory_space<hbm>> -> memref<640xf32, #tpu.memory_space<hbm>>
      tpu.wait_dma2 semaphore(%run_scoped3A : memref<!tpu.dma_semaphore, #tpu.memory_space<semaphore_mem>>) src(%arg14 : memref<640xf32, #tpu.memory_space<vmem>>) dst(%dma_wait3A_339 : memref<640xf32, #tpu.memory_space<hbm>>)
      tpu.yield
    }) : () -> ()
    %mul3A_333 = arith.constant 10240 : i32
    %mul3A_334 = arith.muli %arg0, %mul3A_333 : i32
    %add3A_335 = arith.addi %mul3A_334, %mul3A_44 : i32
    "tpu.region"() ({
      %run_scoped3A = tpu.sem_alloc : memref<!tpu.dma_semaphore, #tpu.memory_space<semaphore_mem>>
      %dma_start3A_336 = tpu.memref_slice %arg6[%add3A_335] : memref<20480xi32, #tpu.memory_space<hbm>> -> memref<640xi32, #tpu.memory_space<hbm>>
      %dma_start3A_337 = tpu.memref_slice %arg6[%add3A_335] : memref<20480xi32, #tpu.memory_space<hbm>> -> memref<640xi32, #tpu.memory_space<hbm>>
      tpu.enqueue_dma source(%arg15 : memref<640xi32, #tpu.memory_space<vmem>>) target(%dma_start3A_337 : memref<640xi32, #tpu.memory_space<hbm>>) target_semaphore(%run_scoped3A : memref<!tpu.dma_semaphore, #tpu.memory_space<semaphore_mem>>)
      %dma_wait3A_338 = tpu.memref_slice %arg6[%add3A_335] : memref<20480xi32, #tpu.memory_space<hbm>> -> memref<640xi32, #tpu.memory_space<hbm>>
      %dma_wait3A_339 = tpu.memref_slice %arg6[%add3A_335] : memref<20480xi32, #tpu.memory_space<hbm>> -> memref<640xi32, #tpu.memory_space<hbm>>
      tpu.wait_dma2 semaphore(%run_scoped3A : memref<!tpu.dma_semaphore, #tpu.memory_space<semaphore_mem>>) src(%arg15 : memref<640xi32, #tpu.memory_space<vmem>>) dst(%dma_wait3A_339 : memref<640xi32, #tpu.memory_space<hbm>>)
      tpu.yield
    }) : () -> ()
    return
  }
}

#map = affine_map<(d0, d1) -> (0)>
module attributes {stable_mosaic.version = 14 : i64} {
  func.func @body(%arg0: i32, %arg1: i32, %arg2: memref<20480xf32, #tpu.memory_space<hbm>>, %arg3: memref<20480xi32, #tpu.memory_space<hbm>>, %arg4: memref<320000xi32, #tpu.memory_space<hbm>>, %arg5: memref<10240xf32, #tpu.memory_space<hbm>>, %arg6: memref<10240xi32, #tpu.memory_space<hbm>>, %arg7: memref<10240xf32, #tpu.memory_space<hbm>>, %arg8: memref<320xf32, #tpu.memory_space<vmem>>, %arg9: memref<320xf32, #tpu.memory_space<vmem>>, %arg10: memref<320xi32, #tpu.memory_space<vmem>>, %arg11: memref<320xi32, #tpu.memory_space<vmem>>, %arg12: memref<320xi32, #tpu.memory_space<vmem>>, %arg13: memref<320xi32, #tpu.memory_space<vmem>>, %arg14: memref<10240xf32, #tpu.memory_space<vmem>>, %arg15: memref<320xf32, #tpu.memory_space<vmem>>, %arg16: memref<!tpu.dma_semaphore, #tpu.memory_space<semaphore_mem>>) attributes {dimension_semantics = [#tpu.dimension_semantics<core_parallel>, #tpu.dimension_semantics<subcore_parallel>], iteration_bounds = array<i64: 2, 16>, scalar_prefetch = 0 : i64, scratch_operands = 9 : i64, tpu.core_type = #tpu.core_type<sc_vector_subcore>, window_params = [{transform_indices = #map}, {transform_indices = #map}, {transform_indices = #map}, {transform_indices = #map}, {transform_indices = #map}, {transform_indices = #map}]} {
    %mul3A = arith.constant 16 : i32
    %mul3A_0 = arith.muli %arg0, %mul3A : i32
    %add3A = arith.addi %mul3A_0, %arg1 : i32
    %mul3A_1 = arith.constant 320 : i32
    %mul3A_2 = arith.muli %add3A, %mul3A_1 : i32
    %dma_start3A = tpu.memref_slice %arg2[%mul3A_2] : memref<20480xf32, #tpu.memory_space<hbm>> -> memref<320xf32, #tpu.memory_space<hbm>>
    %dma_start3A_3 = tpu.memref_slice %arg2[%mul3A_2] : memref<20480xf32, #tpu.memory_space<hbm>> -> memref<320xf32, #tpu.memory_space<hbm>>
    tpu.enqueue_dma source(%dma_start3A_3 : memref<320xf32, #tpu.memory_space<hbm>>) target(%arg8 : memref<320xf32, #tpu.memory_space<vmem>>) target_semaphore(%arg16 : memref<!tpu.dma_semaphore, #tpu.memory_space<semaphore_mem>>)
    %add3A_4 = arith.constant 10240 : i32
    %add3A_5 = arith.addi %add3A_4, %mul3A_2 : i32
    %dma_start3A_6 = tpu.memref_slice %arg2[%add3A_5] : memref<20480xf32, #tpu.memory_space<hbm>> -> memref<320xf32, #tpu.memory_space<hbm>>
    %dma_start3A_7 = tpu.memref_slice %arg2[%add3A_5] : memref<20480xf32, #tpu.memory_space<hbm>> -> memref<320xf32, #tpu.memory_space<hbm>>
    tpu.enqueue_dma source(%dma_start3A_7 : memref<320xf32, #tpu.memory_space<hbm>>) target(%arg9 : memref<320xf32, #tpu.memory_space<vmem>>) target_semaphore(%arg16 : memref<!tpu.dma_semaphore, #tpu.memory_space<semaphore_mem>>)
    %dma_start3A_8 = tpu.memref_slice %arg3[%mul3A_2] : memref<20480xi32, #tpu.memory_space<hbm>> -> memref<320xi32, #tpu.memory_space<hbm>>
    %dma_start3A_9 = tpu.memref_slice %arg3[%mul3A_2] : memref<20480xi32, #tpu.memory_space<hbm>> -> memref<320xi32, #tpu.memory_space<hbm>>
    tpu.enqueue_dma source(%dma_start3A_9 : memref<320xi32, #tpu.memory_space<hbm>>) target(%arg10 : memref<320xi32, #tpu.memory_space<vmem>>) target_semaphore(%arg16 : memref<!tpu.dma_semaphore, #tpu.memory_space<semaphore_mem>>)
    %add3A_10 = arith.constant 10240 : i32
    %add3A_11 = arith.addi %add3A_10, %mul3A_2 : i32
    %dma_start3A_12 = tpu.memref_slice %arg3[%add3A_11] : memref<20480xi32, #tpu.memory_space<hbm>> -> memref<320xi32, #tpu.memory_space<hbm>>
    %dma_start3A_13 = tpu.memref_slice %arg3[%add3A_11] : memref<20480xi32, #tpu.memory_space<hbm>> -> memref<320xi32, #tpu.memory_space<hbm>>
    tpu.enqueue_dma source(%dma_start3A_13 : memref<320xi32, #tpu.memory_space<hbm>>) target(%arg11 : memref<320xi32, #tpu.memory_space<vmem>>) target_semaphore(%arg16 : memref<!tpu.dma_semaphore, #tpu.memory_space<semaphore_mem>>)
    %dma_wait3A = tpu.memref_slice %arg2[%mul3A_2] : memref<20480xf32, #tpu.memory_space<hbm>> -> memref<320xf32, #tpu.memory_space<hbm>>
    %dma_wait3A_14 = tpu.memref_slice %arg2[%mul3A_2] : memref<20480xf32, #tpu.memory_space<hbm>> -> memref<320xf32, #tpu.memory_space<hbm>>
    tpu.wait_dma2 semaphore(%arg16 : memref<!tpu.dma_semaphore, #tpu.memory_space<semaphore_mem>>) src(%dma_wait3A_14 : memref<320xf32, #tpu.memory_space<hbm>>) dst(%arg8 : memref<320xf32, #tpu.memory_space<vmem>>)
    %dma_wait3A_15 = tpu.memref_slice %arg2[%add3A_5] : memref<20480xf32, #tpu.memory_space<hbm>> -> memref<320xf32, #tpu.memory_space<hbm>>
    %dma_wait3A_16 = tpu.memref_slice %arg2[%add3A_5] : memref<20480xf32, #tpu.memory_space<hbm>> -> memref<320xf32, #tpu.memory_space<hbm>>
    tpu.wait_dma2 semaphore(%arg16 : memref<!tpu.dma_semaphore, #tpu.memory_space<semaphore_mem>>) src(%dma_wait3A_16 : memref<320xf32, #tpu.memory_space<hbm>>) dst(%arg9 : memref<320xf32, #tpu.memory_space<vmem>>)
    %dma_wait3A_17 = tpu.memref_slice %arg3[%mul3A_2] : memref<20480xi32, #tpu.memory_space<hbm>> -> memref<320xi32, #tpu.memory_space<hbm>>
    %dma_wait3A_18 = tpu.memref_slice %arg3[%mul3A_2] : memref<20480xi32, #tpu.memory_space<hbm>> -> memref<320xi32, #tpu.memory_space<hbm>>
    tpu.wait_dma2 semaphore(%arg16 : memref<!tpu.dma_semaphore, #tpu.memory_space<semaphore_mem>>) src(%dma_wait3A_18 : memref<320xi32, #tpu.memory_space<hbm>>) dst(%arg10 : memref<320xi32, #tpu.memory_space<vmem>>)
    %dma_wait3A_19 = tpu.memref_slice %arg3[%add3A_11] : memref<20480xi32, #tpu.memory_space<hbm>> -> memref<320xi32, #tpu.memory_space<hbm>>
    %dma_wait3A_20 = tpu.memref_slice %arg3[%add3A_11] : memref<20480xi32, #tpu.memory_space<hbm>> -> memref<320xi32, #tpu.memory_space<hbm>>
    tpu.wait_dma2 semaphore(%arg16 : memref<!tpu.dma_semaphore, #tpu.memory_space<semaphore_mem>>) src(%dma_wait3A_20 : memref<320xi32, #tpu.memory_space<hbm>>) dst(%arg11 : memref<320xi32, #tpu.memory_space<vmem>>)
    %scan3A = arith.constant 0 : i32
    %scan3A_21 = arith.constant 0 : i32
    %scan3A_22 = arith.constant 20 : i32
    %scan3A_23 = arith.addi %scan3A_21, %scan3A_22 : i32
    %scan3A_24 = arith.constant 1 : i32
    %scan3A_25 = scf.for %scan3A_94 = %scan3A_21 to %scan3A_23 step %scan3A_24 iter_args(%scan3A_95 = %scan3A) -> (i32)  : i32 {
      %mul3A_96 = arith.constant 16 : i32
      %mul3A_97 = arith.muli %scan3A_94, %mul3A_96 : i32
      %get3A = arith.index_cast %mul3A_97 : i32 to index
      %get3A_98 = tpu.vector_load %arg9[%get3A] {strides = array<i32>} : memref<320xf32, #tpu.memory_space<vmem>>, vector<16xf32>,
      %get3A_99 = arith.index_cast %mul3A_97 : i32 to index
      %get3A_100 = tpu.vector_load %arg11[%get3A_99] {strides = array<i32>} : memref<320xi32, #tpu.memory_space<vmem>>, vector<16xi32>,
      %get3A_101 = arith.index_cast %mul3A_97 : i32 to index
      %get3A_102 = tpu.vector_load %arg8[%get3A_101] {strides = array<i32>} : memref<320xf32, #tpu.memory_space<vmem>>, vector<16xf32>,
      %get3A_103 = arith.index_cast %mul3A_97 : i32 to index
      %get3A_104 = tpu.vector_load %arg10[%get3A_103] {strides = array<i32>} : memref<320xi32, #tpu.memory_space<vmem>>, vector<16xi32>,
      %gt3A = arith.cmpf ogt, %get3A_98, %get3A_102 : vector<16xf32>
      %eq3A = arith.cmpf oeq, %get3A_98, %get3A_102 : vector<16xf32>
      %gt3A_105 = arith.cmpi sgt, %get3A_100, %get3A_104 : vector<16xi32>
      %and3A = arith.andi %eq3A, %gt3A_105 : vector<16xi1>
      %or3A = arith.ori %gt3A, %and3A : vector<16xi1>
      %get3A_106 = arith.index_cast %mul3A_97 : i32 to index
      %get3A_107 = tpu.vector_load %arg11[%get3A_106] {strides = array<i32>} : memref<320xi32, #tpu.memory_space<vmem>>, vector<16xi32>,
      %get3A_108 = arith.index_cast %mul3A_97 : i32 to index
      %get3A_109 = tpu.vector_load %arg10[%get3A_108] {strides = array<i32>} : memref<320xi32, #tpu.memory_space<vmem>>, vector<16xi32>,
      %select_n3A = arith.select %or3A, %get3A_107, %get3A_109 : vector<16xi1>, vector<16xi32>
      %max3A = arith.constant 0 : i32
      %max3A_110 = vector.broadcast %max3A : i32 to vector<16xi32>
      %max3A_111 = arith.maxsi %select_n3A, %max3A_110 : vector<16xi32>
      %swap3A = arith.index_cast %mul3A_97 : i32 to index
      %swap3A_112 = tpu.vector_load %arg12[%swap3A] {strides = array<i32>} : memref<320xi32, #tpu.memory_space<vmem>>, vector<16xi32>,
      tpu.vector_store %arg12[%swap3A], %max3A_111 {strides = array<i32>} : memref<320xi32, #tpu.memory_space<vmem>>, vector<16xi32>,
      %scan3A_113 = arith.constant 0 : i32
      scf.yield %scan3A_113 : i32
    }
    %scan3A_26 = arith.constant 20 : i32
    %dma_start3A_27 = arith.constant 0 : i32
    %dma_start3A_28 = tpu.memref_slice %arg13[%dma_start3A_27] : memref<320xi32, #tpu.memory_space<vmem>> -> memref<64xi32, #tpu.memory_space<vmem>>
    %dma_start3A_29 = arith.constant 0 : i32
    %dma_start3A_30 = tpu.memref_slice %arg12[%dma_start3A_29] : memref<320xi32, #tpu.memory_space<vmem>> -> memref<64xi32, #tpu.memory_space<vmem>>
    %dma_start3A_31 = arith.constant 0 : i32
    %dma_start3A_32 = tpu.memref_slice %arg4[%dma_start3A_31] : memref<320000xi32, #tpu.memory_space<hbm>> -> memref<320000xi32, #tpu.memory_space<hbm>>
    tpu.enqueue_indirect_dma source(%dma_start3A_32 : memref<320000xi32, #tpu.memory_space<hbm>>) target(%dma_start3A_28 : memref<64xi32, #tpu.memory_space<vmem>>) offsets(%dma_start3A_30 : memref<64xi32, #tpu.memory_space<vmem>>) semaphore(%arg16 : memref<!tpu.dma_semaphore, #tpu.memory_space<semaphore_mem>>)
    %dma_start3A_33 = arith.constant 64 : i32
    %dma_start3A_34 = tpu.memref_slice %arg13[%dma_start3A_33] : memref<320xi32, #tpu.memory_space<vmem>> -> memref<64xi32, #tpu.memory_space<vmem>>
    %dma_start3A_35 = arith.constant 64 : i32
    %dma_start3A_36 = tpu.memref_slice %arg12[%dma_start3A_35] : memref<320xi32, #tpu.memory_space<vmem>> -> memref<64xi32, #tpu.memory_space<vmem>>
    %dma_start3A_37 = arith.constant 0 : i32
    %dma_start3A_38 = tpu.memref_slice %arg4[%dma_start3A_37] : memref<320000xi32, #tpu.memory_space<hbm>> -> memref<320000xi32, #tpu.memory_space<hbm>>
    tpu.enqueue_indirect_dma source(%dma_start3A_38 : memref<320000xi32, #tpu.memory_space<hbm>>) target(%dma_start3A_34 : memref<64xi32, #tpu.memory_space<vmem>>) offsets(%dma_start3A_36 : memref<64xi32, #tpu.memory_space<vmem>>) semaphore(%arg16 : memref<!tpu.dma_semaphore, #tpu.memory_space<semaphore_mem>>)
    %dma_start3A_39 = arith.constant 128 : i32
    %dma_start3A_40 = tpu.memref_slice %arg13[%dma_start3A_39] : memref<320xi32, #tpu.memory_space<vmem>> -> memref<64xi32, #tpu.memory_space<vmem>>
    %dma_start3A_41 = arith.constant 128 : i32
    %dma_start3A_42 = tpu.memref_slice %arg12[%dma_start3A_41] : memref<320xi32, #tpu.memory_space<vmem>> -> memref<64xi32, #tpu.memory_space<vmem>>
    %dma_start3A_43 = arith.constant 0 : i32
    %dma_start3A_44 = tpu.memref_slice %arg4[%dma_start3A_43] : memref<320000xi32, #tpu.memory_space<hbm>> -> memref<320000xi32, #tpu.memory_space<hbm>>
    tpu.enqueue_indirect_dma source(%dma_start3A_44 : memref<320000xi32, #tpu.memory_space<hbm>>) target(%dma_start3A_40 : memref<64xi32, #tpu.memory_space<vmem>>) offsets(%dma_start3A_42 : memref<64xi32, #tpu.memory_space<vmem>>) semaphore(%arg16 : memref<!tpu.dma_semaphore, #tpu.memory_space<semaphore_mem>>)
    %dma_start3A_45 = arith.constant 192 : i32
    %dma_start3A_46 = tpu.memref_slice %arg13[%dma_start3A_45] : memref<320xi32, #tpu.memory_space<vmem>> -> memref<64xi32, #tpu.memory_space<vmem>>
    %dma_start3A_47 = arith.constant 192 : i32
    %dma_start3A_48 = tpu.memref_slice %arg12[%dma_start3A_47] : memref<320xi32, #tpu.memory_space<vmem>> -> memref<64xi32, #tpu.memory_space<vmem>>
    %dma_start3A_49 = arith.constant 0 : i32
    %dma_start3A_50 = tpu.memref_slice %arg4[%dma_start3A_49] : memref<320000xi32, #tpu.memory_space<hbm>> -> memref<320000xi32, #tpu.memory_space<hbm>>
    tpu.enqueue_indirect_dma source(%dma_start3A_50 : memref<320000xi32, #tpu.memory_space<hbm>>) target(%dma_start3A_46 : memref<64xi32, #tpu.memory_space<vmem>>) offsets(%dma_start3A_48 : memref<64xi32, #tpu.memory_space<vmem>>) semaphore(%arg16 : memref<!tpu.dma_semaphore, #tpu.memory_space<semaphore_mem>>)
    %dma_start3A_51 = arith.constant 256 : i32
    %dma_start3A_52 = tpu.memref_slice %arg13[%dma_start3A_51] : memref<320xi32, #tpu.memory_space<vmem>> -> memref<64xi32, #tpu.memory_space<vmem>>
    %dma_start3A_53 = arith.constant 256 : i32
    %dma_start3A_54 = tpu.memref_slice %arg12[%dma_start3A_53] : memref<320xi32, #tpu.memory_space<vmem>> -> memref<64xi32, #tpu.memory_space<vmem>>
    %dma_start3A_55 = arith.constant 0 : i32
    %dma_start3A_56 = tpu.memref_slice %arg4[%dma_start3A_55] : memref<320000xi32, #tpu.memory_space<hbm>> -> memref<320000xi32, #tpu.memory_space<hbm>>
    tpu.enqueue_indirect_dma source(%dma_start3A_56 : memref<320000xi32, #tpu.memory_space<hbm>>) target(%dma_start3A_52 : memref<64xi32, #tpu.memory_space<vmem>>) offsets(%dma_start3A_54 : memref<64xi32, #tpu.memory_space<vmem>>) semaphore(%arg16 : memref<!tpu.dma_semaphore, #tpu.memory_space<semaphore_mem>>)
    %dma_wait3A_57 = arith.constant 0 : i32
    %dma_wait3A_58 = tpu.memref_slice %arg13[%dma_wait3A_57] : memref<320xi32, #tpu.memory_space<vmem>> -> memref<64xi32, #tpu.memory_space<vmem>>
    %dma_wait3A_59 = arith.constant 0 : i32
    %dma_wait3A_60 = tpu.memref_slice %arg12[%dma_wait3A_59] : memref<320xi32, #tpu.memory_space<vmem>> -> memref<64xi32, #tpu.memory_space<vmem>>
    %dma_wait3A_61 = arith.constant 0 : i32
    %dma_wait3A_62 = tpu.memref_slice %arg4[%dma_wait3A_61] : memref<320000xi32, #tpu.memory_space<hbm>> -> memref<320000xi32, #tpu.memory_space<hbm>>
    tpu.wait_indirect_dma semaphore(%arg16 : memref<!tpu.dma_semaphore, #tpu.memory_space<semaphore_mem>>) src(%dma_wait3A_62 : memref<320000xi32, #tpu.memory_space<hbm>>) dst(%dma_wait3A_58 : memref<64xi32, #tpu.memory_space<vmem>>)
    %dma_wait3A_63 = arith.constant 64 : i32
    %dma_wait3A_64 = tpu.memref_slice %arg13[%dma_wait3A_63] : memref<320xi32, #tpu.memory_space<vmem>> -> memref<64xi32, #tpu.memory_space<vmem>>
    %dma_wait3A_65 = arith.constant 64 : i32
    %dma_wait3A_66 = tpu.memref_slice %arg12[%dma_wait3A_65] : memref<320xi32, #tpu.memory_space<vmem>> -> memref<64xi32, #tpu.memory_space<vmem>>
    %dma_wait3A_67 = arith.constant 0 : i32
    %dma_wait3A_68 = tpu.memref_slice %arg4[%dma_wait3A_67] : memref<320000xi32, #tpu.memory_space<hbm>> -> memref<320000xi32, #tpu.memory_space<hbm>>
    tpu.wait_indirect_dma semaphore(%arg16 : memref<!tpu.dma_semaphore, #tpu.memory_space<semaphore_mem>>) src(%dma_wait3A_68 : memref<320000xi32, #tpu.memory_space<hbm>>) dst(%dma_wait3A_64 : memref<64xi32, #tpu.memory_space<vmem>>)
    %dma_wait3A_69 = arith.constant 128 : i32
    %dma_wait3A_70 = tpu.memref_slice %arg13[%dma_wait3A_69] : memref<320xi32, #tpu.memory_space<vmem>> -> memref<64xi32, #tpu.memory_space<vmem>>
    %dma_wait3A_71 = arith.constant 128 : i32
    %dma_wait3A_72 = tpu.memref_slice %arg12[%dma_wait3A_71] : memref<320xi32, #tpu.memory_space<vmem>> -> memref<64xi32, #tpu.memory_space<vmem>>
    %dma_wait3A_73 = arith.constant 0 : i32
    %dma_wait3A_74 = tpu.memref_slice %arg4[%dma_wait3A_73] : memref<320000xi32, #tpu.memory_space<hbm>> -> memref<320000xi32, #tpu.memory_space<hbm>>
    tpu.wait_indirect_dma semaphore(%arg16 : memref<!tpu.dma_semaphore, #tpu.memory_space<semaphore_mem>>) src(%dma_wait3A_74 : memref<320000xi32, #tpu.memory_space<hbm>>) dst(%dma_wait3A_70 : memref<64xi32, #tpu.memory_space<vmem>>)
    %dma_wait3A_75 = arith.constant 192 : i32
    %dma_wait3A_76 = tpu.memref_slice %arg13[%dma_wait3A_75] : memref<320xi32, #tpu.memory_space<vmem>> -> memref<64xi32, #tpu.memory_space<vmem>>
    %dma_wait3A_77 = arith.constant 192 : i32
    %dma_wait3A_78 = tpu.memref_slice %arg12[%dma_wait3A_77] : memref<320xi32, #tpu.memory_space<vmem>> -> memref<64xi32, #tpu.memory_space<vmem>>
    %dma_wait3A_79 = arith.constant 0 : i32
    %dma_wait3A_80 = tpu.memref_slice %arg4[%dma_wait3A_79] : memref<320000xi32, #tpu.memory_space<hbm>> -> memref<320000xi32, #tpu.memory_space<hbm>>
    tpu.wait_indirect_dma semaphore(%arg16 : memref<!tpu.dma_semaphore, #tpu.memory_space<semaphore_mem>>) src(%dma_wait3A_80 : memref<320000xi32, #tpu.memory_space<hbm>>) dst(%dma_wait3A_76 : memref<64xi32, #tpu.memory_space<vmem>>)
    %dma_wait3A_81 = arith.constant 256 : i32
    %dma_wait3A_82 = tpu.memref_slice %arg13[%dma_wait3A_81] : memref<320xi32, #tpu.memory_space<vmem>> -> memref<64xi32, #tpu.memory_space<vmem>>
    %dma_wait3A_83 = arith.constant 256 : i32
    %dma_wait3A_84 = tpu.memref_slice %arg12[%dma_wait3A_83] : memref<320xi32, #tpu.memory_space<vmem>> -> memref<64xi32, #tpu.memory_space<vmem>>
    %dma_wait3A_85 = arith.constant 0 : i32
    %dma_wait3A_86 = tpu.memref_slice %arg4[%dma_wait3A_85] : memref<320000xi32, #tpu.memory_space<hbm>> -> memref<320000xi32, #tpu.memory_space<hbm>>
    tpu.wait_indirect_dma semaphore(%arg16 : memref<!tpu.dma_semaphore, #tpu.memory_space<semaphore_mem>>) src(%dma_wait3A_86 : memref<320000xi32, #tpu.memory_space<hbm>>) dst(%dma_wait3A_82 : memref<64xi32, #tpu.memory_space<vmem>>)
    "tpu.region"() ({
      %run_scoped3A = tpu.sem_alloc : memref<!tpu.dma_semaphore, #tpu.memory_space<semaphore_mem>>
      tpu.enqueue_dma source(%arg5 : memref<10240xf32, #tpu.memory_space<hbm>>) target(%arg14 : memref<10240xf32, #tpu.memory_space<vmem>>) target_semaphore(%run_scoped3A : memref<!tpu.dma_semaphore, #tpu.memory_space<semaphore_mem>>)
      tpu.wait_dma2 semaphore(%run_scoped3A : memref<!tpu.dma_semaphore, #tpu.memory_space<semaphore_mem>>) src(%arg5 : memref<10240xf32, #tpu.memory_space<hbm>>) dst(%arg14 : memref<10240xf32, #tpu.memory_space<vmem>>)
      tpu.yield
    }) : () -> ()
    %scan3A_87 = arith.constant 0 : i32
    %scan3A_88 = arith.constant 0 : i32
    %scan3A_89 = arith.constant 20 : i32
    %scan3A_90 = arith.addi %scan3A_88, %scan3A_89 : i32
    %scan3A_91 = arith.constant 1 : i32
    %scan3A_92 = scf.for %scan3A_94 = %scan3A_88 to %scan3A_90 step %scan3A_91 iter_args(%scan3A_95 = %scan3A_87) -> (i32)  : i32 {
      %mul3A_96 = arith.constant 16 : i32
      %mul3A_97 = arith.muli %scan3A_94, %mul3A_96 : i32
      %get3A = arith.index_cast %mul3A_97 : i32 to index
      %get3A_98 = tpu.vector_load %arg13[%get3A] {strides = array<i32>} : memref<320xi32, #tpu.memory_space<vmem>>, vector<16xi32>,
      %gather3A = tpu.vector_load_idx %arg14[%get3A_98] : memref<10240xf32, #tpu.memory_space<vmem>>[vector<16xi32>], vector<16xf32>,
      %swap3A = arith.index_cast %mul3A_97 : i32 to index
      %swap3A_99 = tpu.vector_load %arg15[%swap3A] {strides = array<i32>} : memref<320xf32, #tpu.memory_space<vmem>>, vector<16xf32>,
      tpu.vector_store %arg15[%swap3A], %gather3A {strides = array<i32>} : memref<320xf32, #tpu.memory_space<vmem>>, vector<16xf32>,
      %scan3A_100 = arith.constant 0 : i32
      scf.yield %scan3A_100 : i32
    }
    %scan3A_93 = arith.constant 20 : i32
    "tpu.region"() ({
      %run_scoped3A = tpu.sem_alloc : memref<!tpu.dma_semaphore, #tpu.memory_space<semaphore_mem>>
      %dma_start3A_94 = tpu.memref_slice %arg6[%mul3A_2] : memref<10240xi32, #tpu.memory_space<hbm>> -> memref<320xi32, #tpu.memory_space<hbm>>
      %dma_start3A_95 = tpu.memref_slice %arg6[%mul3A_2] : memref<10240xi32, #tpu.memory_space<hbm>> -> memref<320xi32, #tpu.memory_space<hbm>>
      tpu.enqueue_dma source(%arg13 : memref<320xi32, #tpu.memory_space<vmem>>) target(%dma_start3A_95 : memref<320xi32, #tpu.memory_space<hbm>>) target_semaphore(%run_scoped3A : memref<!tpu.dma_semaphore, #tpu.memory_space<semaphore_mem>>)
      %dma_wait3A_96 = tpu.memref_slice %arg6[%mul3A_2] : memref<10240xi32, #tpu.memory_space<hbm>> -> memref<320xi32, #tpu.memory_space<hbm>>
      %dma_wait3A_97 = tpu.memref_slice %arg6[%mul3A_2] : memref<10240xi32, #tpu.memory_space<hbm>> -> memref<320xi32, #tpu.memory_space<hbm>>
      tpu.wait_dma2 semaphore(%run_scoped3A : memref<!tpu.dma_semaphore, #tpu.memory_space<semaphore_mem>>) src(%arg13 : memref<320xi32, #tpu.memory_space<vmem>>) dst(%dma_wait3A_97 : memref<320xi32, #tpu.memory_space<hbm>>)
      tpu.yield
    }) : () -> ()
    "tpu.region"() ({
      %run_scoped3A = tpu.sem_alloc : memref<!tpu.dma_semaphore, #tpu.memory_space<semaphore_mem>>
      %dma_start3A_94 = tpu.memref_slice %arg7[%mul3A_2] : memref<10240xf32, #tpu.memory_space<hbm>> -> memref<320xf32, #tpu.memory_space<hbm>>
      %dma_start3A_95 = tpu.memref_slice %arg7[%mul3A_2] : memref<10240xf32, #tpu.memory_space<hbm>> -> memref<320xf32, #tpu.memory_space<hbm>>
      tpu.enqueue_dma source(%arg15 : memref<320xf32, #tpu.memory_space<vmem>>) target(%dma_start3A_95 : memref<320xf32, #tpu.memory_space<hbm>>) target_semaphore(%run_scoped3A : memref<!tpu.dma_semaphore, #tpu.memory_space<semaphore_mem>>)
      %dma_wait3A_96 = tpu.memref_slice %arg7[%mul3A_2] : memref<10240xf32, #tpu.memory_space<hbm>> -> memref<320xf32, #tpu.memory_space<hbm>>
      %dma_wait3A_97 = tpu.memref_slice %arg7[%mul3A_2] : memref<10240xf32, #tpu.memory_space<hbm>> -> memref<320xf32, #tpu.memory_space<hbm>>
      tpu.wait_dma2 semaphore(%run_scoped3A : memref<!tpu.dma_semaphore, #tpu.memory_space<semaphore_mem>>) src(%arg15 : memref<320xf32, #tpu.memory_space<vmem>>) dst(%dma_wait3A_97 : memref<320xf32, #tpu.memory_space<hbm>>)
      tpu.yield
    }) : () -> ()
    return
  }
}

#map = affine_map<(d0, d1) -> (0)>
#map1 = affine_map<(d0, d1) -> (0, 0)>
module attributes {stable_mosaic.version = 14 : i64} {
  func.func @body(%arg0: i32, %arg1: i32, %arg2: memref<20480xf32, #tpu.memory_space<hbm>>, %arg3: memref<20480xi32, #tpu.memory_space<hbm>>, %arg4: memref<320000xi32, #tpu.memory_space<hbm>>, %arg5: memref<10240xi32, #tpu.memory_space<hbm>>, %arg6: memref<10240x16xf32, #tpu.memory_space<hbm>>, %arg7: memref<10240xf32, #tpu.memory_space<hbm>>, %arg8: memref<10240x16xf32, #tpu.memory_space<hbm>>, %arg9: memref<10240xf32, #tpu.memory_space<hbm>>, %arg10: memref<320xf32, #tpu.memory_space<vmem>>, %arg11: memref<320xf32, #tpu.memory_space<vmem>>, %arg12: memref<320xi32, #tpu.memory_space<vmem>>, %arg13: memref<320xi32, #tpu.memory_space<vmem>>, %arg14: memref<320xi32, #tpu.memory_space<vmem>>, %arg15: memref<320xi32, #tpu.memory_space<vmem>>, %arg16: memref<10240xi32, #tpu.memory_space<vmem>>, %arg17: memref<10240xf32, #tpu.memory_space<vmem>>, %arg18: memref<320xi32, #tpu.memory_space<vmem>>, %arg19: memref<320xf32, #tpu.memory_space<vmem>>, %arg20: memref<320x16xf32, #tpu.memory_space<vmem>>, %arg21: memref<!tpu.dma_semaphore, #tpu.memory_space<semaphore_mem>>) attributes {dimension_semantics = [#tpu.dimension_semantics<core_parallel>, #tpu.dimension_semantics<subcore_parallel>], iteration_bounds = array<i64: 2, 16>, scalar_prefetch = 0 : i64, scratch_operands = 12 : i64, tpu.core_type = #tpu.core_type<sc_vector_subcore>, window_params = [{transform_indices = #map}, {transform_indices = #map}, {transform_indices = #map}, {transform_indices = #map}, {transform_indices = #map1}, {transform_indices = #map}, {transform_indices = #map1}, {transform_indices = #map}]} {
    %mul3A = arith.constant 16 : i32
    %mul3A_0 = arith.muli %arg0, %mul3A : i32
    %add3A = arith.addi %mul3A_0, %arg1 : i32
    %mul3A_1 = arith.constant 320 : i32
    %mul3A_2 = arith.muli %add3A, %mul3A_1 : i32
    %dma_start3A = tpu.memref_slice %arg2[%mul3A_2] : memref<20480xf32, #tpu.memory_space<hbm>> -> memref<320xf32, #tpu.memory_space<hbm>>
    %dma_start3A_3 = tpu.memref_slice %arg2[%mul3A_2] : memref<20480xf32, #tpu.memory_space<hbm>> -> memref<320xf32, #tpu.memory_space<hbm>>
    tpu.enqueue_dma source(%dma_start3A_3 : memref<320xf32, #tpu.memory_space<hbm>>) target(%arg10 : memref<320xf32, #tpu.memory_space<vmem>>) target_semaphore(%arg21 : memref<!tpu.dma_semaphore, #tpu.memory_space<semaphore_mem>>)
    %add3A_4 = arith.constant 10240 : i32
    %add3A_5 = arith.addi %add3A_4, %mul3A_2 : i32
    %dma_start3A_6 = tpu.memref_slice %arg2[%add3A_5] : memref<20480xf32, #tpu.memory_space<hbm>> -> memref<320xf32, #tpu.memory_space<hbm>>
    %dma_start3A_7 = tpu.memref_slice %arg2[%add3A_5] : memref<20480xf32, #tpu.memory_space<hbm>> -> memref<320xf32, #tpu.memory_space<hbm>>
    tpu.enqueue_dma source(%dma_start3A_7 : memref<320xf32, #tpu.memory_space<hbm>>) target(%arg11 : memref<320xf32, #tpu.memory_space<vmem>>) target_semaphore(%arg21 : memref<!tpu.dma_semaphore, #tpu.memory_space<semaphore_mem>>)
    %dma_start3A_8 = tpu.memref_slice %arg3[%mul3A_2] : memref<20480xi32, #tpu.memory_space<hbm>> -> memref<320xi32, #tpu.memory_space<hbm>>
    %dma_start3A_9 = tpu.memref_slice %arg3[%mul3A_2] : memref<20480xi32, #tpu.memory_space<hbm>> -> memref<320xi32, #tpu.memory_space<hbm>>
    tpu.enqueue_dma source(%dma_start3A_9 : memref<320xi32, #tpu.memory_space<hbm>>) target(%arg12 : memref<320xi32, #tpu.memory_space<vmem>>) target_semaphore(%arg21 : memref<!tpu.dma_semaphore, #tpu.memory_space<semaphore_mem>>)
    %add3A_10 = arith.constant 10240 : i32
    %add3A_11 = arith.addi %add3A_10, %mul3A_2 : i32
    %dma_start3A_12 = tpu.memref_slice %arg3[%add3A_11] : memref<20480xi32, #tpu.memory_space<hbm>> -> memref<320xi32, #tpu.memory_space<hbm>>
    %dma_start3A_13 = tpu.memref_slice %arg3[%add3A_11] : memref<20480xi32, #tpu.memory_space<hbm>> -> memref<320xi32, #tpu.memory_space<hbm>>
    tpu.enqueue_dma source(%dma_start3A_13 : memref<320xi32, #tpu.memory_space<hbm>>) target(%arg13 : memref<320xi32, #tpu.memory_space<vmem>>) target_semaphore(%arg21 : memref<!tpu.dma_semaphore, #tpu.memory_space<semaphore_mem>>)
    %dma_wait3A = tpu.memref_slice %arg2[%mul3A_2] : memref<20480xf32, #tpu.memory_space<hbm>> -> memref<320xf32, #tpu.memory_space<hbm>>
    %dma_wait3A_14 = tpu.memref_slice %arg2[%mul3A_2] : memref<20480xf32, #tpu.memory_space<hbm>> -> memref<320xf32, #tpu.memory_space<hbm>>
    tpu.wait_dma2 semaphore(%arg21 : memref<!tpu.dma_semaphore, #tpu.memory_space<semaphore_mem>>) src(%dma_wait3A_14 : memref<320xf32, #tpu.memory_space<hbm>>) dst(%arg10 : memref<320xf32, #tpu.memory_space<vmem>>)
    %dma_wait3A_15 = tpu.memref_slice %arg2[%add3A_5] : memref<20480xf32, #tpu.memory_space<hbm>> -> memref<320xf32, #tpu.memory_space<hbm>>
    %dma_wait3A_16 = tpu.memref_slice %arg2[%add3A_5] : memref<20480xf32, #tpu.memory_space<hbm>> -> memref<320xf32, #tpu.memory_space<hbm>>
    tpu.wait_dma2 semaphore(%arg21 : memref<!tpu.dma_semaphore, #tpu.memory_space<semaphore_mem>>) src(%dma_wait3A_16 : memref<320xf32, #tpu.memory_space<hbm>>) dst(%arg11 : memref<320xf32, #tpu.memory_space<vmem>>)
    %dma_wait3A_17 = tpu.memref_slice %arg3[%mul3A_2] : memref<20480xi32, #tpu.memory_space<hbm>> -> memref<320xi32, #tpu.memory_space<hbm>>
    %dma_wait3A_18 = tpu.memref_slice %arg3[%mul3A_2] : memref<20480xi32, #tpu.memory_space<hbm>> -> memref<320xi32, #tpu.memory_space<hbm>>
    tpu.wait_dma2 semaphore(%arg21 : memref<!tpu.dma_semaphore, #tpu.memory_space<semaphore_mem>>) src(%dma_wait3A_18 : memref<320xi32, #tpu.memory_space<hbm>>) dst(%arg12 : memref<320xi32, #tpu.memory_space<vmem>>)
    %dma_wait3A_19 = tpu.memref_slice %arg3[%add3A_11] : memref<20480xi32, #tpu.memory_space<hbm>> -> memref<320xi32, #tpu.memory_space<hbm>>
    %dma_wait3A_20 = tpu.memref_slice %arg3[%add3A_11] : memref<20480xi32, #tpu.memory_space<hbm>> -> memref<320xi32, #tpu.memory_space<hbm>>
    tpu.wait_dma2 semaphore(%arg21 : memref<!tpu.dma_semaphore, #tpu.memory_space<semaphore_mem>>) src(%dma_wait3A_20 : memref<320xi32, #tpu.memory_space<hbm>>) dst(%arg13 : memref<320xi32, #tpu.memory_space<vmem>>)
    %scan3A = arith.constant 0 : i32
    %scan3A_21 = arith.constant 0 : i32
    %scan3A_22 = arith.constant 20 : i32
    %scan3A_23 = arith.addi %scan3A_21, %scan3A_22 : i32
    %scan3A_24 = arith.constant 1 : i32
    %scan3A_25 = scf.for %scan3A_174 = %scan3A_21 to %scan3A_23 step %scan3A_24 iter_args(%scan3A_175 = %scan3A) -> (i32)  : i32 {
      %mul3A_176 = arith.constant 16 : i32
      %mul3A_177 = arith.muli %scan3A_174, %mul3A_176 : i32
      %get3A = arith.index_cast %mul3A_177 : i32 to index
      %get3A_178 = tpu.vector_load %arg11[%get3A] {strides = array<i32>} : memref<320xf32, #tpu.memory_space<vmem>>, vector<16xf32>,
      %get3A_179 = arith.index_cast %mul3A_177 : i32 to index
      %get3A_180 = tpu.vector_load %arg13[%get3A_179] {strides = array<i32>} : memref<320xi32, #tpu.memory_space<vmem>>, vector<16xi32>,
      %get3A_181 = arith.index_cast %mul3A_177 : i32 to index
      %get3A_182 = tpu.vector_load %arg10[%get3A_181] {strides = array<i32>} : memref<320xf32, #tpu.memory_space<vmem>>, vector<16xf32>,
      %get3A_183 = arith.index_cast %mul3A_177 : i32 to index
      %get3A_184 = tpu.vector_load %arg12[%get3A_183] {strides = array<i32>} : memref<320xi32, #tpu.memory_space<vmem>>, vector<16xi32>,
      %gt3A = arith.cmpf ogt, %get3A_178, %get3A_182 : vector<16xf32>
      %eq3A = arith.cmpf oeq, %get3A_178, %get3A_182 : vector<16xf32>
      %gt3A_185 = arith.cmpi sgt, %get3A_180, %get3A_184 : vector<16xi32>
      %and3A = arith.andi %eq3A, %gt3A_185 : vector<16xi1>
      %or3A = arith.ori %gt3A, %and3A : vector<16xi1>
      %get3A_186 = arith.index_cast %mul3A_177 : i32 to index
      %get3A_187 = tpu.vector_load %arg13[%get3A_186] {strides = array<i32>} : memref<320xi32, #tpu.memory_space<vmem>>, vector<16xi32>,
      %get3A_188 = arith.index_cast %mul3A_177 : i32 to index
      %get3A_189 = tpu.vector_load %arg12[%get3A_188] {strides = array<i32>} : memref<320xi32, #tpu.memory_space<vmem>>, vector<16xi32>,
      %select_n3A = arith.select %or3A, %get3A_187, %get3A_189 : vector<16xi1>, vector<16xi32>
      %max3A = arith.constant 0 : i32
      %max3A_190 = vector.broadcast %max3A : i32 to vector<16xi32>
      %max3A_191 = arith.maxsi %select_n3A, %max3A_190 : vector<16xi32>
      %swap3A = arith.index_cast %mul3A_177 : i32 to index
      %swap3A_192 = tpu.vector_load %arg14[%swap3A] {strides = array<i32>} : memref<320xi32, #tpu.memory_space<vmem>>, vector<16xi32>,
      tpu.vector_store %arg14[%swap3A], %max3A_191 {strides = array<i32>} : memref<320xi32, #tpu.memory_space<vmem>>, vector<16xi32>,
      %scan3A_193 = arith.constant 0 : i32
      scf.yield %scan3A_193 : i32
    }
    %scan3A_26 = arith.constant 20 : i32
    %dma_start3A_27 = arith.constant 0 : i32
    %dma_start3A_28 = tpu.memref_slice %arg15[%dma_start3A_27] : memref<320xi32, #tpu.memory_space<vmem>> -> memref<64xi32, #tpu.memory_space<vmem>>
    %dma_start3A_29 = arith.constant 0 : i32
    %dma_start3A_30 = tpu.memref_slice %arg14[%dma_start3A_29] : memref<320xi32, #tpu.memory_space<vmem>> -> memref<64xi32, #tpu.memory_space<vmem>>
    %dma_start3A_31 = arith.constant 0 : i32
    %dma_start3A_32 = tpu.memref_slice %arg4[%dma_start3A_31] : memref<320000xi32, #tpu.memory_space<hbm>> -> memref<320000xi32, #tpu.memory_space<hbm>>
    tpu.enqueue_indirect_dma source(%dma_start3A_32 : memref<320000xi32, #tpu.memory_space<hbm>>) target(%dma_start3A_28 : memref<64xi32, #tpu.memory_space<vmem>>) offsets(%dma_start3A_30 : memref<64xi32, #tpu.memory_space<vmem>>) semaphore(%arg21 : memref<!tpu.dma_semaphore, #tpu.memory_space<semaphore_mem>>)
    %dma_start3A_33 = arith.constant 64 : i32
    %dma_start3A_34 = tpu.memref_slice %arg15[%dma_start3A_33] : memref<320xi32, #tpu.memory_space<vmem>> -> memref<64xi32, #tpu.memory_space<vmem>>
    %dma_start3A_35 = arith.constant 64 : i32
    %dma_start3A_36 = tpu.memref_slice %arg14[%dma_start3A_35] : memref<320xi32, #tpu.memory_space<vmem>> -> memref<64xi32, #tpu.memory_space<vmem>>
    %dma_start3A_37 = arith.constant 0 : i32
    %dma_start3A_38 = tpu.memref_slice %arg4[%dma_start3A_37] : memref<320000xi32, #tpu.memory_space<hbm>> -> memref<320000xi32, #tpu.memory_space<hbm>>
    tpu.enqueue_indirect_dma source(%dma_start3A_38 : memref<320000xi32, #tpu.memory_space<hbm>>) target(%dma_start3A_34 : memref<64xi32, #tpu.memory_space<vmem>>) offsets(%dma_start3A_36 : memref<64xi32, #tpu.memory_space<vmem>>) semaphore(%arg21 : memref<!tpu.dma_semaphore, #tpu.memory_space<semaphore_mem>>)
    %dma_start3A_39 = arith.constant 128 : i32
    %dma_start3A_40 = tpu.memref_slice %arg15[%dma_start3A_39] : memref<320xi32, #tpu.memory_space<vmem>> -> memref<64xi32, #tpu.memory_space<vmem>>
    %dma_start3A_41 = arith.constant 128 : i32
    %dma_start3A_42 = tpu.memref_slice %arg14[%dma_start3A_41] : memref<320xi32, #tpu.memory_space<vmem>> -> memref<64xi32, #tpu.memory_space<vmem>>
    %dma_start3A_43 = arith.constant 0 : i32
    %dma_start3A_44 = tpu.memref_slice %arg4[%dma_start3A_43] : memref<320000xi32, #tpu.memory_space<hbm>> -> memref<320000xi32, #tpu.memory_space<hbm>>
    tpu.enqueue_indirect_dma source(%dma_start3A_44 : memref<320000xi32, #tpu.memory_space<hbm>>) target(%dma_start3A_40 : memref<64xi32, #tpu.memory_space<vmem>>) offsets(%dma_start3A_42 : memref<64xi32, #tpu.memory_space<vmem>>) semaphore(%arg21 : memref<!tpu.dma_semaphore, #tpu.memory_space<semaphore_mem>>)
    %dma_start3A_45 = arith.constant 192 : i32
    %dma_start3A_46 = tpu.memref_slice %arg15[%dma_start3A_45] : memref<320xi32, #tpu.memory_space<vmem>> -> memref<64xi32, #tpu.memory_space<vmem>>
    %dma_start3A_47 = arith.constant 192 : i32
    %dma_start3A_48 = tpu.memref_slice %arg14[%dma_start3A_47] : memref<320xi32, #tpu.memory_space<vmem>> -> memref<64xi32, #tpu.memory_space<vmem>>
    %dma_start3A_49 = arith.constant 0 : i32
    %dma_start3A_50 = tpu.memref_slice %arg4[%dma_start3A_49] : memref<320000xi32, #tpu.memory_space<hbm>> -> memref<320000xi32, #tpu.memory_space<hbm>>
    tpu.enqueue_indirect_dma source(%dma_start3A_50 : memref<320000xi32, #tpu.memory_space<hbm>>) target(%dma_start3A_46 : memref<64xi32, #tpu.memory_space<vmem>>) offsets(%dma_start3A_48 : memref<64xi32, #tpu.memory_space<vmem>>) semaphore(%arg21 : memref<!tpu.dma_semaphore, #tpu.memory_space<semaphore_mem>>)
    %dma_start3A_51 = arith.constant 256 : i32
    %dma_start3A_52 = tpu.memref_slice %arg15[%dma_start3A_51] : memref<320xi32, #tpu.memory_space<vmem>> -> memref<64xi32, #tpu.memory_space<vmem>>
    %dma_start3A_53 = arith.constant 256 : i32
    %dma_start3A_54 = tpu.memref_slice %arg14[%dma_start3A_53] : memref<320xi32, #tpu.memory_space<vmem>> -> memref<64xi32, #tpu.memory_space<vmem>>
    %dma_start3A_55 = arith.constant 0 : i32
    %dma_start3A_56 = tpu.memref_slice %arg4[%dma_start3A_55] : memref<320000xi32, #tpu.memory_space<hbm>> -> memref<320000xi32, #tpu.memory_space<hbm>>
    tpu.enqueue_indirect_dma source(%dma_start3A_56 : memref<320000xi32, #tpu.memory_space<hbm>>) target(%dma_start3A_52 : memref<64xi32, #tpu.memory_space<vmem>>) offsets(%dma_start3A_54 : memref<64xi32, #tpu.memory_space<vmem>>) semaphore(%arg21 : memref<!tpu.dma_semaphore, #tpu.memory_space<semaphore_mem>>)
    %dma_wait3A_57 = arith.constant 0 : i32
    %dma_wait3A_58 = tpu.memref_slice %arg15[%dma_wait3A_57] : memref<320xi32, #tpu.memory_space<vmem>> -> memref<64xi32, #tpu.memory_space<vmem>>
    %dma_wait3A_59 = arith.constant 0 : i32
    %dma_wait3A_60 = tpu.memref_slice %arg14[%dma_wait3A_59] : memref<320xi32, #tpu.memory_space<vmem>> -> memref<64xi32, #tpu.memory_space<vmem>>
    %dma_wait3A_61 = arith.constant 0 : i32
    %dma_wait3A_62 = tpu.memref_slice %arg4[%dma_wait3A_61] : memref<320000xi32, #tpu.memory_space<hbm>> -> memref<320000xi32, #tpu.memory_space<hbm>>
    tpu.wait_indirect_dma semaphore(%arg21 : memref<!tpu.dma_semaphore, #tpu.memory_space<semaphore_mem>>) src(%dma_wait3A_62 : memref<320000xi32, #tpu.memory_space<hbm>>) dst(%dma_wait3A_58 : memref<64xi32, #tpu.memory_space<vmem>>)
    %dma_wait3A_63 = arith.constant 64 : i32
    %dma_wait3A_64 = tpu.memref_slice %arg15[%dma_wait3A_63] : memref<320xi32, #tpu.memory_space<vmem>> -> memref<64xi32, #tpu.memory_space<vmem>>
    %dma_wait3A_65 = arith.constant 64 : i32
    %dma_wait3A_66 = tpu.memref_slice %arg14[%dma_wait3A_65] : memref<320xi32, #tpu.memory_space<vmem>> -> memref<64xi32, #tpu.memory_space<vmem>>
    %dma_wait3A_67 = arith.constant 0 : i32
    %dma_wait3A_68 = tpu.memref_slice %arg4[%dma_wait3A_67] : memref<320000xi32, #tpu.memory_space<hbm>> -> memref<320000xi32, #tpu.memory_space<hbm>>
    tpu.wait_indirect_dma semaphore(%arg21 : memref<!tpu.dma_semaphore, #tpu.memory_space<semaphore_mem>>) src(%dma_wait3A_68 : memref<320000xi32, #tpu.memory_space<hbm>>) dst(%dma_wait3A_64 : memref<64xi32, #tpu.memory_space<vmem>>)
    %dma_wait3A_69 = arith.constant 128 : i32
    %dma_wait3A_70 = tpu.memref_slice %arg15[%dma_wait3A_69] : memref<320xi32, #tpu.memory_space<vmem>> -> memref<64xi32, #tpu.memory_space<vmem>>
    %dma_wait3A_71 = arith.constant 128 : i32
    %dma_wait3A_72 = tpu.memref_slice %arg14[%dma_wait3A_71] : memref<320xi32, #tpu.memory_space<vmem>> -> memref<64xi32, #tpu.memory_space<vmem>>
    %dma_wait3A_73 = arith.constant 0 : i32
    %dma_wait3A_74 = tpu.memref_slice %arg4[%dma_wait3A_73] : memref<320000xi32, #tpu.memory_space<hbm>> -> memref<320000xi32, #tpu.memory_space<hbm>>
    tpu.wait_indirect_dma semaphore(%arg21 : memref<!tpu.dma_semaphore, #tpu.memory_space<semaphore_mem>>) src(%dma_wait3A_74 : memref<320000xi32, #tpu.memory_space<hbm>>) dst(%dma_wait3A_70 : memref<64xi32, #tpu.memory_space<vmem>>)
    %dma_wait3A_75 = arith.constant 192 : i32
    %dma_wait3A_76 = tpu.memref_slice %arg15[%dma_wait3A_75] : memref<320xi32, #tpu.memory_space<vmem>> -> memref<64xi32, #tpu.memory_space<vmem>>
    %dma_wait3A_77 = arith.constant 192 : i32
    %dma_wait3A_78 = tpu.memref_slice %arg14[%dma_wait3A_77] : memref<320xi32, #tpu.memory_space<vmem>> -> memref<64xi32, #tpu.memory_space<vmem>>
    %dma_wait3A_79 = arith.constant 0 : i32
    %dma_wait3A_80 = tpu.memref_slice %arg4[%dma_wait3A_79] : memref<320000xi32, #tpu.memory_space<hbm>> -> memref<320000xi32, #tpu.memory_space<hbm>>
    tpu.wait_indirect_dma semaphore(%arg21 : memref<!tpu.dma_semaphore, #tpu.memory_space<semaphore_mem>>) src(%dma_wait3A_80 : memref<320000xi32, #tpu.memory_space<hbm>>) dst(%dma_wait3A_76 : memref<64xi32, #tpu.memory_space<vmem>>)
    %dma_wait3A_81 = arith.constant 256 : i32
    %dma_wait3A_82 = tpu.memref_slice %arg15[%dma_wait3A_81] : memref<320xi32, #tpu.memory_space<vmem>> -> memref<64xi32, #tpu.memory_space<vmem>>
    %dma_wait3A_83 = arith.constant 256 : i32
    %dma_wait3A_84 = tpu.memref_slice %arg14[%dma_wait3A_83] : memref<320xi32, #tpu.memory_space<vmem>> -> memref<64xi32, #tpu.memory_space<vmem>>
    %dma_wait3A_85 = arith.constant 0 : i32
    %dma_wait3A_86 = tpu.memref_slice %arg4[%dma_wait3A_85] : memref<320000xi32, #tpu.memory_space<hbm>> -> memref<320000xi32, #tpu.memory_space<hbm>>
    tpu.wait_indirect_dma semaphore(%arg21 : memref<!tpu.dma_semaphore, #tpu.memory_space<semaphore_mem>>) src(%dma_wait3A_86 : memref<320000xi32, #tpu.memory_space<hbm>>) dst(%dma_wait3A_82 : memref<64xi32, #tpu.memory_space<vmem>>)
    "tpu.region"() ({
      %run_scoped3A = tpu.sem_alloc : memref<!tpu.dma_semaphore, #tpu.memory_space<semaphore_mem>>
      tpu.enqueue_dma source(%arg5 : memref<10240xi32, #tpu.memory_space<hbm>>) target(%arg16 : memref<10240xi32, #tpu.memory_space<vmem>>) target_semaphore(%run_scoped3A : memref<!tpu.dma_semaphore, #tpu.memory_space<semaphore_mem>>)
      tpu.wait_dma2 semaphore(%run_scoped3A : memref<!tpu.dma_semaphore, #tpu.memory_space<semaphore_mem>>) src(%arg5 : memref<10240xi32, #tpu.memory_space<hbm>>) dst(%arg16 : memref<10240xi32, #tpu.memory_space<vmem>>)
      tpu.yield
    }) : () -> ()
    "tpu.region"() ({
      %run_scoped3A = tpu.sem_alloc : memref<!tpu.dma_semaphore, #tpu.memory_space<semaphore_mem>>
      tpu.enqueue_dma source(%arg7 : memref<10240xf32, #tpu.memory_space<hbm>>) target(%arg17 : memref<10240xf32, #tpu.memory_space<vmem>>) target_semaphore(%run_scoped3A : memref<!tpu.dma_semaphore, #tpu.memory_space<semaphore_mem>>)
      tpu.wait_dma2 semaphore(%run_scoped3A : memref<!tpu.dma_semaphore, #tpu.memory_space<semaphore_mem>>) src(%arg7 : memref<10240xf32, #tpu.memory_space<hbm>>) dst(%arg17 : memref<10240xf32, #tpu.memory_space<vmem>>)
      tpu.yield
    }) : () -> ()
    %scan3A_87 = arith.constant 0 : i32
    %scan3A_88 = arith.constant 0 : i32
    %scan3A_89 = arith.constant 20 : i32
    %scan3A_90 = arith.addi %scan3A_88, %scan3A_89 : i32
    %scan3A_91 = arith.constant 1 : i32
    %scan3A_92 = scf.for %scan3A_174 = %scan3A_88 to %scan3A_90 step %scan3A_91 iter_args(%scan3A_175 = %scan3A_87) -> (i32)  : i32 {
      %mul3A_176 = arith.constant 16 : i32
      %mul3A_177 = arith.muli %scan3A_174, %mul3A_176 : i32
      %get3A = arith.index_cast %mul3A_177 : i32 to index
      %get3A_178 = tpu.vector_load %arg15[%get3A] {strides = array<i32>} : memref<320xi32, #tpu.memory_space<vmem>>, vector<16xi32>,
      %gather3A = tpu.vector_load_idx %arg16[%get3A_178] : memref<10240xi32, #tpu.memory_space<vmem>>[vector<16xi32>], vector<16xi32>,
      %swap3A = arith.index_cast %mul3A_177 : i32 to index
      %swap3A_179 = tpu.vector_load %arg18[%swap3A] {strides = array<i32>} : memref<320xi32, #tpu.memory_space<vmem>>, vector<16xi32>,
      tpu.vector_store %arg18[%swap3A], %gather3A {strides = array<i32>} : memref<320xi32, #tpu.memory_space<vmem>>, vector<16xi32>,
      %gather3A_180 = tpu.vector_load_idx %arg17[%gather3A] : memref<10240xf32, #tpu.memory_space<vmem>>[vector<16xi32>], vector<16xf32>,
      %swap3A_181 = arith.index_cast %mul3A_177 : i32 to index
      %swap3A_182 = tpu.vector_load %arg19[%swap3A_181] {strides = array<i32>} : memref<320xf32, #tpu.memory_space<vmem>>, vector<16xf32>,
      tpu.vector_store %arg19[%swap3A_181], %gather3A_180 {strides = array<i32>} : memref<320xf32, #tpu.memory_space<vmem>>, vector<16xf32>,
      %scan3A_183 = arith.constant 0 : i32
      scf.yield %scan3A_183 : i32
    }
    %scan3A_93 = arith.constant 20 : i32
    %dma_start3A_94 = arith.constant 0 : i32
    %dma_start3A_95 = arith.constant 0 : i32
    %dma_start3A_96 = tpu.memref_slice %arg20[%dma_start3A_94, %dma_start3A_95] : memref<320x16xf32, #tpu.memory_space<vmem>> -> memref<64x16xf32, #tpu.memory_space<vmem>>
    %dma_start3A_97 = arith.constant 0 : i32
    %dma_start3A_98 = tpu.memref_slice %arg18[%dma_start3A_97] : memref<320xi32, #tpu.memory_space<vmem>> -> memref<64xi32, #tpu.memory_space<vmem>>
    %dma_start3A_99 = arith.constant 0 : i32
    %dma_start3A_100 = arith.constant 0 : i32
    %dma_start3A_101 = tpu.memref_slice %arg6[%dma_start3A_99, %dma_start3A_100] : memref<10240x16xf32, #tpu.memory_space<hbm>> -> memref<10240x16xf32, #tpu.memory_space<hbm>>
    tpu.enqueue_indirect_dma source(%dma_start3A_101 : memref<10240x16xf32, #tpu.memory_space<hbm>>) target(%dma_start3A_96 : memref<64x16xf32, #tpu.memory_space<vmem>>) offsets(%dma_start3A_98 : memref<64xi32, #tpu.memory_space<vmem>>) semaphore(%arg21 : memref<!tpu.dma_semaphore, #tpu.memory_space<semaphore_mem>>)
    %dma_start3A_102 = arith.constant 64 : i32
    %dma_start3A_103 = arith.constant 0 : i32
    %dma_start3A_104 = tpu.memref_slice %arg20[%dma_start3A_102, %dma_start3A_103] : memref<320x16xf32, #tpu.memory_space<vmem>> -> memref<64x16xf32, #tpu.memory_space<vmem>>
    %dma_start3A_105 = arith.constant 64 : i32
    %dma_start3A_106 = tpu.memref_slice %arg18[%dma_start3A_105] : memref<320xi32, #tpu.memory_space<vmem>> -> memref<64xi32, #tpu.memory_space<vmem>>
    %dma_start3A_107 = arith.constant 0 : i32
    %dma_start3A_108 = arith.constant 0 : i32
    %dma_start3A_109 = tpu.memref_slice %arg6[%dma_start3A_107, %dma_start3A_108] : memref<10240x16xf32, #tpu.memory_space<hbm>> -> memref<10240x16xf32, #tpu.memory_space<hbm>>
    tpu.enqueue_indirect_dma source(%dma_start3A_109 : memref<10240x16xf32, #tpu.memory_space<hbm>>) target(%dma_start3A_104 : memref<64x16xf32, #tpu.memory_space<vmem>>) offsets(%dma_start3A_106 : memref<64xi32, #tpu.memory_space<vmem>>) semaphore(%arg21 : memref<!tpu.dma_semaphore, #tpu.memory_space<semaphore_mem>>)
    %dma_start3A_110 = arith.constant 128 : i32
    %dma_start3A_111 = arith.constant 0 : i32
    %dma_start3A_112 = tpu.memref_slice %arg20[%dma_start3A_110, %dma_start3A_111] : memref<320x16xf32, #tpu.memory_space<vmem>> -> memref<64x16xf32, #tpu.memory_space<vmem>>
    %dma_start3A_113 = arith.constant 128 : i32
    %dma_start3A_114 = tpu.memref_slice %arg18[%dma_start3A_113] : memref<320xi32, #tpu.memory_space<vmem>> -> memref<64xi32, #tpu.memory_space<vmem>>
    %dma_start3A_115 = arith.constant 0 : i32
    %dma_start3A_116 = arith.constant 0 : i32
    %dma_start3A_117 = tpu.memref_slice %arg6[%dma_start3A_115, %dma_start3A_116] : memref<10240x16xf32, #tpu.memory_space<hbm>> -> memref<10240x16xf32, #tpu.memory_space<hbm>>
    tpu.enqueue_indirect_dma source(%dma_start3A_117 : memref<10240x16xf32, #tpu.memory_space<hbm>>) target(%dma_start3A_112 : memref<64x16xf32, #tpu.memory_space<vmem>>) offsets(%dma_start3A_114 : memref<64xi32, #tpu.memory_space<vmem>>) semaphore(%arg21 : memref<!tpu.dma_semaphore, #tpu.memory_space<semaphore_mem>>)
    %dma_start3A_118 = arith.constant 192 : i32
    %dma_start3A_119 = arith.constant 0 : i32
    %dma_start3A_120 = tpu.memref_slice %arg20[%dma_start3A_118, %dma_start3A_119] : memref<320x16xf32, #tpu.memory_space<vmem>> -> memref<64x16xf32, #tpu.memory_space<vmem>>
    %dma_start3A_121 = arith.constant 192 : i32
    %dma_start3A_122 = tpu.memref_slice %arg18[%dma_start3A_121] : memref<320xi32, #tpu.memory_space<vmem>> -> memref<64xi32, #tpu.memory_space<vmem>>
    %dma_start3A_123 = arith.constant 0 : i32
    %dma_start3A_124 = arith.constant 0 : i32
    %dma_start3A_125 = tpu.memref_slice %arg6[%dma_start3A_123, %dma_start3A_124] : memref<10240x16xf32, #tpu.memory_space<hbm>> -> memref<10240x16xf32, #tpu.memory_space<hbm>>
    tpu.enqueue_indirect_dma source(%dma_start3A_125 : memref<10240x16xf32, #tpu.memory_space<hbm>>) target(%dma_start3A_120 : memref<64x16xf32, #tpu.memory_space<vmem>>) offsets(%dma_start3A_122 : memref<64xi32, #tpu.memory_space<vmem>>) semaphore(%arg21 : memref<!tpu.dma_semaphore, #tpu.memory_space<semaphore_mem>>)
    %dma_start3A_126 = arith.constant 256 : i32
    %dma_start3A_127 = arith.constant 0 : i32
    %dma_start3A_128 = tpu.memref_slice %arg20[%dma_start3A_126, %dma_start3A_127] : memref<320x16xf32, #tpu.memory_space<vmem>> -> memref<64x16xf32, #tpu.memory_space<vmem>>
    %dma_start3A_129 = arith.constant 256 : i32
    %dma_start3A_130 = tpu.memref_slice %arg18[%dma_start3A_129] : memref<320xi32, #tpu.memory_space<vmem>> -> memref<64xi32, #tpu.memory_space<vmem>>
    %dma_start3A_131 = arith.constant 0 : i32
    %dma_start3A_132 = arith.constant 0 : i32
    %dma_start3A_133 = tpu.memref_slice %arg6[%dma_start3A_131, %dma_start3A_132] : memref<10240x16xf32, #tpu.memory_space<hbm>> -> memref<10240x16xf32, #tpu.memory_space<hbm>>
    tpu.enqueue_indirect_dma source(%dma_start3A_133 : memref<10240x16xf32, #tpu.memory_space<hbm>>) target(%dma_start3A_128 : memref<64x16xf32, #tpu.memory_space<vmem>>) offsets(%dma_start3A_130 : memref<64xi32, #tpu.memory_space<vmem>>) semaphore(%arg21 : memref<!tpu.dma_semaphore, #tpu.memory_space<semaphore_mem>>)
    %dma_wait3A_134 = arith.constant 0 : i32
    %dma_wait3A_135 = arith.constant 0 : i32
    %dma_wait3A_136 = tpu.memref_slice %arg20[%dma_wait3A_134, %dma_wait3A_135] : memref<320x16xf32, #tpu.memory_space<vmem>> -> memref<64x16xf32, #tpu.memory_space<vmem>>
    %dma_wait3A_137 = arith.constant 0 : i32
    %dma_wait3A_138 = tpu.memref_slice %arg18[%dma_wait3A_137] : memref<320xi32, #tpu.memory_space<vmem>> -> memref<64xi32, #tpu.memory_space<vmem>>
    %dma_wait3A_139 = arith.constant 0 : i32
    %dma_wait3A_140 = arith.constant 0 : i32
    %dma_wait3A_141 = tpu.memref_slice %arg6[%dma_wait3A_139, %dma_wait3A_140] : memref<10240x16xf32, #tpu.memory_space<hbm>> -> memref<10240x16xf32, #tpu.memory_space<hbm>>
    tpu.wait_indirect_dma semaphore(%arg21 : memref<!tpu.dma_semaphore, #tpu.memory_space<semaphore_mem>>) src(%dma_wait3A_141 : memref<10240x16xf32, #tpu.memory_space<hbm>>) dst(%dma_wait3A_136 : memref<64x16xf32, #tpu.memory_space<vmem>>)
    %dma_wait3A_142 = arith.constant 64 : i32
    %dma_wait3A_143 = arith.constant 0 : i32
    %dma_wait3A_144 = tpu.memref_slice %arg20[%dma_wait3A_142, %dma_wait3A_143] : memref<320x16xf32, #tpu.memory_space<vmem>> -> memref<64x16xf32, #tpu.memory_space<vmem>>
    %dma_wait3A_145 = arith.constant 64 : i32
    %dma_wait3A_146 = tpu.memref_slice %arg18[%dma_wait3A_145] : memref<320xi32, #tpu.memory_space<vmem>> -> memref<64xi32, #tpu.memory_space<vmem>>
    %dma_wait3A_147 = arith.constant 0 : i32
    %dma_wait3A_148 = arith.constant 0 : i32
    %dma_wait3A_149 = tpu.memref_slice %arg6[%dma_wait3A_147, %dma_wait3A_148] : memref<10240x16xf32, #tpu.memory_space<hbm>> -> memref<10240x16xf32, #tpu.memory_space<hbm>>
    tpu.wait_indirect_dma semaphore(%arg21 : memref<!tpu.dma_semaphore, #tpu.memory_space<semaphore_mem>>) src(%dma_wait3A_149 : memref<10240x16xf32, #tpu.memory_space<hbm>>) dst(%dma_wait3A_144 : memref<64x16xf32, #tpu.memory_space<vmem>>)
    %dma_wait3A_150 = arith.constant 128 : i32
    %dma_wait3A_151 = arith.constant 0 : i32
    %dma_wait3A_152 = tpu.memref_slice %arg20[%dma_wait3A_150, %dma_wait3A_151] : memref<320x16xf32, #tpu.memory_space<vmem>> -> memref<64x16xf32, #tpu.memory_space<vmem>>
    %dma_wait3A_153 = arith.constant 128 : i32
    %dma_wait3A_154 = tpu.memref_slice %arg18[%dma_wait3A_153] : memref<320xi32, #tpu.memory_space<vmem>> -> memref<64xi32, #tpu.memory_space<vmem>>
    %dma_wait3A_155 = arith.constant 0 : i32
    %dma_wait3A_156 = arith.constant 0 : i32
    %dma_wait3A_157 = tpu.memref_slice %arg6[%dma_wait3A_155, %dma_wait3A_156] : memref<10240x16xf32, #tpu.memory_space<hbm>> -> memref<10240x16xf32, #tpu.memory_space<hbm>>
    tpu.wait_indirect_dma semaphore(%arg21 : memref<!tpu.dma_semaphore, #tpu.memory_space<semaphore_mem>>) src(%dma_wait3A_157 : memref<10240x16xf32, #tpu.memory_space<hbm>>) dst(%dma_wait3A_152 : memref<64x16xf32, #tpu.memory_space<vmem>>)
    %dma_wait3A_158 = arith.constant 192 : i32
    %dma_wait3A_159 = arith.constant 0 : i32
    %dma_wait3A_160 = tpu.memref_slice %arg20[%dma_wait3A_158, %dma_wait3A_159] : memref<320x16xf32, #tpu.memory_space<vmem>> -> memref<64x16xf32, #tpu.memory_space<vmem>>
    %dma_wait3A_161 = arith.constant 192 : i32
    %dma_wait3A_162 = tpu.memref_slice %arg18[%dma_wait3A_161] : memref<320xi32, #tpu.memory_space<vmem>> -> memref<64xi32, #tpu.memory_space<vmem>>
    %dma_wait3A_163 = arith.constant 0 : i32
    %dma_wait3A_164 = arith.constant 0 : i32
    %dma_wait3A_165 = tpu.memref_slice %arg6[%dma_wait3A_163, %dma_wait3A_164] : memref<10240x16xf32, #tpu.memory_space<hbm>> -> memref<10240x16xf32, #tpu.memory_space<hbm>>
    tpu.wait_indirect_dma semaphore(%arg21 : memref<!tpu.dma_semaphore, #tpu.memory_space<semaphore_mem>>) src(%dma_wait3A_165 : memref<10240x16xf32, #tpu.memory_space<hbm>>) dst(%dma_wait3A_160 : memref<64x16xf32, #tpu.memory_space<vmem>>)
    %dma_wait3A_166 = arith.constant 256 : i32
    %dma_wait3A_167 = arith.constant 0 : i32
    %dma_wait3A_168 = tpu.memref_slice %arg20[%dma_wait3A_166, %dma_wait3A_167] : memref<320x16xf32, #tpu.memory_space<vmem>> -> memref<64x16xf32, #tpu.memory_space<vmem>>
    %dma_wait3A_169 = arith.constant 256 : i32
    %dma_wait3A_170 = tpu.memref_slice %arg18[%dma_wait3A_169] : memref<320xi32, #tpu.memory_space<vmem>> -> memref<64xi32, #tpu.memory_space<vmem>>
    %dma_wait3A_171 = arith.constant 0 : i32
    %dma_wait3A_172 = arith.constant 0 : i32
    %dma_wait3A_173 = tpu.memref_slice %arg6[%dma_wait3A_171, %dma_wait3A_172] : memref<10240x16xf32, #tpu.memory_space<hbm>> -> memref<10240x16xf32, #tpu.memory_space<hbm>>
    tpu.wait_indirect_dma semaphore(%arg21 : memref<!tpu.dma_semaphore, #tpu.memory_space<semaphore_mem>>) src(%dma_wait3A_173 : memref<10240x16xf32, #tpu.memory_space<hbm>>) dst(%dma_wait3A_168 : memref<64x16xf32, #tpu.memory_space<vmem>>)
    "tpu.region"() ({
      %run_scoped3A = tpu.sem_alloc : memref<!tpu.dma_semaphore, #tpu.memory_space<semaphore_mem>>
      %dma_start3A_174 = arith.constant 0 : i32
      %dma_start3A_175 = tpu.memref_slice %arg8[%mul3A_2, %dma_start3A_174] : memref<10240x16xf32, #tpu.memory_space<hbm>> -> memref<320x16xf32, #tpu.memory_space<hbm>>
      %dma_start3A_176 = arith.constant 0 : i32
      %dma_start3A_177 = tpu.memref_slice %arg8[%mul3A_2, %dma_start3A_176] : memref<10240x16xf32, #tpu.memory_space<hbm>> -> memref<320x16xf32, #tpu.memory_space<hbm>>
      tpu.enqueue_dma source(%arg20 : memref<320x16xf32, #tpu.memory_space<vmem>>) target(%dma_start3A_177 : memref<320x16xf32, #tpu.memory_space<hbm>>) target_semaphore(%run_scoped3A : memref<!tpu.dma_semaphore, #tpu.memory_space<semaphore_mem>>)
      %dma_wait3A_178 = arith.constant 0 : i32
      %dma_wait3A_179 = tpu.memref_slice %arg8[%mul3A_2, %dma_wait3A_178] : memref<10240x16xf32, #tpu.memory_space<hbm>> -> memref<320x16xf32, #tpu.memory_space<hbm>>
      %dma_wait3A_180 = arith.constant 0 : i32
      %dma_wait3A_181 = tpu.memref_slice %arg8[%mul3A_2, %dma_wait3A_180] : memref<10240x16xf32, #tpu.memory_space<hbm>> -> memref<320x16xf32, #tpu.memory_space<hbm>>
      tpu.wait_dma2 semaphore(%run_scoped3A : memref<!tpu.dma_semaphore, #tpu.memory_space<semaphore_mem>>) src(%arg20 : memref<320x16xf32, #tpu.memory_space<vmem>>) dst(%dma_wait3A_181 : memref<320x16xf32, #tpu.memory_space<hbm>>)
      tpu.yield
    }) : () -> ()
    "tpu.region"() ({
      %run_scoped3A = tpu.sem_alloc : memref<!tpu.dma_semaphore, #tpu.memory_space<semaphore_mem>>
      %dma_start3A_174 = tpu.memref_slice %arg9[%mul3A_2] : memref<10240xf32, #tpu.memory_space<hbm>> -> memref<320xf32, #tpu.memory_space<hbm>>
      %dma_start3A_175 = tpu.memref_slice %arg9[%mul3A_2] : memref<10240xf32, #tpu.memory_space<hbm>> -> memref<320xf32, #tpu.memory_space<hbm>>
      tpu.enqueue_dma source(%arg19 : memref<320xf32, #tpu.memory_space<vmem>>) target(%dma_start3A_175 : memref<320xf32, #tpu.memory_space<hbm>>) target_semaphore(%run_scoped3A : memref<!tpu.dma_semaphore, #tpu.memory_space<semaphore_mem>>)
      %dma_wait3A_176 = tpu.memref_slice %arg9[%mul3A_2] : memref<10240xf32, #tpu.memory_space<hbm>> -> memref<320xf32, #tpu.memory_space<hbm>>
      %dma_wait3A_177 = tpu.memref_slice %arg9[%mul3A_2] : memref<10240xf32, #tpu.memory_space<hbm>> -> memref<320xf32, #tpu.memory_space<hbm>>
      tpu.wait_dma2 semaphore(%run_scoped3A : memref<!tpu.dma_semaphore, #tpu.memory_space<semaphore_mem>>) src(%arg19 : memref<320xf32, #tpu.memory_space<vmem>>) dst(%dma_wait3A_177 : memref<320xf32, #tpu.memory_space<hbm>>)
      tpu.yield
    }) : () -> ()
    return
  }
}

module attributes {stable_mosaic.version = 14 : i64} {
  func.func @_dense_body(%arg0: i32, %arg1: memref<1024x128xf32, #tpu.memory_space<vmem>>, %arg2: memref<18x128xf32, #tpu.memory_space<vmem>>, %arg3: memref<18x1xf32, #tpu.memory_space<vmem>>, %arg4: memref<4x1024xf32, #tpu.memory_space<vmem>>, %arg5: memref<4x1024xf32, #tpu.memory_space<vmem>>, %arg6: memref<1x1024xf32, #tpu.memory_space<vmem>>, %arg7: memref<16x1024xf32, #tpu.memory_space<vmem>>, %arg8: memref<4x1024xf32, #tpu.memory_space<vmem>>, %arg9: memref<1x1024xf32, #tpu.memory_space<vmem>>) attributes {dimension_semantics = [#tpu.dimension_semantics<arbitrary>], iteration_bounds = array<i64: 10>, scalar_prefetch = 0 : i64, scratch_operands = 0 : i64, tpu.core_type = #tpu.core_type<tc>, window_params = [{transform_indices = @transform_0, window_bounds = array<i64: 1024, 128>}, {pipeline_mode = #tpu.pipeline_mode<synchronous>, transform_indices = @transform_1, window_bounds = array<i64: 18, 128>}, {pipeline_mode = #tpu.pipeline_mode<synchronous>, transform_indices = @transform_2, window_bounds = array<i64: 18, 1>}, {transform_indices = @transform_3, window_bounds = array<i64: 4, 1024>}, {transform_indices = @transform_4, window_bounds = array<i64: 4, 1024>}, {transform_indices = @transform_5, window_bounds = array<i64: 1, 1024>}, {transform_indices = @transform_6, window_bounds = array<i64: 16, 1024>}, {transform_indices = @transform_7, window_bounds = array<i64: 4, 1024>}, {transform_indices = @transform_8, window_bounds = array<i64: 1, 1024>}]} {
    %get3A = arith.constant 0 : index
    %get3A_0 = arith.constant 0 : index
    %get3A_1 = vector.load %arg2[%get3A, %get3A_0] : memref<18x128xf32, #tpu.memory_space<vmem>>, vector<18x128xf32>
    %get3A_2 = arith.constant 0 : index
    %get3A_3 = arith.constant 0 : index
    %get3A_4 = vector.load %arg1[%get3A_2, %get3A_3] : memref<1024x128xf32, #tpu.memory_space<vmem>>, vector<1024x128xf32>
    %dot_general3A = arith.constant dense<0.000000e+00> : vector<18x1024xf32>
    %dot_general3A_5 = tpu.matmul %get3A_1, %get3A_4, %dot_general3A {dimension_numbers = #tpu.dot_dimension_numbers<[1], [1], [0], [0], [0, 0, 1, 0], [], []>, transpose_lhs_hint = false} : vector<18x128xf32>, vector<1024x128xf32>, vector<18x1024xf32> -> vector<18x1024xf32>
    %get3A_6 = arith.constant 0 : index
    %get3A_7 = arith.constant 0 : index
    %get3A_8 = vector.load %arg3[%get3A_6, %get3A_7] : memref<18x1xf32, #tpu.memory_space<vmem>>, vector<18x1xf32>
    %add3A = vector.broadcast %get3A_8 : vector<18x1xf32> to vector<18x1024xf32>
    %add3A_9 = arith.addf %dot_general3A_5, %add3A : vector<18x1024xf32>
    %slice3A = vector.extract_strided_slice %add3A_9 {offsets = [0, 0], sizes = [1, 1024], strides = [1, 1]} : vector<18x1024xf32> to vector<1x1024xf32>
    %custom_jvp_call3A = arith.constant 0.000000e+00 : f32
    %max3A = vector.broadcast %custom_jvp_call3A : f32 to vector<1x1024xf32>
    %max3A_10 = arith.maximumf %slice3A, %max3A : vector<1x1024xf32>
    %sub3A = vector.broadcast %custom_jvp_call3A : f32 to vector<1x1024xf32>
    %sub3A_11 = arith.subf %slice3A, %sub3A : vector<1x1024xf32>
    %ne3A = arith.cmpf one, %sub3A_11, %sub3A_11 : vector<1x1024xf32>
    %add3A_12 = vector.broadcast %custom_jvp_call3A : f32 to vector<1x1024xf32>
    %add3A_13 = arith.addf %slice3A, %add3A_12 : vector<1x1024xf32>
    %abs3A = math.absf %sub3A_11 : vector<1x1024xf32>
    %neg3A = arith.constant 0.000000e+00 : f32
    %neg3A_14 = vector.broadcast %neg3A : f32 to vector<1x1024xf32>
    %neg3A_15 = arith.subf %neg3A_14, %abs3A : vector<1x1024xf32>
    %exp3A = math.exp %neg3A_15 : vector<1x1024xf32>
    %log1p3A = math.log1p %exp3A : vector<1x1024xf32>
    %add3A_16 = arith.addf %max3A_10, %log1p3A : vector<1x1024xf32>
    %select_n3A = arith.select %ne3A, %add3A_13, %add3A_16 : vector<1x1024xi1>, vector<1x1024xf32>
    %jit3A = arith.constant 9.99999997E-7 : f32
    %jit3A_17 = arith.constant 1.000000e+06 : f32
    %max3A_18 = vector.broadcast %jit3A : f32 to vector<1x1024xf32>
    %max3A_19 = arith.maximumf %max3A_18, %select_n3A : vector<1x1024xf32>
    %min3A = vector.broadcast %jit3A_17 : f32 to vector<1x1024xf32>
    %min3A_20 = arith.minimumf %min3A, %max3A_19 : vector<1x1024xf32>
    %slice3A_21 = vector.extract_strided_slice %add3A_9 {offsets = [1, 0], sizes = [1, 1024], strides = [1, 1]} : vector<18x1024xf32> to vector<1x1024xf32>
    %custom_jvp_call3A_22 = arith.constant 0.000000e+00 : f32
    %max3A_23 = vector.broadcast %custom_jvp_call3A_22 : f32 to vector<1x1024xf32>
    %max3A_24 = arith.maximumf %slice3A_21, %max3A_23 : vector<1x1024xf32>
    %sub3A_25 = vector.broadcast %custom_jvp_call3A_22 : f32 to vector<1x1024xf32>
    %sub3A_26 = arith.subf %slice3A_21, %sub3A_25 : vector<1x1024xf32>
    %ne3A_27 = arith.cmpf one, %sub3A_26, %sub3A_26 : vector<1x1024xf32>
    %add3A_28 = vector.broadcast %custom_jvp_call3A_22 : f32 to vector<1x1024xf32>
    %add3A_29 = arith.addf %slice3A_21, %add3A_28 : vector<1x1024xf32>
    %abs3A_30 = math.absf %sub3A_26 : vector<1x1024xf32>
    %neg3A_31 = arith.constant 0.000000e+00 : f32
    %neg3A_32 = vector.broadcast %neg3A_31 : f32 to vector<1x1024xf32>
    %neg3A_33 = arith.subf %neg3A_32, %abs3A_30 : vector<1x1024xf32>
    %exp3A_34 = math.exp %neg3A_33 : vector<1x1024xf32>
    %log1p3A_35 = math.log1p %exp3A_34 : vector<1x1024xf32>
    %add3A_36 = arith.addf %max3A_24, %log1p3A_35 : vector<1x1024xf32>
    %select_n3A_37 = arith.select %ne3A_27, %add3A_29, %add3A_36 : vector<1x1024xi1>, vector<1x1024xf32>
    %jit3A_38 = arith.constant 9.99999997E-7 : f32
    %jit3A_39 = arith.constant 1.000000e+06 : f32
    %max3A_40 = vector.broadcast %jit3A_38 : f32 to vector<1x1024xf32>
    %max3A_41 = arith.maximumf %max3A_40, %select_n3A_37 : vector<1x1024xf32>
    %min3A_42 = vector.broadcast %jit3A_39 : f32 to vector<1x1024xf32>
    %min3A_43 = arith.minimumf %min3A_42, %max3A_41 : vector<1x1024xf32>
    %slice3A_44 = vector.extract_strided_slice %add3A_9 {offsets = [2, 0], sizes = [1, 1024], strides = [1, 1]} : vector<18x1024xf32> to vector<1x1024xf32>
    %slice3A_45 = vector.extract_strided_slice %add3A_9 {offsets = [3, 0], sizes = [1, 1024], strides = [1, 1]} : vector<18x1024xf32> to vector<1x1024xf32>
    %slice3A_46 = vector.extract_strided_slice %add3A_9 {offsets = [4, 0], sizes = [1, 1024], strides = [1, 1]} : vector<18x1024xf32> to vector<1x1024xf32>
    %slice3A_47 = vector.extract_strided_slice %add3A_9 {offsets = [5, 0], sizes = [1, 1024], strides = [1, 1]} : vector<18x1024xf32> to vector<1x1024xf32>
    %slice3A_48 = vector.extract_strided_slice %add3A_9 {offsets = [6, 0], sizes = [1, 1024], strides = [1, 1]} : vector<18x1024xf32> to vector<1x1024xf32>
    %slice3A_49 = vector.extract_strided_slice %add3A_9 {offsets = [7, 0], sizes = [1, 1024], strides = [1, 1]} : vector<18x1024xf32> to vector<1x1024xf32>
    %slice3A_50 = vector.extract_strided_slice %add3A_9 {offsets = [8, 0], sizes = [1, 1024], strides = [1, 1]} : vector<18x1024xf32> to vector<1x1024xf32>
    %slice3A_51 = vector.extract_strided_slice %add3A_9 {offsets = [9, 0], sizes = [1, 1024], strides = [1, 1]} : vector<18x1024xf32> to vector<1x1024xf32>
    %slice3A_52 = vector.extract_strided_slice %add3A_9 {offsets = [10, 0], sizes = [1, 1024], strides = [1, 1]} : vector<18x1024xf32> to vector<1x1024xf32>
    %slice3A_53 = vector.extract_strided_slice %add3A_9 {offsets = [11, 0], sizes = [1, 1024], strides = [1, 1]} : vector<18x1024xf32> to vector<1x1024xf32>
    %slice3A_54 = vector.extract_strided_slice %add3A_9 {offsets = [12, 0], sizes = [1, 1024], strides = [1, 1]} : vector<18x1024xf32> to vector<1x1024xf32>
    %slice3A_55 = vector.extract_strided_slice %add3A_9 {offsets = [13, 0], sizes = [1, 1024], strides = [1, 1]} : vector<18x1024xf32> to vector<1x1024xf32>
    %slice3A_56 = vector.extract_strided_slice %add3A_9 {offsets = [14, 0], sizes = [1, 1024], strides = [1, 1]} : vector<18x1024xf32> to vector<1x1024xf32>
    %slice3A_57 = vector.extract_strided_slice %add3A_9 {offsets = [15, 0], sizes = [1, 1024], strides = [1, 1]} : vector<18x1024xf32> to vector<1x1024xf32>
    %slice3A_58 = vector.extract_strided_slice %add3A_9 {offsets = [16, 0], sizes = [1, 1024], strides = [1, 1]} : vector<18x1024xf32> to vector<1x1024xf32>
    %slice3A_59 = vector.extract_strided_slice %add3A_9 {offsets = [17, 0], sizes = [1, 1024], strides = [1, 1]} : vector<18x1024xf32> to vector<1x1024xf32>
    %convert_element_type3A = arith.truncf %slice3A_44 : vector<1x1024xf32> to vector<1x1024xbf16>
    %convert_element_type3A_60 = arith.extf %convert_element_type3A : vector<1x1024xbf16> to vector<1x1024xf32>
    %convert_element_type3A_61 = arith.truncf %slice3A_45 : vector<1x1024xf32> to vector<1x1024xbf16>
    %convert_element_type3A_62 = arith.extf %convert_element_type3A_61 : vector<1x1024xbf16> to vector<1x1024xf32>
    %convert_element_type3A_63 = arith.truncf %slice3A_46 : vector<1x1024xf32> to vector<1x1024xbf16>
    %convert_element_type3A_64 = arith.extf %convert_element_type3A_63 : vector<1x1024xbf16> to vector<1x1024xf32>
    %convert_element_type3A_65 = arith.truncf %slice3A_47 : vector<1x1024xf32> to vector<1x1024xbf16>
    %convert_element_type3A_66 = arith.extf %convert_element_type3A_65 : vector<1x1024xbf16> to vector<1x1024xf32>
    %convert_element_type3A_67 = arith.truncf %slice3A_48 : vector<1x1024xf32> to vector<1x1024xbf16>
    %convert_element_type3A_68 = arith.extf %convert_element_type3A_67 : vector<1x1024xbf16> to vector<1x1024xf32>
    %convert_element_type3A_69 = arith.truncf %slice3A_49 : vector<1x1024xf32> to vector<1x1024xbf16>
    %convert_element_type3A_70 = arith.extf %convert_element_type3A_69 : vector<1x1024xbf16> to vector<1x1024xf32>
    %convert_element_type3A_71 = arith.truncf %slice3A_50 : vector<1x1024xf32> to vector<1x1024xbf16>
    %convert_element_type3A_72 = arith.extf %convert_element_type3A_71 : vector<1x1024xbf16> to vector<1x1024xf32>
    %convert_element_type3A_73 = arith.truncf %slice3A_51 : vector<1x1024xf32> to vector<1x1024xbf16>
    %convert_element_type3A_74 = arith.extf %convert_element_type3A_73 : vector<1x1024xbf16> to vector<1x1024xf32>
    %convert_element_type3A_75 = arith.truncf %slice3A_52 : vector<1x1024xf32> to vector<1x1024xbf16>
    %convert_element_type3A_76 = arith.extf %convert_element_type3A_75 : vector<1x1024xbf16> to vector<1x1024xf32>
    %convert_element_type3A_77 = arith.truncf %slice3A_53 : vector<1x1024xf32> to vector<1x1024xbf16>
    %convert_element_type3A_78 = arith.extf %convert_element_type3A_77 : vector<1x1024xbf16> to vector<1x1024xf32>
    %convert_element_type3A_79 = arith.truncf %slice3A_54 : vector<1x1024xf32> to vector<1x1024xbf16>
    %convert_element_type3A_80 = arith.extf %convert_element_type3A_79 : vector<1x1024xbf16> to vector<1x1024xf32>
    %convert_element_type3A_81 = arith.truncf %slice3A_55 : vector<1x1024xf32> to vector<1x1024xbf16>
    %convert_element_type3A_82 = arith.extf %convert_element_type3A_81 : vector<1x1024xbf16> to vector<1x1024xf32>
    %convert_element_type3A_83 = arith.truncf %slice3A_56 : vector<1x1024xf32> to vector<1x1024xbf16>
    %convert_element_type3A_84 = arith.extf %convert_element_type3A_83 : vector<1x1024xbf16> to vector<1x1024xf32>
    %convert_element_type3A_85 = arith.truncf %slice3A_57 : vector<1x1024xf32> to vector<1x1024xbf16>
    %convert_element_type3A_86 = arith.extf %convert_element_type3A_85 : vector<1x1024xbf16> to vector<1x1024xf32>
    %convert_element_type3A_87 = arith.truncf %slice3A_58 : vector<1x1024xf32> to vector<1x1024xbf16>
    %convert_element_type3A_88 = arith.extf %convert_element_type3A_87 : vector<1x1024xbf16> to vector<1x1024xf32>
    %convert_element_type3A_89 = arith.truncf %slice3A_59 : vector<1x1024xf32> to vector<1x1024xbf16>
    %convert_element_type3A_90 = arith.extf %convert_element_type3A_89 : vector<1x1024xbf16> to vector<1x1024xf32>
    %mul3A = arith.mulf %convert_element_type3A_60, %convert_element_type3A_60 : vector<1x1024xf32>
    %mul3A_91 = arith.mulf %convert_element_type3A_62, %convert_element_type3A_62 : vector<1x1024xf32>
    %add3A_92 = arith.addf %mul3A, %mul3A_91 : vector<1x1024xf32>
    %mul3A_93 = arith.mulf %convert_element_type3A_64, %convert_element_type3A_64 : vector<1x1024xf32>
    %add3A_94 = arith.addf %add3A_92, %mul3A_93 : vector<1x1024xf32>
    %mul3A_95 = arith.mulf %convert_element_type3A_66, %convert_element_type3A_66 : vector<1x1024xf32>
    %add3A_96 = arith.addf %add3A_94, %mul3A_95 : vector<1x1024xf32>
    %mul3A_97 = arith.mulf %min3A_20, %add3A_96 : vector<1x1024xf32>
    %add3A_98 = arith.addf %mul3A_97, %min3A_43 : vector<1x1024xf32>
    %mul3A_99 = arith.mulf %convert_element_type3A_60, %convert_element_type3A_68 : vector<1x1024xf32>
    %mul3A_100 = arith.mulf %convert_element_type3A_62, %convert_element_type3A_70 : vector<1x1024xf32>
    %add3A_101 = arith.addf %mul3A_99, %mul3A_100 : vector<1x1024xf32>
    %mul3A_102 = arith.mulf %convert_element_type3A_64, %convert_element_type3A_72 : vector<1x1024xf32>
    %add3A_103 = arith.addf %add3A_101, %mul3A_102 : vector<1x1024xf32>
    %mul3A_104 = arith.mulf %convert_element_type3A_66, %convert_element_type3A_74 : vector<1x1024xf32>
    %add3A_105 = arith.addf %add3A_103, %mul3A_104 : vector<1x1024xf32>
    %mul3A_106 = arith.mulf %min3A_20, %add3A_105 : vector<1x1024xf32>
    %mul3A_107 = arith.mulf %convert_element_type3A_60, %convert_element_type3A_76 : vector<1x1024xf32>
    %mul3A_108 = arith.mulf %convert_element_type3A_62, %convert_element_type3A_78 : vector<1x1024xf32>
    %add3A_109 = arith.addf %mul3A_107, %mul3A_108 : vector<1x1024xf32>
    %mul3A_110 = arith.mulf %convert_element_type3A_64, %convert_element_type3A_80 : vector<1x1024xf32>
    %add3A_111 = arith.addf %add3A_109, %mul3A_110 : vector<1x1024xf32>
    %mul3A_112 = arith.mulf %convert_element_type3A_66, %convert_element_type3A_82 : vector<1x1024xf32>
    %add3A_113 = arith.addf %add3A_111, %mul3A_112 : vector<1x1024xf32>
    %mul3A_114 = arith.mulf %min3A_20, %add3A_113 : vector<1x1024xf32>
    %mul3A_115 = arith.mulf %convert_element_type3A_60, %convert_element_type3A_84 : vector<1x1024xf32>
    %mul3A_116 = arith.mulf %convert_element_type3A_62, %convert_element_type3A_86 : vector<1x1024xf32>
    %add3A_117 = arith.addf %mul3A_115, %mul3A_116 : vector<1x1024xf32>
    %mul3A_118 = arith.mulf %convert_element_type3A_64, %convert_element_type3A_88 : vector<1x1024xf32>
    %add3A_119 = arith.addf %add3A_117, %mul3A_118 : vector<1x1024xf32>
    %mul3A_120 = arith.mulf %convert_element_type3A_66, %convert_element_type3A_90 : vector<1x1024xf32>
    %add3A_121 = arith.addf %add3A_119, %mul3A_120 : vector<1x1024xf32>
    %mul3A_122 = arith.mulf %min3A_20, %add3A_121 : vector<1x1024xf32>
    %mul3A_123 = arith.mulf %convert_element_type3A_68, %convert_element_type3A_68 : vector<1x1024xf32>
    %mul3A_124 = arith.mulf %convert_element_type3A_70, %convert_element_type3A_70 : vector<1x1024xf32>
    %add3A_125 = arith.addf %mul3A_123, %mul3A_124 : vector<1x1024xf32>
    %mul3A_126 = arith.mulf %convert_element_type3A_72, %convert_element_type3A_72 : vector<1x1024xf32>
    %add3A_127 = arith.addf %add3A_125, %mul3A_126 : vector<1x1024xf32>
    %mul3A_128 = arith.mulf %convert_element_type3A_74, %convert_element_type3A_74 : vector<1x1024xf32>
    %add3A_129 = arith.addf %add3A_127, %mul3A_128 : vector<1x1024xf32>
    %mul3A_130 = arith.mulf %min3A_20, %add3A_129 : vector<1x1024xf32>
    %add3A_131 = arith.addf %mul3A_130, %min3A_43 : vector<1x1024xf32>
    %mul3A_132 = arith.mulf %convert_element_type3A_68, %convert_element_type3A_76 : vector<1x1024xf32>
    %mul3A_133 = arith.mulf %convert_element_type3A_70, %convert_element_type3A_78 : vector<1x1024xf32>
    %add3A_134 = arith.addf %mul3A_132, %mul3A_133 : vector<1x1024xf32>
    %mul3A_135 = arith.mulf %convert_element_type3A_72, %convert_element_type3A_80 : vector<1x1024xf32>
    %add3A_136 = arith.addf %add3A_134, %mul3A_135 : vector<1x1024xf32>
    %mul3A_137 = arith.mulf %convert_element_type3A_74, %convert_element_type3A_82 : vector<1x1024xf32>
    %add3A_138 = arith.addf %add3A_136, %mul3A_137 : vector<1x1024xf32>
    %mul3A_139 = arith.mulf %min3A_20, %add3A_138 : vector<1x1024xf32>
    %mul3A_140 = arith.mulf %convert_element_type3A_68, %convert_element_type3A_84 : vector<1x1024xf32>
    %mul3A_141 = arith.mulf %convert_element_type3A_70, %convert_element_type3A_86 : vector<1x1024xf32>
    %add3A_142 = arith.addf %mul3A_140, %mul3A_141 : vector<1x1024xf32>
    %mul3A_143 = arith.mulf %convert_element_type3A_72, %convert_element_type3A_88 : vector<1x1024xf32>
    %add3A_144 = arith.addf %add3A_142, %mul3A_143 : vector<1x1024xf32>
    %mul3A_145 = arith.mulf %convert_element_type3A_74, %convert_element_type3A_90 : vector<1x1024xf32>
    %add3A_146 = arith.addf %add3A_144, %mul3A_145 : vector<1x1024xf32>
    %mul3A_147 = arith.mulf %min3A_20, %add3A_146 : vector<1x1024xf32>
    %mul3A_148 = arith.mulf %convert_element_type3A_76, %convert_element_type3A_76 : vector<1x1024xf32>
    %mul3A_149 = arith.mulf %convert_element_type3A_78, %convert_element_type3A_78 : vector<1x1024xf32>
    %add3A_150 = arith.addf %mul3A_148, %mul3A_149 : vector<1x1024xf32>
    %mul3A_151 = arith.mulf %convert_element_type3A_80, %convert_element_type3A_80 : vector<1x1024xf32>
    %add3A_152 = arith.addf %add3A_150, %mul3A_151 : vector<1x1024xf32>
    %mul3A_153 = arith.mulf %convert_element_type3A_82, %convert_element_type3A_82 : vector<1x1024xf32>
    %add3A_154 = arith.addf %add3A_152, %mul3A_153 : vector<1x1024xf32>
    %mul3A_155 = arith.mulf %min3A_20, %add3A_154 : vector<1x1024xf32>
    %add3A_156 = arith.addf %mul3A_155, %min3A_43 : vector<1x1024xf32>
    %mul3A_157 = arith.mulf %convert_element_type3A_76, %convert_element_type3A_84 : vector<1x1024xf32>
    %mul3A_158 = arith.mulf %convert_element_type3A_78, %convert_element_type3A_86 : vector<1x1024xf32>
    %add3A_159 = arith.addf %mul3A_157, %mul3A_158 : vector<1x1024xf32>
    %mul3A_160 = arith.mulf %convert_element_type3A_80, %convert_element_type3A_88 : vector<1x1024xf32>
    %add3A_161 = arith.addf %add3A_159, %mul3A_160 : vector<1x1024xf32>
    %mul3A_162 = arith.mulf %convert_element_type3A_82, %convert_element_type3A_90 : vector<1x1024xf32>
    %add3A_163 = arith.addf %add3A_161, %mul3A_162 : vector<1x1024xf32>
    %mul3A_164 = arith.mulf %min3A_20, %add3A_163 : vector<1x1024xf32>
    %mul3A_165 = arith.mulf %convert_element_type3A_84, %convert_element_type3A_84 : vector<1x1024xf32>
    %mul3A_166 = arith.mulf %convert_element_type3A_86, %convert_element_type3A_86 : vector<1x1024xf32>
    %add3A_167 = arith.addf %mul3A_165, %mul3A_166 : vector<1x1024xf32>
    %mul3A_168 = arith.mulf %convert_element_type3A_88, %convert_element_type3A_88 : vector<1x1024xf32>
    %add3A_169 = arith.addf %add3A_167, %mul3A_168 : vector<1x1024xf32>
    %mul3A_170 = arith.mulf %convert_element_type3A_90, %convert_element_type3A_90 : vector<1x1024xf32>
    %add3A_171 = arith.addf %add3A_169, %mul3A_170 : vector<1x1024xf32>
    %mul3A_172 = arith.mulf %min3A_20, %add3A_171 : vector<1x1024xf32>
    %add3A_173 = arith.addf %mul3A_172, %min3A_43 : vector<1x1024xf32>
    %mul3A_174 = arith.mulf %mul3A_114, %mul3A_147 : vector<1x1024xf32>
    %mul3A_175 = arith.mulf %mul3A_139, %mul3A_122 : vector<1x1024xf32>
    %sub3A_176 = arith.subf %mul3A_174, %mul3A_175 : vector<1x1024xf32>
    %mul3A_177 = arith.mulf %mul3A_114, %mul3A_164 : vector<1x1024xf32>
    %mul3A_178 = arith.mulf %add3A_156, %mul3A_122 : vector<1x1024xf32>
    %sub3A_179 = arith.subf %mul3A_177, %mul3A_178 : vector<1x1024xf32>
    %mul3A_180 = arith.mulf %mul3A_114, %add3A_173 : vector<1x1024xf32>
    %mul3A_181 = arith.mulf %mul3A_164, %mul3A_122 : vector<1x1024xf32>
    %sub3A_182 = arith.subf %mul3A_180, %mul3A_181 : vector<1x1024xf32>
    %mul3A_183 = arith.mulf %mul3A_139, %mul3A_164 : vector<1x1024xf32>
    %mul3A_184 = arith.mulf %add3A_156, %mul3A_147 : vector<1x1024xf32>
    %sub3A_185 = arith.subf %mul3A_183, %mul3A_184 : vector<1x1024xf32>
    %mul3A_186 = arith.mulf %mul3A_139, %add3A_173 : vector<1x1024xf32>
    %mul3A_187 = arith.mulf %mul3A_164, %mul3A_147 : vector<1x1024xf32>
    %sub3A_188 = arith.subf %mul3A_186, %mul3A_187 : vector<1x1024xf32>
    %mul3A_189 = arith.mulf %add3A_156, %add3A_173 : vector<1x1024xf32>
    %mul3A_190 = arith.mulf %mul3A_164, %mul3A_164 : vector<1x1024xf32>
    %sub3A_191 = arith.subf %mul3A_189, %mul3A_190 : vector<1x1024xf32>
    %mul3A_192 = arith.mulf %add3A_131, %sub3A_191 : vector<1x1024xf32>
    %mul3A_193 = arith.mulf %mul3A_139, %sub3A_188 : vector<1x1024xf32>
    %sub3A_194 = arith.subf %mul3A_192, %mul3A_193 : vector<1x1024xf32>
    %mul3A_195 = arith.mulf %mul3A_147, %sub3A_185 : vector<1x1024xf32>
    %add3A_196 = arith.addf %sub3A_194, %mul3A_195 : vector<1x1024xf32>
    %mul3A_197 = arith.mulf %mul3A_106, %sub3A_191 : vector<1x1024xf32>
    %mul3A_198 = arith.mulf %mul3A_139, %sub3A_182 : vector<1x1024xf32>
    %sub3A_199 = arith.subf %mul3A_197, %mul3A_198 : vector<1x1024xf32>
    %mul3A_200 = arith.mulf %mul3A_147, %sub3A_179 : vector<1x1024xf32>
    %add3A_201 = arith.addf %sub3A_199, %mul3A_200 : vector<1x1024xf32>
    %mul3A_202 = arith.mulf %mul3A_106, %sub3A_188 : vector<1x1024xf32>
    %mul3A_203 = arith.mulf %add3A_131, %sub3A_182 : vector<1x1024xf32>
    %sub3A_204 = arith.subf %mul3A_202, %mul3A_203 : vector<1x1024xf32>
    %mul3A_205 = arith.mulf %mul3A_147, %sub3A_176 : vector<1x1024xf32>
    %add3A_206 = arith.addf %sub3A_204, %mul3A_205 : vector<1x1024xf32>
    %mul3A_207 = arith.mulf %mul3A_106, %sub3A_185 : vector<1x1024xf32>
    %mul3A_208 = arith.mulf %add3A_131, %sub3A_179 : vector<1x1024xf32>
    %sub3A_209 = arith.subf %mul3A_207, %mul3A_208 : vector<1x1024xf32>
    %mul3A_210 = arith.mulf %mul3A_139, %sub3A_176 : vector<1x1024xf32>
    %add3A_211 = arith.addf %sub3A_209, %mul3A_210 : vector<1x1024xf32>
    %mul3A_212 = arith.mulf %add3A_98, %add3A_196 : vector<1x1024xf32>
    %mul3A_213 = arith.mulf %mul3A_106, %add3A_201 : vector<1x1024xf32>
    %sub3A_214 = arith.subf %mul3A_212, %mul3A_213 : vector<1x1024xf32>
    %mul3A_215 = arith.mulf %mul3A_114, %add3A_206 : vector<1x1024xf32>
    %add3A_216 = arith.addf %sub3A_214, %mul3A_215 : vector<1x1024xf32>
    %mul3A_217 = arith.mulf %mul3A_122, %add3A_211 : vector<1x1024xf32>
    %sub3A_218 = arith.subf %add3A_216, %mul3A_217 : vector<1x1024xf32>
    %add3A_219 = arith.addf %add3A_98, %add3A_131 : vector<1x1024xf32>
    %add3A_220 = arith.addf %add3A_219, %add3A_156 : vector<1x1024xf32>
    %add3A_221 = arith.addf %add3A_220, %add3A_173 : vector<1x1024xf32>
    %abs3A_222 = math.absf %sub3A_218 : vector<1x1024xf32>
    %add3A_223 = arith.constant 9.99999997E-7 : f32
    %add3A_224 = vector.broadcast %add3A_223 : f32 to vector<1x1024xf32>
    %add3A_225 = arith.addf %abs3A_222, %add3A_224 : vector<1x1024xf32>
    %div3A = arith.constant 1.000000e+00 : f32
    %div3A_226 = vector.broadcast %div3A : f32 to vector<1x1024xf32>
    %div3A_227 = arith.divf %div3A_226, %add3A_225 : vector<1x1024xf32>
    %log3A = math.log %div3A_227 : vector<1x1024xf32>
    %add3A_228 = arith.constant -4.000000e+00 : f32
    %add3A_229 = vector.broadcast %add3A_228 : f32 to vector<1x1024xf32>
    %add3A_230 = arith.addf %log3A, %add3A_229 : vector<1x1024xf32>
    %add3A_231 = arith.addf %add3A_230, %add3A_221 : vector<1x1024xf32>
    %div3A_232 = arith.constant 2.000000e+00 : f32
    %div3A_233 = vector.broadcast %div3A_232 : f32 to vector<1x1024xf32>
    %div3A_234 = arith.divf %add3A_231, %div3A_233 : vector<1x1024xf32>
    %sqrt3A = math.sqrt %min3A_20 : vector<1x1024xf32>
    %sqrt3A_235 = math.sqrt %min3A_43 : vector<1x1024xf32>
    %swap3A = arith.constant 0 : index
    %swap3A_236 = arith.constant 0 : index
    %swap3A_237 = vector.load %arg6[%swap3A, %swap3A_236] : memref<1x1024xf32, #tpu.memory_space<vmem>>, vector<1x1024xf32>
    tpu.vector_store %arg6[%swap3A, %swap3A_236], %sub3A_218 {strides = array<i32>} : memref<1x1024xf32, #tpu.memory_space<vmem>>, vector<1x1024xf32>,
    %swap3A_238 = arith.constant 0 : index
    %swap3A_239 = arith.constant 0 : index
    %swap3A_240 = vector.load %arg9[%swap3A_238, %swap3A_239] : memref<1x1024xf32, #tpu.memory_space<vmem>>, vector<1x1024xf32>
    tpu.vector_store %arg9[%swap3A_238, %swap3A_239], %div3A_234 {strides = array<i32>} : memref<1x1024xf32, #tpu.memory_space<vmem>>, vector<1x1024xf32>,
    %get3A_241 = arith.constant 0 : index
    %get3A_242 = arith.constant 0 : index
    %get3A_243 = vector.load %arg4[%get3A_241, %get3A_242] : memref<4x1024xf32, #tpu.memory_space<vmem>>, vector<1x1024xf32>
    %mul3A_244 = arith.mulf %slice3A_44, %get3A_243 : vector<1x1024xf32>
    %get3A_245 = arith.constant 1 : index
    %get3A_246 = arith.constant 0 : index
    %get3A_247 = vector.load %arg4[%get3A_245, %get3A_246] : memref<4x1024xf32, #tpu.memory_space<vmem>>, vector<1x1024xf32>
    %mul3A_248 = arith.mulf %slice3A_45, %get3A_247 : vector<1x1024xf32>
    %add3A_249 = arith.addf %mul3A_244, %mul3A_248 : vector<1x1024xf32>
    %get3A_250 = arith.constant 2 : index
    %get3A_251 = arith.constant 0 : index
    %get3A_252 = vector.load %arg4[%get3A_250, %get3A_251] : memref<4x1024xf32, #tpu.memory_space<vmem>>, vector<1x1024xf32>
    %mul3A_253 = arith.mulf %slice3A_46, %get3A_252 : vector<1x1024xf32>
    %add3A_254 = arith.addf %add3A_249, %mul3A_253 : vector<1x1024xf32>
    %get3A_255 = arith.constant 3 : index
    %get3A_256 = arith.constant 0 : index
    %get3A_257 = vector.load %arg4[%get3A_255, %get3A_256] : memref<4x1024xf32, #tpu.memory_space<vmem>>, vector<1x1024xf32>
    %mul3A_258 = arith.mulf %slice3A_47, %get3A_257 : vector<1x1024xf32>
    %add3A_259 = arith.addf %add3A_254, %mul3A_258 : vector<1x1024xf32>
    %mul3A_260 = arith.mulf %sqrt3A, %add3A_259 : vector<1x1024xf32>
    %get3A_261 = arith.constant 0 : index
    %get3A_262 = arith.constant 0 : index
    %get3A_263 = vector.load %arg5[%get3A_261, %get3A_262] : memref<4x1024xf32, #tpu.memory_space<vmem>>, vector<1x1024xf32>
    %mul3A_264 = arith.mulf %sqrt3A_235, %get3A_263 : vector<1x1024xf32>
    %add3A_265 = arith.addf %mul3A_260, %mul3A_264 : vector<1x1024xf32>
    %swap3A_266 = arith.constant 0 : index
    %swap3A_267 = arith.constant 0 : index
    %swap3A_268 = vector.load %arg8[%swap3A_266, %swap3A_267] : memref<4x1024xf32, #tpu.memory_space<vmem>>, vector<1x1024xf32>
    tpu.vector_store %arg8[%swap3A_266, %swap3A_267], %add3A_265 {strides = array<i32>} : memref<4x1024xf32, #tpu.memory_space<vmem>>, vector<1x1024xf32>,
    %get3A_269 = arith.constant 0 : index
    %get3A_270 = arith.constant 0 : index
    %get3A_271 = vector.load %arg4[%get3A_269, %get3A_270] : memref<4x1024xf32, #tpu.memory_space<vmem>>, vector<1x1024xf32>
    %mul3A_272 = arith.mulf %slice3A_48, %get3A_271 : vector<1x1024xf32>
    %get3A_273 = arith.constant 1 : index
    %get3A_274 = arith.constant 0 : index
    %get3A_275 = vector.load %arg4[%get3A_273, %get3A_274] : memref<4x1024xf32, #tpu.memory_space<vmem>>, vector<1x1024xf32>
    %mul3A_276 = arith.mulf %slice3A_49, %get3A_275 : vector<1x1024xf32>
    %add3A_277 = arith.addf %mul3A_272, %mul3A_276 : vector<1x1024xf32>
    %get3A_278 = arith.constant 2 : index
    %get3A_279 = arith.constant 0 : index
    %get3A_280 = vector.load %arg4[%get3A_278, %get3A_279] : memref<4x1024xf32, #tpu.memory_space<vmem>>, vector<1x1024xf32>
    %mul3A_281 = arith.mulf %slice3A_50, %get3A_280 : vector<1x1024xf32>
    %add3A_282 = arith.addf %add3A_277, %mul3A_281 : vector<1x1024xf32>
    %get3A_283 = arith.constant 3 : index
    %get3A_284 = arith.constant 0 : index
    %get3A_285 = vector.load %arg4[%get3A_283, %get3A_284] : memref<4x1024xf32, #tpu.memory_space<vmem>>, vector<1x1024xf32>
    %mul3A_286 = arith.mulf %slice3A_51, %get3A_285 : vector<1x1024xf32>
    %add3A_287 = arith.addf %add3A_282, %mul3A_286 : vector<1x1024xf32>
    %mul3A_288 = arith.mulf %sqrt3A, %add3A_287 : vector<1x1024xf32>
    %get3A_289 = arith.constant 1 : index
    %get3A_290 = arith.constant 0 : index
    %get3A_291 = vector.load %arg5[%get3A_289, %get3A_290] : memref<4x1024xf32, #tpu.memory_space<vmem>>, vector<1x1024xf32>
    %mul3A_292 = arith.mulf %sqrt3A_235, %get3A_291 : vector<1x1024xf32>
    %add3A_293 = arith.addf %mul3A_288, %mul3A_292 : vector<1x1024xf32>
    %swap3A_294 = arith.constant 1 : index
    %swap3A_295 = arith.constant 0 : index
    %swap3A_296 = vector.load %arg8[%swap3A_294, %swap3A_295] : memref<4x1024xf32, #tpu.memory_space<vmem>>, vector<1x1024xf32>
    tpu.vector_store %arg8[%swap3A_294, %swap3A_295], %add3A_293 {strides = array<i32>} : memref<4x1024xf32, #tpu.memory_space<vmem>>, vector<1x1024xf32>,
    %get3A_297 = arith.constant 0 : index
    %get3A_298 = arith.constant 0 : index
    %get3A_299 = vector.load %arg4[%get3A_297, %get3A_298] : memref<4x1024xf32, #tpu.memory_space<vmem>>, vector<1x1024xf32>
    %mul3A_300 = arith.mulf %slice3A_52, %get3A_299 : vector<1x1024xf32>
    %get3A_301 = arith.constant 1 : index
    %get3A_302 = arith.constant 0 : index
    %get3A_303 = vector.load %arg4[%get3A_301, %get3A_302] : memref<4x1024xf32, #tpu.memory_space<vmem>>, vector<1x1024xf32>
    %mul3A_304 = arith.mulf %slice3A_53, %get3A_303 : vector<1x1024xf32>
    %add3A_305 = arith.addf %mul3A_300, %mul3A_304 : vector<1x1024xf32>
    %get3A_306 = arith.constant 2 : index
    %get3A_307 = arith.constant 0 : index
    %get3A_308 = vector.load %arg4[%get3A_306, %get3A_307] : memref<4x1024xf32, #tpu.memory_space<vmem>>, vector<1x1024xf32>
    %mul3A_309 = arith.mulf %slice3A_54, %get3A_308 : vector<1x1024xf32>
    %add3A_310 = arith.addf %add3A_305, %mul3A_309 : vector<1x1024xf32>
    %get3A_311 = arith.constant 3 : index
    %get3A_312 = arith.constant 0 : index
    %get3A_313 = vector.load %arg4[%get3A_311, %get3A_312] : memref<4x1024xf32, #tpu.memory_space<vmem>>, vector<1x1024xf32>
    %mul3A_314 = arith.mulf %slice3A_55, %get3A_313 : vector<1x1024xf32>
    %add3A_315 = arith.addf %add3A_310, %mul3A_314 : vector<1x1024xf32>
    %mul3A_316 = arith.mulf %sqrt3A, %add3A_315 : vector<1x1024xf32>
    %get3A_317 = arith.constant 2 : index
    %get3A_318 = arith.constant 0 : index
    %get3A_319 = vector.load %arg5[%get3A_317, %get3A_318] : memref<4x1024xf32, #tpu.memory_space<vmem>>, vector<1x1024xf32>
    %mul3A_320 = arith.mulf %sqrt3A_235, %get3A_319 : vector<1x1024xf32>
    %add3A_321 = arith.addf %mul3A_316, %mul3A_320 : vector<1x1024xf32>
    %swap3A_322 = arith.constant 2 : index
    %swap3A_323 = arith.constant 0 : index
    %swap3A_324 = vector.load %arg8[%swap3A_322, %swap3A_323] : memref<4x1024xf32, #tpu.memory_space<vmem>>, vector<1x1024xf32>
    tpu.vector_store %arg8[%swap3A_322, %swap3A_323], %add3A_321 {strides = array<i32>} : memref<4x1024xf32, #tpu.memory_space<vmem>>, vector<1x1024xf32>,
    %get3A_325 = arith.constant 0 : index
    %get3A_326 = arith.constant 0 : index
    %get3A_327 = vector.load %arg4[%get3A_325, %get3A_326] : memref<4x1024xf32, #tpu.memory_space<vmem>>, vector<1x1024xf32>
    %mul3A_328 = arith.mulf %slice3A_56, %get3A_327 : vector<1x1024xf32>
    %get3A_329 = arith.constant 1 : index
    %get3A_330 = arith.constant 0 : index
    %get3A_331 = vector.load %arg4[%get3A_329, %get3A_330] : memref<4x1024xf32, #tpu.memory_space<vmem>>, vector<1x1024xf32>
    %mul3A_332 = arith.mulf %slice3A_57, %get3A_331 : vector<1x1024xf32>
    %add3A_333 = arith.addf %mul3A_328, %mul3A_332 : vector<1x1024xf32>
    %get3A_334 = arith.constant 2 : index
    %get3A_335 = arith.constant 0 : index
    %get3A_336 = vector.load %arg4[%get3A_334, %get3A_335] : memref<4x1024xf32, #tpu.memory_space<vmem>>, vector<1x1024xf32>
    %mul3A_337 = arith.mulf %slice3A_58, %get3A_336 : vector<1x1024xf32>
    %add3A_338 = arith.addf %add3A_333, %mul3A_337 : vector<1x1024xf32>
    %get3A_339 = arith.constant 3 : index
    %get3A_340 = arith.constant 0 : index
    %get3A_341 = vector.load %arg4[%get3A_339, %get3A_340] : memref<4x1024xf32, #tpu.memory_space<vmem>>, vector<1x1024xf32>
    %mul3A_342 = arith.mulf %slice3A_59, %get3A_341 : vector<1x1024xf32>
    %add3A_343 = arith.addf %add3A_338, %mul3A_342 : vector<1x1024xf32>
    %mul3A_344 = arith.mulf %sqrt3A, %add3A_343 : vector<1x1024xf32>
    %get3A_345 = arith.constant 3 : index
    %get3A_346 = arith.constant 0 : index
    %get3A_347 = vector.load %arg5[%get3A_345, %get3A_346] : memref<4x1024xf32, #tpu.memory_space<vmem>>, vector<1x1024xf32>
    %mul3A_348 = arith.mulf %sqrt3A_235, %get3A_347 : vector<1x1024xf32>
    %add3A_349 = arith.addf %mul3A_344, %mul3A_348 : vector<1x1024xf32>
    %swap3A_350 = arith.constant 3 : index
    %swap3A_351 = arith.constant 0 : index
    %swap3A_352 = vector.load %arg8[%swap3A_350, %swap3A_351] : memref<4x1024xf32, #tpu.memory_space<vmem>>, vector<1x1024xf32>
    tpu.vector_store %arg8[%swap3A_350, %swap3A_351], %add3A_349 {strides = array<i32>} : memref<4x1024xf32, #tpu.memory_space<vmem>>, vector<1x1024xf32>,
    %swap3A_353 = arith.constant 0 : index
    %swap3A_354 = arith.constant 0 : index
    %swap3A_355 = vector.load %arg7[%swap3A_353, %swap3A_354] : memref<16x1024xf32, #tpu.memory_space<vmem>>, vector<1x1024xf32>
    tpu.vector_store %arg7[%swap3A_353, %swap3A_354], %add3A_98 {strides = array<i32>} : memref<16x1024xf32, #tpu.memory_space<vmem>>, vector<1x1024xf32>,
    %swap3A_356 = arith.constant 1 : index
    %swap3A_357 = arith.constant 0 : index
    %swap3A_358 = vector.load %arg7[%swap3A_356, %swap3A_357] : memref<16x1024xf32, #tpu.memory_space<vmem>>, vector<1x1024xf32>
    tpu.vector_store %arg7[%swap3A_356, %swap3A_357], %mul3A_106 {strides = array<i32>} : memref<16x1024xf32, #tpu.memory_space<vmem>>, vector<1x1024xf32>,
    %swap3A_359 = arith.constant 2 : index
    %swap3A_360 = arith.constant 0 : index
    %swap3A_361 = vector.load %arg7[%swap3A_359, %swap3A_360] : memref<16x1024xf32, #tpu.memory_space<vmem>>, vector<1x1024xf32>
    tpu.vector_store %arg7[%swap3A_359, %swap3A_360], %mul3A_114 {strides = array<i32>} : memref<16x1024xf32, #tpu.memory_space<vmem>>, vector<1x1024xf32>,
    %swap3A_362 = arith.constant 3 : index
    %swap3A_363 = arith.constant 0 : index
    %swap3A_364 = vector.load %arg7[%swap3A_362, %swap3A_363] : memref<16x1024xf32, #tpu.memory_space<vmem>>, vector<1x1024xf32>
    tpu.vector_store %arg7[%swap3A_362, %swap3A_363], %mul3A_122 {strides = array<i32>} : memref<16x1024xf32, #tpu.memory_space<vmem>>, vector<1x1024xf32>,
    %swap3A_365 = arith.constant 4 : index
    %swap3A_366 = arith.constant 0 : index
    %swap3A_367 = vector.load %arg7[%swap3A_365, %swap3A_366] : memref<16x1024xf32, #tpu.memory_space<vmem>>, vector<1x1024xf32>
    tpu.vector_store %arg7[%swap3A_365, %swap3A_366], %mul3A_106 {strides = array<i32>} : memref<16x1024xf32, #tpu.memory_space<vmem>>, vector<1x1024xf32>,
    %swap3A_368 = arith.constant 5 : index
    %swap3A_369 = arith.constant 0 : index
    %swap3A_370 = vector.load %arg7[%swap3A_368, %swap3A_369] : memref<16x1024xf32, #tpu.memory_space<vmem>>, vector<1x1024xf32>
    tpu.vector_store %arg7[%swap3A_368, %swap3A_369], %add3A_131 {strides = array<i32>} : memref<16x1024xf32, #tpu.memory_space<vmem>>, vector<1x1024xf32>,
    %swap3A_371 = arith.constant 6 : index
    %swap3A_372 = arith.constant 0 : index
    %swap3A_373 = vector.load %arg7[%swap3A_371, %swap3A_372] : memref<16x1024xf32, #tpu.memory_space<vmem>>, vector<1x1024xf32>
    tpu.vector_store %arg7[%swap3A_371, %swap3A_372], %mul3A_139 {strides = array<i32>} : memref<16x1024xf32, #tpu.memory_space<vmem>>, vector<1x1024xf32>,
    %swap3A_374 = arith.constant 7 : index
    %swap3A_375 = arith.constant 0 : index
    %swap3A_376 = vector.load %arg7[%swap3A_374, %swap3A_375] : memref<16x1024xf32, #tpu.memory_space<vmem>>, vector<1x1024xf32>
    tpu.vector_store %arg7[%swap3A_374, %swap3A_375], %mul3A_147 {strides = array<i32>} : memref<16x1024xf32, #tpu.memory_space<vmem>>, vector<1x1024xf32>,
    %swap3A_377 = arith.constant 8 : index
    %swap3A_378 = arith.constant 0 : index
    %swap3A_379 = vector.load %arg7[%swap3A_377, %swap3A_378] : memref<16x1024xf32, #tpu.memory_space<vmem>>, vector<1x1024xf32>
    tpu.vector_store %arg7[%swap3A_377, %swap3A_378], %mul3A_114 {strides = array<i32>} : memref<16x1024xf32, #tpu.memory_space<vmem>>, vector<1x1024xf32>,
    %swap3A_380 = arith.constant 9 : index
    %swap3A_381 = arith.constant 0 : index
    %swap3A_382 = vector.load %arg7[%swap3A_380, %swap3A_381] : memref<16x1024xf32, #tpu.memory_space<vmem>>, vector<1x1024xf32>
    tpu.vector_store %arg7[%swap3A_380, %swap3A_381], %mul3A_139 {strides = array<i32>} : memref<16x1024xf32, #tpu.memory_space<vmem>>, vector<1x1024xf32>,
    %swap3A_383 = arith.constant 10 : index
    %swap3A_384 = arith.constant 0 : index
    %swap3A_385 = vector.load %arg7[%swap3A_383, %swap3A_384] : memref<16x1024xf32, #tpu.memory_space<vmem>>, vector<1x1024xf32>
    tpu.vector_store %arg7[%swap3A_383, %swap3A_384], %add3A_156 {strides = array<i32>} : memref<16x1024xf32, #tpu.memory_space<vmem>>, vector<1x1024xf32>,
    %swap3A_386 = arith.constant 11 : index
    %swap3A_387 = arith.constant 0 : index
    %swap3A_388 = vector.load %arg7[%swap3A_386, %swap3A_387] : memref<16x1024xf32, #tpu.memory_space<vmem>>, vector<1x1024xf32>
    tpu.vector_store %arg7[%swap3A_386, %swap3A_387], %mul3A_164 {strides = array<i32>} : memref<16x1024xf32, #tpu.memory_space<vmem>>, vector<1x1024xf32>,
    %swap3A_389 = arith.constant 12 : index
    %swap3A_390 = arith.constant 0 : index
    %swap3A_391 = vector.load %arg7[%swap3A_389, %swap3A_390] : memref<16x1024xf32, #tpu.memory_space<vmem>>, vector<1x1024xf32>
    tpu.vector_store %arg7[%swap3A_389, %swap3A_390], %mul3A_122 {strides = array<i32>} : memref<16x1024xf32, #tpu.memory_space<vmem>>, vector<1x1024xf32>,
    %swap3A_392 = arith.constant 13 : index
    %swap3A_393 = arith.constant 0 : index
    %swap3A_394 = vector.load %arg7[%swap3A_392, %swap3A_393] : memref<16x1024xf32, #tpu.memory_space<vmem>>, vector<1x1024xf32>
    tpu.vector_store %arg7[%swap3A_392, %swap3A_393], %mul3A_147 {strides = array<i32>} : memref<16x1024xf32, #tpu.memory_space<vmem>>, vector<1x1024xf32>,
    %swap3A_395 = arith.constant 14 : index
    %swap3A_396 = arith.constant 0 : index
    %swap3A_397 = vector.load %arg7[%swap3A_395, %swap3A_396] : memref<16x1024xf32, #tpu.memory_space<vmem>>, vector<1x1024xf32>
    tpu.vector_store %arg7[%swap3A_395, %swap3A_396], %mul3A_164 {strides = array<i32>} : memref<16x1024xf32, #tpu.memory_space<vmem>>, vector<1x1024xf32>,
    %swap3A_398 = arith.constant 15 : index
    %swap3A_399 = arith.constant 0 : index
    %swap3A_400 = vector.load %arg7[%swap3A_398, %swap3A_399] : memref<16x1024xf32, #tpu.memory_space<vmem>>, vector<1x1024xf32>
    tpu.vector_store %arg7[%swap3A_398, %swap3A_399], %add3A_173 {strides = array<i32>} : memref<16x1024xf32, #tpu.memory_space<vmem>>, vector<1x1024xf32>,
    return
  }
  func.func @transform_0(%arg0: i32) -> (i32, i32) {
    %c0_i32 = arith.constant 0 : i32
    %c0_i32_0 = arith.constant 0 : i32
    return %arg0, %c0_i32 : i32, i32
  }
  func.func @transform_1(%arg0: i32) -> (i32, i32) {
    %c0_i32 = arith.constant 0 : i32
    %c0_i32_0 = arith.constant 0 : i32
    %c0_i32_1 = arith.constant 0 : i32
    return %c0_i32, %c0_i32_0 : i32, i32
  }
  func.func @transform_2(%arg0: i32) -> (i32, i32) {
    %c0_i32 = arith.constant 0 : i32
    %c0_i32_0 = arith.constant 0 : i32
    %c0_i32_1 = arith.constant 0 : i32
    return %c0_i32, %c0_i32_0 : i32, i32
  }
  func.func @transform_3(%arg0: i32) -> (i32, i32) {
    %c0_i32 = arith.constant 0 : i32
    %c0_i32_0 = arith.constant 0 : i32
    return %c0_i32, %arg0 : i32, i32
  }
  func.func @transform_4(%arg0: i32) -> (i32, i32) {
    %c0_i32 = arith.constant 0 : i32
    %c0_i32_0 = arith.constant 0 : i32
    return %c0_i32, %arg0 : i32, i32
  }
  func.func @transform_5(%arg0: i32) -> (i32, i32) {
    %c0_i32 = arith.constant 0 : i32
    %c0_i32_0 = arith.constant 0 : i32
    return %c0_i32, %arg0 : i32, i32
  }
  func.func @transform_6(%arg0: i32) -> (i32, i32) {
    %c0_i32 = arith.constant 0 : i32
    %c0_i32_0 = arith.constant 0 : i32
    return %c0_i32, %arg0 : i32, i32
  }
  func.func @transform_7(%arg0: i32) -> (i32, i32) {
    %c0_i32 = arith.constant 0 : i32
    %c0_i32_0 = arith.constant 0 : i32
    return %c0_i32, %arg0 : i32, i32
  }
  func.func @transform_8(%arg0: i32) -> (i32, i32) {
    %c0_i32 = arith.constant 0 : i32
    %c0_i32_0 = arith.constant 0 : i32
    return %c0_i32, %arg0 : i32, i32
  }
}

</mosaic_0001>

<sc_bundles>
// kernel: kernel.10.cloned.1.call-start
scs
__scs_entry_jumppad:
0x0: {  	(pc) =	sbr.rel $0x88, $3  }
0x1: {  	(tag) =	ssettag $0x0;
	lr =	simm.s32 $0x1  }
0x2: {  	[smem:$0x3F9B] =	sst lr;
	_ =	strace $0xD0000000  }
0x3: {  	_ = 	snop  }
0x4: {  	_ = 	snop  }
0x5: {  	_ = 	snop  }
0x6: {  	_ = 	snop  }
0x7: {  	_ = 	snop  }
__scs_overlays_trampoline_lowered:
0x8: {  	[smem:$0x3FAA] =	sst s0  }
0x9: {  	[smem:$0x3FAB] =	sst s1  }
0xa: {  	[smem:$0x3FAC] =	sst s2  }
0xb: {  	[smem:$0x3FAD] =	sst s3  }
0xc: {  	[smem:$0x3FAE] =	sst s4  }
0xd: {  	[smem:$0x3FAF] =	sst s5  }
0xe: {  	[smem:$0x3FB0] =	sst s6  }
0xf: {  	[smem:$0x3FB1] =	sst s7  }
0x10: {  	[smem:$0x3FB2] =	sst s8  }
0x11: {  	[smem:$0x3FB3] =	sst s9;
	s0 =	simm.s32 @!p0 $0x0  }
0x12: {  	s1 =	sld [smem:$0x3F99];
	s0 =	simm.s32 @p0 $0x1  }
0x13: {  	[smem:$0x3FB4] =	sst s0;
	s0 =	simm.s32 @!p1 $0x0  }
0x14: {  	s2 =	sld [smem:$0x3F98];
	s0 =	simm.s32 @p1 $0x1  }
0x15: {  	[smem:$0x3FB5] =	sst s0;
	s0 =	simm.s32 @!p2 $0x0  }
0x16: {  	s3 =	sld [smem:$0x3FDB];
	s0 =	simm.s32 @p2 $0x1  }
0x17: {  	s4 =	simm.s32 $0x1BF5;
	[smem:$0x3FB7] =	sst s0  }
0x18: {  	s0 =	sld [smem:$0x3F9A];
	_ =	swait.ge [sflag:s4], $0x0  }
0x19: {  	s7 =	sld [smem:$0x3F9B]  }
0x1a: {  	s8 =	sadd.s32 $0xFFFFE003, lr  }
0x1b: {  	s9 =	sadd.s32 $0xFFFFFEF7, lr;
	s5 =	simm.s32 $0xFFFFFFFF;
	p2 =	slt.u32 s8, $0xFFFFF086  }
0x1c: {  	p1 =	slt.u32 s9, $0xF7A;
	s5 =	simm.s32 @!p2 $0x0  }
0x1d: {  	s5 =	simm.s32 @p1 $0x1;
	p0 =	seq.s32 s7, s2  }
0x1e: {  	s7 =	smul.u32 @!p0 $0xF7A, s2;
	p2 =	seq.s32 @!p0 s5, $0x0  }
0x1f: {  	s9 =	smul.u32 $0xF7A, s1;
	s8 =	simm.s32 @!p0 $0x1BF5;
	p2 =	por !p2, p0  }
0x20: {  	[sflag:s8] =	ssyncset.s32 @!p0 $0xFFFFF086;
	s6 =	sadd.s32 @!p0 s3, s7;
	s7 =	simm.s32 @!p0 $0x108  }
0x21: {  	s3 =	sadd.s32 s3, s9;
	s6 =	sadd.s32 @!p0 $0x88, s6;
	s7 =	simm.s32 @p2 $0x1082  }
0x22: {  	[simem:s7], [sflag:s8] =	dma.local @!p0 [hbm:s6], $0xF7A  }
0x23: {  	s9 =	sor.u32 $0xD0000000, s2;
	s6 =	simm.s32 $0x108;
	_ =	swait.ge @!p0 [sflag:s8], $0x0  }
0x24: {  	s3 =	sadd.s32 $0x88, s3;
	s6 =	simm.s32 @!p1 $0x1082;
	[sflag:s4] =	ssyncset.s32 $0xFFFFF086  }
0x25: {  	[simem:s6], [sflag:s4] =	dma.local [hbm:s3], $0xF7A  }
0x26: {  	[smem:$0x3F9B] =	sst s1;
	(tag) =	ssettag s2;
	_ =	strace s9  }
0x27: {  	s1 =	sld [smem:$0x3FAB]  }
0x28: {  	s2 =	sld [smem:$0x3FAC]  }
0x29: {  	s4 =	sld [smem:$0x3FAE]  }
0x2a: {  	p0 =	seq.s32 s5, $0x0;
	s5 =	sld [smem:$0x3FAF]  }
0x2b: {  	s6 =	sld [smem:$0x3FB0]  }
0x2c: {  	s7 =	sld [smem:$0x3FB1]  }
0x2d: {  	s3 =	simm.s32 $0x108;
	s8 =	sld [smem:$0x3FB2]  }
0x2e: {  	s3 =	simm.s32 @!p0 $0x1082;
	s9 =	sld [smem:$0x3FB3]  }
0x2f: {  	lr =	sadd.s32 s0, s3;
	s0 =	sld [smem:$0x3FAA]  }
0x30: {  	s3 =	sld [smem:$0x3FAD]  }
0x31: {  	[smem:$0x3FB6] =	sst s10  }
0x32: {  	s10 =	sld [smem:$0x3FB4];
	_ =	sdelay $0x3  }
0x33: {  	p0 =	seq.s32 s10, $0x1;
	s10 =	sld [smem:$0x3FB6];
	_ =	sdelay $0x3  }
0x34: {  	[smem:$0x3FB6] =	sst s10  }
0x35: {  	s10 =	sld [smem:$0x3FB5];
	_ =	sdelay $0x3  }
0x36: {  	p1 =	seq.s32 s10, $0x1;
	s10 =	sld [smem:$0x3FB6];
	_ =	sdelay $0x3  }
0x37: {  	[smem:$0x3FB6] =	sst s10  }
0x38: {  	s10 =	sld [smem:$0x3FB7]  }
0x39: {  	_ = 	snop;
	(pc) =	sbr.ind lr, $3  }
0x3a: {  	_ = 	snop  }
0x3b: {  	_ = 	snop  }
0x3c: {  	p2 =	seq.s32 s10, $0x1;
	s10 =	sld [smem:$0x3FB6]  }
0x3d: {  	_ =	shalt  }
0x3e: {  	_ =	shalt  }
0x3f: {  	_ =	shalt  }
0x40: {  	_ =	shalt  }
0x41: {  	_ =	shalt  }
0x42: {  	_ =	shalt  }
0x43: {  	_ =	shalt  }
0x44: {  	_ =	shalt  }
0x45: {  	_ =	shalt  }
0x46: {  	_ =	shalt  }
0x47: {  	_ =	shalt  }
0x48: {  	_ =	shalt  }
0x49: {  	_ =	shalt  }
0x4a: {  	_ =	shalt  }
0x4b: {  	_ =	shalt  }
0x4c: {  	_ =	shalt  }
0x4d: {  	_ =	shalt  }
0x4e: {  	_ =	shalt  }
0x4f: {  	_ =	shalt  }
0x50: {  	_ =	shalt  }
0x51: {  	_ =	shalt  }
0x52: {  	_ =	shalt  }
0x53: {  	_ =	shalt  }
0x54: {  	_ =	shalt  }
0x55: {  	_ =	shalt  }
0x56: {  	_ =	shalt  }
0x57: {  	_ =	shalt  }
0x58: {  	_ =	shalt  }
0x59: {  	_ =	shalt  }
0x5a: {  	_ =	shalt  }
0x5b: {  	_ =	shalt  }
0x5c: {  	_ =	shalt  }
0x5d: {  	_ =	shalt  }
0x5e: {  	_ =	shalt  }
0x5f: {  	_ =	shalt  }
0x60: {  	_ =	shalt  }
0x61: {  	_ =	shalt  }
0x62: {  	_ =	shalt  }
0x63: {  	_ =	shalt  }
0x64: {  	_ =	shalt  }
0x65: {  	_ =	shalt  }
0x66: {  	_ =	shalt  }
0x67: {  	_ =	shalt  }
0x68: {  	_ =	shalt  }
0x69: {  	_ =	shalt  }
0x6a: {  	_ =	shalt  }
0x6b: {  	_ =	shalt  }
0x6c: {  	_ =	shalt  }
0x6d: {  	_ =	shalt  }
0x6e: {  	_ =	shalt  }
0x6f: {  	_ =	shalt  }
0x70: {  	_ =	shalt  }
0x71: {  	_ =	shalt  }
0x72: {  	_ =	shalt  }
0x73: {  	_ =	shalt  }
0x74: {  	_ =	shalt  }
0x75: {  	_ =	shalt  }
0x76: {  	_ =	shalt  }
0x77: {  	_ =	shalt  }
0x78: {  	_ =	shalt  }
0x79: {  	_ =	shalt  }
0x7a: {  	_ =	shalt  }
0x7b: {  	_ =	shalt  }
0x7c: {  	_ =	shalt  }
0x7d: {  	_ =	shalt  }
0x7e: {  	_ =	shalt  }
0x7f: {  	_ =	shalt  }
0x80: {  	_ =	shalt  }
0x81: {  	_ =	shalt  }
0x82: {  	_ =	shalt  }
0x83: {  	_ =	shalt  }
0x84: {  	_ =	shalt  }
0x85: {  	_ =	shalt  }
0x86: {  	_ =	shalt  }
0x87: {  	_ =	shalt  }
.Lfunc_end0:
.L_simem_size_0:
called_computation.1_lowered:
.L_overlay_start_0:
0x88: {  	s2 =	sld [smem:$0x3FD9]  }
0x89: {  	s3 =	sld [smem:$0x3FFE];
	_ =	sdelay $0x1  }
0x8a: {  	s1 =	srdreg.scid  }
0x8b: {  	s0 =	sand.u32 $0x1, s1  }
0x8c: {  	s17 =	sshll.u32 s0, $0xA;
	s2 =	sadd.s32 s3, s2  }
0x8d: {  	s2 =	sadd.s32 s2, s17  }
0x8e: {  	[smem:$0x3FC2] =	sst s2  }
0x8f: {  	_ = 	snop  }
0x90: {  	s2 =	sld [smem:$0x3FD0];
	(tm) =	ssettm $0x1  }
0x91: {  	s18 =	sld [smem:$0x3FFB];
	_ =	sdelay $0x3  }
0x92: {  	_ =	strace s18  }
0x93: {  	s3 =	sld [smem:$0x3FFC];
	_ =	sdelay $0x3  }
0x94: {  	_ =	strace s3  }
0x95: {  	s3 =	sld [smem:$0x3FFD];
	_ =	sdelay $0x3  }
0x96: {  	_ =	strace s3  }
0x97: {  	_ =	strace $0x8FFFFFFF  }
0x98: {  	s19 =	sld [smem:$0x3FDB];
	_ =	sdelay $0x1  }
0x99: {  	s4 =	simm.s32 $_scs_section_size  }
0x9a: {  	s5 =	simm.s32 $_size__tile_overlayer_lowered;
	s6 =	simm.s32 $_tile_overlayer_lowered  }
0x9b: {  	s22 =	simm.s32 $0x1BFF;
	s21 =	sshll.u32 s6, $0x1;
	s3 =	sadd.s32 s4, s19  }
0x9c: {  	s7 =	simm.s32 $0x0;
	s20 =	sshll.u32 s5, $0x1;
	s5 =	sadd.s32 s21, s3  }
0x9d: {  	[timem:s7], [sflag:s22] =	dma.local [hbm:s5], s20  }
0x9e: {  	_ =	swait.ge [sflag:s22], s20  }
0x9f: {  	s4 =	ssub.s32 $0x0, s20;
	[sflag:s22] =	ssyncset.done $0x0  }
0xa0: {  	[sflag:s22] =	ssyncadd.s32 s4;
	_ =	sdelay $0x1  }
0xa1: {  	s23 =	simm.s32 $0x1B8B  }
0xa2: {  	_ =	swait.ge [sflag:s23], $0x1  }
0xa3: {  	[sflag:s23] =	ssyncset.done $0x0  }
0xa4: {  	s25 =	simm.s32 $0x1B8E;
	s24 =	sld [smem:$0x3FFE];
	[sflag:s23] =	ssyncadd.s32 $0xFFFFFFFF  }
0xa5: {  	s26 =	simm.s32 $execute0_lowered;
	[smem:$0x3FD2] =	sst s25  }
0xa6: {  	s5 =	sshll.u32 s26, $0x1;
	_ =	strace $0x80000049;
	[dreg:$0x1] =	wrdreg $0xFFFFFFFF  }
0xa7: {  	s28 =	simm.s32 $_size_execute0_lowered;
	s3 =	sadd.s32 s3, s5;
	[dreg:$0x0] =	wrdreg $0x0  }
0xa8: {  	s5 =	sshll.u32 s28, $0x1;
	[dreg:$0x2] =	wrdreg s3  }
0xa9: {  	[dreg:$0x3] =	wrdreg s5  }
0xaa: {  	[dreg:$0x4] =	wrdreg $0xC0  }
0xab: {  	_ =	task [dreg:s7], $0x5FFFF  }
0xac: {  	[dreg:$0x1] =	wrdreg $0xFFFFFFFF  }
0xad: {  	[dreg:$0x0] =	wrdreg $0x60  }
0xae: {  	[dreg:$0x2] =	wrdreg s2  }
0xaf: {  	[dreg:$0x3] =	wrdreg s24  }
0xb0: {  	[dreg:$0x4] =	wrdreg $0x9  }
0xb1: {  	_ =	task.clear_ibuf [dreg:s7], $0x5FFFF;
	_ =	strace $0x90000049  }
0xb2: {  	s29 =	simm.s32 $0x9;
	_ =	strace $0x8000004B  }
0xb3: {  	_ =	swait.ge [sflag:s29], $0x1  }
0xb4: {  	[sflag:s29] =	ssyncadd.s32 $0xFFFFFFFF  }
0xb5: {  	_ =	strace $0x9000004B  }
0xb6: {  	_ =	sfence  }
0xb7: {  	s30 =	sld [smem:$0x0];
	_ =	sdelay $0x2  }
0xb8: {  	s31 =	sshll.u32 s1, $0xD;
	s1 =	sshrl.u32 s1, $0x2  }
0xb9: {  	s3 =	sand.u32 $0x4000, s31;
	s1 =	sadd.s32 s1, s30  }
0xba: {  	s0 =	sor.u32 s3, s0;
	s1 =	sshll.u32 s1, $0x11  }
0xbb: {  	s0 =	sor.u32 s1, s0  }
0xbc: {  	s0 =	sadd.s32 $0x8F2B, s0  }
0xbd: {  	[sflag:s0] =	ssyncadd.remote.s32 $0x1  }
0xbe: {  	_ =	sfence.sel $0xFFFF  }
0xbf: {  	[dreg:$0x0] =	wrdreg $0xFFFFFFFF;
	(pc) =	sbr.abs _section_cstart, $3  }
0xc0: {  	[dreg:$0x1] =	wrdreg $0xFFFFFFFF  }
0xc1: {  	_ =	task.clear_ibuf [dreg:s7], $0x2FFFF;
	_ =	strace $0x9FFFFFFF  }
0xc2: {  	(tm) =	ssettm $0x7FFFFFFF  }
0xc3: {  	_ =	shalt  }
tec
execute0_lowered:
.L_overlay_start_1:
0x0: {  	(tag) =	ssettag $0x1  }
0x1: {  	s0 =	srdreg.scid;
	s1 =	rddreg [dreg:$0x0]  }
0x2: {  	s5 =	rddreg [dreg:$0x1];
	s4 =	stileid.u32;
	s2 =	simm.s32 $0x0  }
0x3: {  	s14 =	simm.s32 $0x480;
	s15 =	simm.s32 $0x1;
	s16 =	simm.s32 $0x40  }
0x4: {  	s17 =	simm.s32 $0x600;
	s18 =	simm.s32 $0x780;
	s19 =	simm.s32 $0x640  }
0x5: {  	s20 =	simm.s32 $0x7C0;
	s21 =	simm.s32 $0x680;
	s22 =	simm.s32 $0x800  }
0x6: {  	s23 =	simm.s32 $0x6C0;
	s24 =	simm.s32 $0x840;
	s25 =	simm.s32 $0x700  }
0x7: {  	s28 =	simm.s32 $0x900;
	s29 =	simm.s32 $0x2;
	s0 =	sand.u32 $0x1, s0  }
0x8: {  	s30 =	simm.s32 $0x3100;
	s31 =	simm.s32 $0x0;
	s3 =	sshll.u32 s0, $0x4  }
0x9: {  	[smem:$0x7FF] =	sst s2;
	s8 =	sadd.s32 $0x16C00, s5;
	s3 =	sor.u32 s4, s3  }
0xa: {  	_ =	strace $0x8000004A;
	s0 =	ssub.s32 $0x2, s0;
	s6 =	smul.u32 $0x140, s3  }
0xb: {  	s4 =	sadd.s32 $0x16000, s5;
	s26 =	sshrl.u32 s0, $0x1;
	s3 =	sadd.s32 $0xC200, s5  }
0xc: {  	s0 =	ssub.s32 s0, s26;
	s26 =	simm.s32 $0x880;
	s7 =	sshrl.u32 s6, $0x3  }
0xd: {  	s11 =	smax.u32 s0, $0x1;
	s10 =	sadd.s32 s7, s5;
	s9 =	sadd.s32 $0x500, s7  }
0xe: {  	s5 =	sadd.s32 s1, s7;
	s7 =	sadd.s32 s8, s7;
	s6 =	sadd.s32 s1, s9  }
0xf: {  	s8 =	sadd.s32 s8, s9;
	s9 =	sadd.s32 $0x17C00, s10;
	s10 =	sadd.s32 $0x17600, s10  }
.LBB2_1:
0x10: {  	[tilespmem:s2], [sflag:$0x1] =	stream.linear.gather [hbm4b:s5+s2], $0x140, $0x38;
	[tilespmem:$0x3280] =	vst v63  }
0x11: {  	s0 =	simm.s32 $0x180  }
0x12: {  	[tilespmem:s0], [sflag:$0x1] =	stream.linear.gather [hbm4b:s6+s2], $0x140, $0x38;
	[tilespmem:$0x3280] =	vst v63  }
0x13: {  	s13 =	simm.s32 $0x300  }
0x14: {  	[tilespmem:s13], [sflag:$0x1] =	stream.linear.gather [hbm4b:s7+s2], $0x140, $0x38;
	[tilespmem:$0x3280] =	vst v63  }
0x15: {  	_ = 	snop  }
0x16: {  	[tilespmem:s14], [sflag:$0x1] =	stream.linear.gather [hbm4b:s8+s2], $0x140, $0x38;
	[tilespmem:$0x3280] =	vst v63  }
0x17: {  	_ =	swait.ge [sflag:s15], $0x140  }
0x18: {  	[sflag:s15] =	ssyncset.done $0x0  }
0x19: {  	[sflag:s15] =	ssyncadd.s32 $0xFFFFFEC0  }
0x1a: {  	_ =	swait.ge [sflag:s15], $0x140  }
0x1b: {  	[sflag:s15] =	ssyncset.done $0x0  }
0x1c: {  	[sflag:s15] =	ssyncadd.s32 $0xFFFFFEC0  }
0x1d: {  	_ =	swait.ge [sflag:s15], $0x140  }
0x1e: {  	[sflag:s15] =	ssyncset.done $0x0  }
0x1f: {  	[sflag:s15] =	ssyncadd.s32 $0xFFFFFEC0  }
0x20: {  	_ =	swait.ge [sflag:s15], $0x140  }
0x21: {  	[sflag:s15] =	ssyncset.done $0x0  }
0x22: {  	s0 =	simm.s32 $0x0;
	[sflag:s15] =	ssyncadd.s32 $0xFFFFFEC0  }
0x23: {  	v4 =	vld [tilespmem:s0+$0x180]  }
0x24: {  	v1 =	vld [tilespmem:s0+$0x480]  }
0x25: {  	v6 =	vld [tilespmem:s0+$0x0]  }
0x26: {  	v5 =	vld [tilespmem:s0+$0x300];
	_ =	sdelay $0x1  }
0x27: {  	s1 =	simm.s32 $0x10  }
0x28: {  	v2 =	vld [tilespmem:s1+$0x180]  }
0x29: {  	v0 =	vld [tilespmem:s1+$0x480]  }
0x2a: {  	v3 =	vld [tilespmem:s1+$0x0];
	vm0 =	veq.f32 v4, v6;
	vm1 =	vgt.s32 v1, v5  }
0x2b: {  	vm2 =	vgt.f32 v4, v6;
	v4 =	vld [tilespmem:s1+$0x300];
	vm0 =	vmand vm0, vm1  }
0x2c: {  	s12 =	simm.s32 $0x80;
	vm0 =	vmor vm2, vm0  }
.LBB2_2:
0x2d: {  	s13 =	sshra.s32 s12, $0x2;
	v5 =	vsel vm0, v1, v5;
	v6 =	vmov v2;
	p0 =	sne.s32 s12, $0x4C0  }
.Ltmp0:
0x2e: {  	v2 =	vld [tilespmem:s13+$0x180];
	vm0 =	vgt.s32 v5, $0x0;
	v1 =	vmov v0;
	(pc) =	sbr.rel @p0 .LBB2_2-.Ltmp0, $4  }
0x2f: {  	v0 =	vld [tilespmem:s13+$0x480];
	v8 =	vnsel vm0, $0x0, v5;
	v7 =	vmov v3  }
0x30: {  	s12 =	sadd.s32 $0x40, s12;
	v3 =	vld [tilespmem:s13+$0x0];
	vm0 =	veq.f32 v6, v7;
	vm1 =	vgt.s32 v1, v4;
	[tilespmem:s0+$0x600] =	vst v8;
	v5 =	vmov v4;
	s0 =	smov.u32 s1  }
0x31: {  	vm2 =	vgt.f32 v6, v7;
	s1 =	smov.u32 s13;
	v4 =	vld [tilespmem:s13+$0x300];
	vm0 =	vmand vm0, vm1  }
0x32: {  	vm0 =	vmor vm2, vm0  }
0x33: {  	_ =	sdelay $0x2  }
0x34: {  	vm1 =	veq.f32 v2, v3;
	vm2 =	vgt.s32 v0, v4  }
0x35: {  	vm13 =	vgt.f32 v2, v3;
	vm1 =	vmand vm1, vm2  }
0x36: {  	v1 =	vsel vm0, v1, v5;
	vm14 =	vmor vm13, vm1  }
0x37: {  	vm15 =	vgt.s32 v1, $0x0;
	v43 =	vsel vm14, v0, v4  }
0x38: {  	v1 =	vnsel vm15, $0x0, v1;
	vm0 =	vgt.s32 v43, $0x0  }
0x39: {  	[tilespmem:s0+$0x600] =	vst v1;
	v0 =	vnsel vm0, $0x0, v43  }
0x3a: {  	[tilespmem:s1+$0x600] =	vst v0  }
0x3b: {  	[tilespmem:s18], [sflag:$0x1] =	stream.indirect.gather [hbm4b:s3+s16], $0x1, s17, s16, $0xb8;
	[tilespmem:$0x3280] =	vst v63  }
0x3c: {  	_ = 	snop  }
0x3d: {  	[tilespmem:s20], [sflag:$0x1] =	stream.indirect.gather [hbm4b:s3+s16], $0x1, s19, s16, $0xb8;
	[tilespmem:$0x3280] =	vst v63  }
0x3e: {  	_ = 	snop  }
0x3f: {  	[tilespmem:s22], [sflag:$0x1] =	stream.indirect.gather [hbm4b:s3+s16], $0x1, s21, s16, $0xb8;
	[tilespmem:$0x3280] =	vst v63  }
0x40: {  	_ = 	snop  }
0x41: {  	[tilespmem:s24], [sflag:$0x1] =	stream.indirect.gather [hbm4b:s3+s16], $0x1, s23, s16, $0xb8;
	[tilespmem:$0x3280] =	vst v63  }
0x42: {  	_ = 	snop  }
0x43: {  	[tilespmem:s26], [sflag:$0x1] =	stream.indirect.gather [hbm4b:s3+s16], $0x1, s25, s16, $0xb8;
	[tilespmem:$0x3280] =	vst v63  }
0x44: {  	_ =	swait.ge [sflag:s15], $0x40  }
0x45: {  	[sflag:s15] =	ssyncset.done $0x0  }
0x46: {  	[sflag:s15] =	ssyncadd.s32 $0xFFFFFFC0  }
0x47: {  	_ =	swait.ge [sflag:s15], $0x40  }
0x48: {  	[sflag:s15] =	ssyncset.done $0x0  }
0x49: {  	[sflag:s15] =	ssyncadd.s32 $0xFFFFFFC0  }
0x4a: {  	_ =	swait.ge [sflag:s15], $0x40  }
0x4b: {  	[sflag:s15] =	ssyncset.done $0x0  }
0x4c: {  	[sflag:s15] =	ssyncadd.s32 $0xFFFFFFC0  }
0x4d: {  	_ =	swait.ge [sflag:s15], $0x40  }
0x4e: {  	[sflag:s15] =	ssyncset.done $0x0  }
0x4f: {  	[sflag:s15] =	ssyncadd.s32 $0xFFFFFFC0  }
0x50: {  	_ =	swait.ge [sflag:s15], $0x40  }
0x51: {  	[sflag:s15] =	ssyncset.done $0x0  }
0x52: {  	[sflag:s15] =	ssyncadd.s32 $0xFFFFFFC0  }
0x53: {  	[tilespmem:s28], [sflag:$0x2] =	stream.linear.gather [hbm4b:s4+s2], $0x2800, $0x38;
	[tilespmem:$0x3280] =	vst v63  }
0x54: {  	_ =	swait.ge [sflag:s29], $0x2800  }
0x55: {  	[sflag:s29] =	ssyncset.done $0x0  }
0x56: {  	[sflag:s29] =	ssyncadd.s32 $0xFFFFD800  }
0x57: {  	v44 =	vld [tilespmem:$0x780];
	_ =	sdelay $0x5  }
0x58: {  	v45 =	vld [tilespmem:$0x790];
	_ =	sdelay $0x1  }
0x59: {  	v0 =	vld.idx.msk [tilespmem:v44+s28+$0x0], $0xffff;
	_ =	sdelay $0x3  }
0x5a: {  	v46 =	vld [tilespmem:$0x7A0]  }
0x5b: {  	[tilespmem:$0x3100] =	vst v0  }
0x5c: {  	v0 =	vld.idx.msk [tilespmem:v45+s28+$0x0], $0xffff;
	_ =	sdelay $0x3  }
0x5d: {  	v47 =	vld [tilespmem:$0x7B0]  }
0x5e: {  	[tilespmem:$0x3110] =	vst v0  }
0x5f: {  	v0 =	vld.idx.msk [tilespmem:v46+s28+$0x0], $0xffff;
	_ =	sdelay $0x3  }
0x60: {  	v48 =	vld [tilespmem:$0x7C0]  }
0x61: {  	[tilespmem:$0x3120] =	vst v0  }
0x62: {  	v0 =	vld.idx.msk [tilespmem:v47+s28+$0x0], $0xffff;
	_ =	sdelay $0x3  }
0x63: {  	v49 =	vld [tilespmem:$0x7D0]  }
0x64: {  	[tilespmem:$0x3130] =	vst v0  }
0x65: {  	v0 =	vld.idx.msk [tilespmem:v48+s28+$0x0], $0xffff;
	_ =	sdelay $0x3  }
0x66: {  	v50 =	vld [tilespmem:$0x7E0]  }
0x67: {  	[tilespmem:$0x3140] =	vst v0  }
0x68: {  	v0 =	vld.idx.msk [tilespmem:v49+s28+$0x0], $0xffff;
	_ =	sdelay $0x3  }
0x69: {  	v51 =	vld [tilespmem:$0x7F0]  }
0x6a: {  	[tilespmem:$0x3150] =	vst v0  }
0x6b: {  	v0 =	vld.idx.msk [tilespmem:v50+s28+$0x0], $0xffff;
	_ =	sdelay $0x3  }
0x6c: {  	v52 =	vld [tilespmem:$0x800]  }
0x6d: {  	[tilespmem:$0x3160] =	vst v0  }
0x6e: {  	v0 =	vld.idx.msk [tilespmem:v51+s28+$0x0], $0xffff;
	_ =	sdelay $0x3  }
0x6f: {  	v53 =	vld [tilespmem:$0x810]  }
0x70: {  	[tilespmem:$0x3170] =	vst v0  }
0x71: {  	v0 =	vld.idx.msk [tilespmem:v52+s28+$0x0], $0xffff;
	_ =	sdelay $0x3  }
0x72: {  	v54 =	vld [tilespmem:$0x820]  }
0x73: {  	[tilespmem:$0x3180] =	vst v0  }
0x74: {  	v0 =	vld.idx.msk [tilespmem:v53+s28+$0x0], $0xffff;
	_ =	sdelay $0x3  }
0x75: {  	v55 =	vld [tilespmem:$0x830]  }
0x76: {  	[tilespmem:$0x3190] =	vst v0  }
0x77: {  	v0 =	vld.idx.msk [tilespmem:v54+s28+$0x0], $0xffff;
	_ =	sdelay $0x3  }
0x78: {  	v56 =	vld [tilespmem:$0x840]  }
0x79: {  	[tilespmem:$0x31A0] =	vst v0  }
0x7a: {  	v0 =	vld.idx.msk [tilespmem:v55+s28+$0x0], $0xffff;
	_ =	sdelay $0x3  }
0x7b: {  	v57 =	vld [tilespmem:$0x850]  }
0x7c: {  	[tilespmem:$0x31B0] =	vst v0  }
0x7d: {  	v0 =	vld.idx.msk [tilespmem:v56+s28+$0x0], $0xffff;
	_ =	sdelay $0x3  }
0x7e: {  	v58 =	vld [tilespmem:$0x860]  }
0x7f: {  	[tilespmem:$0x31C0] =	vst v0  }
0x80: {  	v0 =	vld.idx.msk [tilespmem:v57+s28+$0x0], $0xffff;
	_ =	sdelay $0x3  }
0x81: {  	v59 =	vld [tilespmem:$0x870]  }
0x82: {  	[tilespmem:$0x31D0] =	vst v0  }
0x83: {  	v0 =	vld.idx.msk [tilespmem:v58+s28+$0x0], $0xffff;
	_ =	sdelay $0x3  }
0x84: {  	v60 =	vld [tilespmem:$0x880]  }
0x85: {  	[tilespmem:$0x31E0] =	vst v0  }
0x86: {  	v0 =	vld.idx.msk [tilespmem:v59+s28+$0x0], $0xffff;
	_ =	sdelay $0x3  }
0x87: {  	v61 =	vld [tilespmem:$0x890]  }
0x88: {  	[tilespmem:$0x31F0] =	vst v0  }
0x89: {  	v0 =	vld.idx.msk [tilespmem:v60+s28+$0x0], $0xffff;
	_ =	sdelay $0x3  }
0x8a: {  	v62 =	vld [tilespmem:$0x8A0]  }
0x8b: {  	[tilespmem:$0x3200] =	vst v0  }
0x8c: {  	v0 =	vld.idx.msk [tilespmem:v61+s28+$0x0], $0xffff;
	_ =	sdelay $0x3  }
0x8d: {  	v63 =	vld [tilespmem:$0x8B0]  }
0x8e: {  	[tilespmem:$0x3210] =	vst v0  }
0x8f: {  	v0 =	vld.idx.msk [tilespmem:v62+s28+$0x0], $0xffff;
	_ =	sdelay $0x4  }
0x90: {  	[tilespmem:$0x3220] =	vst v0  }
0x91: {  	v0 =	vld.idx.msk [tilespmem:v63+s28+$0x0], $0xffff;
	_ =	sdelay $0x4  }
0x92: {  	[tilespmem:$0x3230] =	vst v0  }
0x93: {  	[hbm4b:s9+s2] =	stream.linear.scatter [tilespmem:s18], [sflag:$0x2], $0x140, $0x38;
	[tilespmem:$0x3280] =	vst v63  }
0x94: {  	s31 =	sadd.s32 $0x1, s31;
	_ =	swait.ge [sflag:s29], $0x140  }
0x95: {  	p0 =	sne.s32 s31, s11;
	[sflag:s29] =	ssyncset.done $0x0  }
.Ltmp1:
0x96: {  	[sflag:s29] =	ssyncadd.s32 $0xFFFFFEC0;
	(pc) =	sbr.rel @p0 .LBB2_1-.Ltmp1, $4  }
0x97: {  	[hbm4b:s10+s2] =	stream.linear.scatter [tilespmem:s30], [sflag:$0x2], $0x140, $0x38;
	[tilespmem:$0x3280] =	vst v63  }
0x98: {  	_ =	swait.ge [sflag:s29], $0x140  }
0x99: {  	[sflag:s29] =	ssyncset.done $0x0  }
0x9a: {  	[sflag:s29] =	ssyncadd.s32 $0xFFFFFEC0  }
0x9b: {  	_ =	sfence.sel $0x180000  }
0x9c: {  	[bflag:$0x0] =	sbarrier.arrive $0xFFFF  }
0x9d: {  	_ =	strace $0x9000004A  }
0x9e: {  	s0 =	stileid.u32;
	[bflag:$0x2] =	sbarrier.arrive $0xFFFF  }
0x9f: {  	p0 =	sne.s32 s0, $0x0;
	s0 =	rddreg [dreg:$0x2]  }
0xa0: {  	s0 =	sadd.s32 @!p0 $0x100000, s0  }
0xa1: {  	[sflag:s0] =	ssyncadd.tile.s32 @!p0 $0x1;
	_ =	shalt  }
.Lfunc_end2:
_tile_overlayer_lowered:
.L_overlay_start_2:
0xa2: {  	(tag) =	ssettag $0x2  }
0xa3: {  	s0 =	rddreg [dreg:$0x0];
	s2 =	stileid.u32  }
0xa4: {  	s1 =	rddreg [dreg:$0x1];
	p0 =	sne.s32 s2, $0x0  }
0xa5: {  	s3 =	rddreg [dreg:$0x2];
	[bflag:$0x3] =	sbarrier.arrive $0xFFFF;
	s2 =	simm.s32 @!p0 $0x1C02  }
0xa6: {  	[timem:s3], [sflag:s2] =	dma.local @!p0 [hbm:s0], s1  }
0xa7: {  	s0 =	simm.s32 @!p0 $0x2  }
0xa8: {  	_ =	swait.ge @!p0 [sflag:s0], s1  }
0xa9: {  	s1 =	ssub.s32 @!p0 $0x0, s1;
	[sflag:s0] =	ssyncset.done @!p0 $0x0  }
0xaa: {  	[sflag:s0] =	ssyncadd.s32 @!p0 s1  }
0xab: {  	[bflag:$0x3] =	sbarrier.arrive $0xFFFF  }
0xac: {  	_ =	shalt  }

// kernel: kernel.13.cloned.1.call-start
scs
__scs_entry_jumppad:
0x0: {  	(pc) =	sbr.rel $0x88, $3  }
0x1: {  	(tag) =	ssettag $0x0;
	lr =	simm.s32 $0x1  }
0x2: {  	[smem:$0x3F9B] =	sst lr;
	_ =	strace $0xD0000000  }
0x3: {  	_ = 	snop  }
0x4: {  	_ = 	snop  }
0x5: {  	_ = 	snop  }
0x6: {  	_ = 	snop  }
0x7: {  	_ = 	snop  }
__scs_overlays_trampoline_lowered:
0x8: {  	[smem:$0x3FAA] =	sst s0  }
0x9: {  	[smem:$0x3FAB] =	sst s1  }
0xa: {  	[smem:$0x3FAC] =	sst s2  }
0xb: {  	[smem:$0x3FAD] =	sst s3  }
0xc: {  	[smem:$0x3FAE] =	sst s4  }
0xd: {  	[smem:$0x3FAF] =	sst s5  }
0xe: {  	[smem:$0x3FB0] =	sst s6  }
0xf: {  	[smem:$0x3FB1] =	sst s7  }
0x10: {  	[smem:$0x3FB2] =	sst s8  }
0x11: {  	[smem:$0x3FB3] =	sst s9;
	s0 =	simm.s32 @!p0 $0x0  }
0x12: {  	s1 =	sld [smem:$0x3F99];
	s0 =	simm.s32 @p0 $0x1  }
0x13: {  	[smem:$0x3FB4] =	sst s0;
	s0 =	simm.s32 @!p1 $0x0  }
0x14: {  	s2 =	sld [smem:$0x3F98];
	s0 =	simm.s32 @p1 $0x1  }
0x15: {  	[smem:$0x3FB5] =	sst s0;
	s0 =	simm.s32 @!p2 $0x0  }
0x16: {  	s3 =	sld [smem:$0x3FDB];
	s0 =	simm.s32 @p2 $0x1  }
0x17: {  	s4 =	simm.s32 $0x1BF5;
	[smem:$0x3FB7] =	sst s0  }
0x18: {  	s0 =	sld [smem:$0x3F9A];
	_ =	swait.ge [sflag:s4], $0x0  }
0x19: {  	s7 =	sld [smem:$0x3F9B]  }
0x1a: {  	s8 =	sadd.s32 $0xFFFFE003, lr  }
0x1b: {  	s9 =	sadd.s32 $0xFFFFFEF7, lr;
	s5 =	simm.s32 $0xFFFFFFFF;
	p2 =	slt.u32 s8, $0xFFFFF086  }
0x1c: {  	p1 =	slt.u32 s9, $0xF7A;
	s5 =	simm.s32 @!p2 $0x0  }
0x1d: {  	s5 =	simm.s32 @p1 $0x1;
	p0 =	seq.s32 s7, s2  }
0x1e: {  	s7 =	smul.u32 @!p0 $0xF7A, s2;
	p2 =	seq.s32 @!p0 s5, $0x0  }
0x1f: {  	s9 =	smul.u32 $0xF7A, s1;
	s8 =	simm.s32 @!p0 $0x1BF5;
	p2 =	por !p2, p0  }
0x20: {  	[sflag:s8] =	ssyncset.s32 @!p0 $0xFFFFF086;
	s6 =	sadd.s32 @!p0 s3, s7;
	s7 =	simm.s32 @!p0 $0x108  }
0x21: {  	s3 =	sadd.s32 s3, s9;
	s6 =	sadd.s32 @!p0 $0x88, s6;
	s7 =	simm.s32 @p2 $0x1082  }
0x22: {  	[simem:s7], [sflag:s8] =	dma.local @!p0 [hbm:s6], $0xF7A  }
0x23: {  	s9 =	sor.u32 $0xD0000000, s2;
	s6 =	simm.s32 $0x108;
	_ =	swait.ge @!p0 [sflag:s8], $0x0  }
0x24: {  	s3 =	sadd.s32 $0x88, s3;
	s6 =	simm.s32 @!p1 $0x1082;
	[sflag:s4] =	ssyncset.s32 $0xFFFFF086  }
0x25: {  	[simem:s6], [sflag:s4] =	dma.local [hbm:s3], $0xF7A  }
0x26: {  	[smem:$0x3F9B] =	sst s1;
	(tag) =	ssettag s2;
	_ =	strace s9  }
0x27: {  	s1 =	sld [smem:$0x3FAB]  }
0x28: {  	s2 =	sld [smem:$0x3FAC]  }
0x29: {  	s4 =	sld [smem:$0x3FAE]  }
0x2a: {  	p0 =	seq.s32 s5, $0x0;
	s5 =	sld [smem:$0x3FAF]  }
0x2b: {  	s6 =	sld [smem:$0x3FB0]  }
0x2c: {  	s7 =	sld [smem:$0x3FB1]  }
0x2d: {  	s3 =	simm.s32 $0x108;
	s8 =	sld [smem:$0x3FB2]  }
0x2e: {  	s3 =	simm.s32 @!p0 $0x1082;
	s9 =	sld [smem:$0x3FB3]  }
0x2f: {  	lr =	sadd.s32 s0, s3;
	s0 =	sld [smem:$0x3FAA]  }
0x30: {  	s3 =	sld [smem:$0x3FAD]  }
0x31: {  	[smem:$0x3FB6] =	sst s10  }
0x32: {  	s10 =	sld [smem:$0x3FB4];
	_ =	sdelay $0x3  }
0x33: {  	p0 =	seq.s32 s10, $0x1;
	s10 =	sld [smem:$0x3FB6];
	_ =	sdelay $0x3  }
0x34: {  	[smem:$0x3FB6] =	sst s10  }
0x35: {  	s10 =	sld [smem:$0x3FB5];
	_ =	sdelay $0x3  }
0x36: {  	p1 =	seq.s32 s10, $0x1;
	s10 =	sld [smem:$0x3FB6];
	_ =	sdelay $0x3  }
0x37: {  	[smem:$0x3FB6] =	sst s10  }
0x38: {  	s10 =	sld [smem:$0x3FB7]  }
0x39: {  	_ = 	snop;
	(pc) =	sbr.ind lr, $3  }
0x3a: {  	_ = 	snop  }
0x3b: {  	_ = 	snop  }
0x3c: {  	p2 =	seq.s32 s10, $0x1;
	s10 =	sld [smem:$0x3FB6]  }
0x3d: {  	_ =	shalt  }
0x3e: {  	_ =	shalt  }
0x3f: {  	_ =	shalt  }
0x40: {  	_ =	shalt  }
0x41: {  	_ =	shalt  }
0x42: {  	_ =	shalt  }
0x43: {  	_ =	shalt  }
0x44: {  	_ =	shalt  }
0x45: {  	_ =	shalt  }
0x46: {  	_ =	shalt  }
0x47: {  	_ =	shalt  }
0x48: {  	_ =	shalt  }
0x49: {  	_ =	shalt  }
0x4a: {  	_ =	shalt  }
0x4b: {  	_ =	shalt  }
0x4c: {  	_ =	shalt  }
0x4d: {  	_ =	shalt  }
0x4e: {  	_ =	shalt  }
0x4f: {  	_ =	shalt  }
0x50: {  	_ =	shalt  }
0x51: {  	_ =	shalt  }
0x52: {  	_ =	shalt  }
0x53: {  	_ =	shalt  }
0x54: {  	_ =	shalt  }
0x55: {  	_ =	shalt  }
0x56: {  	_ =	shalt  }
0x57: {  	_ =	shalt  }
0x58: {  	_ =	shalt  }
0x59: {  	_ =	shalt  }
0x5a: {  	_ =	shalt  }
0x5b: {  	_ =	shalt  }
0x5c: {  	_ =	shalt  }
0x5d: {  	_ =	shalt  }
0x5e: {  	_ =	shalt  }
0x5f: {  	_ =	shalt  }
0x60: {  	_ =	shalt  }
0x61: {  	_ =	shalt  }
0x62: {  	_ =	shalt  }
0x63: {  	_ =	shalt  }
0x64: {  	_ =	shalt  }
0x65: {  	_ =	shalt  }
0x66: {  	_ =	shalt  }
0x67: {  	_ =	shalt  }
0x68: {  	_ =	shalt  }
0x69: {  	_ =	shalt  }
0x6a: {  	_ =	shalt  }
0x6b: {  	_ =	shalt  }
0x6c: {  	_ =	shalt  }
0x6d: {  	_ =	shalt  }
0x6e: {  	_ =	shalt  }
0x6f: {  	_ =	shalt  }
0x70: {  	_ =	shalt  }
0x71: {  	_ =	shalt  }
0x72: {  	_ =	shalt  }
0x73: {  	_ =	shalt  }
0x74: {  	_ =	shalt  }
0x75: {  	_ =	shalt  }
0x76: {  	_ =	shalt  }
0x77: {  	_ =	shalt  }
0x78: {  	_ =	shalt  }
0x79: {  	_ =	shalt  }
0x7a: {  	_ =	shalt  }
0x7b: {  	_ =	shalt  }
0x7c: {  	_ =	shalt  }
0x7d: {  	_ =	shalt  }
0x7e: {  	_ =	shalt  }
0x7f: {  	_ =	shalt  }
0x80: {  	_ =	shalt  }
0x81: {  	_ =	shalt  }
0x82: {  	_ =	shalt  }
0x83: {  	_ =	shalt  }
0x84: {  	_ =	shalt  }
0x85: {  	_ =	shalt  }
0x86: {  	_ =	shalt  }
0x87: {  	_ =	shalt  }
.Lfunc_end0:
.L_simem_size_0:
called_computation.2_lowered:
.L_overlay_start_0:
0x88: {  	s2 =	sld [smem:$0x3FD9]  }
0x89: {  	s3 =	sld [smem:$0x3FFE];
	_ =	sdelay $0x1  }
0x8a: {  	s1 =	srdreg.scid  }
0x8b: {  	s0 =	sand.u32 $0x1, s1  }
0x8c: {  	s16 =	sshll.u32 s0, $0xA;
	s2 =	sadd.s32 s3, s2  }
0x8d: {  	s2 =	sadd.s32 s2, s16  }
0x8e: {  	[smem:$0x3FC2] =	sst s2  }
0x8f: {  	_ = 	snop  }
0x90: {  	(tm) =	ssettm $0x1  }
0x91: {  	s17 =	sld [smem:$0x3FFB];
	_ =	sdelay $0x3  }
0x92: {  	_ =	strace s17  }
0x93: {  	s2 =	sld [smem:$0x3FFC];
	_ =	sdelay $0x3  }
0x94: {  	_ =	strace s2  }
0x95: {  	s2 =	sld [smem:$0x3FFD];
	_ =	sdelay $0x3  }
0x96: {  	_ =	strace s2  }
0x97: {  	_ =	strace $0x8FFFFFFF  }
0x98: {  	s18 =	sld [smem:$0x3FDB];
	_ =	sdelay $0x1  }
0x99: {  	s19 =	simm.s32 $_scs_section_size  }
0x9a: {  	s4 =	simm.s32 $_size__tile_overlayer_lowered;
	s5 =	simm.s32 $_tile_overlayer_lowered  }
0x9b: {  	s22 =	simm.s32 $0x1BFF;
	s21 =	sshll.u32 s5, $0x1;
	s2 =	sadd.s32 s19, s18  }
0x9c: {  	s6 =	simm.s32 $0x0;
	s20 =	sshll.u32 s4, $0x1;
	s4 =	sadd.s32 s21, s2  }
0x9d: {  	[timem:s6], [sflag:s22] =	dma.local [hbm:s4], s20  }
0x9e: {  	_ =	swait.ge [sflag:s22], s20  }
0x9f: {  	s3 =	ssub.s32 $0x0, s20;
	[sflag:s22] =	ssyncset.done $0x0  }
0xa0: {  	[sflag:s22] =	ssyncadd.s32 s3;
	_ =	sdelay $0x1  }
0xa1: {  	s23 =	simm.s32 $0x1B8B  }
0xa2: {  	_ =	swait.ge [sflag:s23], $0x1  }
0xa3: {  	[sflag:s23] =	ssyncset.done $0x0  }
0xa4: {  	s25 =	simm.s32 $0x1B8E;
	s24 =	sld [smem:$0x3FFE];
	[sflag:s23] =	ssyncadd.s32 $0xFFFFFFFF  }
0xa5: {  	s26 =	simm.s32 $execute0_lowered;
	[smem:$0x3FD2] =	sst s25  }
0xa6: {  	s4 =	sshll.u32 s26, $0x1;
	_ =	strace $0x8000004C;
	[dreg:$0x1] =	wrdreg $0xFFFFFFFF  }
0xa7: {  	s28 =	simm.s32 $_size_execute0_lowered;
	s2 =	sadd.s32 s2, s4;
	[dreg:$0x0] =	wrdreg $0x0  }
0xa8: {  	s4 =	sshll.u32 s28, $0x1;
	[dreg:$0x2] =	wrdreg s2  }
0xa9: {  	[dreg:$0x3] =	wrdreg s4  }
0xaa: {  	[dreg:$0x4] =	wrdreg $0xC0  }
0xab: {  	_ =	task [dreg:s6], $0x5FFFF  }
0xac: {  	[dreg:$0x1] =	wrdreg $0xFFFFFFFF  }
0xad: {  	[dreg:$0x0] =	wrdreg $0x60  }
0xae: {  	[dreg:$0x2] =	wrdreg s24  }
0xaf: {  	[dreg:$0x3] =	wrdreg $0xD6000  }
0xb0: {  	[dreg:$0x4] =	wrdreg $0xFE000  }
0xb1: {  	[dreg:$0x5] =	wrdreg $0x9  }
0xb2: {  	_ =	task.clear_ibuf [dreg:s6], $0x6FFFF;
	_ =	strace $0x9000004C  }
0xb3: {  	s29 =	simm.s32 $0x9;
	_ =	strace $0x8000004E  }
0xb4: {  	_ =	swait.ge [sflag:s29], $0x1  }
0xb5: {  	[sflag:s29] =	ssyncadd.s32 $0xFFFFFFFF  }
0xb6: {  	_ =	strace $0x9000004E  }
0xb7: {  	_ =	sfence  }
0xb8: {  	s30 =	sld [smem:$0x0];
	_ =	sdelay $0x2  }
0xb9: {  	s31 =	sshll.u32 s1, $0xD;
	s1 =	sshrl.u32 s1, $0x2  }
0xba: {  	s3 =	sand.u32 $0x4000, s31;
	s1 =	sadd.s32 s1, s30  }
0xbb: {  	s0 =	sor.u32 s3, s0;
	s1 =	sshll.u32 s1, $0x11  }
0xbc: {  	s0 =	sor.u32 s1, s0  }
0xbd: {  	s0 =	sadd.s32 $0x8F2B, s0  }
0xbe: {  	[sflag:s0] =	ssyncadd.remote.s32 $0x1  }
0xbf: {  	_ =	sfence.sel $0xFFFF  }
0xc0: {  	[dreg:$0x0] =	wrdreg $0xFFFFFFFF;
	(pc) =	sbr.abs _section_cstart, $3  }
0xc1: {  	[dreg:$0x1] =	wrdreg $0xFFFFFFFF  }
0xc2: {  	_ =	task.clear_ibuf [dreg:s6], $0x2FFFF;
	_ =	strace $0x9FFFFFFF  }
0xc3: {  	(tm) =	ssettm $0x7FFFFFFF  }
tec
execute0_lowered:
.L_overlay_start_1:
0x0: {  	(tag) =	ssettag $0x1  }
0x1: {  	s6 =	rddreg [dreg:$0x1]  }
0x2: {  	s7 =	rddreg [dreg:$0x2];
	s11 =	stileid.u32  }
0x3: {  	s1 =	simm.s32 $0x0;
	s0 =	srdreg.scid;
	s4 =	smul.u32 $0x280, s11  }
0x4: {  	[smem:$0x7FF] =	sst s1;
	s0 =	sand.u32 $0x1, s0;
	s9 =	smul.u32 $0x2800, s11  }
0x5: {  	s2 =	sshll.u32 s0, $0x4;
	s3 =	smul.u32 $0x2800, s0;
	s5 =	ssub.s32 $0x2, s0  }
0x6: {  	s2 =	sor.u32 s11, s2;
	s8 =	sshrl.u32 s5, $0x1;
	s17 =	sadd.s32 s9, s6  }
0x7: {  	s18 =	sadd.s32 s9, s7;
	s19 =	sadd.s32 $0x2800, s4;
	s21 =	sadd.s32 $0x5000, s4  }
0x8: {  	s23 =	sadd.s32 $0x7800, s4;
	s25 =	sadd.s32 $0xA000, s4;
	s28 =	sadd.s32 $0xC800, s4  }
0x9: {  	s30 =	sadd.s32 $0xF000, s4;
	s12 =	sor.u32 $0x14000, s4;
	[dreg:$0x4] =	wrdreg s17  }
0xa: {  	s15 =	sadd.s32 $0x16800, s4;
	[dreg:$0x5] =	wrdreg s18;
	s20 =	sadd.s32 s19, s6  }
0xb: {  	s10 =	sadd.s32 s4, s3;
	s3 =	sadd.s32 s19, s7;
	[dreg:$0x6] =	wrdreg s20  }
0xc: {  	s11 =	smul.u32 $0x2710, s11;
	s22 =	sadd.s32 s21, s6;
	[dreg:$0x7] =	wrdreg s3  }
0xd: {  	s2 =	smul.u32 $0x2710, s2;
	s24 =	sadd.s32 s23, s6;
	[dreg:$0x8] =	wrdreg s22  }
0xe: {  	s14 =	ssub.s32 s5, s8;
	s26 =	sadd.s32 s25, s6;
	[dreg:$0xa] =	wrdreg s24  }
0xf: {  	s29 =	sadd.s32 s28, s6;
	s31 =	sadd.s32 s30, s6;
	[dreg:$0xc] =	wrdreg s26  }
0x10: {  	s8 =	sadd.s32 $0x11800, s4;
	s13 =	sadd.s32 s12, s6;
	[dreg:$0xe] =	wrdreg s29  }
0x11: {  	s16 =	sadd.s32 s15, s6;
	s17 =	sadd.s32 $0x19000, s4;
	[dreg:$0x10] =	wrdreg s31  }
0x12: {  	s19 =	sadd.s32 $0x1B800, s4;
	s3 =	sadd.s32 s21, s7;
	[dreg:$0x14] =	wrdreg s13  }
0x13: {  	s9 =	sadd.s32 s8, s6;
	[dreg:$0x16] =	wrdreg s16;
	s18 =	sadd.s32 s17, s6  }
0x14: {  	s20 =	sadd.s32 s19, s6;
	s21 =	sadd.s32 $0x1E000, s4;
	[dreg:$0x9] =	wrdreg s3  }
0x15: {  	s26 =	sadd.s32 $0x23000, s4;
	s29 =	sshrl.u32 s10, $0x3;
	[dreg:$0x12] =	wrdreg s9  }
0x16: {  	s14 =	smax.u32 s14, $0x1;
	s16 =	simm.s32 $0x7700;
	[dreg:$0x18] =	wrdreg s18  }
0x17: {  	s3 =	sadd.s32 s23, s7;
	[dreg:$0x1a] =	wrdreg s20;
	s22 =	sadd.s32 s21, s6  }
0x18: {  	s23 =	sadd.s32 $0x20800, s4;
	s5 =	sadd.s32 s26, s7;
	[dreg:$0xb] =	wrdreg s3  }
0x19: {  	s18 =	simm.s32 $0x2;
	s3 =	sadd.s32 s25, s7;
	[dreg:$0x1c] =	wrdreg s22  }
0x1a: {  	s20 =	simm.s32 $0xCE80;
	s24 =	sadd.s32 s23, s6;
	[dreg:$0xd] =	wrdreg s3  }
0x1b: {  	s25 =	smul.u32 $0x27100, s0;
	s3 =	sadd.s32 s28, s7;
	[dreg:$0x1e] =	wrdreg s24  }
0x1c: {  	s0 =	sadd.s32 s4, s6;
	[dreg:$0xf] =	wrdreg s3;
	s3 =	sadd.s32 s30, s7  }
0x1d: {  	s22 =	simm.s32 $0xC980;
	[dreg:$0x11] =	wrdreg s3;
	s3 =	sadd.s32 s8, s7  }
0x1e: {  	s28 =	sadd.s32 $0x25800, s4;
	s24 =	simm.s32 $0xD380;
	[dreg:$0x13] =	wrdreg s3  }
0x1f: {  	s30 =	sshrl.u32 s2, $0x3;
	s3 =	sadd.s32 s12, s7;
	s12 =	rddreg [dreg:$0x0]  }
0x20: {  	s8 =	sadd.s32 s11, s25;
	s25 =	simm.s32 $0x0;
	[dreg:$0x15] =	wrdreg s3  }
0x21: {  	s3 =	sadd.s32 s15, s7;
	s31 =	sadd.s32 s30, s12;
	s13 =	sadd.s32 s29, s12  }
0x22: {  	s9 =	sadd.s32 $0x17600, s12;
	s15 =	simm.s32 $0x1;
	[dreg:$0x17] =	wrdreg s3  }
0x23: {  	s3 =	sadd.s32 s17, s7;
	s10 =	sadd.s32 $0x2400, s31;
	s11 =	sadd.s32 $0xC200, s31  }
0x24: {  	s12 =	sadd.s32 $0x16C00, s13;
	s13 =	sadd.s32 $0x18200, s13;
	s17 =	simm.s32 $0x9F00  }
0x25: {  	[dreg:$0x19] =	wrdreg s3;
	s3 =	sadd.s32 s19, s7;
	s19 =	simm.s32 $0xCC00  }
0x26: {  	[dreg:$0x1b] =	wrdreg s3;
	s3 =	sadd.s32 s21, s7;
	s21 =	simm.s32 $0xC700  }
0x27: {  	[dreg:$0x1d] =	wrdreg s3;
	s3 =	sadd.s32 s23, s7;
	s23 =	simm.s32 $0xD100  }
0x28: {  	v0 =	vimm.f32 $-Inf;
	v1 =	vimm.s32 $0xFFFFFFFF;
	v2 =	vlaneseq.u32;
	[dreg:$0x1f] =	wrdreg s3;
	s3 =	sadd.s32 s4, s7;
	s4 =	sadd.s32 s26, s6  }
0x29: {  	v3 =	vimm.s32 $0x0;
	v4 =	vimm.f32 $1.000000000e+00;
	v5 =	vimm.f32 $0.0e+00;
	s6 =	sadd.s32 s28, s6;
	s7 =	sadd.s32 s28, s7;
	_ =	strace $0x8000004D  }
.LBB2_1:
0x2a: {  	[tilespmem:s1], [sflag:$0x1] =	stream.linear.gather [hbm4b:s9+s1], $0x2800, $0x38;
	[tilespmem:$0x12600] =	vst v63  }
0x2b: {  	s26 =	simm.s32 $0x2800  }
0x2c: {  	[tilespmem:s26], [sflag:$0x1] =	stream.linear.gather [hbm4b:s10+s1], $0x2710, $0x38;
	[tilespmem:$0x12600] =	vst v63  }
0x2d: {  	s31 =	simm.s32 $0x4F80  }
0x2e: {  	[tilespmem:s31], [sflag:$0x1] =	stream.linear.gather [hbm4b:s11+s1], $0x2710, $0x38;
	[tilespmem:$0x12600] =	vst v63  }
0x2f: {  	_ =	swait.ge [sflag:s15], $0x2800  }
0x30: {  	[sflag:s15] =	ssyncset.done $0x0  }
0x31: {  	[sflag:s15] =	ssyncadd.s32 $0xFFFFD800  }
0x32: {  	_ =	swait.ge [sflag:s15], $0x2710  }
0x33: {  	[sflag:s15] =	ssyncset.done $0x0  }
0x34: {  	[sflag:s15] =	ssyncadd.s32 $0xFFFFD8F0  }
0x35: {  	_ =	swait.ge [sflag:s15], $0x2710  }
0x36: {  	[sflag:s15] =	ssyncset.done $0x0  }
0x37: {  	s26 =	simm.s32 $0x0;
	[sflag:s15] =	ssyncadd.s32 $0xFFFFD8F0  }
.LBB2_2:
0x38: {  	p0 =	sne.s32 s26, $0x9FC0  }
.Ltmp0:
0x39: {  	_ = 	snop;
	(pc) =	sbr.rel @p0 .LBB2_2-.Ltmp0, $4  }
0x3a: {  	_ = 	snop  }
0x3b: {  	s28 =	sshra.s32 s26, $0x2  }
0x3c: {  	[tilespmem:s28+$0x7700] =	vst v0  }
0x3d: {  	s26 =	sadd.s32 $0x40, s26;
	[tilespmem:s28+$0x9F00] =	vst v1  }
0x3e: {  	s26 =	simm.s32 $0x0  }
0x3f: {  	v6 =	vld [tilespmem:s26+$0x4F80]  }
0x40: {  	v9 =	vld [tilespmem:s26+$0x2800];
	_ =	sdelay $0x6  }
0x41: {  	v6 =	vld.idx.msk [tilespmem:v6+s1+$0x0], $0xffff  }
0x42: {  	v7 =	vld.idx.msk [tilespmem:v9+s16+$0x0], $0xffff  }
0x43: {  	v10 =	vld.idx.msk [tilespmem:v9+s17+$0x0], $0xffff;
	_ =	sdelay $0x3  }
0x44: {  	v8 =	vor.u32 s8, v2  }
0x45: {  	vm0 =	veq.f32 v6, v7;
	vm1 =	vgt.s32 v8, v10  }
0x46: {  	vm2 =	vgt.f32 v6, v7;
	vm0 =	vmand vm0, vm1  }
0x47: {  	vm0 =	vmor vm2, vm0;
	_ =	sdelay $0x5  }
0x48: {  	[tilespmem:v9+s16+$0x0] =	vst.idx.msk vm0, v6  }
0x49: {  	[tilespmem:v9+s17+$0x0] =	vst.idx.msk vm0, v8  }
0x4a: {  	v7 =	vld.idx.msk [tilespmem:v9+s16+$0x0], $0xffff  }
0x4b: {  	v10 =	vld.idx.msk [tilespmem:v9+s17+$0x0], $0xffff;
	_ =	sdelay $0x4  }
0x4c: {  	vm13 =	veq.f32 v6, v7;
	vm14 =	vgt.s32 v8, v10  }
0x4d: {  	vm15 =	vgt.f32 v6, v7;
	vm0 =	vmand vm13, vm14  }
0x4e: {  	vm0 =	vmor vm15, vm0;
	_ =	sdelay $0x5  }
0x4f: {  	[tilespmem:v9+s16+$0x0] =	vst.idx.msk vm0, v6  }
0x50: {  	s31 =	simm.s32 $0x10;
	[tilespmem:v9+s17+$0x0] =	vst.idx.msk vm0, v8  }
0x51: {  	v12 =	vld [tilespmem:s31+$0x2800]  }
0x52: {  	v13 =	vld [tilespmem:s31+$0x4F80];
	_ =	sdelay $0x2  }
0x53: {  	v10 =	vld.idx.msk [tilespmem:v9+s17+$0x0], $0xffff  }
0x54: {  	s26 =	sadd.s32 $0x10, s8;
	v11 =	vld.idx.msk [tilespmem:v9+s16+$0x0], $0xffff  }
0x55: {  	s29 =	simm.s32 $0xC0;
	s28 =	simm.s32 $0x20;
	s30 =	smov.u32 s26;
	v7 =	vimm.s32 $0x0;
	v9 =	vmov v12  }
.LBB2_4:
0x56: {  	p0 =	sne.s32 s29, $0x9C00  }
0x57: {  	s26 =	sadd.s32 $0x10, s26;
	s31 =	smov.u32 s29;
	s29 =	sadd.s32 $0x40, s29  }
0x58: {  	vm0 =	vgt.s32 v8, v10;
	v13 =	vld.idx.msk [tilespmem:v13+s1+$0x0], $0xffff  }
0x59: {  	vm1 =	vgt.f32 v6, v11;
	vm2 =	veq.f32 v6, v11;
	v10 =	vld.idx.msk [tilespmem:v12+s16+$0x0], $0xffff  }
0x5a: {  	vm0 =	vmand vm2, vm0;
	v11 =	vld.idx.msk [tilespmem:v12+s17+$0x0], $0xffff  }
0x5b: {  	vm0 =	vmor vm1, vm0  }
0x5c: {  	v8 =	vsel vm0, $0x1, v3  }
0x5d: {  	v7 =	vor.u32 v8, v7  }
0x5e: {  	v6 =	vmov v13  }
0x5f: {  	v8 =	vor.u32 s30, v2;
	s30 =	smov.u32 s26;
	vm0 =	vgt.f32 v6, v10  }
0x60: {  	vm1 =	veq.f32 v6, v10;
	vm2 =	vgt.s32 v8, v11  }
0x61: {  	vm1 =	vmand vm1, vm2  }
0x62: {  	vm0 =	vmor vm0, vm1;
	_ =	sdelay $0x5  }
0x63: {  	[tilespmem:v9+s16+$0x0] =	vst.idx.msk vm0, v6  }
0x64: {  	[tilespmem:v9+s17+$0x0] =	vst.idx.msk vm0, v8  }
0x65: {  	v10 =	vld.idx.msk [tilespmem:v9+s16+$0x0], $0xffff  }
0x66: {  	v11 =	vld.idx.msk [tilespmem:v9+s17+$0x0], $0xffff;
	_ =	sdelay $0x4  }
0x67: {  	vm0 =	veq.f32 v6, v10  }
0x68: {  	vm1 =	vgt.f32 v6, v10;
	vm2 =	vgt.s32 v8, v11  }
0x69: {  	vm0 =	vmand vm0, vm2  }
0x6a: {  	vm0 =	vmor vm1, vm0;
	_ =	sdelay $0x5  }
0x6b: {  	[tilespmem:v9+s16+$0x0] =	vst.idx.msk vm0, v6  }
0x6c: {  	s31 =	sshra.s32 s31, $0x2;
	[tilespmem:v9+s17+$0x0] =	vst.idx.msk vm0, v8  }
0x6d: {  	v13 =	vld [tilespmem:s28+$0x4F80]  }
0x6e: {  	v12 =	vld [tilespmem:s28+$0x2800];
	s28 =	smov.u32 s31  }
.Ltmp1:
0x6f: {  	v10 =	vld.idx.msk [tilespmem:v9+s17+$0x0], $0xffff;
	(pc) =	sbr.rel @p0 .LBB2_4-.Ltmp1, $2  }
0x70: {  	v11 =	vld.idx.msk [tilespmem:v9+s16+$0x0], $0xffff;
	_ =	sdelay $0x2  }
0x71: {  	v9 =	vmov v12  }
0x72: {  	_ =	sdelay $0x3  }
0x73: {  	v13 =	vld.idx.msk [tilespmem:v13+s1+$0x0], $0xffff  }
0x74: {  	v14 =	vld.idx.msk [tilespmem:v12+s16+$0x0], $0xffff  }
0x75: {  	v55 =	vld.idx.msk [tilespmem:v12+s17+$0x0], $0xffff;
	_ =	sdelay $0x3  }
0x76: {  	v15 =	vor.u32 s30, v2  }
0x77: {  	vm0 =	veq.f32 v13, v14;
	vm1 =	vgt.s32 v15, v55  }
0x78: {  	vm2 =	vgt.f32 v13, v14;
	vm0 =	vmand vm0, vm1  }
0x79: {  	vm0 =	vmor vm2, vm0;
	_ =	sdelay $0x5  }
0x7a: {  	[tilespmem:v9+s16+$0x0] =	vst.idx.msk vm0, v13  }
0x7b: {  	[tilespmem:v9+s17+$0x0] =	vst.idx.msk vm0, v15  }
0x7c: {  	v56 =	vld.idx.msk [tilespmem:v9+s16+$0x0], $0xffff  }
0x7d: {  	v57 =	vld.idx.msk [tilespmem:v9+s17+$0x0], $0xffff;
	_ =	sdelay $0x4  }
0x7e: {  	vm8 =	veq.f32 v13, v56;
	vm9 =	vgt.s32 v15, v57  }
0x7f: {  	vm10 =	vgt.f32 v13, v56;
	vm0 =	vmand vm8, vm9  }
0x80: {  	vm0 =	vmor vm10, vm0;
	_ =	sdelay $0x5  }
0x81: {  	[tilespmem:v9+s16+$0x0] =	vst.idx.msk vm0, v13  }
0x82: {  	[tilespmem:v9+s17+$0x0] =	vst.idx.msk vm0, v15  }
0x83: {  	v58 =	vld [tilespmem:s28+$0x4F80]  }
0x84: {  	v59 =	vld [tilespmem:s28+$0x2800];
	_ =	sdelay $0x6  }
0x85: {  	v12 =	vld.idx.msk [tilespmem:v58+s1+$0x0], $0xffff  }
0x86: {  	v16 =	vld.idx.msk [tilespmem:v59+s16+$0x0], $0xffff  }
0x87: {  	v17 =	vld.idx.msk [tilespmem:v59+s17+$0x0], $0xffff;
	_ =	sdelay $0x2  }
0x88: {  	s26 =	sadd.s32 $0x10, s26  }
0x89: {  	v18 =	vor.u32 s26, v2  }
0x8a: {  	vm11 =	veq.f32 v12, v16;
	vm12 =	vgt.s32 v18, v17  }
0x8b: {  	vm13 =	vgt.f32 v12, v16;
	vm0 =	vmand vm11, vm12  }
0x8c: {  	vm0 =	vmor vm13, vm0;
	_ =	sdelay $0x4  }
0x8d: {  	v60 =	vld.idx.msk [tilespmem:v9+s17+$0x0], $0xffff  }
0x8e: {  	v61 =	vld.idx.msk [tilespmem:v9+s16+$0x0], $0xffff;
	[tilespmem:v59+s16+$0x0] =	vst.idx.msk vm0, v12  }
0x8f: {  	[tilespmem:v59+s17+$0x0] =	vst.idx.msk vm0, v18  }
0x90: {  	v62 =	vld.idx.msk [tilespmem:v59+s16+$0x0], $0xffff  }
0x91: {  	v19 =	vld.idx.msk [tilespmem:v59+s17+$0x0], $0xffff;
	_ =	sdelay $0x4  }
0x92: {  	vm14 =	vgt.s32 v18, v19;
	vm15 =	veq.f32 v12, v62  }
0x93: {  	vm4 =	vgt.f32 v12, v62;
	vm0 =	vmand vm15, vm14  }
0x94: {  	vm0 =	vmor vm4, vm0;
	_ =	sdelay $0x5  }
0x95: {  	[tilespmem:v59+s16+$0x0] =	vst.idx.msk vm0, v12  }
0x96: {  	[tilespmem:v59+s17+$0x0] =	vst.idx.msk vm0, v18  }
0x97: {  	v63 =	vld.idx.msk [tilespmem:v59+s17+$0x0], $0xffff  }
0x98: {  	v14 =	vld.idx.msk [tilespmem:v59+s16+$0x0], $0xffff;
	_ =	sdelay $0x1  }
0x99: {  	vm5 =	vgt.s32 v8, v10;
	vm6 =	veq.f32 v6, v11;
	vm7 =	vgt.f32 v6, v11  }
0x9a: {  	vm8 =	vgt.s32 v15, v60;
	vm3 =	veq.f32 v13, v61;
	vm0 =	vmand vm6, vm5  }
0x9b: {  	vm9 =	vgt.f32 v13, v61;
	vm10 =	vmand vm3, vm8;
	vm0 =	vmor vm7, vm0  }
0x9c: {  	v6 =	vsel vm0, $0x1, v3;
	vm11 =	vgt.s32 v18, v63;
	vm12 =	veq.f32 v12, v14  }
0x9d: {  	vm0 =	vmor vm9, vm10;
	vm13 =	vgt.f32 v12, v14;
	vm1 =	vmand vm12, vm11  }
0x9e: {  	v6 =	vor.u32 v6, v7;
	v7 =	vsel vm0, $0x1, v3;
	vm14 =	vmor vm13, vm1  }
0x9f: {  	v6 =	vor.u32 v7, v6;
	v7 =	vsel vm14, $0x1, v3  }
0xa0: {  	v6 =	vor.u32 v7, v6  }
0xa1: {  	vm15 =	veq.s32 v6, $0x0  }
0xa2: {  	v6 =	vsel vm15, $0x0, v4  }
0xa3: {  	(xrf0) =	vmax.scan.msk.f32 $0xffff, v6;
	_ =	sdelay $0x5  }
0xa4: {  	v6, _, _ =	vpop (xrf0)  }
0xa5: {  	(v2sf) =	vpush v6, $0xF;
	_ =	sdelay $0xe  }
0xa6: {  	s31 =	spop (v2sf)  }
0xa7: {  	p0 =	sgt.f32 s31, $0.0e+00  }
.Ltmp2:
0xa8: {  	_ = 	snop;
	(pc) =	sbr.rel @!p0 .LBB2_9-.Ltmp2, $2  }
0xa9: {  	_ =	sdelay $0x2  }
0xaa: {  	s26 =	simm.s32 $0x0  }
.LBB2_6:
0xab: {  	s28 =	sshll.u32 s26, $0x4  }
0xac: {  	v7 =	vld [tilespmem:s28+$0x4F80]  }
0xad: {  	v6 =	vld [tilespmem:s28+$0x2800];
	_ =	sdelay $0x5  }
0xae: {  	s28 =	sadd.s32 s2, s28  }
0xaf: {  	v8 =	vor.u32 s28, v2;
	v7 =	vld.idx.msk [tilespmem:v7+s1+$0x0], $0xffff  }
.LBB2_7:
0xb0: {  	v9 =	vld.idx.msk [tilespmem:v6+s16+$0x0], $0xffff  }
0xb1: {  	v10 =	vld.idx.msk [tilespmem:v6+s17+$0x0], $0xffff;
	_ =	sdelay $0x4  }
0xb2: {  	vm0 =	veq.f32 v7, v9;
	vm1 =	vgt.s32 v8, v10  }
0xb3: {  	vm2 =	vgt.f32 v7, v9;
	vm0 =	vmand vm0, vm1  }
0xb4: {  	vm0 =	vmor vm2, vm0  }
0xb5: {  	v9 =	vsel vm0, $0x3F800000, v5  }
0xb6: {  	(xrf0) =	vmax.scan.msk.f32 $0xffff, v9;
	_ =	sdelay $0x5  }
0xb7: {  	v9, _, _ =	vpop (xrf0)  }
0xb8: {  	(v2sf) =	vpush v9, $0xF;
	_ =	sdelay $0xe  }
0xb9: {  	s28 =	spop (v2sf)  }
0xba: {  	p0 =	sgt.f32 s28, $0.0e+00  }
.Ltmp3:
0xbb: {  	_ = 	snop;
	(pc) =	sbr.rel @p0 .LBB2_7-.Ltmp3, $3  }
0xbc: {  	_ =	sdelay $0x1  }
0xbd: {  	[tilespmem:v6+s16+$0x0] =	vst.idx.msk vm0, v7  }
0xbe: {  	[tilespmem:v6+s17+$0x0] =	vst.idx.msk vm0, v8  }
0xbf: {  	s26 =	sadd.s32 $0x1, s26  }
0xc0: {  	p0 =	sne.s32 s26, $0x271  }
.Ltmp4:
0xc1: {  	_ = 	snop;
	(pc) =	sbr.rel @p0 .LBB2_6-.Ltmp4, $1  }
0xc2: {  	_ =	sdelay $0x3  }
.LBB2_9:
0xc3: {  	s26 =	rddreg [dreg:$0x4]  }
0xc4: {  	[spmem:s26] =	stream.linear.scatter [tilespmem:s16], [sflag:$0x2], $0x2800, $0x38;
	[tilespmem:$0x12600] =	vst v63  }
0xc5: {  	_ =	swait.ge [sflag:s18], $0x2800  }
0xc6: {  	[sflag:s18] =	ssyncset.done $0x0  }
0xc7: {  	s30 =	rddreg [dreg:$0x5];
	[sflag:s18] =	ssyncadd.s32 $0xFFFFD800  }
0xc8: {  	[spmem:s30] =	stream.linear.scatter [tilespmem:s17], [sflag:$0x2], $0x2800, $0x38;
	[tilespmem:$0x12600] =	vst v63  }
0xc9: {  	_ =	swait.ge [sflag:s18], $0x2800  }
0xca: {  	[sflag:s18] =	ssyncset.done $0x0  }
0xcb: {  	[sflag:s18] =	ssyncadd.s32 $0xFFFFD800  }
0xcc: {  	[bflag:$0x0] =	sbarrier.arrive $0xFFFF  }
0xcd: {  	[tilespmem:s19], [sflag:$0x2] =	stream.linear.gather [spmem:s0], $0x280, $0x38;
	[tilespmem:$0x12600] =	vst v63  }
0xce: {  	_ =	swait.ge [sflag:s18], $0x280  }
0xcf: {  	[sflag:s18] =	ssyncset.done $0x0  }
0xd0: {  	[sflag:s18] =	ssyncadd.s32 $0xFFFFFD80  }
0xd1: {  	[tilespmem:s20], [sflag:$0x2] =	stream.linear.gather [spmem:s3], $0x280, $0x38;
	[tilespmem:$0x12600] =	vst v63  }
0xd2: {  	_ =	swait.ge [sflag:s18], $0x280  }
0xd3: {  	[sflag:s18] =	ssyncset.done $0x0  }
0xd4: {  	s31 =	rddreg [dreg:$0x6];
	[sflag:s18] =	ssyncadd.s32 $0xFFFFFD80  }
0xd5: {  	[tilespmem:s21], [sflag:$0x1] =	stream.linear.gather [spmem:s31], $0x280, $0x38;
	[tilespmem:$0x12600] =	vst v63  }
0xd6: {  	s29 =	rddreg [dreg:$0x7]  }
0xd7: {  	[tilespmem:s22], [sflag:$0x1] =	stream.linear.gather [spmem:s29], $0x280, $0x38;
	[tilespmem:$0x12600] =	vst v63  }
0xd8: {  	_ =	swait.ge [sflag:s15], $0x280  }
0xd9: {  	[sflag:s15] =	ssyncset.done $0x0  }
0xda: {  	[sflag:s15] =	ssyncadd.s32 $0xFFFFFD80  }
0xdb: {  	_ =	swait.ge [sflag:s15], $0x280  }
0xdc: {  	[sflag:s15] =	ssyncset.done $0x0  }
0xdd: {  	s30 =	rddreg [dreg:$0x8];
	[sflag:s15] =	ssyncadd.s32 $0xFFFFFD80  }
0xde: {  	[tilespmem:s23], [sflag:$0x1] =	stream.linear.gather [spmem:s30], $0x280, $0x38;
	[tilespmem:$0x12600] =	vst v63  }
0xdf: {  	s26 =	simm.s32 $0x0;
	s31 =	rddreg [dreg:$0x9]  }
0xe0: {  	[tilespmem:s24], [sflag:$0x1] =	stream.linear.gather [spmem:s31], $0x280, $0x38;
	[tilespmem:$0x12600] =	vst v63  }
0xe1: {  	v6 =	vld [tilespmem:s26+$0xC980]  }
0xe2: {  	v7 =	vld [tilespmem:s26+$0xC700]  }
0xe3: {  	v8 =	vld [tilespmem:s26+$0xCC00]  }
0xe4: {  	v9 =	vld [tilespmem:s26+$0xCE80];
	_ =	sdelay $0x4  }
0xe5: {  	s28 =	simm.s32 $0x40;
	vm0 =	vgt.f32 v7, v8;
	vm1 =	veq.f32 v7, v8;
	vm2 =	vgt.s32 v6, v9  }
.LBB2_10:
0xe6: {  	p0 =	sne.s32 s28, $0x9C0;
	vm1 =	vmand vm1, vm2;
	s29 =	smov.u32 s28;
	s28 =	sadd.s32 $0x40, s28  }
0xe7: {  	s29 =	sshra.s32 s29, $0x2;
	vm0 =	vmor vm0, vm1  }
0xe8: {  	v8 =	vsel vm0, v7, v8;
	v9 =	vsel vm0, v6, v9;
	v6 =	vld [tilespmem:s29+$0xC980]  }
0xe9: {  	v7 =	vld [tilespmem:s29+$0xC700];
	[tilespmem:s26+$0xCC00] =	vst v8  }
0xea: {  	v8 =	vld [tilespmem:s29+$0xCC00];
	[tilespmem:s26+$0xCE80] =	vst v9;
	s26 =	smov.u32 s29  }
0xeb: {  	v9 =	vld [tilespmem:s26+$0xCE80]  }
.Ltmp5:
0xec: {  	(pc) =	sbr.rel @p0 .LBB2_10-.Ltmp5, $3  }
0xed: {  	_ =	sdelay $0x1  }
0xee: {  	vm0 =	vgt.f32 v7, v8;
	vm1 =	veq.f32 v7, v8  }
0xef: {  	vm2 =	vgt.s32 v6, v9  }
0xf0: {  	vm1 =	vmand vm1, vm2  }
0xf1: {  	vm0 =	vmor vm0, vm1  }
0xf2: {  	v7 =	vsel vm0, v7, v8  }
0xf3: {  	v6 =	vsel vm0, v6, v9;
	[tilespmem:s26+$0xCC00] =	vst v7  }
0xf4: {  	[tilespmem:s26+$0xCE80] =	vst v6  }
0xf5: {  	_ =	swait.ge [sflag:s15], $0x280  }
0xf6: {  	[sflag:s15] =	ssyncset.done $0x0  }
0xf7: {  	[sflag:s15] =	ssyncadd.s32 $0xFFFFFD80  }
0xf8: {  	_ =	swait.ge [sflag:s15], $0x280  }
0xf9: {  	[sflag:s15] =	ssyncset.done $0x0  }
0xfa: {  	s30 =	rddreg [dreg:$0xa];
	[sflag:s15] =	ssyncadd.s32 $0xFFFFFD80  }
0xfb: {  	[tilespmem:s21], [sflag:$0x1] =	stream.linear.gather [spmem:s30], $0x280, $0x38;
	[tilespmem:$0x12600] =	vst v63  }
0xfc: {  	s26 =	simm.s32 $0x0;
	s31 =	rddreg [dreg:$0xb]  }
0xfd: {  	[tilespmem:s22], [sflag:$0x1] =	stream.linear.gather [spmem:s31], $0x280, $0x38;
	[tilespmem:$0x12600] =	vst v63  }
0xfe: {  	v6 =	vld [tilespmem:s26+$0xD380]  }
0xff: {  	v7 =	vld [tilespmem:s26+$0xD100]  }
0x100: {  	v8 =	vld [tilespmem:s26+$0xCC00]  }
0x101: {  	v9 =	vld [tilespmem:s26+$0xCE80];
	_ =	sdelay $0x4  }
0x102: {  	s28 =	simm.s32 $0x40;
	vm0 =	vgt.f32 v7, v8;
	vm1 =	veq.f32 v7, v8;
	vm2 =	vgt.s32 v6, v9  }
.LBB2_12:
0x103: {  	p0 =	sne.s32 s28, $0x9C0;
	vm1 =	vmand vm1, vm2;
	s29 =	smov.u32 s28;
	s28 =	sadd.s32 $0x40, s28  }
0x104: {  	s29 =	sshra.s32 s29, $0x2;
	vm0 =	vmor vm0, vm1  }
0x105: {  	v8 =	vsel vm0, v7, v8;
	v9 =	vsel vm0, v6, v9;
	v6 =	vld [tilespmem:s29+$0xD380]  }
0x106: {  	v7 =	vld [tilespmem:s29+$0xD100];
	[tilespmem:s26+$0xCC00] =	vst v8  }
0x107: {  	v8 =	vld [tilespmem:s29+$0xCC00];
	[tilespmem:s26+$0xCE80] =	vst v9;
	s26 =	smov.u32 s29  }
0x108: {  	v9 =	vld [tilespmem:s26+$0xCE80]  }
.Ltmp6:
0x109: {  	(pc) =	sbr.rel @p0 .LBB2_12-.Ltmp6, $3  }
0x10a: {  	_ =	sdelay $0x1  }
0x10b: {  	vm0 =	vgt.f32 v7, v8;
	vm1 =	veq.f32 v7, v8  }
0x10c: {  	vm2 =	vgt.s32 v6, v9  }
0x10d: {  	vm1 =	vmand vm1, vm2  }
0x10e: {  	vm0 =	vmor vm0, vm1  }
0x10f: {  	v7 =	vsel vm0, v7, v8  }
0x110: {  	v6 =	vsel vm0, v6, v9;
	[tilespmem:s26+$0xCC00] =	vst v7  }
0x111: {  	[tilespmem:s26+$0xCE80] =	vst v6  }
0x112: {  	_ =	swait.ge [sflag:s15], $0x280  }
0x113: {  	[sflag:s15] =	ssyncset.done $0x0  }
0x114: {  	[sflag:s15] =	ssyncadd.s32 $0xFFFFFD80  }
0x115: {  	_ =	swait.ge [sflag:s15], $0x280  }
0x116: {  	[sflag:s15] =	ssyncset.done $0x0  }
0x117: {  	s30 =	rddreg [dreg:$0xc];
	[sflag:s15] =	ssyncadd.s32 $0xFFFFFD80  }
0x118: {  	[tilespmem:s23], [sflag:$0x1] =	stream.linear.gather [spmem:s30], $0x280, $0x38;
	[tilespmem:$0x12600] =	vst v63  }
0x119: {  	s26 =	simm.s32 $0x0;
	s31 =	rddreg [dreg:$0xd]  }
0x11a: {  	[tilespmem:s24], [sflag:$0x1] =	stream.linear.gather [spmem:s31], $0x280, $0x38;
	[tilespmem:$0x12600] =	vst v63  }
0x11b: {  	v6 =	vld [tilespmem:s26+$0xC980]  }
0x11c: {  	v7 =	vld [tilespmem:s26+$0xC700]  }
0x11d: {  	v8 =	vld [tilespmem:s26+$0xCC00]  }
0x11e: {  	v9 =	vld [tilespmem:s26+$0xCE80];
	_ =	sdelay $0x4  }
0x11f: {  	s28 =	simm.s32 $0x40;
	vm0 =	vgt.f32 v7, v8;
	vm1 =	veq.f32 v7, v8;
	vm2 =	vgt.s32 v6, v9  }
.LBB2_14:
0x120: {  	p0 =	sne.s32 s28, $0x9C0;
	vm1 =	vmand vm1, vm2;
	s29 =	smov.u32 s28;
	s28 =	sadd.s32 $0x40, s28  }
0x121: {  	s29 =	sshra.s32 s29, $0x2;
	vm0 =	vmor vm0, vm1  }
0x122: {  	v8 =	vsel vm0, v7, v8;
	v9 =	vsel vm0, v6, v9;
	v6 =	vld [tilespmem:s29+$0xC980]  }
0x123: {  	v7 =	vld [tilespmem:s29+$0xC700];
	[tilespmem:s26+$0xCC00] =	vst v8  }
0x124: {  	v8 =	vld [tilespmem:s29+$0xCC00];
	[tilespmem:s26+$0xCE80] =	vst v9;
	s26 =	smov.u32 s29  }
0x125: {  	v9 =	vld [tilespmem:s26+$0xCE80]  }
.Ltmp7:
0x126: {  	(pc) =	sbr.rel @p0 .LBB2_14-.Ltmp7, $3  }
0x127: {  	_ =	sdelay $0x1  }
0x128: {  	vm0 =	vgt.f32 v7, v8;
	vm1 =	veq.f32 v7, v8  }
0x129: {  	vm2 =	vgt.s32 v6, v9  }
0x12a: {  	vm1 =	vmand vm1, vm2  }
0x12b: {  	vm0 =	vmor vm0, vm1  }
0x12c: {  	v7 =	vsel vm0, v7, v8  }
0x12d: {  	v6 =	vsel vm0, v6, v9;
	[tilespmem:s26+$0xCC00] =	vst v7  }
0x12e: {  	[tilespmem:s26+$0xCE80] =	vst v6  }
0x12f: {  	_ =	swait.ge [sflag:s15], $0x280  }
0x130: {  	[sflag:s15] =	ssyncset.done $0x0  }
0x131: {  	[sflag:s15] =	ssyncadd.s32 $0xFFFFFD80  }
0x132: {  	_ =	swait.ge [sflag:s15], $0x280  }
0x133: {  	[sflag:s15] =	ssyncset.done $0x0  }
0x134: {  	s30 =	rddreg [dreg:$0xe];
	[sflag:s15] =	ssyncadd.s32 $0xFFFFFD80  }
0x135: {  	[tilespmem:s21], [sflag:$0x1] =	stream.linear.gather [spmem:s30], $0x280, $0x38;
	[tilespmem:$0x12600] =	vst v63  }
0x136: {  	s26 =	simm.s32 $0x0;
	s31 =	rddreg [dreg:$0xf]  }
0x137: {  	[tilespmem:s22], [sflag:$0x1] =	stream.linear.gather [spmem:s31], $0x280, $0x38;
	[tilespmem:$0x12600] =	vst v63  }
0x138: {  	v6 =	vld [tilespmem:s26+$0xD380]  }
0x139: {  	v7 =	vld [tilespmem:s26+$0xD100]  }
0x13a: {  	v8 =	vld [tilespmem:s26+$0xCC00]  }
0x13b: {  	v9 =	vld [tilespmem:s26+$0xCE80];
	_ =	sdelay $0x4  }
0x13c: {  	s28 =	simm.s32 $0x40;
	vm0 =	vgt.f32 v7, v8;
	vm1 =	veq.f32 v7, v8;
	vm2 =	vgt.s32 v6, v9  }
.LBB2_16:
0x13d: {  	p0 =	sne.s32 s28, $0x9C0;
	vm1 =	vmand vm1, vm2;
	s29 =	smov.u32 s28;
	s28 =	sadd.s32 $0x40, s28  }
0x13e: {  	s29 =	sshra.s32 s29, $0x2;
	vm0 =	vmor vm0, vm1  }
0x13f: {  	v8 =	vsel vm0, v7, v8;
	v9 =	vsel vm0, v6, v9;
	v6 =	vld [tilespmem:s29+$0xD380]  }
0x140: {  	v7 =	vld [tilespmem:s29+$0xD100];
	[tilespmem:s26+$0xCC00] =	vst v8  }
0x141: {  	v8 =	vld [tilespmem:s29+$0xCC00];
	[tilespmem:s26+$0xCE80] =	vst v9;
	s26 =	smov.u32 s29  }
0x142: {  	v9 =	vld [tilespmem:s26+$0xCE80]  }
.Ltmp8:
0x143: {  	(pc) =	sbr.rel @p0 .LBB2_16-.Ltmp8, $3  }
0x144: {  	_ =	sdelay $0x1  }
0x145: {  	vm0 =	vgt.f32 v7, v8;
	vm1 =	veq.f32 v7, v8  }
0x146: {  	vm2 =	vgt.s32 v6, v9  }
0x147: {  	vm1 =	vmand vm1, vm2  }
0x148: {  	vm0 =	vmor vm0, vm1  }
0x149: {  	v7 =	vsel vm0, v7, v8  }
0x14a: {  	v6 =	vsel vm0, v6, v9;
	[tilespmem:s26+$0xCC00] =	vst v7  }
0x14b: {  	[tilespmem:s26+$0xCE80] =	vst v6  }
0x14c: {  	_ =	swait.ge [sflag:s15], $0x280  }
0x14d: {  	[sflag:s15] =	ssyncset.done $0x0  }
0x14e: {  	[sflag:s15] =	ssyncadd.s32 $0xFFFFFD80  }
0x14f: {  	_ =	swait.ge [sflag:s15], $0x280  }
0x150: {  	[sflag:s15] =	ssyncset.done $0x0  }
0x151: {  	s30 =	rddreg [dreg:$0x10];
	[sflag:s15] =	ssyncadd.s32 $0xFFFFFD80  }
0x152: {  	[tilespmem:s23], [sflag:$0x1] =	stream.linear.gather [spmem:s30], $0x280, $0x38;
	[tilespmem:$0x12600] =	vst v63  }
0x153: {  	s26 =	simm.s32 $0x0;
	s31 =	rddreg [dreg:$0x11]  }
0x154: {  	[tilespmem:s24], [sflag:$0x1] =	stream.linear.gather [spmem:s31], $0x280, $0x38;
	[tilespmem:$0x12600] =	vst v63  }
0x155: {  	v6 =	vld [tilespmem:s26+$0xC980]  }
0x156: {  	v7 =	vld [tilespmem:s26+$0xC700]  }
0x157: {  	v8 =	vld [tilespmem:s26+$0xCC00]  }
0x158: {  	v9 =	vld [tilespmem:s26+$0xCE80];
	_ =	sdelay $0x4  }
0x159: {  	s28 =	simm.s32 $0x40;
	vm0 =	vgt.f32 v7, v8;
	vm1 =	veq.f32 v7, v8;
	vm2 =	vgt.s32 v6, v9  }
.LBB2_18:
0x15a: {  	p0 =	sne.s32 s28, $0x9C0;
	vm1 =	vmand vm1, vm2;
	s29 =	smov.u32 s28;
	s28 =	sadd.s32 $0x40, s28  }
0x15b: {  	s29 =	sshra.s32 s29, $0x2;
	vm0 =	vmor vm0, vm1  }
0x15c: {  	v8 =	vsel vm0, v7, v8;
	v9 =	vsel vm0, v6, v9;
	v6 =	vld [tilespmem:s29+$0xC980]  }
0x15d: {  	v7 =	vld [tilespmem:s29+$0xC700];
	[tilespmem:s26+$0xCC00] =	vst v8  }
0x15e: {  	v8 =	vld [tilespmem:s29+$0xCC00];
	[tilespmem:s26+$0xCE80] =	vst v9;
	s26 =	smov.u32 s29  }
0x15f: {  	v9 =	vld [tilespmem:s26+$0xCE80]  }
.Ltmp9:
0x160: {  	(pc) =	sbr.rel @p0 .LBB2_18-.Ltmp9, $3  }
0x161: {  	_ =	sdelay $0x1  }
0x162: {  	vm0 =	vgt.f32 v7, v8;
	vm1 =	veq.f32 v7, v8  }
0x163: {  	vm2 =	vgt.s32 v6, v9  }
0x164: {  	vm1 =	vmand vm1, vm2  }
0x165: {  	vm0 =	vmor vm0, vm1  }
0x166: {  	v7 =	vsel vm0, v7, v8  }
0x167: {  	v6 =	vsel vm0, v6, v9;
	[tilespmem:s26+$0xCC00] =	vst v7  }
0x168: {  	[tilespmem:s26+$0xCE80] =	vst v6  }
0x169: {  	_ =	swait.ge [sflag:s15], $0x280  }
0x16a: {  	[sflag:s15] =	ssyncset.done $0x0  }
0x16b: {  	[sflag:s15] =	ssyncadd.s32 $0xFFFFFD80  }
0x16c: {  	_ =	swait.ge [sflag:s15], $0x280  }
0x16d: {  	[sflag:s15] =	ssyncset.done $0x0  }
0x16e: {  	s30 =	rddreg [dreg:$0x12];
	[sflag:s15] =	ssyncadd.s32 $0xFFFFFD80  }
0x16f: {  	[tilespmem:s21], [sflag:$0x1] =	stream.linear.gather [spmem:s30], $0x280, $0x38;
	[tilespmem:$0x12600] =	vst v63  }
0x170: {  	s26 =	simm.s32 $0x0;
	s31 =	rddreg [dreg:$0x13]  }
0x171: {  	[tilespmem:s22], [sflag:$0x1] =	stream.linear.gather [spmem:s31], $0x280, $0x38;
	[tilespmem:$0x12600] =	vst v63  }
0x172: {  	v6 =	vld [tilespmem:s26+$0xD380]  }
0x173: {  	v7 =	vld [tilespmem:s26+$0xD100]  }
0x174: {  	v8 =	vld [tilespmem:s26+$0xCC00]  }
0x175: {  	v9 =	vld [tilespmem:s26+$0xCE80];
	_ =	sdelay $0x4  }
0x176: {  	s28 =	simm.s32 $0x40;
	vm0 =	vgt.f32 v7, v8;
	vm1 =	veq.f32 v7, v8;
	vm2 =	vgt.s32 v6, v9  }
.LBB2_20:
0x177: {  	p0 =	sne.s32 s28, $0x9C0;
	vm1 =	vmand vm1, vm2;
	s29 =	smov.u32 s28;
	s28 =	sadd.s32 $0x40, s28  }
0x178: {  	s29 =	sshra.s32 s29, $0x2;
	vm0 =	vmor vm0, vm1  }
0x179: {  	v8 =	vsel vm0, v7, v8;
	v9 =	vsel vm0, v6, v9;
	v6 =	vld [tilespmem:s29+$0xD380]  }
0x17a: {  	v7 =	vld [tilespmem:s29+$0xD100];
	[tilespmem:s26+$0xCC00] =	vst v8  }
0x17b: {  	v8 =	vld [tilespmem:s29+$0xCC00];
	[tilespmem:s26+$0xCE80] =	vst v9;
	s26 =	smov.u32 s29  }
0x17c: {  	v9 =	vld [tilespmem:s26+$0xCE80]  }
.Ltmp10:
0x17d: {  	(pc) =	sbr.rel @p0 .LBB2_20-.Ltmp10, $3  }
0x17e: {  	_ =	sdelay $0x1  }
0x17f: {  	vm0 =	vgt.f32 v7, v8;
	vm1 =	veq.f32 v7, v8  }
0x180: {  	vm2 =	vgt.s32 v6, v9  }
0x181: {  	vm1 =	vmand vm1, vm2  }
0x182: {  	vm0 =	vmor vm0, vm1  }
0x183: {  	v7 =	vsel vm0, v7, v8  }
0x184: {  	v6 =	vsel vm0, v6, v9;
	[tilespmem:s26+$0xCC00] =	vst v7  }
0x185: {  	[tilespmem:s26+$0xCE80] =	vst v6  }
0x186: {  	_ =	swait.ge [sflag:s15], $0x280  }
0x187: {  	[sflag:s15] =	ssyncset.done $0x0  }
0x188: {  	[sflag:s15] =	ssyncadd.s32 $0xFFFFFD80  }
0x189: {  	_ =	swait.ge [sflag:s15], $0x280  }
0x18a: {  	[sflag:s15] =	ssyncset.done $0x0  }
0x18b: {  	s30 =	rddreg [dreg:$0x14];
	[sflag:s15] =	ssyncadd.s32 $0xFFFFFD80  }
0x18c: {  	[tilespmem:s23], [sflag:$0x1] =	stream.linear.gather [spmem:s30], $0x280, $0x38;
	[tilespmem:$0x12600] =	vst v63  }
0x18d: {  	s26 =	simm.s32 $0x0;
	s31 =	rddreg [dreg:$0x15]  }
0x18e: {  	[tilespmem:s24], [sflag:$0x1] =	stream.linear.gather [spmem:s31], $0x280, $0x38;
	[tilespmem:$0x12600] =	vst v63  }
0x18f: {  	v6 =	vld [tilespmem:s26+$0xC980]  }
0x190: {  	v7 =	vld [tilespmem:s26+$0xC700]  }
0x191: {  	v8 =	vld [tilespmem:s26+$0xCC00]  }
0x192: {  	v9 =	vld [tilespmem:s26+$0xCE80];
	_ =	sdelay $0x4  }
0x193: {  	s28 =	simm.s32 $0x40;
	vm0 =	vgt.f32 v7, v8;
	vm1 =	veq.f32 v7, v8;
	vm2 =	vgt.s32 v6, v9  }
.LBB2_22:
0x194: {  	p0 =	sne.s32 s28, $0x9C0;
	vm1 =	vmand vm1, vm2;
	s29 =	smov.u32 s28;
	s28 =	sadd.s32 $0x40, s28  }
0x195: {  	s29 =	sshra.s32 s29, $0x2;
	vm0 =	vmor vm0, vm1  }
0x196: {  	v8 =	vsel vm0, v7, v8;
	v9 =	vsel vm0, v6, v9;
	v6 =	vld [tilespmem:s29+$0xC980]  }
0x197: {  	v7 =	vld [tilespmem:s29+$0xC700];
	[tilespmem:s26+$0xCC00] =	vst v8  }
0x198: {  	v8 =	vld [tilespmem:s29+$0xCC00];
	[tilespmem:s26+$0xCE80] =	vst v9;
	s26 =	smov.u32 s29  }
0x199: {  	v9 =	vld [tilespmem:s26+$0xCE80]  }
.Ltmp11:
0x19a: {  	(pc) =	sbr.rel @p0 .LBB2_22-.Ltmp11, $3  }
0x19b: {  	_ =	sdelay $0x1  }
0x19c: {  	vm0 =	vgt.f32 v7, v8;
	vm1 =	veq.f32 v7, v8  }
0x19d: {  	vm2 =	vgt.s32 v6, v9  }
0x19e: {  	vm1 =	vmand vm1, vm2  }
0x19f: {  	vm0 =	vmor vm0, vm1  }
0x1a0: {  	v7 =	vsel vm0, v7, v8  }
0x1a1: {  	v6 =	vsel vm0, v6, v9;
	[tilespmem:s26+$0xCC00] =	vst v7  }
0x1a2: {  	[tilespmem:s26+$0xCE80] =	vst v6  }
0x1a3: {  	_ =	swait.ge [sflag:s15], $0x280  }
0x1a4: {  	[sflag:s15] =	ssyncset.done $0x0  }
0x1a5: {  	[sflag:s15] =	ssyncadd.s32 $0xFFFFFD80  }
0x1a6: {  	_ =	swait.ge [sflag:s15], $0x280  }
0x1a7: {  	[sflag:s15] =	ssyncset.done $0x0  }
0x1a8: {  	s30 =	rddreg [dreg:$0x16];
	[sflag:s15] =	ssyncadd.s32 $0xFFFFFD80  }
0x1a9: {  	[tilespmem:s21], [sflag:$0x1] =	stream.linear.gather [spmem:s30], $0x280, $0x38;
	[tilespmem:$0x12600] =	vst v63  }
0x1aa: {  	s26 =	simm.s32 $0x0;
	s31 =	rddreg [dreg:$0x17]  }
0x1ab: {  	[tilespmem:s22], [sflag:$0x1] =	stream.linear.gather [spmem:s31], $0x280, $0x38;
	[tilespmem:$0x12600] =	vst v63  }
0x1ac: {  	v6 =	vld [tilespmem:s26+$0xD380]  }
0x1ad: {  	v7 =	vld [tilespmem:s26+$0xD100]  }
0x1ae: {  	v8 =	vld [tilespmem:s26+$0xCC00]  }
0x1af: {  	v9 =	vld [tilespmem:s26+$0xCE80];
	_ =	sdelay $0x4  }
0x1b0: {  	s28 =	simm.s32 $0x40;
	vm0 =	vgt.f32 v7, v8;
	vm1 =	veq.f32 v7, v8;
	vm2 =	vgt.s32 v6, v9  }
.LBB2_24:
0x1b1: {  	p0 =	sne.s32 s28, $0x9C0;
	vm1 =	vmand vm1, vm2;
	s29 =	smov.u32 s28;
	s28 =	sadd.s32 $0x40, s28  }
0x1b2: {  	s29 =	sshra.s32 s29, $0x2;
	vm0 =	vmor vm0, vm1  }
0x1b3: {  	v8 =	vsel vm0, v7, v8;
	v9 =	vsel vm0, v6, v9;
	v6 =	vld [tilespmem:s29+$0xD380]  }
0x1b4: {  	v7 =	vld [tilespmem:s29+$0xD100];
	[tilespmem:s26+$0xCC00] =	vst v8  }
0x1b5: {  	v8 =	vld [tilespmem:s29+$0xCC00];
	[tilespmem:s26+$0xCE80] =	vst v9;
	s26 =	smov.u32 s29  }
0x1b6: {  	v9 =	vld [tilespmem:s26+$0xCE80]  }
.Ltmp12:
0x1b7: {  	(pc) =	sbr.rel @p0 .LBB2_24-.Ltmp12, $3  }
0x1b8: {  	_ =	sdelay $0x1  }
0x1b9: {  	vm0 =	vgt.f32 v7, v8;
	vm1 =	veq.f32 v7, v8  }
0x1ba: {  	vm2 =	vgt.s32 v6, v9  }
0x1bb: {  	vm1 =	vmand vm1, vm2  }
0x1bc: {  	vm0 =	vmor vm0, vm1  }
0x1bd: {  	v7 =	vsel vm0, v7, v8  }
0x1be: {  	v6 =	vsel vm0, v6, v9;
	[tilespmem:s26+$0xCC00] =	vst v7  }
0x1bf: {  	[tilespmem:s26+$0xCE80] =	vst v6  }
0x1c0: {  	_ =	swait.ge [sflag:s15], $0x280  }
0x1c1: {  	[sflag:s15] =	ssyncset.done $0x0  }
0x1c2: {  	[sflag:s15] =	ssyncadd.s32 $0xFFFFFD80  }
0x1c3: {  	_ =	swait.ge [sflag:s15], $0x280  }
0x1c4: {  	[sflag:s15] =	ssyncset.done $0x0  }
0x1c5: {  	s30 =	rddreg [dreg:$0x18];
	[sflag:s15] =	ssyncadd.s32 $0xFFFFFD80  }
0x1c6: {  	[tilespmem:s23], [sflag:$0x1] =	stream.linear.gather [spmem:s30], $0x280, $0x38;
	[tilespmem:$0x12600] =	vst v63  }
0x1c7: {  	s26 =	simm.s32 $0x0;
	s31 =	rddreg [dreg:$0x19]  }
0x1c8: {  	[tilespmem:s24], [sflag:$0x1] =	stream.linear.gather [spmem:s31], $0x280, $0x38;
	[tilespmem:$0x12600] =	vst v63  }
0x1c9: {  	v6 =	vld [tilespmem:s26+$0xC980]  }
0x1ca: {  	v7 =	vld [tilespmem:s26+$0xC700]  }
0x1cb: {  	v8 =	vld [tilespmem:s26+$0xCC00]  }
0x1cc: {  	v9 =	vld [tilespmem:s26+$0xCE80];
	_ =	sdelay $0x4  }
0x1cd: {  	s28 =	simm.s32 $0x40;
	vm0 =	vgt.f32 v7, v8;
	vm1 =	veq.f32 v7, v8;
	vm2 =	vgt.s32 v6, v9  }
.LBB2_26:
0x1ce: {  	p0 =	sne.s32 s28, $0x9C0;
	vm1 =	vmand vm1, vm2;
	s29 =	smov.u32 s28;
	s28 =	sadd.s32 $0x40, s28  }
0x1cf: {  	s29 =	sshra.s32 s29, $0x2;
	vm0 =	vmor vm0, vm1  }
0x1d0: {  	v8 =	vsel vm0, v7, v8;
	v9 =	vsel vm0, v6, v9;
	v6 =	vld [tilespmem:s29+$0xC980]  }
0x1d1: {  	v7 =	vld [tilespmem:s29+$0xC700];
	[tilespmem:s26+$0xCC00] =	vst v8  }
0x1d2: {  	v8 =	vld [tilespmem:s29+$0xCC00];
	[tilespmem:s26+$0xCE80] =	vst v9;
	s26 =	smov.u32 s29  }
0x1d3: {  	v9 =	vld [tilespmem:s26+$0xCE80]  }
.Ltmp13:
0x1d4: {  	(pc) =	sbr.rel @p0 .LBB2_26-.Ltmp13, $3  }
0x1d5: {  	_ =	sdelay $0x1  }
0x1d6: {  	vm0 =	vgt.f32 v7, v8;
	vm1 =	veq.f32 v7, v8  }
0x1d7: {  	vm2 =	vgt.s32 v6, v9  }
0x1d8: {  	vm1 =	vmand vm1, vm2  }
0x1d9: {  	vm0 =	vmor vm0, vm1  }
0x1da: {  	v7 =	vsel vm0, v7, v8  }
0x1db: {  	v6 =	vsel vm0, v6, v9;
	[tilespmem:s26+$0xCC00] =	vst v7  }
0x1dc: {  	[tilespmem:s26+$0xCE80] =	vst v6  }
0x1dd: {  	_ =	swait.ge [sflag:s15], $0x280  }
0x1de: {  	[sflag:s15] =	ssyncset.done $0x0  }
0x1df: {  	[sflag:s15] =	ssyncadd.s32 $0xFFFFFD80  }
0x1e0: {  	_ =	swait.ge [sflag:s15], $0x280  }
0x1e1: {  	[sflag:s15] =	ssyncset.done $0x0  }
0x1e2: {  	s30 =	rddreg [dreg:$0x1a];
	[sflag:s15] =	ssyncadd.s32 $0xFFFFFD80  }
0x1e3: {  	[tilespmem:s21], [sflag:$0x1] =	stream.linear.gather [spmem:s30], $0x280, $0x38;
	[tilespmem:$0x12600] =	vst v63  }
0x1e4: {  	s26 =	simm.s32 $0x0;
	s31 =	rddreg [dreg:$0x1b]  }
0x1e5: {  	[tilespmem:s22], [sflag:$0x1] =	stream.linear.gather [spmem:s31], $0x280, $0x38;
	[tilespmem:$0x12600] =	vst v63  }
0x1e6: {  	v6 =	vld [tilespmem:s26+$0xD380]  }
0x1e7: {  	v7 =	vld [tilespmem:s26+$0xD100]  }
0x1e8: {  	v8 =	vld [tilespmem:s26+$0xCC00]  }
0x1e9: {  	v9 =	vld [tilespmem:s26+$0xCE80];
	_ =	sdelay $0x4  }
0x1ea: {  	s28 =	simm.s32 $0x40;
	vm0 =	vgt.f32 v7, v8;
	vm1 =	veq.f32 v7, v8;
	vm2 =	vgt.s32 v6, v9  }
.LBB2_28:
0x1eb: {  	p0 =	sne.s32 s28, $0x9C0;
	vm1 =	vmand vm1, vm2;
	s29 =	smov.u32 s28;
	s28 =	sadd.s32 $0x40, s28  }
0x1ec: {  	s29 =	sshra.s32 s29, $0x2;
	vm0 =	vmor vm0, vm1  }
0x1ed: {  	v8 =	vsel vm0, v7, v8;
	v9 =	vsel vm0, v6, v9;
	v6 =	vld [tilespmem:s29+$0xD380]  }
0x1ee: {  	v7 =	vld [tilespmem:s29+$0xD100];
	[tilespmem:s26+$0xCC00] =	vst v8  }
0x1ef: {  	v8 =	vld [tilespmem:s29+$0xCC00];
	[tilespmem:s26+$0xCE80] =	vst v9;
	s26 =	smov.u32 s29  }
0x1f0: {  	v9 =	vld [tilespmem:s26+$0xCE80]  }
.Ltmp14:
0x1f1: {  	(pc) =	sbr.rel @p0 .LBB2_28-.Ltmp14, $3  }
0x1f2: {  	_ =	sdelay $0x1  }
0x1f3: {  	vm0 =	vgt.f32 v7, v8;
	vm1 =	veq.f32 v7, v8  }
0x1f4: {  	vm2 =	vgt.s32 v6, v9  }
0x1f5: {  	vm1 =	vmand vm1, vm2  }
0x1f6: {  	vm0 =	vmor vm0, vm1  }
0x1f7: {  	v7 =	vsel vm0, v7, v8  }
0x1f8: {  	v6 =	vsel vm0, v6, v9;
	[tilespmem:s26+$0xCC00] =	vst v7  }
0x1f9: {  	[tilespmem:s26+$0xCE80] =	vst v6  }
0x1fa: {  	_ =	swait.ge [sflag:s15], $0x280  }
0x1fb: {  	[sflag:s15] =	ssyncset.done $0x0  }
0x1fc: {  	[sflag:s15] =	ssyncadd.s32 $0xFFFFFD80  }
0x1fd: {  	_ =	swait.ge [sflag:s15], $0x280  }
0x1fe: {  	[sflag:s15] =	ssyncset.done $0x0  }
0x1ff: {  	s30 =	rddreg [dreg:$0x1c];
	[sflag:s15] =	ssyncadd.s32 $0xFFFFFD80  }
0x200: {  	[tilespmem:s23], [sflag:$0x1] =	stream.linear.gather [spmem:s30], $0x280, $0x38;
	[tilespmem:$0x12600] =	vst v63  }
0x201: {  	s26 =	simm.s32 $0x0;
	s31 =	rddreg [dreg:$0x1d]  }
0x202: {  	[tilespmem:s24], [sflag:$0x1] =	stream.linear.gather [spmem:s31], $0x280, $0x38;
	[tilespmem:$0x12600] =	vst v63  }
0x203: {  	v6 =	vld [tilespmem:s26+$0xC980]  }
0x204: {  	v7 =	vld [tilespmem:s26+$0xC700]  }
0x205: {  	v8 =	vld [tilespmem:s26+$0xCC00]  }
0x206: {  	v9 =	vld [tilespmem:s26+$0xCE80];
	_ =	sdelay $0x4  }
0x207: {  	s28 =	simm.s32 $0x40;
	vm0 =	vgt.f32 v7, v8;
	vm1 =	veq.f32 v7, v8;
	vm2 =	vgt.s32 v6, v9  }
.LBB2_30:
0x208: {  	p0 =	sne.s32 s28, $0x9C0;
	vm1 =	vmand vm1, vm2;
	s29 =	smov.u32 s28;
	s28 =	sadd.s32 $0x40, s28  }
0x209: {  	s29 =	sshra.s32 s29, $0x2;
	vm0 =	vmor vm0, vm1  }
0x20a: {  	v8 =	vsel vm0, v7, v8;
	v9 =	vsel vm0, v6, v9;
	v6 =	vld [tilespmem:s29+$0xC980]  }
0x20b: {  	v7 =	vld [tilespmem:s29+$0xC700];
	[tilespmem:s26+$0xCC00] =	vst v8  }
0x20c: {  	v8 =	vld [tilespmem:s29+$0xCC00];
	[tilespmem:s26+$0xCE80] =	vst v9;
	s26 =	smov.u32 s29  }
0x20d: {  	v9 =	vld [tilespmem:s26+$0xCE80]  }
.Ltmp15:
0x20e: {  	(pc) =	sbr.rel @p0 .LBB2_30-.Ltmp15, $3  }
0x20f: {  	_ =	sdelay $0x1  }
0x210: {  	vm0 =	vgt.f32 v7, v8;
	vm1 =	veq.f32 v7, v8  }
0x211: {  	vm2 =	vgt.s32 v6, v9  }
0x212: {  	vm1 =	vmand vm1, vm2  }
0x213: {  	vm0 =	vmor vm0, vm1  }
0x214: {  	v7 =	vsel vm0, v7, v8  }
0x215: {  	v6 =	vsel vm0, v6, v9;
	[tilespmem:s26+$0xCC00] =	vst v7  }
0x216: {  	[tilespmem:s26+$0xCE80] =	vst v6  }
0x217: {  	_ =	swait.ge [sflag:s15], $0x280  }
0x218: {  	[sflag:s15] =	ssyncset.done $0x0  }
0x219: {  	[sflag:s15] =	ssyncadd.s32 $0xFFFFFD80  }
0x21a: {  	_ =	swait.ge [sflag:s15], $0x280  }
0x21b: {  	[sflag:s15] =	ssyncset.done $0x0  }
0x21c: {  	s30 =	rddreg [dreg:$0x1e];
	[sflag:s15] =	ssyncadd.s32 $0xFFFFFD80  }
0x21d: {  	[tilespmem:s21], [sflag:$0x1] =	stream.linear.gather [spmem:s30], $0x280, $0x38;
	[tilespmem:$0x12600] =	vst v63  }
0x21e: {  	s26 =	simm.s32 $0x0;
	s31 =	rddreg [dreg:$0x1f]  }
0x21f: {  	[tilespmem:s22], [sflag:$0x1] =	stream.linear.gather [spmem:s31], $0x280, $0x38;
	[tilespmem:$0x12600] =	vst v63  }
0x220: {  	v6 =	vld [tilespmem:s26+$0xD380]  }
0x221: {  	v7 =	vld [tilespmem:s26+$0xD100]  }
0x222: {  	v8 =	vld [tilespmem:s26+$0xCC00]  }
0x223: {  	v9 =	vld [tilespmem:s26+$0xCE80];
	_ =	sdelay $0x4  }
0x224: {  	s28 =	simm.s32 $0x40;
	vm0 =	vgt.f32 v7, v8;
	vm1 =	veq.f32 v7, v8;
	vm2 =	vgt.s32 v6, v9  }
.LBB2_32:
0x225: {  	p0 =	sne.s32 s28, $0x9C0;
	vm1 =	vmand vm1, vm2;
	s29 =	smov.u32 s28;
	s28 =	sadd.s32 $0x40, s28  }
0x226: {  	s29 =	sshra.s32 s29, $0x2;
	vm0 =	vmor vm0, vm1  }
0x227: {  	v8 =	vsel vm0, v7, v8;
	v9 =	vsel vm0, v6, v9;
	v6 =	vld [tilespmem:s29+$0xD380]  }
0x228: {  	v7 =	vld [tilespmem:s29+$0xD100];
	[tilespmem:s26+$0xCC00] =	vst v8  }
0x229: {  	v8 =	vld [tilespmem:s29+$0xCC00];
	[tilespmem:s26+$0xCE80] =	vst v9;
	s26 =	smov.u32 s29  }
0x22a: {  	v9 =	vld [tilespmem:s26+$0xCE80]  }
.Ltmp16:
0x22b: {  	(pc) =	sbr.rel @p0 .LBB2_32-.Ltmp16, $3  }
0x22c: {  	_ =	sdelay $0x1  }
0x22d: {  	vm0 =	vgt.f32 v7, v8;
	vm1 =	veq.f32 v7, v8  }
0x22e: {  	vm2 =	vgt.s32 v6, v9  }
0x22f: {  	vm1 =	vmand vm1, vm2  }
0x230: {  	vm0 =	vmor vm0, vm1  }
0x231: {  	v7 =	vsel vm0, v7, v8  }
0x232: {  	v6 =	vsel vm0, v6, v9;
	[tilespmem:s26+$0xCC00] =	vst v7  }
0x233: {  	[tilespmem:s26+$0xCE80] =	vst v6  }
0x234: {  	_ =	swait.ge [sflag:s15], $0x280  }
0x235: {  	[sflag:s15] =	ssyncset.done $0x0  }
0x236: {  	[sflag:s15] =	ssyncadd.s32 $0xFFFFFD80  }
0x237: {  	_ =	swait.ge [sflag:s15], $0x280  }
0x238: {  	[sflag:s15] =	ssyncset.done $0x0  }
0x239: {  	[sflag:s15] =	ssyncadd.s32 $0xFFFFFD80  }
0x23a: {  	[tilespmem:s23], [sflag:$0x1] =	stream.linear.gather [spmem:s4], $0x280, $0x38;
	[tilespmem:$0x12600] =	vst v63  }
0x23b: {  	s26 =	simm.s32 $0x0  }
0x23c: {  	[tilespmem:s24], [sflag:$0x1] =	stream.linear.gather [spmem:s5], $0x280, $0x38;
	[tilespmem:$0x12600] =	vst v63  }
0x23d: {  	v6 =	vld [tilespmem:s26+$0xC980]  }
0x23e: {  	v7 =	vld [tilespmem:s26+$0xC700]  }
0x23f: {  	v8 =	vld [tilespmem:s26+$0xCC00]  }
0x240: {  	v9 =	vld [tilespmem:s26+$0xCE80];
	_ =	sdelay $0x4  }
0x241: {  	s28 =	simm.s32 $0x40;
	vm0 =	vgt.f32 v7, v8;
	vm1 =	veq.f32 v7, v8;
	vm2 =	vgt.s32 v6, v9  }
.LBB2_34:
0x242: {  	p0 =	sne.s32 s28, $0x9C0;
	vm1 =	vmand vm1, vm2;
	s29 =	smov.u32 s28;
	s28 =	sadd.s32 $0x40, s28  }
0x243: {  	s29 =	sshra.s32 s29, $0x2;
	vm0 =	vmor vm0, vm1  }
0x244: {  	v8 =	vsel vm0, v7, v8;
	v9 =	vsel vm0, v6, v9;
	v6 =	vld [tilespmem:s29+$0xC980]  }
0x245: {  	v7 =	vld [tilespmem:s29+$0xC700];
	[tilespmem:s26+$0xCC00] =	vst v8  }
0x246: {  	v8 =	vld [tilespmem:s29+$0xCC00];
	[tilespmem:s26+$0xCE80] =	vst v9;
	s26 =	smov.u32 s29  }
0x247: {  	v9 =	vld [tilespmem:s26+$0xCE80]  }
.Ltmp17:
0x248: {  	(pc) =	sbr.rel @p0 .LBB2_34-.Ltmp17, $3  }
0x249: {  	_ =	sdelay $0x1  }
0x24a: {  	vm0 =	vgt.f32 v7, v8;
	vm1 =	veq.f32 v7, v8  }
0x24b: {  	vm2 =	vgt.s32 v6, v9  }
0x24c: {  	vm1 =	vmand vm1, vm2  }
0x24d: {  	vm0 =	vmor vm0, vm1  }
0x24e: {  	v7 =	vsel vm0, v7, v8  }
0x24f: {  	v6 =	vsel vm0, v6, v9;
	[tilespmem:s26+$0xCC00] =	vst v7  }
0x250: {  	[tilespmem:s26+$0xCE80] =	vst v6  }
0x251: {  	_ =	swait.ge [sflag:s15], $0x280  }
0x252: {  	[sflag:s15] =	ssyncset.done $0x0  }
0x253: {  	[sflag:s15] =	ssyncadd.s32 $0xFFFFFD80  }
0x254: {  	_ =	swait.ge [sflag:s15], $0x280  }
0x255: {  	[sflag:s15] =	ssyncset.done $0x0  }
0x256: {  	[sflag:s15] =	ssyncadd.s32 $0xFFFFFD80  }
0x257: {  	[tilespmem:s21], [sflag:$0x1] =	stream.linear.gather [spmem:s6], $0x280, $0x38;
	[tilespmem:$0x12600] =	vst v63  }
0x258: {  	s26 =	simm.s32 $0x0  }
0x259: {  	[tilespmem:s22], [sflag:$0x1] =	stream.linear.gather [spmem:s7], $0x280, $0x38;
	[tilespmem:$0x12600] =	vst v63  }
0x25a: {  	v6 =	vld [tilespmem:s26+$0xD380]  }
0x25b: {  	v7 =	vld [tilespmem:s26+$0xD100]  }
0x25c: {  	v8 =	vld [tilespmem:s26+$0xCC00]  }
0x25d: {  	v9 =	vld [tilespmem:s26+$0xCE80];
	_ =	sdelay $0x4  }
0x25e: {  	s28 =	simm.s32 $0x40;
	vm0 =	vgt.f32 v7, v8;
	vm1 =	veq.f32 v7, v8;
	vm2 =	vgt.s32 v6, v9  }
.LBB2_36:
0x25f: {  	p0 =	sne.s32 s28, $0x9C0;
	vm1 =	vmand vm1, vm2;
	s29 =	smov.u32 s28;
	s28 =	sadd.s32 $0x40, s28  }
0x260: {  	s29 =	sshra.s32 s29, $0x2;
	vm0 =	vmor vm0, vm1  }
0x261: {  	v8 =	vsel vm0, v7, v8;
	v9 =	vsel vm0, v6, v9;
	v6 =	vld [tilespmem:s29+$0xD380]  }
0x262: {  	v7 =	vld [tilespmem:s29+$0xD100];
	[tilespmem:s26+$0xCC00] =	vst v8  }
0x263: {  	v8 =	vld [tilespmem:s29+$0xCC00];
	[tilespmem:s26+$0xCE80] =	vst v9;
	s26 =	smov.u32 s29  }
0x264: {  	v9 =	vld [tilespmem:s26+$0xCE80]  }
.Ltmp18:
0x265: {  	(pc) =	sbr.rel @p0 .LBB2_36-.Ltmp18, $3  }
0x266: {  	_ =	sdelay $0x1  }
0x267: {  	vm0 =	vgt.f32 v7, v8;
	vm1 =	veq.f32 v7, v8  }
0x268: {  	vm2 =	vgt.s32 v6, v9  }
0x269: {  	vm1 =	vmand vm1, vm2  }
0x26a: {  	vm0 =	vmor vm0, vm1  }
0x26b: {  	v7 =	vsel vm0, v7, v8  }
0x26c: {  	v6 =	vsel vm0, v6, v9;
	[tilespmem:s26+$0xCC00] =	vst v7  }
0x26d: {  	[tilespmem:s26+$0xCE80] =	vst v6  }
0x26e: {  	_ =	swait.ge [sflag:s15], $0x280  }
0x26f: {  	[sflag:s15] =	ssyncset.done $0x0  }
0x270: {  	[sflag:s15] =	ssyncadd.s32 $0xFFFFFD80  }
0x271: {  	_ =	swait.ge [sflag:s15], $0x280  }
0x272: {  	[sflag:s15] =	ssyncset.done $0x0  }
0x273: {  	s26 =	simm.s32 $0x0;
	[sflag:s15] =	ssyncadd.s32 $0xFFFFFD80  }
0x274: {  	v6 =	vld [tilespmem:s26+$0xC980]  }
0x275: {  	v7 =	vld [tilespmem:s26+$0xC700]  }
0x276: {  	v8 =	vld [tilespmem:s26+$0xCC00]  }
0x277: {  	v9 =	vld [tilespmem:s26+$0xCE80];
	_ =	sdelay $0x4  }
0x278: {  	s28 =	simm.s32 $0x40;
	vm0 =	vgt.f32 v7, v8;
	vm1 =	veq.f32 v7, v8;
	vm2 =	vgt.s32 v6, v9  }
.LBB2_38:
0x279: {  	p0 =	sne.s32 s28, $0x9C0;
	vm1 =	vmand vm1, vm2;
	s29 =	smov.u32 s28;
	s28 =	sadd.s32 $0x40, s28  }
0x27a: {  	s29 =	sshra.s32 s29, $0x2;
	vm0 =	vmor vm0, vm1  }
0x27b: {  	v8 =	vsel vm0, v7, v8;
	v9 =	vsel vm0, v6, v9;
	v6 =	vld [tilespmem:s29+$0xC980]  }
0x27c: {  	v7 =	vld [tilespmem:s29+$0xC700];
	[tilespmem:s26+$0xCC00] =	vst v8  }
0x27d: {  	v8 =	vld [tilespmem:s29+$0xCC00];
	[tilespmem:s26+$0xCE80] =	vst v9;
	s26 =	smov.u32 s29  }
0x27e: {  	v9 =	vld [tilespmem:s26+$0xCE80]  }
.Ltmp19:
0x27f: {  	(pc) =	sbr.rel @p0 .LBB2_38-.Ltmp19, $3  }
0x280: {  	_ =	sdelay $0x1  }
0x281: {  	vm0 =	vgt.f32 v7, v8;
	vm1 =	veq.f32 v7, v8  }
0x282: {  	vm2 =	vgt.s32 v6, v9  }
0x283: {  	vm1 =	vmand vm1, vm2  }
0x284: {  	vm0 =	vmor vm0, vm1  }
0x285: {  	v7 =	vsel vm0, v7, v8  }
0x286: {  	v6 =	vsel vm0, v6, v9;
	[tilespmem:s26+$0xCC00] =	vst v7  }
0x287: {  	[tilespmem:s26+$0xCE80] =	vst v6  }
0x288: {  	[hbm4b:s12+s1] =	stream.linear.scatter [tilespmem:s19], [sflag:$0x2], $0x280, $0x38;
	[tilespmem:$0x12600] =	vst v63  }
0x289: {  	s25 =	sadd.s32 $0x1, s25;
	_ =	swait.ge [sflag:s18], $0x280  }
0x28a: {  	p0 =	sne.s32 s25, s14;
	[sflag:s18] =	ssyncset.done $0x0  }
.Ltmp20:
0x28b: {  	[sflag:s18] =	ssyncadd.s32 $0xFFFFFD80;
	(pc) =	sbr.rel @p0 .LBB2_1-.Ltmp20, $4  }
0x28c: {  	[hbm4b:s13+s1] =	stream.linear.scatter [tilespmem:s20], [sflag:$0x2], $0x280, $0x38;
	[tilespmem:$0x12600] =	vst v63  }
0x28d: {  	_ =	swait.ge [sflag:s18], $0x280  }
0x28e: {  	[sflag:s18] =	ssyncset.done $0x0  }
0x28f: {  	[sflag:s18] =	ssyncadd.s32 $0xFFFFFD80  }
0x290: {  	_ =	sfence.sel $0x180000  }
0x291: {  	[bflag:$0x0] =	sbarrier.arrive $0xFFFF  }
0x292: {  	_ =	strace $0x9000004D  }
0x293: {  	s0 =	stileid.u32;
	[bflag:$0x2] =	sbarrier.arrive $0xFFFF  }
0x294: {  	p0 =	sne.s32 s0, $0x0;
	s0 =	rddreg [dreg:$0x3]  }
0x295: {  	s0 =	sadd.s32 @!p0 $0x100000, s0  }
0x296: {  	[sflag:s0] =	ssyncadd.tile.s32 @!p0 $0x1;
	_ =	shalt  }
.Lfunc_end2:
_tile_overlayer_lowered:
.L_overlay_start_2:
0x297: {  	(tag) =	ssettag $0x2  }
0x298: {  	s0 =	rddreg [dreg:$0x0];
	s2 =	stileid.u32  }
0x299: {  	s1 =	rddreg [dreg:$0x1];
	p0 =	sne.s32 s2, $0x0  }
0x29a: {  	s3 =	rddreg [dreg:$0x2];
	[bflag:$0x3] =	sbarrier.arrive $0xFFFF;
	s2 =	simm.s32 @!p0 $0x1C02  }
0x29b: {  	[timem:s3], [sflag:s2] =	dma.local @!p0 [hbm:s0], s1  }
0x29c: {  	s0 =	simm.s32 @!p0 $0x2  }
0x29d: {  	_ =	swait.ge @!p0 [sflag:s0], s1  }
0x29e: {  	s1 =	ssub.s32 @!p0 $0x0, s1;
	[sflag:s0] =	ssyncset.done @!p0 $0x0  }
0x29f: {  	[sflag:s0] =	ssyncadd.s32 @!p0 s1  }
0x2a0: {  	[bflag:$0x3] =	sbarrier.arrive $0xFFFF  }
0x2a1: {  	_ =	shalt  }

// kernel: kernel.16.cloned.1.call-start
scs
__scs_entry_jumppad:
0x0: {  	(pc) =	sbr.rel $0x88, $3  }
0x1: {  	(tag) =	ssettag $0x0;
	lr =	simm.s32 $0x1  }
0x2: {  	[smem:$0x3F9B] =	sst lr;
	_ =	strace $0xD0000000  }
0x3: {  	_ = 	snop  }
0x4: {  	_ = 	snop  }
0x5: {  	_ = 	snop  }
0x6: {  	_ = 	snop  }
0x7: {  	_ = 	snop  }
__scs_overlays_trampoline_lowered:
0x8: {  	[smem:$0x3FAA] =	sst s0  }
0x9: {  	[smem:$0x3FAB] =	sst s1  }
0xa: {  	[smem:$0x3FAC] =	sst s2  }
0xb: {  	[smem:$0x3FAD] =	sst s3  }
0xc: {  	[smem:$0x3FAE] =	sst s4  }
0xd: {  	[smem:$0x3FAF] =	sst s5  }
0xe: {  	[smem:$0x3FB0] =	sst s6  }
0xf: {  	[smem:$0x3FB1] =	sst s7  }
0x10: {  	[smem:$0x3FB2] =	sst s8  }
0x11: {  	[smem:$0x3FB3] =	sst s9;
	s0 =	simm.s32 @!p0 $0x0  }
0x12: {  	s1 =	sld [smem:$0x3F99];
	s0 =	simm.s32 @p0 $0x1  }
0x13: {  	[smem:$0x3FB4] =	sst s0;
	s0 =	simm.s32 @!p1 $0x0  }
0x14: {  	s2 =	sld [smem:$0x3F98];
	s0 =	simm.s32 @p1 $0x1  }
0x15: {  	[smem:$0x3FB5] =	sst s0;
	s0 =	simm.s32 @!p2 $0x0  }
0x16: {  	s3 =	sld [smem:$0x3FDB];
	s0 =	simm.s32 @p2 $0x1  }
0x17: {  	s4 =	simm.s32 $0x1BF5;
	[smem:$0x3FB7] =	sst s0  }
0x18: {  	s0 =	sld [smem:$0x3F9A];
	_ =	swait.ge [sflag:s4], $0x0  }
0x19: {  	s7 =	sld [smem:$0x3F9B]  }
0x1a: {  	s8 =	sadd.s32 $0xFFFFE003, lr  }
0x1b: {  	s9 =	sadd.s32 $0xFFFFFEF7, lr;
	s5 =	simm.s32 $0xFFFFFFFF;
	p2 =	slt.u32 s8, $0xFFFFF086  }
0x1c: {  	p1 =	slt.u32 s9, $0xF7A;
	s5 =	simm.s32 @!p2 $0x0  }
0x1d: {  	s5 =	simm.s32 @p1 $0x1;
	p0 =	seq.s32 s7, s2  }
0x1e: {  	s7 =	smul.u32 @!p0 $0xF7A, s2;
	p2 =	seq.s32 @!p0 s5, $0x0  }
0x1f: {  	s9 =	smul.u32 $0xF7A, s1;
	s8 =	simm.s32 @!p0 $0x1BF5;
	p2 =	por !p2, p0  }
0x20: {  	[sflag:s8] =	ssyncset.s32 @!p0 $0xFFFFF086;
	s6 =	sadd.s32 @!p0 s3, s7;
	s7 =	simm.s32 @!p0 $0x108  }
0x21: {  	s3 =	sadd.s32 s3, s9;
	s6 =	sadd.s32 @!p0 $0x88, s6;
	s7 =	simm.s32 @p2 $0x1082  }
0x22: {  	[simem:s7], [sflag:s8] =	dma.local @!p0 [hbm:s6], $0xF7A  }
0x23: {  	s9 =	sor.u32 $0xD0000000, s2;
	s6 =	simm.s32 $0x108;
	_ =	swait.ge @!p0 [sflag:s8], $0x0  }
0x24: {  	s3 =	sadd.s32 $0x88, s3;
	s6 =	simm.s32 @!p1 $0x1082;
	[sflag:s4] =	ssyncset.s32 $0xFFFFF086  }
0x25: {  	[simem:s6], [sflag:s4] =	dma.local [hbm:s3], $0xF7A  }
0x26: {  	[smem:$0x3F9B] =	sst s1;
	(tag) =	ssettag s2;
	_ =	strace s9  }
0x27: {  	s1 =	sld [smem:$0x3FAB]  }
0x28: {  	s2 =	sld [smem:$0x3FAC]  }
0x29: {  	s4 =	sld [smem:$0x3FAE]  }
0x2a: {  	p0 =	seq.s32 s5, $0x0;
	s5 =	sld [smem:$0x3FAF]  }
0x2b: {  	s6 =	sld [smem:$0x3FB0]  }
0x2c: {  	s7 =	sld [smem:$0x3FB1]  }
0x2d: {  	s3 =	simm.s32 $0x108;
	s8 =	sld [smem:$0x3FB2]  }
0x2e: {  	s3 =	simm.s32 @!p0 $0x1082;
	s9 =	sld [smem:$0x3FB3]  }
0x2f: {  	lr =	sadd.s32 s0, s3;
	s0 =	sld [smem:$0x3FAA]  }
0x30: {  	s3 =	sld [smem:$0x3FAD]  }
0x31: {  	[smem:$0x3FB6] =	sst s10  }
0x32: {  	s10 =	sld [smem:$0x3FB4];
	_ =	sdelay $0x3  }
0x33: {  	p0 =	seq.s32 s10, $0x1;
	s10 =	sld [smem:$0x3FB6];
	_ =	sdelay $0x3  }
0x34: {  	[smem:$0x3FB6] =	sst s10  }
0x35: {  	s10 =	sld [smem:$0x3FB5];
	_ =	sdelay $0x3  }
0x36: {  	p1 =	seq.s32 s10, $0x1;
	s10 =	sld [smem:$0x3FB6];
	_ =	sdelay $0x3  }
0x37: {  	[smem:$0x3FB6] =	sst s10  }
0x38: {  	s10 =	sld [smem:$0x3FB7]  }
0x39: {  	_ = 	snop;
	(pc) =	sbr.ind lr, $3  }
0x3a: {  	_ = 	snop  }
0x3b: {  	_ = 	snop  }
0x3c: {  	p2 =	seq.s32 s10, $0x1;
	s10 =	sld [smem:$0x3FB6]  }
0x3d: {  	_ =	shalt  }
0x3e: {  	_ =	shalt  }
0x3f: {  	_ =	shalt  }
0x40: {  	_ =	shalt  }
0x41: {  	_ =	shalt  }
0x42: {  	_ =	shalt  }
0x43: {  	_ =	shalt  }
0x44: {  	_ =	shalt  }
0x45: {  	_ =	shalt  }
0x46: {  	_ =	shalt  }
0x47: {  	_ =	shalt  }
0x48: {  	_ =	shalt  }
0x49: {  	_ =	shalt  }
0x4a: {  	_ =	shalt  }
0x4b: {  	_ =	shalt  }
0x4c: {  	_ =	shalt  }
0x4d: {  	_ =	shalt  }
0x4e: {  	_ =	shalt  }
0x4f: {  	_ =	shalt  }
0x50: {  	_ =	shalt  }
0x51: {  	_ =	shalt  }
0x52: {  	_ =	shalt  }
0x53: {  	_ =	shalt  }
0x54: {  	_ =	shalt  }
0x55: {  	_ =	shalt  }
0x56: {  	_ =	shalt  }
0x57: {  	_ =	shalt  }
0x58: {  	_ =	shalt  }
0x59: {  	_ =	shalt  }
0x5a: {  	_ =	shalt  }
0x5b: {  	_ =	shalt  }
0x5c: {  	_ =	shalt  }
0x5d: {  	_ =	shalt  }
0x5e: {  	_ =	shalt  }
0x5f: {  	_ =	shalt  }
0x60: {  	_ =	shalt  }
0x61: {  	_ =	shalt  }
0x62: {  	_ =	shalt  }
0x63: {  	_ =	shalt  }
0x64: {  	_ =	shalt  }
0x65: {  	_ =	shalt  }
0x66: {  	_ =	shalt  }
0x67: {  	_ =	shalt  }
0x68: {  	_ =	shalt  }
0x69: {  	_ =	shalt  }
0x6a: {  	_ =	shalt  }
0x6b: {  	_ =	shalt  }
0x6c: {  	_ =	shalt  }
0x6d: {  	_ =	shalt  }
0x6e: {  	_ =	shalt  }
0x6f: {  	_ =	shalt  }
0x70: {  	_ =	shalt  }
0x71: {  	_ =	shalt  }
0x72: {  	_ =	shalt  }
0x73: {  	_ =	shalt  }
0x74: {  	_ =	shalt  }
0x75: {  	_ =	shalt  }
0x76: {  	_ =	shalt  }
0x77: {  	_ =	shalt  }
0x78: {  	_ =	shalt  }
0x79: {  	_ =	shalt  }
0x7a: {  	_ =	shalt  }
0x7b: {  	_ =	shalt  }
0x7c: {  	_ =	shalt  }
0x7d: {  	_ =	shalt  }
0x7e: {  	_ =	shalt  }
0x7f: {  	_ =	shalt  }
0x80: {  	_ =	shalt  }
0x81: {  	_ =	shalt  }
0x82: {  	_ =	shalt  }
0x83: {  	_ =	shalt  }
0x84: {  	_ =	shalt  }
0x85: {  	_ =	shalt  }
0x86: {  	_ =	shalt  }
0x87: {  	_ =	shalt  }
.Lfunc_end0:
.L_simem_size_0:
called_computation.3_lowered:
.L_overlay_start_0:
0x88: {  	s2 =	sld [smem:$0x3FD9]  }
0x89: {  	s3 =	sld [smem:$0x3FFE];
	_ =	sdelay $0x1  }
0x8a: {  	s1 =	srdreg.scid  }
0x8b: {  	s0 =	sand.u32 $0x1, s1  }
0x8c: {  	s17 =	sshll.u32 s0, $0xA;
	s2 =	sadd.s32 s3, s2  }
0x8d: {  	s2 =	sadd.s32 s2, s17  }
0x8e: {  	[smem:$0x3FC2] =	sst s2  }
0x8f: {  	_ = 	snop  }
0x90: {  	s2 =	sld [smem:$0x3FD0];
	(tm) =	ssettm $0x1  }
0x91: {  	s18 =	sld [smem:$0x3FFB];
	_ =	sdelay $0x3  }
0x92: {  	_ =	strace s18  }
0x93: {  	s3 =	sld [smem:$0x3FFC];
	_ =	sdelay $0x3  }
0x94: {  	_ =	strace s3  }
0x95: {  	s3 =	sld [smem:$0x3FFD];
	_ =	sdelay $0x3  }
0x96: {  	_ =	strace s3  }
0x97: {  	_ =	strace $0x8FFFFFFF  }
0x98: {  	s19 =	sld [smem:$0x3FDB];
	_ =	sdelay $0x1  }
0x99: {  	s4 =	simm.s32 $_scs_section_size  }
0x9a: {  	s5 =	simm.s32 $_size__tile_overlayer_lowered;
	s6 =	simm.s32 $_tile_overlayer_lowered  }
0x9b: {  	s22 =	simm.s32 $0x1BFF;
	s21 =	sshll.u32 s6, $0x1;
	s3 =	sadd.s32 s4, s19  }
0x9c: {  	s7 =	simm.s32 $0x0;
	s20 =	sshll.u32 s5, $0x1;
	s5 =	sadd.s32 s21, s3  }
0x9d: {  	[timem:s7], [sflag:s22] =	dma.local [hbm:s5], s20  }
0x9e: {  	_ =	swait.ge [sflag:s22], s20  }
0x9f: {  	s4 =	ssub.s32 $0x0, s20;
	[sflag:s22] =	ssyncset.done $0x0  }
0xa0: {  	[sflag:s22] =	ssyncadd.s32 s4;
	_ =	sdelay $0x1  }
0xa1: {  	s23 =	simm.s32 $0x1B8B  }
0xa2: {  	_ =	swait.ge [sflag:s23], $0x1  }
0xa3: {  	[sflag:s23] =	ssyncset.done $0x0  }
0xa4: {  	s25 =	simm.s32 $0x1B8E;
	s24 =	sld [smem:$0x3FFE];
	[sflag:s23] =	ssyncadd.s32 $0xFFFFFFFF  }
0xa5: {  	s26 =	simm.s32 $execute0_lowered;
	[smem:$0x3FD2] =	sst s25  }
0xa6: {  	s5 =	sshll.u32 s26, $0x1;
	_ =	strace $0x8000004F;
	[dreg:$0x1] =	wrdreg $0xFFFFFFFF  }
0xa7: {  	s28 =	simm.s32 $_size_execute0_lowered;
	s3 =	sadd.s32 s3, s5;
	[dreg:$0x0] =	wrdreg $0x0  }
0xa8: {  	s5 =	sshll.u32 s28, $0x1;
	[dreg:$0x2] =	wrdreg s3  }
0xa9: {  	[dreg:$0x3] =	wrdreg s5  }
0xaa: {  	[dreg:$0x4] =	wrdreg $0xC0  }
0xab: {  	_ =	task [dreg:s7], $0x5FFFF  }
0xac: {  	[dreg:$0x1] =	wrdreg $0xFFFFFFFF  }
0xad: {  	[dreg:$0x0] =	wrdreg $0x60  }
0xae: {  	[dreg:$0x2] =	wrdreg s24  }
0xaf: {  	[dreg:$0x3] =	wrdreg s2  }
0xb0: {  	[dreg:$0x4] =	wrdreg $0x9  }
0xb1: {  	_ =	task.clear_ibuf [dreg:s7], $0x5FFFF;
	_ =	strace $0x9000004F  }
0xb2: {  	s29 =	simm.s32 $0x9;
	_ =	strace $0x80000051  }
0xb3: {  	_ =	swait.ge [sflag:s29], $0x1  }
0xb4: {  	[sflag:s29] =	ssyncadd.s32 $0xFFFFFFFF  }
0xb5: {  	_ =	strace $0x90000051  }
0xb6: {  	_ =	sfence  }
0xb7: {  	s30 =	sld [smem:$0x0];
	_ =	sdelay $0x2  }
0xb8: {  	s31 =	sshll.u32 s1, $0xD;
	s1 =	sshrl.u32 s1, $0x2  }
0xb9: {  	s3 =	sand.u32 $0x4000, s31;
	s1 =	sadd.s32 s1, s30  }
0xba: {  	s0 =	sor.u32 s3, s0;
	s1 =	sshll.u32 s1, $0x11  }
0xbb: {  	s0 =	sor.u32 s1, s0  }
0xbc: {  	s0 =	sadd.s32 $0x8F2B, s0  }
0xbd: {  	[sflag:s0] =	ssyncadd.remote.s32 $0x1  }
0xbe: {  	_ =	sfence.sel $0xFFFF  }
0xbf: {  	[dreg:$0x0] =	wrdreg $0xFFFFFFFF;
	(pc) =	sbr.abs _section_cstart, $3  }
0xc0: {  	[dreg:$0x1] =	wrdreg $0xFFFFFFFF  }
0xc1: {  	_ =	task.clear_ibuf [dreg:s7], $0x2FFFF;
	_ =	strace $0x9FFFFFFF  }
0xc2: {  	(tm) =	ssettm $0x7FFFFFFF  }
0xc3: {  	_ =	shalt  }
tec
execute0_lowered:
.L_overlay_start_1:
0x0: {  	(tag) =	ssettag $0x1  }
0x1: {  	s0 =	rddreg [dreg:$0x0]  }
0x2: {  	s1 =	rddreg [dreg:$0x1];
	s2 =	srdreg.scid;
	s3 =	simm.s32 $0x0  }
0x3: {  	s5 =	stileid.u32;
	s17 =	simm.s32 $0x1;
	s18 =	simm.s32 $0x40  }
0x4: {  	s30 =	simm.s32 $0x780;
	s31 =	simm.s32 $0x2;
	s14 =	simm.s32 $0x5A00  }
0x5: {  	s16 =	simm.s32 $0x5E00;
	s19 =	simm.s32 $0x5800;
	s20 =	simm.s32 $0x6200  }
0x6: {  	s21 =	simm.s32 $0x5840;
	s22 =	simm.s32 $0x6600;
	s23 =	simm.s32 $0x5880  }
0x7: {  	s24 =	simm.s32 $0x6A00;
	s25 =	simm.s32 $0x58C0;
	s2 =	sand.u32 $0x1, s2  }
0x8: {  	s26 =	simm.s32 $0x0;
	[smem:$0x7FF] =	sst s3;
	s4 =	sshll.u32 s2, $0x4  }
0x9: {  	s8 =	sadd.s32 $0x16C00, s0;
	s10 =	sadd.s32 $0x18200, s0;
	s6 =	sor.u32 s5, s4  }
0xa: {  	_ =	strace $0x80000050;
	s2 =	ssub.s32 $0x2, s2;
	s7 =	smul.u32 $0x140, s6  }
0xb: {  	s4 =	sadd.s32 $0xC200, s0;
	s5 =	sadd.s32 $0x17C00, s0;
	s9 =	smul.u32 $0x280, s6  }
0xc: {  	s29 =	sshrl.u32 s2, $0x1;
	s6 =	sadd.s32 $0x16600, s0;
	s11 =	sshrl.u32 s7, $0x3  }
0xd: {  	s2 =	ssub.s32 s2, s29;
	s12 =	sadd.s32 s9, s0;
	s0 =	sadd.s32 s11, s0  }
0xe: {  	s7 =	sadd.s32 s8, s11;
	s13 =	sadd.s32 $0x500, s11;
	s9 =	sadd.s32 s10, s11  }
0xf: {  	s11 =	sadd.s32 $0x2400, s12;
	s8 =	sadd.s32 s8, s13;
	s10 =	sadd.s32 s10, s13  }
0x10: {  	s12 =	sadd.s32 $0x16000, s0;
	s13 =	smax.u32 s2, $0x1;
	s0 =	simm.s32 $0x2F80  }
.LBB2_1:
0x11: {  	[tilespmem:s3], [sflag:$0x1] =	stream.linear.gather [hbm4b:s7+s3], $0x140, $0x38;
	[tilespmem:$0x6E00] =	vst v63  }
0x12: {  	s2 =	simm.s32 $0x140  }
0x13: {  	[tilespmem:s2], [sflag:$0x1] =	stream.linear.gather [hbm4b:s8+s3], $0x140, $0x38;
	[tilespmem:$0x6E00] =	vst v63  }
0x14: {  	s15 =	simm.s32 $0x280  }
0x15: {  	[tilespmem:s15], [sflag:$0x1] =	stream.linear.gather [hbm4b:s9+s3], $0x140, $0x38;
	[tilespmem:$0x6E00] =	vst v63  }
0x16: {  	s15 =	simm.s32 $0x3C0  }
0x17: {  	[tilespmem:s15], [sflag:$0x1] =	stream.linear.gather [hbm4b:s10+s3], $0x140, $0x38;
	[tilespmem:$0x6E00] =	vst v63  }
0x18: {  	_ =	swait.ge [sflag:s17], $0x140  }
0x19: {  	[sflag:s17] =	ssyncset.done $0x0  }
0x1a: {  	[sflag:s17] =	ssyncadd.s32 $0xFFFFFEC0  }
0x1b: {  	_ =	swait.ge [sflag:s17], $0x140  }
0x1c: {  	[sflag:s17] =	ssyncset.done $0x0  }
0x1d: {  	[sflag:s17] =	ssyncadd.s32 $0xFFFFFEC0  }
0x1e: {  	_ =	swait.ge [sflag:s17], $0x140  }
0x1f: {  	[sflag:s17] =	ssyncset.done $0x0  }
0x20: {  	[sflag:s17] =	ssyncadd.s32 $0xFFFFFEC0  }
0x21: {  	_ =	swait.ge [sflag:s17], $0x140  }
0x22: {  	[sflag:s17] =	ssyncset.done $0x0  }
0x23: {  	s28 =	simm.s32 $0x0;
	[sflag:s17] =	ssyncadd.s32 $0xFFFFFEC0  }
0x24: {  	v4 =	vld [tilespmem:s28+$0x140]  }
0x25: {  	v1 =	vld [tilespmem:s28+$0x3C0]  }
0x26: {  	v6 =	vld [tilespmem:s28+$0x0]  }
0x27: {  	v5 =	vld [tilespmem:s28+$0x280];
	_ =	sdelay $0x1  }
0x28: {  	s29 =	simm.s32 $0x10  }
0x29: {  	v2 =	vld [tilespmem:s29+$0x140]  }
0x2a: {  	v0 =	vld [tilespmem:s29+$0x3C0]  }
0x2b: {  	v3 =	vld [tilespmem:s29+$0x0];
	vm0 =	veq.f32 v4, v6;
	vm1 =	vgt.s32 v1, v5  }
0x2c: {  	vm2 =	vgt.f32 v4, v6;
	v4 =	vld [tilespmem:s29+$0x280];
	vm0 =	vmand vm0, vm1  }
0x2d: {  	s2 =	simm.s32 $0x80;
	vm0 =	vmor vm2, vm0  }
.LBB2_2:
0x2e: {  	s15 =	sshra.s32 s2, $0x2;
	v5 =	vsel vm0, v1, v5;
	v6 =	vmov v2;
	p0 =	sne.s32 s2, $0x4C0  }
.Ltmp0:
0x2f: {  	v2 =	vld [tilespmem:s15+$0x140];
	vm0 =	vgt.s32 v5, $0x0;
	v1 =	vmov v0;
	(pc) =	sbr.rel @p0 .LBB2_2-.Ltmp0, $4  }
0x30: {  	v0 =	vld [tilespmem:s15+$0x3C0];
	v8 =	vnsel vm0, $0x0, v5;
	v7 =	vmov v3  }
0x31: {  	s2 =	sadd.s32 $0x40, s2;
	v3 =	vld [tilespmem:s15+$0x0];
	vm0 =	veq.f32 v6, v7;
	vm1 =	vgt.s32 v1, v4;
	[tilespmem:s28+$0x500] =	vst v8;
	v5 =	vmov v4;
	s28 =	smov.u32 s29  }
0x32: {  	vm2 =	vgt.f32 v6, v7;
	s29 =	smov.u32 s15;
	v4 =	vld [tilespmem:s15+$0x280];
	vm0 =	vmand vm0, vm1  }
0x33: {  	vm0 =	vmor vm2, vm0  }
0x34: {  	_ =	sdelay $0x2  }
0x35: {  	vm1 =	veq.f32 v2, v3;
	vm2 =	vgt.s32 v0, v4  }
0x36: {  	vm13 =	vgt.f32 v2, v3;
	vm1 =	vmand vm1, vm2  }
0x37: {  	v1 =	vsel vm0, v1, v5;
	vm14 =	vmor vm13, vm1  }
0x38: {  	vm15 =	vgt.s32 v1, $0x0;
	v0 =	vsel vm14, v0, v4  }
0x39: {  	v1 =	vnsel vm15, $0x0, v1;
	vm0 =	vgt.s32 v0, $0x0  }
0x3a: {  	[tilespmem:s28+$0x500] =	vst v1;
	v0 =	vnsel vm0, $0x0, v0  }
0x3b: {  	s2 =	simm.s32 $0x500;
	s15 =	simm.s32 $0x640;
	[tilespmem:s29+$0x500] =	vst v0  }
0x3c: {  	[tilespmem:s15], [sflag:$0x1] =	stream.indirect.gather [hbm4b:s4+s18], $0x1, s2, s18, $0xb8;
	[tilespmem:$0x6E00] =	vst v63  }
0x3d: {  	s2 =	simm.s32 $0x540;
	s15 =	simm.s32 $0x680  }
0x3e: {  	[tilespmem:s15], [sflag:$0x1] =	stream.indirect.gather [hbm4b:s4+s18], $0x1, s2, s18, $0xb8;
	[tilespmem:$0x6E00] =	vst v63  }
0x3f: {  	s2 =	simm.s32 $0x580;
	s15 =	simm.s32 $0x6C0  }
0x40: {  	[tilespmem:s15], [sflag:$0x1] =	stream.indirect.gather [hbm4b:s4+s18], $0x1, s2, s18, $0xb8;
	[tilespmem:$0x6E00] =	vst v63  }
0x41: {  	s2 =	simm.s32 $0x5C0;
	s15 =	simm.s32 $0x700  }
0x42: {  	[tilespmem:s15], [sflag:$0x1] =	stream.indirect.gather [hbm4b:s4+s18], $0x1, s2, s18, $0xb8;
	[tilespmem:$0x6E00] =	vst v63  }
0x43: {  	s2 =	simm.s32 $0x600;
	s15 =	simm.s32 $0x740  }
0x44: {  	[tilespmem:s15], [sflag:$0x1] =	stream.indirect.gather [hbm4b:s4+s18], $0x1, s2, s18, $0xb8;
	[tilespmem:$0x6E00] =	vst v63  }
0x45: {  	_ =	swait.ge [sflag:s17], $0x40  }
0x46: {  	[sflag:s17] =	ssyncset.done $0x0  }
0x47: {  	[sflag:s17] =	ssyncadd.s32 $0xFFFFFFC0  }
0x48: {  	_ =	swait.ge [sflag:s17], $0x40  }
0x49: {  	[sflag:s17] =	ssyncset.done $0x0  }
0x4a: {  	[sflag:s17] =	ssyncadd.s32 $0xFFFFFFC0  }
0x4b: {  	_ =	swait.ge [sflag:s17], $0x40  }
0x4c: {  	[sflag:s17] =	ssyncset.done $0x0  }
0x4d: {  	[sflag:s17] =	ssyncadd.s32 $0xFFFFFFC0  }
0x4e: {  	_ =	swait.ge [sflag:s17], $0x40  }
0x4f: {  	[sflag:s17] =	ssyncset.done $0x0  }
0x50: {  	[sflag:s17] =	ssyncadd.s32 $0xFFFFFFC0  }
0x51: {  	_ =	swait.ge [sflag:s17], $0x40  }
0x52: {  	[sflag:s17] =	ssyncset.done $0x0  }
0x53: {  	s15 =	simm.s32 $0x0;
	[sflag:s17] =	ssyncadd.s32 $0xFFFFFFC0  }
0x54: {  	[tilespmem:s30], [sflag:$0x2] =	stream.linear.gather [hbm4b:s5+s15], $0x2800, $0x38;
	[tilespmem:$0x6E00] =	vst v63  }
0x55: {  	_ =	swait.ge [sflag:s31], $0x2800  }
0x56: {  	[sflag:s31] =	ssyncset.done $0x0  }
0x57: {  	[sflag:s31] =	ssyncadd.s32 $0xFFFFD800  }
0x58: {  	[tilespmem:s0], [sflag:$0x2] =	stream.linear.gather [hbm4b:s6+s15], $0x2800, $0x38;
	[tilespmem:$0x6E00] =	vst v63  }
0x59: {  	_ =	swait.ge [sflag:s31], $0x2800  }
0x5a: {  	[sflag:s31] =	ssyncset.done $0x0  }
0x5b: {  	s28 =	simm.s32 $0x0;
	[sflag:s31] =	ssyncadd.s32 $0xFFFFD800  }
0x5c: {  	v0 =	vld [tilespmem:s28+$0x640];
	_ =	sdelay $0x7  }
0x5d: {  	v0 =	vld.idx.msk [tilespmem:v0+s30+$0x0], $0xffff;
	_ =	sdelay $0x3  }
0x5e: {  	s29 =	simm.s32 $0x80;
	s2 =	simm.s32 $0x10  }
.LBB2_4:
0x5f: {  	p0 =	sne.s32 s29, $0x4C0;
	v1 =	vld [tilespmem:s2+$0x640];
	[tilespmem:s28+$0x5780] =	vst v0  }
0x60: {  	v0 =	vld.idx.msk [tilespmem:v0+s0+$0x0], $0xffff;
	_ =	sdelay $0x5  }
0x61: {  	[tilespmem:s28+$0x58C0] =	vst v0;
	s28 =	smov.u32 s2  }
0x62: {  	v0 =	vld.idx.msk [tilespmem:v1+s30+$0x0], $0xffff;
	_ =	sdelay $0x1  }
.Ltmp1:
0x63: {  	(pc) =	sbr.rel @p0 .LBB2_4-.Ltmp1, $2  }
0x64: {  	_ =	sdelay $0x2  }
0x65: {  	s2 =	sshra.s32 s29, $0x2;
	s29 =	sadd.s32 $0x40, s29  }
0x66: {  	_ =	sdelay $0x1  }
0x67: {  	v1 =	vld [tilespmem:s2+$0x640]  }
0x68: {  	[tilespmem:s28+$0x5780] =	vst v0  }
0x69: {  	v0 =	vld.idx.msk [tilespmem:v0+s0+$0x0], $0xffff;
	_ =	sdelay $0x4  }
0x6a: {  	[tilespmem:s28+$0x58C0] =	vst v0  }
0x6b: {  	v0 =	vld.idx.msk [tilespmem:v1+s30+$0x0], $0xffff;
	_ =	sdelay $0x6  }
0x6c: {  	[tilespmem:s2+$0x5780] =	vst v0  }
0x6d: {  	v0 =	vld.idx.msk [tilespmem:v0+s0+$0x0], $0xffff;
	_ =	sdelay $0x4  }
0x6e: {  	s28 =	simm.s32 $0x5780;
	[tilespmem:s2+$0x58C0] =	vst v0  }
0x6f: {  	[tilespmem:s14], [sflag:$0x1] =	stream.indirect.gather [hbm4b:s1+s18], $0x10, s28, s18, $0xb8;
	[tilespmem:$0x6E00] =	vst v63  }
0x70: {  	s29 =	simm.s32 $0x57C0  }
0x71: {  	[tilespmem:s16], [sflag:$0x1] =	stream.indirect.gather [hbm4b:s1+s18], $0x10, s29, s18, $0xb8;
	[tilespmem:$0x6E00] =	vst v63  }
0x72: {  	_ = 	snop  }
0x73: {  	[tilespmem:s20], [sflag:$0x1] =	stream.indirect.gather [hbm4b:s1+s18], $0x10, s19, s18, $0xb8;
	[tilespmem:$0x6E00] =	vst v63  }
0x74: {  	_ = 	snop  }
0x75: {  	[tilespmem:s22], [sflag:$0x1] =	stream.indirect.gather [hbm4b:s1+s18], $0x10, s21, s18, $0xb8;
	[tilespmem:$0x6E00] =	vst v63  }
0x76: {  	_ = 	snop  }
0x77: {  	[tilespmem:s24], [sflag:$0x1] =	stream.indirect.gather [hbm4b:s1+s18], $0x10, s23, s18, $0xb8;
	[tilespmem:$0x6E00] =	vst v63  }
0x78: {  	_ =	swait.ge [sflag:s17], $0x400  }
0x79: {  	[sflag:s17] =	ssyncset.done $0x0  }
0x7a: {  	[sflag:s17] =	ssyncadd.s32 $0xFFFFFC00  }
0x7b: {  	_ =	swait.ge [sflag:s17], $0x400  }
0x7c: {  	[sflag:s17] =	ssyncset.done $0x0  }
0x7d: {  	[sflag:s17] =	ssyncadd.s32 $0xFFFFFC00  }
0x7e: {  	_ =	swait.ge [sflag:s17], $0x400  }
0x7f: {  	[sflag:s17] =	ssyncset.done $0x0  }
0x80: {  	[sflag:s17] =	ssyncadd.s32 $0xFFFFFC00  }
0x81: {  	_ =	swait.ge [sflag:s17], $0x400  }
0x82: {  	[sflag:s17] =	ssyncset.done $0x0  }
0x83: {  	[sflag:s17] =	ssyncadd.s32 $0xFFFFFC00  }
0x84: {  	_ =	swait.ge [sflag:s17], $0x400  }
0x85: {  	[sflag:s17] =	ssyncset.done $0x0  }
0x86: {  	[sflag:s17] =	ssyncadd.s32 $0xFFFFFC00  }
0x87: {  	[hbm4b:s11+s3] =	stream.linear.scatter [tilespmem:s14], [sflag:$0x2], $0x1400, $0x38;
	[tilespmem:$0x6E00] =	vst v63  }
0x88: {  	s26 =	sadd.s32 $0x1, s26;
	_ =	swait.ge [sflag:s31], $0x1400  }
0x89: {  	p0 =	sne.s32 s26, s13;
	[sflag:s31] =	ssyncset.done $0x0  }
.Ltmp2:
0x8a: {  	[sflag:s31] =	ssyncadd.s32 $0xFFFFEC00;
	(pc) =	sbr.rel @p0 .LBB2_1-.Ltmp2, $4  }
0x8b: {  	[hbm4b:s12+s3] =	stream.linear.scatter [tilespmem:s25], [sflag:$0x2], $0x140, $0x38;
	[tilespmem:$0x6E00] =	vst v63  }
0x8c: {  	_ =	swait.ge [sflag:s31], $0x140  }
0x8d: {  	[sflag:s31] =	ssyncset.done $0x0  }
0x8e: {  	[sflag:s31] =	ssyncadd.s32 $0xFFFFFEC0  }
0x8f: {  	_ =	sfence.sel $0x180000  }
0x90: {  	[bflag:$0x0] =	sbarrier.arrive $0xFFFF  }
0x91: {  	_ =	strace $0x90000050  }
0x92: {  	s0 =	stileid.u32;
	[bflag:$0x2] =	sbarrier.arrive $0xFFFF  }
0x93: {  	p0 =	sne.s32 s0, $0x0;
	s0 =	rddreg [dreg:$0x2]  }
0x94: {  	s0 =	sadd.s32 @!p0 $0x100000, s0  }
0x95: {  	[sflag:s0] =	ssyncadd.tile.s32 @!p0 $0x1;
	_ =	shalt  }
.Lfunc_end2:
_tile_overlayer_lowered:
.L_overlay_start_2:
0x96: {  	(tag) =	ssettag $0x2  }
0x97: {  	s0 =	rddreg [dreg:$0x0];
	s2 =	stileid.u32  }
0x98: {  	s1 =	rddreg [dreg:$0x1];
	p0 =	sne.s32 s2, $0x0  }
0x99: {  	s3 =	rddreg [dreg:$0x2];
	[bflag:$0x3] =	sbarrier.arrive $0xFFFF;
	s2 =	simm.s32 @!p0 $0x1C02  }
0x9a: {  	[timem:s3], [sflag:s2] =	dma.local @!p0 [hbm:s0], s1  }
0x9b: {  	s0 =	simm.s32 @!p0 $0x2  }
0x9c: {  	_ =	swait.ge @!p0 [sflag:s0], s1  }
0x9d: {  	s1 =	ssub.s32 @!p0 $0x0, s1;
	[sflag:s0] =	ssyncset.done @!p0 $0x0  }
0x9e: {  	[sflag:s0] =	ssyncadd.s32 @!p0 s1  }
0x9f: {  	[bflag:$0x3] =	sbarrier.arrive $0xFFFF  }
0xa0: {  	_ =	shalt  }

// kernel: kernel.7.cloned.1.call-start
scs
__scs_entry_jumppad:
0x0: {  	(pc) =	sbr.rel $0x88, $3  }
0x1: {  	(tag) =	ssettag $0x0;
	lr =	simm.s32 $0x1  }
0x2: {  	[smem:$0x3F9B] =	sst lr;
	_ =	strace $0xD0000000  }
0x3: {  	_ = 	snop  }
0x4: {  	_ = 	snop  }
0x5: {  	_ = 	snop  }
0x6: {  	_ = 	snop  }
0x7: {  	_ = 	snop  }
__scs_overlays_trampoline_lowered:
0x8: {  	[smem:$0x3FAA] =	sst s0  }
0x9: {  	[smem:$0x3FAB] =	sst s1  }
0xa: {  	[smem:$0x3FAC] =	sst s2  }
0xb: {  	[smem:$0x3FAD] =	sst s3  }
0xc: {  	[smem:$0x3FAE] =	sst s4  }
0xd: {  	[smem:$0x3FAF] =	sst s5  }
0xe: {  	[smem:$0x3FB0] =	sst s6  }
0xf: {  	[smem:$0x3FB1] =	sst s7  }
0x10: {  	[smem:$0x3FB2] =	sst s8  }
0x11: {  	[smem:$0x3FB3] =	sst s9;
	s0 =	simm.s32 @!p0 $0x0  }
0x12: {  	s1 =	sld [smem:$0x3F99];
	s0 =	simm.s32 @p0 $0x1  }
0x13: {  	[smem:$0x3FB4] =	sst s0;
	s0 =	simm.s32 @!p1 $0x0  }
0x14: {  	s2 =	sld [smem:$0x3F98];
	s0 =	simm.s32 @p1 $0x1  }
0x15: {  	[smem:$0x3FB5] =	sst s0;
	s0 =	simm.s32 @!p2 $0x0  }
0x16: {  	s3 =	sld [smem:$0x3FDB];
	s0 =	simm.s32 @p2 $0x1  }
0x17: {  	s4 =	simm.s32 $0x1BF5;
	[smem:$0x3FB7] =	sst s0  }
0x18: {  	s0 =	sld [smem:$0x3F9A];
	_ =	swait.ge [sflag:s4], $0x0  }
0x19: {  	s7 =	sld [smem:$0x3F9B]  }
0x1a: {  	s8 =	sadd.s32 $0xFFFFE003, lr  }
0x1b: {  	s9 =	sadd.s32 $0xFFFFFEF7, lr;
	s5 =	simm.s32 $0xFFFFFFFF;
	p2 =	slt.u32 s8, $0xFFFFF086  }
0x1c: {  	p1 =	slt.u32 s9, $0xF7A;
	s5 =	simm.s32 @!p2 $0x0  }
0x1d: {  	s5 =	simm.s32 @p1 $0x1;
	p0 =	seq.s32 s7, s2  }
0x1e: {  	s7 =	smul.u32 @!p0 $0xF7A, s2;
	p2 =	seq.s32 @!p0 s5, $0x0  }
0x1f: {  	s9 =	smul.u32 $0xF7A, s1;
	s8 =	simm.s32 @!p0 $0x1BF5;
	p2 =	por !p2, p0  }
0x20: {  	[sflag:s8] =	ssyncset.s32 @!p0 $0xFFFFF086;
	s6 =	sadd.s32 @!p0 s3, s7;
	s7 =	simm.s32 @!p0 $0x108  }
0x21: {  	s3 =	sadd.s32 s3, s9;
	s6 =	sadd.s32 @!p0 $0x88, s6;
	s7 =	simm.s32 @p2 $0x1082  }
0x22: {  	[simem:s7], [sflag:s8] =	dma.local @!p0 [hbm:s6], $0xF7A  }
0x23: {  	s9 =	sor.u32 $0xD0000000, s2;
	s6 =	simm.s32 $0x108;
	_ =	swait.ge @!p0 [sflag:s8], $0x0  }
0x24: {  	s3 =	sadd.s32 $0x88, s3;
	s6 =	simm.s32 @!p1 $0x1082;
	[sflag:s4] =	ssyncset.s32 $0xFFFFF086  }
0x25: {  	[simem:s6], [sflag:s4] =	dma.local [hbm:s3], $0xF7A  }
0x26: {  	[smem:$0x3F9B] =	sst s1;
	(tag) =	ssettag s2;
	_ =	strace s9  }
0x27: {  	s1 =	sld [smem:$0x3FAB]  }
0x28: {  	s2 =	sld [smem:$0x3FAC]  }
0x29: {  	s4 =	sld [smem:$0x3FAE]  }
0x2a: {  	p0 =	seq.s32 s5, $0x0;
	s5 =	sld [smem:$0x3FAF]  }
0x2b: {  	s6 =	sld [smem:$0x3FB0]  }
0x2c: {  	s7 =	sld [smem:$0x3FB1]  }
0x2d: {  	s3 =	simm.s32 $0x108;
	s8 =	sld [smem:$0x3FB2]  }
0x2e: {  	s3 =	simm.s32 @!p0 $0x1082;
	s9 =	sld [smem:$0x3FB3]  }
0x2f: {  	lr =	sadd.s32 s0, s3;
	s0 =	sld [smem:$0x3FAA]  }
0x30: {  	s3 =	sld [smem:$0x3FAD]  }
0x31: {  	[smem:$0x3FB6] =	sst s10  }
0x32: {  	s10 =	sld [smem:$0x3FB4];
	_ =	sdelay $0x3  }
0x33: {  	p0 =	seq.s32 s10, $0x1;
	s10 =	sld [smem:$0x3FB6];
	_ =	sdelay $0x3  }
0x34: {  	[smem:$0x3FB6] =	sst s10  }
0x35: {  	s10 =	sld [smem:$0x3FB5];
	_ =	sdelay $0x3  }
0x36: {  	p1 =	seq.s32 s10, $0x1;
	s10 =	sld [smem:$0x3FB6];
	_ =	sdelay $0x3  }
0x37: {  	[smem:$0x3FB6] =	sst s10  }
0x38: {  	s10 =	sld [smem:$0x3FB7]  }
0x39: {  	_ = 	snop;
	(pc) =	sbr.ind lr, $3  }
0x3a: {  	_ = 	snop  }
0x3b: {  	_ = 	snop  }
0x3c: {  	p2 =	seq.s32 s10, $0x1;
	s10 =	sld [smem:$0x3FB6]  }
0x3d: {  	_ =	shalt  }
0x3e: {  	_ =	shalt  }
0x3f: {  	_ =	shalt  }
0x40: {  	_ =	shalt  }
0x41: {  	_ =	shalt  }
0x42: {  	_ =	shalt  }
0x43: {  	_ =	shalt  }
0x44: {  	_ =	shalt  }
0x45: {  	_ =	shalt  }
0x46: {  	_ =	shalt  }
0x47: {  	_ =	shalt  }
0x48: {  	_ =	shalt  }
0x49: {  	_ =	shalt  }
0x4a: {  	_ =	shalt  }
0x4b: {  	_ =	shalt  }
0x4c: {  	_ =	shalt  }
0x4d: {  	_ =	shalt  }
0x4e: {  	_ =	shalt  }
0x4f: {  	_ =	shalt  }
0x50: {  	_ =	shalt  }
0x51: {  	_ =	shalt  }
0x52: {  	_ =	shalt  }
0x53: {  	_ =	shalt  }
0x54: {  	_ =	shalt  }
0x55: {  	_ =	shalt  }
0x56: {  	_ =	shalt  }
0x57: {  	_ =	shalt  }
0x58: {  	_ =	shalt  }
0x59: {  	_ =	shalt  }
0x5a: {  	_ =	shalt  }
0x5b: {  	_ =	shalt  }
0x5c: {  	_ =	shalt  }
0x5d: {  	_ =	shalt  }
0x5e: {  	_ =	shalt  }
0x5f: {  	_ =	shalt  }
0x60: {  	_ =	shalt  }
0x61: {  	_ =	shalt  }
0x62: {  	_ =	shalt  }
0x63: {  	_ =	shalt  }
0x64: {  	_ =	shalt  }
0x65: {  	_ =	shalt  }
0x66: {  	_ =	shalt  }
0x67: {  	_ =	shalt  }
0x68: {  	_ =	shalt  }
0x69: {  	_ =	shalt  }
0x6a: {  	_ =	shalt  }
0x6b: {  	_ =	shalt  }
0x6c: {  	_ =	shalt  }
0x6d: {  	_ =	shalt  }
0x6e: {  	_ =	shalt  }
0x6f: {  	_ =	shalt  }
0x70: {  	_ =	shalt  }
0x71: {  	_ =	shalt  }
0x72: {  	_ =	shalt  }
0x73: {  	_ =	shalt  }
0x74: {  	_ =	shalt  }
0x75: {  	_ =	shalt  }
0x76: {  	_ =	shalt  }
0x77: {  	_ =	shalt  }
0x78: {  	_ =	shalt  }
0x79: {  	_ =	shalt  }
0x7a: {  	_ =	shalt  }
0x7b: {  	_ =	shalt  }
0x7c: {  	_ =	shalt  }
0x7d: {  	_ =	shalt  }
0x7e: {  	_ =	shalt  }
0x7f: {  	_ =	shalt  }
0x80: {  	_ =	shalt  }
0x81: {  	_ =	shalt  }
0x82: {  	_ =	shalt  }
0x83: {  	_ =	shalt  }
0x84: {  	_ =	shalt  }
0x85: {  	_ =	shalt  }
0x86: {  	_ =	shalt  }
0x87: {  	_ =	shalt  }
.Lfunc_end0:
.L_simem_size_0:
called_computation_lowered:
.L_overlay_start_0:
0x88: {  	s2 =	sld [smem:$0x3FD9]  }
0x89: {  	s3 =	sld [smem:$0x3FFE];
	_ =	sdelay $0x1  }
0x8a: {  	s1 =	srdreg.scid  }
0x8b: {  	s0 =	sand.u32 $0x1, s1  }
0x8c: {  	s17 =	sshll.u32 s0, $0xA;
	s2 =	sadd.s32 s3, s2  }
0x8d: {  	s2 =	sadd.s32 s2, s17  }
0x8e: {  	[smem:$0x3FC2] =	sst s2  }
0x8f: {  	_ = 	snop  }
0x90: {  	s2 =	sld [smem:$0x3FD0];
	(tm) =	ssettm $0x1  }
0x91: {  	s18 =	sld [smem:$0x3FFB];
	_ =	sdelay $0x3  }
0x92: {  	_ =	strace s18  }
0x93: {  	s3 =	sld [smem:$0x3FFC];
	_ =	sdelay $0x3  }
0x94: {  	_ =	strace s3  }
0x95: {  	s3 =	sld [smem:$0x3FFD];
	_ =	sdelay $0x3  }
0x96: {  	_ =	strace s3  }
0x97: {  	_ =	strace $0x8FFFFFFF  }
0x98: {  	s19 =	sld [smem:$0x3FDB];
	_ =	sdelay $0x1  }
0x99: {  	s4 =	simm.s32 $_scs_section_size  }
0x9a: {  	s5 =	simm.s32 $_size__tile_overlayer_lowered;
	s6 =	simm.s32 $_tile_overlayer_lowered  }
0x9b: {  	s22 =	simm.s32 $0x1BFF;
	s21 =	sshll.u32 s6, $0x1;
	s3 =	sadd.s32 s4, s19  }
0x9c: {  	s7 =	simm.s32 $0x0;
	s20 =	sshll.u32 s5, $0x1;
	s5 =	sadd.s32 s21, s3  }
0x9d: {  	[timem:s7], [sflag:s22] =	dma.local [hbm:s5], s20  }
0x9e: {  	_ =	swait.ge [sflag:s22], s20  }
0x9f: {  	s4 =	ssub.s32 $0x0, s20;
	[sflag:s22] =	ssyncset.done $0x0  }
0xa0: {  	[sflag:s22] =	ssyncadd.s32 s4;
	_ =	sdelay $0x1  }
0xa1: {  	s23 =	simm.s32 $0x1B8B  }
0xa2: {  	_ =	swait.ge [sflag:s23], $0x1  }
0xa3: {  	[sflag:s23] =	ssyncset.done $0x0  }
0xa4: {  	s25 =	simm.s32 $0x1B8E;
	s24 =	sld [smem:$0x3FFE];
	[sflag:s23] =	ssyncadd.s32 $0xFFFFFFFF  }
0xa5: {  	s26 =	simm.s32 $execute0_lowered;
	[smem:$0x3FD2] =	sst s25  }
0xa6: {  	s5 =	sshll.u32 s26, $0x1;
	_ =	strace $0x80000046;
	[dreg:$0x1] =	wrdreg $0xFFFFFFFF  }
0xa7: {  	s28 =	simm.s32 $_size_execute0_lowered;
	s3 =	sadd.s32 s3, s5;
	[dreg:$0x0] =	wrdreg $0x0  }
0xa8: {  	s5 =	sshll.u32 s28, $0x1;
	[dreg:$0x2] =	wrdreg s3  }
0xa9: {  	[dreg:$0x3] =	wrdreg s5  }
0xaa: {  	[dreg:$0x4] =	wrdreg $0xC0  }
0xab: {  	_ =	task [dreg:s7], $0x5FFFF  }
0xac: {  	[dreg:$0x1] =	wrdreg $0xFFFFFFFF  }
0xad: {  	[dreg:$0x0] =	wrdreg $0x60  }
0xae: {  	[dreg:$0x2] =	wrdreg s24  }
0xaf: {  	[dreg:$0x3] =	wrdreg s2  }
0xb0: {  	[dreg:$0x4] =	wrdreg $0xD6000  }
0xb1: {  	[dreg:$0x5] =	wrdreg $0xFE000  }
0xb2: {  	[dreg:$0x6] =	wrdreg $0x9  }
0xb3: {  	_ =	task.clear_ibuf [dreg:s7], $0x7FFFF;
	_ =	strace $0x90000046  }
0xb4: {  	s29 =	simm.s32 $0x9;
	_ =	strace $0x80000048  }
0xb5: {  	_ =	swait.ge [sflag:s29], $0x1  }
0xb6: {  	[sflag:s29] =	ssyncadd.s32 $0xFFFFFFFF  }
0xb7: {  	_ =	strace $0x90000048  }
0xb8: {  	_ =	sfence  }
0xb9: {  	s30 =	sld [smem:$0x0];
	_ =	sdelay $0x2  }
0xba: {  	s31 =	sshll.u32 s1, $0xD;
	s1 =	sshrl.u32 s1, $0x2  }
0xbb: {  	s3 =	sand.u32 $0x4000, s31;
	s1 =	sadd.s32 s1, s30  }
0xbc: {  	s0 =	sor.u32 s3, s0;
	s1 =	sshll.u32 s1, $0x11  }
0xbd: {  	s0 =	sor.u32 s1, s0  }
0xbe: {  	s0 =	sadd.s32 $0x8F2B, s0  }
0xbf: {  	[sflag:s0] =	ssyncadd.remote.s32 $0x1  }
0xc0: {  	_ =	sfence.sel $0xFFFF  }
0xc1: {  	[dreg:$0x0] =	wrdreg $0xFFFFFFFF;
	(pc) =	sbr.abs _section_cstart, $3  }
0xc2: {  	[dreg:$0x1] =	wrdreg $0xFFFFFFFF  }
0xc3: {  	_ =	task.clear_ibuf [dreg:s7], $0x2FFFF;
	_ =	strace $0x9FFFFFFF  }
0xc4: {  	(tm) =	ssettm $0x7FFFFFFF  }
0xc5: {  	_ =	shalt  }
tec
execute0_lowered:
.L_overlay_start_1:
0x0: {  	(tag) =	ssettag $0x1  }
0x1: {  	s0 =	srdreg.scid;
	s6 =	rddreg [dreg:$0x2]  }
0x2: {  	s13 =	stileid.u32;
	s7 =	rddreg [dreg:$0x3]  }
0x3: {  	s2 =	simm.s32 $0x0;
	s4 =	sand.u32 $0x1, s0;
	s5 =	smul.u32 $0x280, s13  }
0x4: {  	[smem:$0x7FF] =	sst s2;
	s9 =	smul.u32 $0x2800, s13;
	s0 =	sshll.u32 s4, $0x4  }
0x5: {  	s31 =	smul.u32 $0x2800, s4;
	s3 =	ssub.s32 $0x2, s4;
	s0 =	sor.u32 s13, s0  }
0x6: {  	s8 =	sshrl.u32 s3, $0x1;
	s11 =	sadd.s32 s9, s6;
	s12 =	sadd.s32 s9, s7  }
0x7: {  	s16 =	sadd.s32 $0x5000, s5;
	s17 =	sadd.s32 $0x7800, s5;
	[dreg:$0x5] =	wrdreg s11  }
0x8: {  	s21 =	sadd.s32 $0xA000, s5;
	[dreg:$0x6] =	wrdreg s12;
	s18 =	sadd.s32 s16, s6  }
0x9: {  	s22 =	sadd.s32 $0xC800, s5;
	s19 =	sadd.s32 s17, s6;
	[dreg:$0x9] =	wrdreg s18  }
0xa: {  	s26 =	sadd.s32 $0xF000, s5;
	s20 =	sadd.s32 s17, s7;
	[dreg:$0xb] =	wrdreg s19  }
0xb: {  	s28 =	sadd.s32 $0x11800, s5;
	s23 =	sadd.s32 s21, s6;
	[dreg:$0xc] =	wrdreg s20  }
0xc: {  	s9 =	sadd.s32 $0x16800, s5;
	s24 =	sadd.s32 s22, s6;
	[dreg:$0xd] =	wrdreg s23  }
0xd: {  	s13 =	smul.u32 $0x2710, s13;
	s25 =	sadd.s32 s22, s7;
	[dreg:$0xf] =	wrdreg s24  }
0xe: {  	s1 =	smul.u32 $0x2710, s0;
	s29 =	sadd.s32 s26, s6;
	[dreg:$0x10] =	wrdreg s25  }
0xf: {  	s10 =	sadd.s32 s5, s31;
	s30 =	sadd.s32 s28, s6;
	[dreg:$0x11] =	wrdreg s29  }
0x10: {  	s14 =	ssub.s32 s3, s8;
	s31 =	sadd.s32 s28, s7;
	[dreg:$0x13] =	wrdreg s30  }
0x11: {  	s8 =	sadd.s32 $0x2800, s5;
	s12 =	sadd.s32 s9, s6;
	[dreg:$0x14] =	wrdreg s31  }
0x12: {  	s3 =	sor.u32 $0x14000, s5;
	s17 =	sadd.s32 $0x1B800, s5;
	[dreg:$0x17] =	wrdreg s12  }
0x13: {  	s22 =	sadd.s32 $0x20800, s5;
	s15 =	sadd.s32 s8, s6;
	s12 =	rddreg [dreg:$0x0]  }
0x14: {  	s28 =	sadd.s32 $0x25800, s5;
	s0 =	sadd.s32 s8, s7;
	[dreg:$0x7] =	wrdreg s15  }
0x15: {  	s11 =	sadd.s32 s3, s6;
	s19 =	sadd.s32 s17, s6;
	[dreg:$0x8] =	wrdreg s0  }
0x16: {  	s20 =	sadd.s32 s17, s7;
	s24 =	sadd.s32 s22, s6;
	[dreg:$0x15] =	wrdreg s11  }
0x17: {  	s25 =	sadd.s32 s22, s7;
	s10 =	sshrl.u32 s10, $0x3;
	[dreg:$0x1b] =	wrdreg s19  }
0x18: {  	s14 =	smax.u32 s14, $0x1;
	s17 =	simm.s32 $0x9F00;
	[dreg:$0x1c] =	wrdreg s20  }
0x19: {  	s22 =	simm.s32 $0xC980;
	s0 =	sadd.s32 s16, s7;
	[dreg:$0x1f] =	wrdreg s24  }
0x1a: {  	s15 =	sadd.s32 s9, s7;
	s16 =	sadd.s32 $0x19000, s5;
	[smem:$0x7FD] =	sst s25  }
0x1b: {  	s11 =	smul.u32 $0x27100, s4;
	s29 =	sshrl.u32 s1, $0x3;
	s31 =	sadd.s32 s10, s12  }
0x1c: {  	s19 =	simm.s32 $0xCC00;
	s20 =	simm.s32 $0xCE80;
	[dreg:$0xa] =	wrdreg s0  }
0x1d: {  	s24 =	simm.s32 $0xD380;
	s25 =	simm.s32 $0x0;
	[dreg:$0x18] =	wrdreg s15  }
0x1e: {  	s0 =	sadd.s32 s21, s7;
	s18 =	sadd.s32 s16, s6;
	s15 =	rddreg [dreg:$0x1]  }
0x1f: {  	s21 =	sadd.s32 $0x1E000, s5;
	s30 =	sadd.s32 s29, s12;
	[dreg:$0xe] =	wrdreg s0  }
0x20: {  	s0 =	sadd.s32 s26, s7;
	[dreg:$0x19] =	wrdreg s18;
	s23 =	sadd.s32 s21, s6  }
0x21: {  	s26 =	sadd.s32 $0x23000, s5;
	s8 =	sadd.s32 s13, s11;
	s9 =	sadd.s32 s15, s10  }
0x22: {  	s10 =	sadd.s32 $0x16000, s12;
	s11 =	sadd.s32 $0x2400, s30;
	s12 =	sadd.s32 $0xC200, s30  }
0x23: {  	s13 =	sadd.s32 $0x16C00, s31;
	s15 =	simm.s32 $0x1;
	[dreg:$0x12] =	wrdreg s0  }
0x24: {  	s18 =	simm.s32 $0x2;
	s0 =	sadd.s32 s3, s7;
	[dreg:$0x1d] =	wrdreg s23  }
0x25: {  	s3 =	sadd.s32 s5, s7;
	s4 =	sadd.s32 s26, s6;
	s23 =	simm.s32 $0xD100  }
0x26: {  	[dreg:$0x16] =	wrdreg s0;
	s0 =	sadd.s32 s16, s7;
	s16 =	simm.s32 $0x7700  }
0x27: {  	[dreg:$0x1a] =	wrdreg s0;
	s0 =	sadd.s32 s21, s7;
	s21 =	simm.s32 $0xC700  }
0x28: {  	v0 =	vimm.f32 $-Inf;
	v1 =	vimm.s32 $0xFFFFFFFF;
	v2 =	vlaneseq.u32;
	[dreg:$0x1e] =	wrdreg s0;
	s0 =	sadd.s32 s5, s6;
	s5 =	sadd.s32 s26, s7  }
0x29: {  	v3 =	vimm.s32 $0x0;
	v4 =	vimm.f32 $1.000000000e+00;
	v5 =	vimm.f32 $0.0e+00;
	s6 =	sadd.s32 s28, s6;
	s7 =	sadd.s32 s28, s7;
	_ =	strace $0x80000047  }
.LBB2_1:
0x2a: {  	[tilespmem:s2], [sflag:$0x1] =	stream.linear.gather [hbm4b:s10+s2], $0x2800, $0x38;
	[tilespmem:$0x12600] =	vst v63  }
0x2b: {  	s26 =	simm.s32 $0x2800  }
0x2c: {  	[tilespmem:s26], [sflag:$0x1] =	stream.linear.gather [hbm4b:s11+s2], $0x2710, $0x38;
	[tilespmem:$0x12600] =	vst v63  }
0x2d: {  	s31 =	simm.s32 $0x4F80  }
0x2e: {  	[tilespmem:s31], [sflag:$0x1] =	stream.linear.gather [hbm4b:s12+s2], $0x2710, $0x38;
	[tilespmem:$0x12600] =	vst v63  }
0x2f: {  	_ =	swait.ge [sflag:s15], $0x2800  }
0x30: {  	[sflag:s15] =	ssyncset.done $0x0  }
0x31: {  	[sflag:s15] =	ssyncadd.s32 $0xFFFFD800  }
0x32: {  	_ =	swait.ge [sflag:s15], $0x2710  }
0x33: {  	[sflag:s15] =	ssyncset.done $0x0  }
0x34: {  	[sflag:s15] =	ssyncadd.s32 $0xFFFFD8F0  }
0x35: {  	_ =	swait.ge [sflag:s15], $0x2710  }
0x36: {  	[sflag:s15] =	ssyncset.done $0x0  }
0x37: {  	s26 =	simm.s32 $0x0;
	[sflag:s15] =	ssyncadd.s32 $0xFFFFD8F0  }
.LBB2_2:
0x38: {  	p0 =	sne.s32 s26, $0x9FC0  }
.Ltmp0:
0x39: {  	_ = 	snop;
	(pc) =	sbr.rel @p0 .LBB2_2-.Ltmp0, $4  }
0x3a: {  	_ = 	snop  }
0x3b: {  	s28 =	sshra.s32 s26, $0x2  }
0x3c: {  	[tilespmem:s28+$0x7700] =	vst v0  }
0x3d: {  	s26 =	sadd.s32 $0x40, s26;
	[tilespmem:s28+$0x9F00] =	vst v1  }
0x3e: {  	s26 =	simm.s32 $0x0  }
0x3f: {  	v6 =	vld [tilespmem:s26+$0x4F80]  }
0x40: {  	v9 =	vld [tilespmem:s26+$0x2800];
	_ =	sdelay $0x6  }
0x41: {  	v6 =	vld.idx.msk [tilespmem:v6+s2+$0x0], $0xffff  }
0x42: {  	v7 =	vld.idx.msk [tilespmem:v9+s16+$0x0], $0xffff  }
0x43: {  	v10 =	vld.idx.msk [tilespmem:v9+s17+$0x0], $0xffff;
	_ =	sdelay $0x3  }
0x44: {  	v8 =	vor.u32 s8, v2  }
0x45: {  	vm0 =	veq.f32 v6, v7;
	vm1 =	vgt.s32 v8, v10  }
0x46: {  	vm2 =	vgt.f32 v6, v7;
	vm0 =	vmand vm0, vm1  }
0x47: {  	vm0 =	vmor vm2, vm0;
	_ =	sdelay $0x5  }
0x48: {  	[tilespmem:v9+s16+$0x0] =	vst.idx.msk vm0, v6  }
0x49: {  	[tilespmem:v9+s17+$0x0] =	vst.idx.msk vm0, v8  }
0x4a: {  	v7 =	vld.idx.msk [tilespmem:v9+s16+$0x0], $0xffff  }
0x4b: {  	v10 =	vld.idx.msk [tilespmem:v9+s17+$0x0], $0xffff;
	_ =	sdelay $0x4  }
0x4c: {  	vm13 =	veq.f32 v6, v7;
	vm14 =	vgt.s32 v8, v10  }
0x4d: {  	vm15 =	vgt.f32 v6, v7;
	vm0 =	vmand vm13, vm14  }
0x4e: {  	vm0 =	vmor vm15, vm0;
	_ =	sdelay $0x5  }
0x4f: {  	[tilespmem:v9+s16+$0x0] =	vst.idx.msk vm0, v6  }
0x50: {  	s31 =	simm.s32 $0x10;
	[tilespmem:v9+s17+$0x0] =	vst.idx.msk vm0, v8  }
0x51: {  	v12 =	vld [tilespmem:s31+$0x2800]  }
0x52: {  	v13 =	vld [tilespmem:s31+$0x4F80];
	_ =	sdelay $0x2  }
0x53: {  	v10 =	vld.idx.msk [tilespmem:v9+s17+$0x0], $0xffff  }
0x54: {  	s26 =	sadd.s32 $0x10, s8;
	v11 =	vld.idx.msk [tilespmem:v9+s16+$0x0], $0xffff  }
0x55: {  	s29 =	simm.s32 $0xC0;
	s28 =	simm.s32 $0x20;
	s30 =	smov.u32 s26;
	v7 =	vimm.s32 $0x0;
	v9 =	vmov v12  }
.LBB2_4:
0x56: {  	p0 =	sne.s32 s29, $0x9C00  }
0x57: {  	s26 =	sadd.s32 $0x10, s26;
	s31 =	smov.u32 s29;
	s29 =	sadd.s32 $0x40, s29  }
0x58: {  	vm0 =	vgt.s32 v8, v10;
	v13 =	vld.idx.msk [tilespmem:v13+s2+$0x0], $0xffff  }
0x59: {  	vm1 =	vgt.f32 v6, v11;
	vm2 =	veq.f32 v6, v11;
	v10 =	vld.idx.msk [tilespmem:v12+s16+$0x0], $0xffff  }
0x5a: {  	vm0 =	vmand vm2, vm0;
	v11 =	vld.idx.msk [tilespmem:v12+s17+$0x0], $0xffff  }
0x5b: {  	vm0 =	vmor vm1, vm0  }
0x5c: {  	v8 =	vsel vm0, $0x1, v3  }
0x5d: {  	v7 =	vor.u32 v8, v7  }
0x5e: {  	v6 =	vmov v13  }
0x5f: {  	v8 =	vor.u32 s30, v2;
	s30 =	smov.u32 s26;
	vm0 =	vgt.f32 v6, v10  }
0x60: {  	vm1 =	veq.f32 v6, v10;
	vm2 =	vgt.s32 v8, v11  }
0x61: {  	vm1 =	vmand vm1, vm2  }
0x62: {  	vm0 =	vmor vm0, vm1;
	_ =	sdelay $0x5  }
0x63: {  	[tilespmem:v9+s16+$0x0] =	vst.idx.msk vm0, v6  }
0x64: {  	[tilespmem:v9+s17+$0x0] =	vst.idx.msk vm0, v8  }
0x65: {  	v10 =	vld.idx.msk [tilespmem:v9+s16+$0x0], $0xffff  }
0x66: {  	v11 =	vld.idx.msk [tilespmem:v9+s17+$0x0], $0xffff;
	_ =	sdelay $0x4  }
0x67: {  	vm0 =	veq.f32 v6, v10  }
0x68: {  	vm1 =	vgt.f32 v6, v10;
	vm2 =	vgt.s32 v8, v11  }
0x69: {  	vm0 =	vmand vm0, vm2  }
0x6a: {  	vm0 =	vmor vm1, vm0;
	_ =	sdelay $0x5  }
0x6b: {  	[tilespmem:v9+s16+$0x0] =	vst.idx.msk vm0, v6  }
0x6c: {  	s31 =	sshra.s32 s31, $0x2;
	[tilespmem:v9+s17+$0x0] =	vst.idx.msk vm0, v8  }
0x6d: {  	v13 =	vld [tilespmem:s28+$0x4F80]  }
0x6e: {  	v12 =	vld [tilespmem:s28+$0x2800];
	s28 =	smov.u32 s31  }
.Ltmp1:
0x6f: {  	v10 =	vld.idx.msk [tilespmem:v9+s17+$0x0], $0xffff;
	(pc) =	sbr.rel @p0 .LBB2_4-.Ltmp1, $2  }
0x70: {  	v11 =	vld.idx.msk [tilespmem:v9+s16+$0x0], $0xffff;
	_ =	sdelay $0x2  }
0x71: {  	v9 =	vmov v12  }
0x72: {  	_ =	sdelay $0x3  }
0x73: {  	v13 =	vld.idx.msk [tilespmem:v13+s2+$0x0], $0xffff  }
0x74: {  	v14 =	vld.idx.msk [tilespmem:v12+s16+$0x0], $0xffff  }
0x75: {  	v55 =	vld.idx.msk [tilespmem:v12+s17+$0x0], $0xffff;
	_ =	sdelay $0x3  }
0x76: {  	v15 =	vor.u32 s30, v2  }
0x77: {  	vm0 =	veq.f32 v13, v14;
	vm1 =	vgt.s32 v15, v55  }
0x78: {  	vm2 =	vgt.f32 v13, v14;
	vm0 =	vmand vm0, vm1  }
0x79: {  	vm0 =	vmor vm2, vm0;
	_ =	sdelay $0x5  }
0x7a: {  	[tilespmem:v9+s16+$0x0] =	vst.idx.msk vm0, v13  }
0x7b: {  	[tilespmem:v9+s17+$0x0] =	vst.idx.msk vm0, v15  }
0x7c: {  	v56 =	vld.idx.msk [tilespmem:v9+s16+$0x0], $0xffff  }
0x7d: {  	v57 =	vld.idx.msk [tilespmem:v9+s17+$0x0], $0xffff;
	_ =	sdelay $0x4  }
0x7e: {  	vm8 =	veq.f32 v13, v56;
	vm9 =	vgt.s32 v15, v57  }
0x7f: {  	vm10 =	vgt.f32 v13, v56;
	vm0 =	vmand vm8, vm9  }
0x80: {  	vm0 =	vmor vm10, vm0;
	_ =	sdelay $0x5  }
0x81: {  	[tilespmem:v9+s16+$0x0] =	vst.idx.msk vm0, v13  }
0x82: {  	[tilespmem:v9+s17+$0x0] =	vst.idx.msk vm0, v15  }
0x83: {  	v58 =	vld [tilespmem:s28+$0x4F80]  }
0x84: {  	v59 =	vld [tilespmem:s28+$0x2800];
	_ =	sdelay $0x6  }
0x85: {  	v12 =	vld.idx.msk [tilespmem:v58+s2+$0x0], $0xffff  }
0x86: {  	v16 =	vld.idx.msk [tilespmem:v59+s16+$0x0], $0xffff  }
0x87: {  	v17 =	vld.idx.msk [tilespmem:v59+s17+$0x0], $0xffff;
	_ =	sdelay $0x2  }
0x88: {  	s26 =	sadd.s32 $0x10, s26  }
0x89: {  	v18 =	vor.u32 s26, v2  }
0x8a: {  	vm11 =	veq.f32 v12, v16;
	vm12 =	vgt.s32 v18, v17  }
0x8b: {  	vm13 =	vgt.f32 v12, v16;
	vm0 =	vmand vm11, vm12  }
0x8c: {  	vm0 =	vmor vm13, vm0;
	_ =	sdelay $0x4  }
0x8d: {  	v60 =	vld.idx.msk [tilespmem:v9+s17+$0x0], $0xffff  }
0x8e: {  	v61 =	vld.idx.msk [tilespmem:v9+s16+$0x0], $0xffff;
	[tilespmem:v59+s16+$0x0] =	vst.idx.msk vm0, v12  }
0x8f: {  	[tilespmem:v59+s17+$0x0] =	vst.idx.msk vm0, v18  }
0x90: {  	v62 =	vld.idx.msk [tilespmem:v59+s16+$0x0], $0xffff  }
0x91: {  	v19 =	vld.idx.msk [tilespmem:v59+s17+$0x0], $0xffff;
	_ =	sdelay $0x4  }
0x92: {  	vm14 =	vgt.s32 v18, v19;
	vm15 =	veq.f32 v12, v62  }
0x93: {  	vm4 =	vgt.f32 v12, v62;
	vm0 =	vmand vm15, vm14  }
0x94: {  	vm0 =	vmor vm4, vm0;
	_ =	sdelay $0x5  }
0x95: {  	[tilespmem:v59+s16+$0x0] =	vst.idx.msk vm0, v12  }
0x96: {  	[tilespmem:v59+s17+$0x0] =	vst.idx.msk vm0, v18  }
0x97: {  	v63 =	vld.idx.msk [tilespmem:v59+s17+$0x0], $0xffff  }
0x98: {  	v14 =	vld.idx.msk [tilespmem:v59+s16+$0x0], $0xffff;
	_ =	sdelay $0x1  }
0x99: {  	vm5 =	vgt.s32 v8, v10;
	vm6 =	veq.f32 v6, v11;
	vm7 =	vgt.f32 v6, v11  }
0x9a: {  	vm8 =	vgt.s32 v15, v60;
	vm3 =	veq.f32 v13, v61;
	vm0 =	vmand vm6, vm5  }
0x9b: {  	vm9 =	vgt.f32 v13, v61;
	vm10 =	vmand vm3, vm8;
	vm0 =	vmor vm7, vm0  }
0x9c: {  	v6 =	vsel vm0, $0x1, v3;
	vm11 =	vgt.s32 v18, v63;
	vm12 =	veq.f32 v12, v14  }
0x9d: {  	vm0 =	vmor vm9, vm10;
	vm13 =	vgt.f32 v12, v14;
	vm1 =	vmand vm12, vm11  }
0x9e: {  	v6 =	vor.u32 v6, v7;
	v7 =	vsel vm0, $0x1, v3;
	vm14 =	vmor vm13, vm1  }
0x9f: {  	v6 =	vor.u32 v7, v6;
	v7 =	vsel vm14, $0x1, v3  }
0xa0: {  	v6 =	vor.u32 v7, v6  }
0xa1: {  	vm15 =	veq.s32 v6, $0x0  }
0xa2: {  	v6 =	vsel vm15, $0x0, v4  }
0xa3: {  	(xrf0) =	vmax.scan.msk.f32 $0xffff, v6;
	_ =	sdelay $0x5  }
0xa4: {  	v6, _, _ =	vpop (xrf0)  }
0xa5: {  	(v2sf) =	vpush v6, $0xF;
	_ =	sdelay $0xe  }
0xa6: {  	s31 =	spop (v2sf)  }
0xa7: {  	p0 =	sgt.f32 s31, $0.0e+00  }
.Ltmp2:
0xa8: {  	_ = 	snop;
	(pc) =	sbr.rel @!p0 .LBB2_9-.Ltmp2, $2  }
0xa9: {  	_ =	sdelay $0x2  }
0xaa: {  	s26 =	simm.s32 $0x0  }
.LBB2_6:
0xab: {  	s28 =	sshll.u32 s26, $0x4  }
0xac: {  	v7 =	vld [tilespmem:s28+$0x4F80]  }
0xad: {  	v6 =	vld [tilespmem:s28+$0x2800];
	_ =	sdelay $0x5  }
0xae: {  	s28 =	sadd.s32 s1, s28  }
0xaf: {  	v8 =	vor.u32 s28, v2;
	v7 =	vld.idx.msk [tilespmem:v7+s2+$0x0], $0xffff  }
.LBB2_7:
0xb0: {  	v9 =	vld.idx.msk [tilespmem:v6+s16+$0x0], $0xffff  }
0xb1: {  	v10 =	vld.idx.msk [tilespmem:v6+s17+$0x0], $0xffff;
	_ =	sdelay $0x4  }
0xb2: {  	vm0 =	veq.f32 v7, v9;
	vm1 =	vgt.s32 v8, v10  }
0xb3: {  	vm2 =	vgt.f32 v7, v9;
	vm0 =	vmand vm0, vm1  }
0xb4: {  	vm0 =	vmor vm2, vm0  }
0xb5: {  	v9 =	vsel vm0, $0x3F800000, v5  }
0xb6: {  	(xrf0) =	vmax.scan.msk.f32 $0xffff, v9;
	_ =	sdelay $0x5  }
0xb7: {  	v9, _, _ =	vpop (xrf0)  }
0xb8: {  	(v2sf) =	vpush v9, $0xF;
	_ =	sdelay $0xe  }
0xb9: {  	s28 =	spop (v2sf)  }
0xba: {  	p0 =	sgt.f32 s28, $0.0e+00  }
.Ltmp3:
0xbb: {  	_ = 	snop;
	(pc) =	sbr.rel @p0 .LBB2_7-.Ltmp3, $3  }
0xbc: {  	_ =	sdelay $0x1  }
0xbd: {  	[tilespmem:v6+s16+$0x0] =	vst.idx.msk vm0, v7  }
0xbe: {  	[tilespmem:v6+s17+$0x0] =	vst.idx.msk vm0, v8  }
0xbf: {  	s26 =	sadd.s32 $0x1, s26  }
0xc0: {  	p0 =	sne.s32 s26, $0x271  }
.Ltmp4:
0xc1: {  	_ = 	snop;
	(pc) =	sbr.rel @p0 .LBB2_6-.Ltmp4, $1  }
0xc2: {  	_ =	sdelay $0x3  }
.LBB2_9:
0xc3: {  	s26 =	rddreg [dreg:$0x5]  }
0xc4: {  	[spmem:s26] =	stream.linear.scatter [tilespmem:s16], [sflag:$0x2], $0x2800, $0x38;
	[tilespmem:$0x12600] =	vst v63  }
0xc5: {  	_ =	swait.ge [sflag:s18], $0x2800  }
0xc6: {  	[sflag:s18] =	ssyncset.done $0x0  }
0xc7: {  	s30 =	rddreg [dreg:$0x6];
	[sflag:s18] =	ssyncadd.s32 $0xFFFFD800  }
0xc8: {  	[spmem:s30] =	stream.linear.scatter [tilespmem:s17], [sflag:$0x2], $0x2800, $0x38;
	[tilespmem:$0x12600] =	vst v63  }
0xc9: {  	_ =	swait.ge [sflag:s18], $0x2800  }
0xca: {  	[sflag:s18] =	ssyncset.done $0x0  }
0xcb: {  	[sflag:s18] =	ssyncadd.s32 $0xFFFFD800  }
0xcc: {  	[bflag:$0x0] =	sbarrier.arrive $0xFFFF  }
0xcd: {  	[tilespmem:s19], [sflag:$0x2] =	stream.linear.gather [spmem:s0], $0x280, $0x38;
	[tilespmem:$0x12600] =	vst v63  }
0xce: {  	_ =	swait.ge [sflag:s18], $0x280  }
0xcf: {  	[sflag:s18] =	ssyncset.done $0x0  }
0xd0: {  	[sflag:s18] =	ssyncadd.s32 $0xFFFFFD80  }
0xd1: {  	[tilespmem:s20], [sflag:$0x2] =	stream.linear.gather [spmem:s3], $0x280, $0x38;
	[tilespmem:$0x12600] =	vst v63  }
0xd2: {  	_ =	swait.ge [sflag:s18], $0x280  }
0xd3: {  	[sflag:s18] =	ssyncset.done $0x0  }
0xd4: {  	s31 =	rddreg [dreg:$0x7];
	[sflag:s18] =	ssyncadd.s32 $0xFFFFFD80  }
0xd5: {  	[tilespmem:s21], [sflag:$0x1] =	stream.linear.gather [spmem:s31], $0x280, $0x38;
	[tilespmem:$0x12600] =	vst v63  }
0xd6: {  	s29 =	rddreg [dreg:$0x8]  }
0xd7: {  	[tilespmem:s22], [sflag:$0x1] =	stream.linear.gather [spmem:s29], $0x280, $0x38;
	[tilespmem:$0x12600] =	vst v63  }
0xd8: {  	_ =	swait.ge [sflag:s15], $0x280  }
0xd9: {  	[sflag:s15] =	ssyncset.done $0x0  }
0xda: {  	[sflag:s15] =	ssyncadd.s32 $0xFFFFFD80  }
0xdb: {  	_ =	swait.ge [sflag:s15], $0x280  }
0xdc: {  	[sflag:s15] =	ssyncset.done $0x0  }
0xdd: {  	s30 =	rddreg [dreg:$0x9];
	[sflag:s15] =	ssyncadd.s32 $0xFFFFFD80  }
0xde: {  	[tilespmem:s23], [sflag:$0x1] =	stream.linear.gather [spmem:s30], $0x280, $0x38;
	[tilespmem:$0x12600] =	vst v63  }
0xdf: {  	s26 =	simm.s32 $0x0;
	s31 =	rddreg [dreg:$0xa]  }
0xe0: {  	[tilespmem:s24], [sflag:$0x1] =	stream.linear.gather [spmem:s31], $0x280, $0x38;
	[tilespmem:$0x12600] =	vst v63  }
0xe1: {  	v6 =	vld [tilespmem:s26+$0xC980]  }
0xe2: {  	v7 =	vld [tilespmem:s26+$0xC700]  }
0xe3: {  	v8 =	vld [tilespmem:s26+$0xCC00]  }
0xe4: {  	v9 =	vld [tilespmem:s26+$0xCE80];
	_ =	sdelay $0x4  }
0xe5: {  	s28 =	simm.s32 $0x40;
	vm0 =	vgt.f32 v7, v8;
	vm1 =	veq.f32 v7, v8;
	vm2 =	vgt.s32 v6, v9  }
.LBB2_10:
0xe6: {  	p0 =	sne.s32 s28, $0x9C0;
	vm1 =	vmand vm1, vm2;
	s29 =	smov.u32 s28;
	s28 =	sadd.s32 $0x40, s28  }
0xe7: {  	s29 =	sshra.s32 s29, $0x2;
	vm0 =	vmor vm0, vm1  }
0xe8: {  	v8 =	vsel vm0, v7, v8;
	v9 =	vsel vm0, v6, v9;
	v6 =	vld [tilespmem:s29+$0xC980]  }
0xe9: {  	v7 =	vld [tilespmem:s29+$0xC700];
	[tilespmem:s26+$0xCC00] =	vst v8  }
0xea: {  	v8 =	vld [tilespmem:s29+$0xCC00];
	[tilespmem:s26+$0xCE80] =	vst v9;
	s26 =	smov.u32 s29  }
0xeb: {  	v9 =	vld [tilespmem:s26+$0xCE80]  }
.Ltmp5:
0xec: {  	(pc) =	sbr.rel @p0 .LBB2_10-.Ltmp5, $3  }
0xed: {  	_ =	sdelay $0x1  }
0xee: {  	vm0 =	vgt.f32 v7, v8;
	vm1 =	veq.f32 v7, v8  }
0xef: {  	vm2 =	vgt.s32 v6, v9  }
0xf0: {  	vm1 =	vmand vm1, vm2  }
0xf1: {  	vm0 =	vmor vm0, vm1  }
0xf2: {  	v7 =	vsel vm0, v7, v8  }
0xf3: {  	v6 =	vsel vm0, v6, v9;
	[tilespmem:s26+$0xCC00] =	vst v7  }
0xf4: {  	[tilespmem:s26+$0xCE80] =	vst v6  }
0xf5: {  	_ =	swait.ge [sflag:s15], $0x280  }
0xf6: {  	[sflag:s15] =	ssyncset.done $0x0  }
0xf7: {  	[sflag:s15] =	ssyncadd.s32 $0xFFFFFD80  }
0xf8: {  	_ =	swait.ge [sflag:s15], $0x280  }
0xf9: {  	[sflag:s15] =	ssyncset.done $0x0  }
0xfa: {  	s30 =	rddreg [dreg:$0xb];
	[sflag:s15] =	ssyncadd.s32 $0xFFFFFD80  }
0xfb: {  	[tilespmem:s21], [sflag:$0x1] =	stream.linear.gather [spmem:s30], $0x280, $0x38;
	[tilespmem:$0x12600] =	vst v63  }
0xfc: {  	s26 =	simm.s32 $0x0;
	s31 =	rddreg [dreg:$0xc]  }
0xfd: {  	[tilespmem:s22], [sflag:$0x1] =	stream.linear.gather [spmem:s31], $0x280, $0x38;
	[tilespmem:$0x12600] =	vst v63  }
0xfe: {  	v6 =	vld [tilespmem:s26+$0xD380]  }
0xff: {  	v7 =	vld [tilespmem:s26+$0xD100]  }
0x100: {  	v8 =	vld [tilespmem:s26+$0xCC00]  }
0x101: {  	v9 =	vld [tilespmem:s26+$0xCE80];
	_ =	sdelay $0x4  }
0x102: {  	s28 =	simm.s32 $0x40;
	vm0 =	vgt.f32 v7, v8;
	vm1 =	veq.f32 v7, v8;
	vm2 =	vgt.s32 v6, v9  }
.LBB2_12:
0x103: {  	p0 =	sne.s32 s28, $0x9C0;
	vm1 =	vmand vm1, vm2;
	s29 =	smov.u32 s28;
	s28 =	sadd.s32 $0x40, s28  }
0x104: {  	s29 =	sshra.s32 s29, $0x2;
	vm0 =	vmor vm0, vm1  }
0x105: {  	v8 =	vsel vm0, v7, v8;
	v9 =	vsel vm0, v6, v9;
	v6 =	vld [tilespmem:s29+$0xD380]  }
0x106: {  	v7 =	vld [tilespmem:s29+$0xD100];
	[tilespmem:s26+$0xCC00] =	vst v8  }
0x107: {  	v8 =	vld [tilespmem:s29+$0xCC00];
	[tilespmem:s26+$0xCE80] =	vst v9;
	s26 =	smov.u32 s29  }
0x108: {  	v9 =	vld [tilespmem:s26+$0xCE80]  }
.Ltmp6:
0x109: {  	(pc) =	sbr.rel @p0 .LBB2_12-.Ltmp6, $3  }
0x10a: {  	_ =	sdelay $0x1  }
0x10b: {  	vm0 =	vgt.f32 v7, v8;
	vm1 =	veq.f32 v7, v8  }
0x10c: {  	vm2 =	vgt.s32 v6, v9  }
0x10d: {  	vm1 =	vmand vm1, vm2  }
0x10e: {  	vm0 =	vmor vm0, vm1  }
0x10f: {  	v7 =	vsel vm0, v7, v8  }
0x110: {  	v6 =	vsel vm0, v6, v9;
	[tilespmem:s26+$0xCC00] =	vst v7  }
0x111: {  	[tilespmem:s26+$0xCE80] =	vst v6  }
0x112: {  	_ =	swait.ge [sflag:s15], $0x280  }
0x113: {  	[sflag:s15] =	ssyncset.done $0x0  }
0x114: {  	[sflag:s15] =	ssyncadd.s32 $0xFFFFFD80  }
0x115: {  	_ =	swait.ge [sflag:s15], $0x280  }
0x116: {  	[sflag:s15] =	ssyncset.done $0x0  }
0x117: {  	s30 =	rddreg [dreg:$0xd];
	[sflag:s15] =	ssyncadd.s32 $0xFFFFFD80  }
0x118: {  	[tilespmem:s23], [sflag:$0x1] =	stream.linear.gather [spmem:s30], $0x280, $0x38;
	[tilespmem:$0x12600] =	vst v63  }
0x119: {  	s26 =	simm.s32 $0x0;
	s31 =	rddreg [dreg:$0xe]  }
0x11a: {  	[tilespmem:s24], [sflag:$0x1] =	stream.linear.gather [spmem:s31], $0x280, $0x38;
	[tilespmem:$0x12600] =	vst v63  }
0x11b: {  	v6 =	vld [tilespmem:s26+$0xC980]  }
0x11c: {  	v7 =	vld [tilespmem:s26+$0xC700]  }
0x11d: {  	v8 =	vld [tilespmem:s26+$0xCC00]  }
0x11e: {  	v9 =	vld [tilespmem:s26+$0xCE80];
	_ =	sdelay $0x4  }
0x11f: {  	s28 =	simm.s32 $0x40;
	vm0 =	vgt.f32 v7, v8;
	vm1 =	veq.f32 v7, v8;
	vm2 =	vgt.s32 v6, v9  }
.LBB2_14:
0x120: {  	p0 =	sne.s32 s28, $0x9C0;
	vm1 =	vmand vm1, vm2;
	s29 =	smov.u32 s28;
	s28 =	sadd.s32 $0x40, s28  }
0x121: {  	s29 =	sshra.s32 s29, $0x2;
	vm0 =	vmor vm0, vm1  }
0x122: {  	v8 =	vsel vm0, v7, v8;
	v9 =	vsel vm0, v6, v9;
	v6 =	vld [tilespmem:s29+$0xC980]  }
0x123: {  	v7 =	vld [tilespmem:s29+$0xC700];
	[tilespmem:s26+$0xCC00] =	vst v8  }
0x124: {  	v8 =	vld [tilespmem:s29+$0xCC00];
	[tilespmem:s26+$0xCE80] =	vst v9;
	s26 =	smov.u32 s29  }
0x125: {  	v9 =	vld [tilespmem:s26+$0xCE80]  }
.Ltmp7:
0x126: {  	(pc) =	sbr.rel @p0 .LBB2_14-.Ltmp7, $3  }
0x127: {  	_ =	sdelay $0x1  }
0x128: {  	vm0 =	vgt.f32 v7, v8;
	vm1 =	veq.f32 v7, v8  }
0x129: {  	vm2 =	vgt.s32 v6, v9  }
0x12a: {  	vm1 =	vmand vm1, vm2  }
0x12b: {  	vm0 =	vmor vm0, vm1  }
0x12c: {  	v7 =	vsel vm0, v7, v8  }
0x12d: {  	v6 =	vsel vm0, v6, v9;
	[tilespmem:s26+$0xCC00] =	vst v7  }
0x12e: {  	[tilespmem:s26+$0xCE80] =	vst v6  }
0x12f: {  	_ =	swait.ge [sflag:s15], $0x280  }
0x130: {  	[sflag:s15] =	ssyncset.done $0x0  }
0x131: {  	[sflag:s15] =	ssyncadd.s32 $0xFFFFFD80  }
0x132: {  	_ =	swait.ge [sflag:s15], $0x280  }
0x133: {  	[sflag:s15] =	ssyncset.done $0x0  }
0x134: {  	s30 =	rddreg [dreg:$0xf];
	[sflag:s15] =	ssyncadd.s32 $0xFFFFFD80  }
0x135: {  	[tilespmem:s21], [sflag:$0x1] =	stream.linear.gather [spmem:s30], $0x280, $0x38;
	[tilespmem:$0x12600] =	vst v63  }
0x136: {  	s26 =	simm.s32 $0x0;
	s31 =	rddreg [dreg:$0x10]  }
0x137: {  	[tilespmem:s22], [sflag:$0x1] =	stream.linear.gather [spmem:s31], $0x280, $0x38;
	[tilespmem:$0x12600] =	vst v63  }
0x138: {  	v6 =	vld [tilespmem:s26+$0xD380]  }
0x139: {  	v7 =	vld [tilespmem:s26+$0xD100]  }
0x13a: {  	v8 =	vld [tilespmem:s26+$0xCC00]  }
0x13b: {  	v9 =	vld [tilespmem:s26+$0xCE80];
	_ =	sdelay $0x4  }
0x13c: {  	s28 =	simm.s32 $0x40;
	vm0 =	vgt.f32 v7, v8;
	vm1 =	veq.f32 v7, v8;
	vm2 =	vgt.s32 v6, v9  }
.LBB2_16:
0x13d: {  	p0 =	sne.s32 s28, $0x9C0;
	vm1 =	vmand vm1, vm2;
	s29 =	smov.u32 s28;
	s28 =	sadd.s32 $0x40, s28  }
0x13e: {  	s29 =	sshra.s32 s29, $0x2;
	vm0 =	vmor vm0, vm1  }
0x13f: {  	v8 =	vsel vm0, v7, v8;
	v9 =	vsel vm0, v6, v9;
	v6 =	vld [tilespmem:s29+$0xD380]  }
0x140: {  	v7 =	vld [tilespmem:s29+$0xD100];
	[tilespmem:s26+$0xCC00] =	vst v8  }
0x141: {  	v8 =	vld [tilespmem:s29+$0xCC00];
	[tilespmem:s26+$0xCE80] =	vst v9;
	s26 =	smov.u32 s29  }
0x142: {  	v9 =	vld [tilespmem:s26+$0xCE80]  }
.Ltmp8:
0x143: {  	(pc) =	sbr.rel @p0 .LBB2_16-.Ltmp8, $3  }
0x144: {  	_ =	sdelay $0x1  }
0x145: {  	vm0 =	vgt.f32 v7, v8;
	vm1 =	veq.f32 v7, v8  }
0x146: {  	vm2 =	vgt.s32 v6, v9  }
0x147: {  	vm1 =	vmand vm1, vm2  }
0x148: {  	vm0 =	vmor vm0, vm1  }
0x149: {  	v7 =	vsel vm0, v7, v8  }
0x14a: {  	v6 =	vsel vm0, v6, v9;
	[tilespmem:s26+$0xCC00] =	vst v7  }
0x14b: {  	[tilespmem:s26+$0xCE80] =	vst v6  }
0x14c: {  	_ =	swait.ge [sflag:s15], $0x280  }
0x14d: {  	[sflag:s15] =	ssyncset.done $0x0  }
0x14e: {  	[sflag:s15] =	ssyncadd.s32 $0xFFFFFD80  }
0x14f: {  	_ =	swait.ge [sflag:s15], $0x280  }
0x150: {  	[sflag:s15] =	ssyncset.done $0x0  }
0x151: {  	s30 =	rddreg [dreg:$0x11];
	[sflag:s15] =	ssyncadd.s32 $0xFFFFFD80  }
0x152: {  	[tilespmem:s23], [sflag:$0x1] =	stream.linear.gather [spmem:s30], $0x280, $0x38;
	[tilespmem:$0x12600] =	vst v63  }
0x153: {  	s26 =	simm.s32 $0x0;
	s31 =	rddreg [dreg:$0x12]  }
0x154: {  	[tilespmem:s24], [sflag:$0x1] =	stream.linear.gather [spmem:s31], $0x280, $0x38;
	[tilespmem:$0x12600] =	vst v63  }
0x155: {  	v6 =	vld [tilespmem:s26+$0xC980]  }
0x156: {  	v7 =	vld [tilespmem:s26+$0xC700]  }
0x157: {  	v8 =	vld [tilespmem:s26+$0xCC00]  }
0x158: {  	v9 =	vld [tilespmem:s26+$0xCE80];
	_ =	sdelay $0x4  }
0x159: {  	s28 =	simm.s32 $0x40;
	vm0 =	vgt.f32 v7, v8;
	vm1 =	veq.f32 v7, v8;
	vm2 =	vgt.s32 v6, v9  }
.LBB2_18:
0x15a: {  	p0 =	sne.s32 s28, $0x9C0;
	vm1 =	vmand vm1, vm2;
	s29 =	smov.u32 s28;
	s28 =	sadd.s32 $0x40, s28  }
0x15b: {  	s29 =	sshra.s32 s29, $0x2;
	vm0 =	vmor vm0, vm1  }
0x15c: {  	v8 =	vsel vm0, v7, v8;
	v9 =	vsel vm0, v6, v9;
	v6 =	vld [tilespmem:s29+$0xC980]  }
0x15d: {  	v7 =	vld [tilespmem:s29+$0xC700];
	[tilespmem:s26+$0xCC00] =	vst v8  }
0x15e: {  	v8 =	vld [tilespmem:s29+$0xCC00];
	[tilespmem:s26+$0xCE80] =	vst v9;
	s26 =	smov.u32 s29  }
0x15f: {  	v9 =	vld [tilespmem:s26+$0xCE80]  }
.Ltmp9:
0x160: {  	(pc) =	sbr.rel @p0 .LBB2_18-.Ltmp9, $3  }
0x161: {  	_ =	sdelay $0x1  }
0x162: {  	vm0 =	vgt.f32 v7, v8;
	vm1 =	veq.f32 v7, v8  }
0x163: {  	vm2 =	vgt.s32 v6, v9  }
0x164: {  	vm1 =	vmand vm1, vm2  }
0x165: {  	vm0 =	vmor vm0, vm1  }
0x166: {  	v7 =	vsel vm0, v7, v8  }
0x167: {  	v6 =	vsel vm0, v6, v9;
	[tilespmem:s26+$0xCC00] =	vst v7  }
0x168: {  	[tilespmem:s26+$0xCE80] =	vst v6  }
0x169: {  	_ =	swait.ge [sflag:s15], $0x280  }
0x16a: {  	[sflag:s15] =	ssyncset.done $0x0  }
0x16b: {  	[sflag:s15] =	ssyncadd.s32 $0xFFFFFD80  }
0x16c: {  	_ =	swait.ge [sflag:s15], $0x280  }
0x16d: {  	[sflag:s15] =	ssyncset.done $0x0  }
0x16e: {  	s30 =	rddreg [dreg:$0x13];
	[sflag:s15] =	ssyncadd.s32 $0xFFFFFD80  }
0x16f: {  	[tilespmem:s21], [sflag:$0x1] =	stream.linear.gather [spmem:s30], $0x280, $0x38;
	[tilespmem:$0x12600] =	vst v63  }
0x170: {  	s26 =	simm.s32 $0x0;
	s31 =	rddreg [dreg:$0x14]  }
0x171: {  	[tilespmem:s22], [sflag:$0x1] =	stream.linear.gather [spmem:s31], $0x280, $0x38;
	[tilespmem:$0x12600] =	vst v63  }
0x172: {  	v6 =	vld [tilespmem:s26+$0xD380]  }
0x173: {  	v7 =	vld [tilespmem:s26+$0xD100]  }
0x174: {  	v8 =	vld [tilespmem:s26+$0xCC00]  }
0x175: {  	v9 =	vld [tilespmem:s26+$0xCE80];
	_ =	sdelay $0x4  }
0x176: {  	s28 =	simm.s32 $0x40;
	vm0 =	vgt.f32 v7, v8;
	vm1 =	veq.f32 v7, v8;
	vm2 =	vgt.s32 v6, v9  }
.LBB2_20:
0x177: {  	p0 =	sne.s32 s28, $0x9C0;
	vm1 =	vmand vm1, vm2;
	s29 =	smov.u32 s28;
	s28 =	sadd.s32 $0x40, s28  }
0x178: {  	s29 =	sshra.s32 s29, $0x2;
	vm0 =	vmor vm0, vm1  }
0x179: {  	v8 =	vsel vm0, v7, v8;
	v9 =	vsel vm0, v6, v9;
	v6 =	vld [tilespmem:s29+$0xD380]  }
0x17a: {  	v7 =	vld [tilespmem:s29+$0xD100];
	[tilespmem:s26+$0xCC00] =	vst v8  }
0x17b: {  	v8 =	vld [tilespmem:s29+$0xCC00];
	[tilespmem:s26+$0xCE80] =	vst v9;
	s26 =	smov.u32 s29  }
0x17c: {  	v9 =	vld [tilespmem:s26+$0xCE80]  }
.Ltmp10:
0x17d: {  	(pc) =	sbr.rel @p0 .LBB2_20-.Ltmp10, $3  }
0x17e: {  	_ =	sdelay $0x1  }
0x17f: {  	vm0 =	vgt.f32 v7, v8;
	vm1 =	veq.f32 v7, v8  }
0x180: {  	vm2 =	vgt.s32 v6, v9  }
0x181: {  	vm1 =	vmand vm1, vm2  }
0x182: {  	vm0 =	vmor vm0, vm1  }
0x183: {  	v7 =	vsel vm0, v7, v8  }
0x184: {  	v6 =	vsel vm0, v6, v9;
	[tilespmem:s26+$0xCC00] =	vst v7  }
0x185: {  	[tilespmem:s26+$0xCE80] =	vst v6  }
0x186: {  	_ =	swait.ge [sflag:s15], $0x280  }
0x187: {  	[sflag:s15] =	ssyncset.done $0x0  }
0x188: {  	[sflag:s15] =	ssyncadd.s32 $0xFFFFFD80  }
0x189: {  	_ =	swait.ge [sflag:s15], $0x280  }
0x18a: {  	[sflag:s15] =	ssyncset.done $0x0  }
0x18b: {  	s30 =	rddreg [dreg:$0x15];
	[sflag:s15] =	ssyncadd.s32 $0xFFFFFD80  }
0x18c: {  	[tilespmem:s23], [sflag:$0x1] =	stream.linear.gather [spmem:s30], $0x280, $0x38;
	[tilespmem:$0x12600] =	vst v63  }
0x18d: {  	s26 =	simm.s32 $0x0;
	s31 =	rddreg [dreg:$0x16]  }
0x18e: {  	[tilespmem:s24], [sflag:$0x1] =	stream.linear.gather [spmem:s31], $0x280, $0x38;
	[tilespmem:$0x12600] =	vst v63  }
0x18f: {  	v6 =	vld [tilespmem:s26+$0xC980]  }
0x190: {  	v7 =	vld [tilespmem:s26+$0xC700]  }
0x191: {  	v8 =	vld [tilespmem:s26+$0xCC00]  }
0x192: {  	v9 =	vld [tilespmem:s26+$0xCE80];
	_ =	sdelay $0x4  }
0x193: {  	s28 =	simm.s32 $0x40;
	vm0 =	vgt.f32 v7, v8;
	vm1 =	veq.f32 v7, v8;
	vm2 =	vgt.s32 v6, v9  }
.LBB2_22:
0x194: {  	p0 =	sne.s32 s28, $0x9C0;
	vm1 =	vmand vm1, vm2;
	s29 =	smov.u32 s28;
	s28 =	sadd.s32 $0x40, s28  }
0x195: {  	s29 =	sshra.s32 s29, $0x2;
	vm0 =	vmor vm0, vm1  }
0x196: {  	v8 =	vsel vm0, v7, v8;
	v9 =	vsel vm0, v6, v9;
	v6 =	vld [tilespmem:s29+$0xC980]  }
0x197: {  	v7 =	vld [tilespmem:s29+$0xC700];
	[tilespmem:s26+$0xCC00] =	vst v8  }
0x198: {  	v8 =	vld [tilespmem:s29+$0xCC00];
	[tilespmem:s26+$0xCE80] =	vst v9;
	s26 =	smov.u32 s29  }
0x199: {  	v9 =	vld [tilespmem:s26+$0xCE80]  }
.Ltmp11:
0x19a: {  	(pc) =	sbr.rel @p0 .LBB2_22-.Ltmp11, $3  }
0x19b: {  	_ =	sdelay $0x1  }
0x19c: {  	vm0 =	vgt.f32 v7, v8;
	vm1 =	veq.f32 v7, v8  }
0x19d: {  	vm2 =	vgt.s32 v6, v9  }
0x19e: {  	vm1 =	vmand vm1, vm2  }
0x19f: {  	vm0 =	vmor vm0, vm1  }
0x1a0: {  	v7 =	vsel vm0, v7, v8  }
0x1a1: {  	v6 =	vsel vm0, v6, v9;
	[tilespmem:s26+$0xCC00] =	vst v7  }
0x1a2: {  	[tilespmem:s26+$0xCE80] =	vst v6  }
0x1a3: {  	_ =	swait.ge [sflag:s15], $0x280  }
0x1a4: {  	[sflag:s15] =	ssyncset.done $0x0  }
0x1a5: {  	[sflag:s15] =	ssyncadd.s32 $0xFFFFFD80  }
0x1a6: {  	_ =	swait.ge [sflag:s15], $0x280  }
0x1a7: {  	[sflag:s15] =	ssyncset.done $0x0  }
0x1a8: {  	s30 =	rddreg [dreg:$0x17];
	[sflag:s15] =	ssyncadd.s32 $0xFFFFFD80  }
0x1a9: {  	[tilespmem:s21], [sflag:$0x1] =	stream.linear.gather [spmem:s30], $0x280, $0x38;
	[tilespmem:$0x12600] =	vst v63  }
0x1aa: {  	s26 =	simm.s32 $0x0;
	s31 =	rddreg [dreg:$0x18]  }
0x1ab: {  	[tilespmem:s22], [sflag:$0x1] =	stream.linear.gather [spmem:s31], $0x280, $0x38;
	[tilespmem:$0x12600] =	vst v63  }
0x1ac: {  	v6 =	vld [tilespmem:s26+$0xD380]  }
0x1ad: {  	v7 =	vld [tilespmem:s26+$0xD100]  }
0x1ae: {  	v8 =	vld [tilespmem:s26+$0xCC00]  }
0x1af: {  	v9 =	vld [tilespmem:s26+$0xCE80];
	_ =	sdelay $0x4  }
0x1b0: {  	s28 =	simm.s32 $0x40;
	vm0 =	vgt.f32 v7, v8;
	vm1 =	veq.f32 v7, v8;
	vm2 =	vgt.s32 v6, v9  }
.LBB2_24:
0x1b1: {  	p0 =	sne.s32 s28, $0x9C0;
	vm1 =	vmand vm1, vm2;
	s29 =	smov.u32 s28;
	s28 =	sadd.s32 $0x40, s28  }
0x1b2: {  	s29 =	sshra.s32 s29, $0x2;
	vm0 =	vmor vm0, vm1  }
0x1b3: {  	v8 =	vsel vm0, v7, v8;
	v9 =	vsel vm0, v6, v9;
	v6 =	vld [tilespmem:s29+$0xD380]  }
0x1b4: {  	v7 =	vld [tilespmem:s29+$0xD100];
	[tilespmem:s26+$0xCC00] =	vst v8  }
0x1b5: {  	v8 =	vld [tilespmem:s29+$0xCC00];
	[tilespmem:s26+$0xCE80] =	vst v9;
	s26 =	smov.u32 s29  }
0x1b6: {  	v9 =	vld [tilespmem:s26+$0xCE80]  }
.Ltmp12:
0x1b7: {  	(pc) =	sbr.rel @p0 .LBB2_24-.Ltmp12, $3  }
0x1b8: {  	_ =	sdelay $0x1  }
0x1b9: {  	vm0 =	vgt.f32 v7, v8;
	vm1 =	veq.f32 v7, v8  }
0x1ba: {  	vm2 =	vgt.s32 v6, v9  }
0x1bb: {  	vm1 =	vmand vm1, vm2  }
0x1bc: {  	vm0 =	vmor vm0, vm1  }
0x1bd: {  	v7 =	vsel vm0, v7, v8  }
0x1be: {  	v6 =	vsel vm0, v6, v9;
	[tilespmem:s26+$0xCC00] =	vst v7  }
0x1bf: {  	[tilespmem:s26+$0xCE80] =	vst v6  }
0x1c0: {  	_ =	swait.ge [sflag:s15], $0x280  }
0x1c1: {  	[sflag:s15] =	ssyncset.done $0x0  }
0x1c2: {  	[sflag:s15] =	ssyncadd.s32 $0xFFFFFD80  }
0x1c3: {  	_ =	swait.ge [sflag:s15], $0x280  }
0x1c4: {  	[sflag:s15] =	ssyncset.done $0x0  }
0x1c5: {  	s30 =	rddreg [dreg:$0x19];
	[sflag:s15] =	ssyncadd.s32 $0xFFFFFD80  }
0x1c6: {  	[tilespmem:s23], [sflag:$0x1] =	stream.linear.gather [spmem:s30], $0x280, $0x38;
	[tilespmem:$0x12600] =	vst v63  }
0x1c7: {  	s26 =	simm.s32 $0x0;
	s31 =	rddreg [dreg:$0x1a]  }
0x1c8: {  	[tilespmem:s24], [sflag:$0x1] =	stream.linear.gather [spmem:s31], $0x280, $0x38;
	[tilespmem:$0x12600] =	vst v63  }
0x1c9: {  	v6 =	vld [tilespmem:s26+$0xC980]  }
0x1ca: {  	v7 =	vld [tilespmem:s26+$0xC700]  }
0x1cb: {  	v8 =	vld [tilespmem:s26+$0xCC00]  }
0x1cc: {  	v9 =	vld [tilespmem:s26+$0xCE80];
	_ =	sdelay $0x4  }
0x1cd: {  	s28 =	simm.s32 $0x40;
	vm0 =	vgt.f32 v7, v8;
	vm1 =	veq.f32 v7, v8;
	vm2 =	vgt.s32 v6, v9  }
.LBB2_26:
0x1ce: {  	p0 =	sne.s32 s28, $0x9C0;
	vm1 =	vmand vm1, vm2;
	s29 =	smov.u32 s28;
	s28 =	sadd.s32 $0x40, s28  }
0x1cf: {  	s29 =	sshra.s32 s29, $0x2;
	vm0 =	vmor vm0, vm1  }
0x1d0: {  	v8 =	vsel vm0, v7, v8;
	v9 =	vsel vm0, v6, v9;
	v6 =	vld [tilespmem:s29+$0xC980]  }
0x1d1: {  	v7 =	vld [tilespmem:s29+$0xC700];
	[tilespmem:s26+$0xCC00] =	vst v8  }
0x1d2: {  	v8 =	vld [tilespmem:s29+$0xCC00];
	[tilespmem:s26+$0xCE80] =	vst v9;
	s26 =	smov.u32 s29  }
0x1d3: {  	v9 =	vld [tilespmem:s26+$0xCE80]  }
.Ltmp13:
0x1d4: {  	(pc) =	sbr.rel @p0 .LBB2_26-.Ltmp13, $3  }
0x1d5: {  	_ =	sdelay $0x1  }
0x1d6: {  	vm0 =	vgt.f32 v7, v8;
	vm1 =	veq.f32 v7, v8  }
0x1d7: {  	vm2 =	vgt.s32 v6, v9  }
0x1d8: {  	vm1 =	vmand vm1, vm2  }
0x1d9: {  	vm0 =	vmor vm0, vm1  }
0x1da: {  	v7 =	vsel vm0, v7, v8  }
0x1db: {  	v6 =	vsel vm0, v6, v9;
	[tilespmem:s26+$0xCC00] =	vst v7  }
0x1dc: {  	[tilespmem:s26+$0xCE80] =	vst v6  }
0x1dd: {  	_ =	swait.ge [sflag:s15], $0x280  }
0x1de: {  	[sflag:s15] =	ssyncset.done $0x0  }
0x1df: {  	[sflag:s15] =	ssyncadd.s32 $0xFFFFFD80  }
0x1e0: {  	_ =	swait.ge [sflag:s15], $0x280  }
0x1e1: {  	[sflag:s15] =	ssyncset.done $0x0  }
0x1e2: {  	s30 =	rddreg [dreg:$0x1b];
	[sflag:s15] =	ssyncadd.s32 $0xFFFFFD80  }
0x1e3: {  	[tilespmem:s21], [sflag:$0x1] =	stream.linear.gather [spmem:s30], $0x280, $0x38;
	[tilespmem:$0x12600] =	vst v63  }
0x1e4: {  	s26 =	simm.s32 $0x0;
	s31 =	rddreg [dreg:$0x1c]  }
0x1e5: {  	[tilespmem:s22], [sflag:$0x1] =	stream.linear.gather [spmem:s31], $0x280, $0x38;
	[tilespmem:$0x12600] =	vst v63  }
0x1e6: {  	v6 =	vld [tilespmem:s26+$0xD380]  }
0x1e7: {  	v7 =	vld [tilespmem:s26+$0xD100]  }
0x1e8: {  	v8 =	vld [tilespmem:s26+$0xCC00]  }
0x1e9: {  	v9 =	vld [tilespmem:s26+$0xCE80];
	_ =	sdelay $0x4  }
0x1ea: {  	s28 =	simm.s32 $0x40;
	vm0 =	vgt.f32 v7, v8;
	vm1 =	veq.f32 v7, v8;
	vm2 =	vgt.s32 v6, v9  }
.LBB2_28:
0x1eb: {  	p0 =	sne.s32 s28, $0x9C0;
	vm1 =	vmand vm1, vm2;
	s29 =	smov.u32 s28;
	s28 =	sadd.s32 $0x40, s28  }
0x1ec: {  	s29 =	sshra.s32 s29, $0x2;
	vm0 =	vmor vm0, vm1  }
0x1ed: {  	v8 =	vsel vm0, v7, v8;
	v9 =	vsel vm0, v6, v9;
	v6 =	vld [tilespmem:s29+$0xD380]  }
0x1ee: {  	v7 =	vld [tilespmem:s29+$0xD100];
	[tilespmem:s26+$0xCC00] =	vst v8  }
0x1ef: {  	v8 =	vld [tilespmem:s29+$0xCC00];
	[tilespmem:s26+$0xCE80] =	vst v9;
	s26 =	smov.u32 s29  }
0x1f0: {  	v9 =	vld [tilespmem:s26+$0xCE80]  }
.Ltmp14:
0x1f1: {  	(pc) =	sbr.rel @p0 .LBB2_28-.Ltmp14, $3  }
0x1f2: {  	_ =	sdelay $0x1  }
0x1f3: {  	vm0 =	vgt.f32 v7, v8;
	vm1 =	veq.f32 v7, v8  }
0x1f4: {  	vm2 =	vgt.s32 v6, v9  }
0x1f5: {  	vm1 =	vmand vm1, vm2  }
0x1f6: {  	vm0 =	vmor vm0, vm1  }
0x1f7: {  	v7 =	vsel vm0, v7, v8  }
0x1f8: {  	v6 =	vsel vm0, v6, v9;
	[tilespmem:s26+$0xCC00] =	vst v7  }
0x1f9: {  	[tilespmem:s26+$0xCE80] =	vst v6  }
0x1fa: {  	_ =	swait.ge [sflag:s15], $0x280  }
0x1fb: {  	[sflag:s15] =	ssyncset.done $0x0  }
0x1fc: {  	[sflag:s15] =	ssyncadd.s32 $0xFFFFFD80  }
0x1fd: {  	_ =	swait.ge [sflag:s15], $0x280  }
0x1fe: {  	[sflag:s15] =	ssyncset.done $0x0  }
0x1ff: {  	s30 =	rddreg [dreg:$0x1d];
	[sflag:s15] =	ssyncadd.s32 $0xFFFFFD80  }
0x200: {  	[tilespmem:s23], [sflag:$0x1] =	stream.linear.gather [spmem:s30], $0x280, $0x38;
	[tilespmem:$0x12600] =	vst v63  }
0x201: {  	s26 =	simm.s32 $0x0;
	s31 =	rddreg [dreg:$0x1e]  }
0x202: {  	[tilespmem:s24], [sflag:$0x1] =	stream.linear.gather [spmem:s31], $0x280, $0x38;
	[tilespmem:$0x12600] =	vst v63  }
0x203: {  	v6 =	vld [tilespmem:s26+$0xC980]  }
0x204: {  	v7 =	vld [tilespmem:s26+$0xC700]  }
0x205: {  	v8 =	vld [tilespmem:s26+$0xCC00]  }
0x206: {  	v9 =	vld [tilespmem:s26+$0xCE80];
	_ =	sdelay $0x4  }
0x207: {  	s28 =	simm.s32 $0x40;
	vm0 =	vgt.f32 v7, v8;
	vm1 =	veq.f32 v7, v8;
	vm2 =	vgt.s32 v6, v9  }
.LBB2_30:
0x208: {  	p0 =	sne.s32 s28, $0x9C0;
	vm1 =	vmand vm1, vm2;
	s29 =	smov.u32 s28;
	s28 =	sadd.s32 $0x40, s28  }
0x209: {  	s29 =	sshra.s32 s29, $0x2;
	vm0 =	vmor vm0, vm1  }
0x20a: {  	v8 =	vsel vm0, v7, v8;
	v9 =	vsel vm0, v6, v9;
	v6 =	vld [tilespmem:s29+$0xC980]  }
0x20b: {  	v7 =	vld [tilespmem:s29+$0xC700];
	[tilespmem:s26+$0xCC00] =	vst v8  }
0x20c: {  	v8 =	vld [tilespmem:s29+$0xCC00];
	[tilespmem:s26+$0xCE80] =	vst v9;
	s26 =	smov.u32 s29  }
0x20d: {  	v9 =	vld [tilespmem:s26+$0xCE80]  }
.Ltmp15:
0x20e: {  	(pc) =	sbr.rel @p0 .LBB2_30-.Ltmp15, $3  }
0x20f: {  	_ =	sdelay $0x1  }
0x210: {  	vm0 =	vgt.f32 v7, v8;
	vm1 =	veq.f32 v7, v8  }
0x211: {  	vm2 =	vgt.s32 v6, v9  }
0x212: {  	vm1 =	vmand vm1, vm2  }
0x213: {  	vm0 =	vmor vm0, vm1  }
0x214: {  	v7 =	vsel vm0, v7, v8  }
0x215: {  	v6 =	vsel vm0, v6, v9;
	[tilespmem:s26+$0xCC00] =	vst v7  }
0x216: {  	[tilespmem:s26+$0xCE80] =	vst v6  }
0x217: {  	_ =	swait.ge [sflag:s15], $0x280  }
0x218: {  	[sflag:s15] =	ssyncset.done $0x0  }
0x219: {  	[sflag:s15] =	ssyncadd.s32 $0xFFFFFD80  }
0x21a: {  	_ =	swait.ge [sflag:s15], $0x280  }
0x21b: {  	[sflag:s15] =	ssyncset.done $0x0;
	s30 =	rddreg [dreg:$0x1f]  }
0x21c: {  	s31 =	sld [smem:$0x7FD];
	[sflag:s15] =	ssyncadd.s32 $0xFFFFFD80  }
0x21d: {  	[tilespmem:s21], [sflag:$0x1] =	stream.linear.gather [spmem:s30], $0x280, $0x38;
	[tilespmem:$0x12600] =	vst v63  }
0x21e: {  	s26 =	simm.s32 $0x0  }
0x21f: {  	[tilespmem:s22], [sflag:$0x1] =	stream.linear.gather [spmem:s31], $0x280, $0x38;
	[tilespmem:$0x12600] =	vst v63  }
0x220: {  	v6 =	vld [tilespmem:s26+$0xD380]  }
0x221: {  	v7 =	vld [tilespmem:s26+$0xD100]  }
0x222: {  	v8 =	vld [tilespmem:s26+$0xCC00]  }
0x223: {  	v9 =	vld [tilespmem:s26+$0xCE80];
	_ =	sdelay $0x4  }
0x224: {  	s28 =	simm.s32 $0x40;
	vm0 =	vgt.f32 v7, v8;
	vm1 =	veq.f32 v7, v8;
	vm2 =	vgt.s32 v6, v9  }
.LBB2_32:
0x225: {  	p0 =	sne.s32 s28, $0x9C0;
	vm1 =	vmand vm1, vm2;
	s29 =	smov.u32 s28;
	s28 =	sadd.s32 $0x40, s28  }
0x226: {  	s29 =	sshra.s32 s29, $0x2;
	vm0 =	vmor vm0, vm1  }
0x227: {  	v8 =	vsel vm0, v7, v8;
	v9 =	vsel vm0, v6, v9;
	v6 =	vld [tilespmem:s29+$0xD380]  }
0x228: {  	v7 =	vld [tilespmem:s29+$0xD100];
	[tilespmem:s26+$0xCC00] =	vst v8  }
0x229: {  	v8 =	vld [tilespmem:s29+$0xCC00];
	[tilespmem:s26+$0xCE80] =	vst v9;
	s26 =	smov.u32 s29  }
0x22a: {  	v9 =	vld [tilespmem:s26+$0xCE80]  }
.Ltmp16:
0x22b: {  	(pc) =	sbr.rel @p0 .LBB2_32-.Ltmp16, $3  }
0x22c: {  	_ =	sdelay $0x1  }
0x22d: {  	vm0 =	vgt.f32 v7, v8;
	vm1 =	veq.f32 v7, v8  }
0x22e: {  	vm2 =	vgt.s32 v6, v9  }
0x22f: {  	vm1 =	vmand vm1, vm2  }
0x230: {  	vm0 =	vmor vm0, vm1  }
0x231: {  	v7 =	vsel vm0, v7, v8  }
0x232: {  	v6 =	vsel vm0, v6, v9;
	[tilespmem:s26+$0xCC00] =	vst v7  }
0x233: {  	[tilespmem:s26+$0xCE80] =	vst v6  }
0x234: {  	_ =	swait.ge [sflag:s15], $0x280  }
0x235: {  	[sflag:s15] =	ssyncset.done $0x0  }
0x236: {  	[sflag:s15] =	ssyncadd.s32 $0xFFFFFD80  }
0x237: {  	_ =	swait.ge [sflag:s15], $0x280  }
0x238: {  	[sflag:s15] =	ssyncset.done $0x0  }
0x239: {  	[sflag:s15] =	ssyncadd.s32 $0xFFFFFD80  }
0x23a: {  	[tilespmem:s23], [sflag:$0x1] =	stream.linear.gather [spmem:s4], $0x280, $0x38;
	[tilespmem:$0x12600] =	vst v63  }
0x23b: {  	s26 =	simm.s32 $0x0  }
0x23c: {  	[tilespmem:s24], [sflag:$0x1] =	stream.linear.gather [spmem:s5], $0x280, $0x38;
	[tilespmem:$0x12600] =	vst v63  }
0x23d: {  	v6 =	vld [tilespmem:s26+$0xC980]  }
0x23e: {  	v7 =	vld [tilespmem:s26+$0xC700]  }
0x23f: {  	v8 =	vld [tilespmem:s26+$0xCC00]  }
0x240: {  	v9 =	vld [tilespmem:s26+$0xCE80];
	_ =	sdelay $0x4  }
0x241: {  	s28 =	simm.s32 $0x40;
	vm0 =	vgt.f32 v7, v8;
	vm1 =	veq.f32 v7, v8;
	vm2 =	vgt.s32 v6, v9  }
.LBB2_34:
0x242: {  	p0 =	sne.s32 s28, $0x9C0;
	vm1 =	vmand vm1, vm2;
	s29 =	smov.u32 s28;
	s28 =	sadd.s32 $0x40, s28  }
0x243: {  	s29 =	sshra.s32 s29, $0x2;
	vm0 =	vmor vm0, vm1  }
0x244: {  	v8 =	vsel vm0, v7, v8;
	v9 =	vsel vm0, v6, v9;
	v6 =	vld [tilespmem:s29+$0xC980]  }
0x245: {  	v7 =	vld [tilespmem:s29+$0xC700];
	[tilespmem:s26+$0xCC00] =	vst v8  }
0x246: {  	v8 =	vld [tilespmem:s29+$0xCC00];
	[tilespmem:s26+$0xCE80] =	vst v9;
	s26 =	smov.u32 s29  }
0x247: {  	v9 =	vld [tilespmem:s26+$0xCE80]  }
.Ltmp17:
0x248: {  	(pc) =	sbr.rel @p0 .LBB2_34-.Ltmp17, $3  }
0x249: {  	_ =	sdelay $0x1  }
0x24a: {  	vm0 =	vgt.f32 v7, v8;
	vm1 =	veq.f32 v7, v8  }
0x24b: {  	vm2 =	vgt.s32 v6, v9  }
0x24c: {  	vm1 =	vmand vm1, vm2  }
0x24d: {  	vm0 =	vmor vm0, vm1  }
0x24e: {  	v7 =	vsel vm0, v7, v8  }
0x24f: {  	v6 =	vsel vm0, v6, v9;
	[tilespmem:s26+$0xCC00] =	vst v7  }
0x250: {  	[tilespmem:s26+$0xCE80] =	vst v6  }
0x251: {  	_ =	swait.ge [sflag:s15], $0x280  }
0x252: {  	[sflag:s15] =	ssyncset.done $0x0  }
0x253: {  	[sflag:s15] =	ssyncadd.s32 $0xFFFFFD80  }
0x254: {  	_ =	swait.ge [sflag:s15], $0x280  }
0x255: {  	[sflag:s15] =	ssyncset.done $0x0  }
0x256: {  	[sflag:s15] =	ssyncadd.s32 $0xFFFFFD80  }
0x257: {  	[tilespmem:s21], [sflag:$0x1] =	stream.linear.gather [spmem:s6], $0x280, $0x38;
	[tilespmem:$0x12600] =	vst v63  }
0x258: {  	s26 =	simm.s32 $0x0  }
0x259: {  	[tilespmem:s22], [sflag:$0x1] =	stream.linear.gather [spmem:s7], $0x280, $0x38;
	[tilespmem:$0x12600] =	vst v63  }
0x25a: {  	v6 =	vld [tilespmem:s26+$0xD380]  }
0x25b: {  	v7 =	vld [tilespmem:s26+$0xD100]  }
0x25c: {  	v8 =	vld [tilespmem:s26+$0xCC00]  }
0x25d: {  	v9 =	vld [tilespmem:s26+$0xCE80];
	_ =	sdelay $0x4  }
0x25e: {  	s28 =	simm.s32 $0x40;
	vm0 =	vgt.f32 v7, v8;
	vm1 =	veq.f32 v7, v8;
	vm2 =	vgt.s32 v6, v9  }
.LBB2_36:
0x25f: {  	p0 =	sne.s32 s28, $0x9C0;
	vm1 =	vmand vm1, vm2;
	s29 =	smov.u32 s28;
	s28 =	sadd.s32 $0x40, s28  }
0x260: {  	s29 =	sshra.s32 s29, $0x2;
	vm0 =	vmor vm0, vm1  }
0x261: {  	v8 =	vsel vm0, v7, v8;
	v9 =	vsel vm0, v6, v9;
	v6 =	vld [tilespmem:s29+$0xD380]  }
0x262: {  	v7 =	vld [tilespmem:s29+$0xD100];
	[tilespmem:s26+$0xCC00] =	vst v8  }
0x263: {  	v8 =	vld [tilespmem:s29+$0xCC00];
	[tilespmem:s26+$0xCE80] =	vst v9;
	s26 =	smov.u32 s29  }
0x264: {  	v9 =	vld [tilespmem:s26+$0xCE80]  }
.Ltmp18:
0x265: {  	(pc) =	sbr.rel @p0 .LBB2_36-.Ltmp18, $3  }
0x266: {  	_ =	sdelay $0x1  }
0x267: {  	vm0 =	vgt.f32 v7, v8;
	vm1 =	veq.f32 v7, v8  }
0x268: {  	vm2 =	vgt.s32 v6, v9  }
0x269: {  	vm1 =	vmand vm1, vm2  }
0x26a: {  	vm0 =	vmor vm0, vm1  }
0x26b: {  	v7 =	vsel vm0, v7, v8  }
0x26c: {  	v6 =	vsel vm0, v6, v9;
	[tilespmem:s26+$0xCC00] =	vst v7  }
0x26d: {  	[tilespmem:s26+$0xCE80] =	vst v6  }
0x26e: {  	_ =	swait.ge [sflag:s15], $0x280  }
0x26f: {  	[sflag:s15] =	ssyncset.done $0x0  }
0x270: {  	[sflag:s15] =	ssyncadd.s32 $0xFFFFFD80  }
0x271: {  	_ =	swait.ge [sflag:s15], $0x280  }
0x272: {  	[sflag:s15] =	ssyncset.done $0x0  }
0x273: {  	s26 =	simm.s32 $0x0;
	[sflag:s15] =	ssyncadd.s32 $0xFFFFFD80  }
0x274: {  	v6 =	vld [tilespmem:s26+$0xC980]  }
0x275: {  	v7 =	vld [tilespmem:s26+$0xC700]  }
0x276: {  	v8 =	vld [tilespmem:s26+$0xCC00]  }
0x277: {  	v9 =	vld [tilespmem:s26+$0xCE80];
	_ =	sdelay $0x4  }
0x278: {  	s28 =	simm.s32 $0x40;
	vm0 =	vgt.f32 v7, v8;
	vm1 =	veq.f32 v7, v8;
	vm2 =	vgt.s32 v6, v9  }
.LBB2_38:
0x279: {  	p0 =	sne.s32 s28, $0x9C0;
	vm1 =	vmand vm1, vm2;
	s29 =	smov.u32 s28;
	s28 =	sadd.s32 $0x40, s28  }
0x27a: {  	s29 =	sshra.s32 s29, $0x2;
	vm0 =	vmor vm0, vm1  }
0x27b: {  	v8 =	vsel vm0, v7, v8;
	v9 =	vsel vm0, v6, v9;
	v6 =	vld [tilespmem:s29+$0xC980]  }
0x27c: {  	v7 =	vld [tilespmem:s29+$0xC700];
	[tilespmem:s26+$0xCC00] =	vst v8  }
0x27d: {  	v8 =	vld [tilespmem:s29+$0xCC00];
	[tilespmem:s26+$0xCE80] =	vst v9;
	s26 =	smov.u32 s29  }
0x27e: {  	v9 =	vld [tilespmem:s26+$0xCE80]  }
.Ltmp19:
0x27f: {  	(pc) =	sbr.rel @p0 .LBB2_38-.Ltmp19, $3  }
0x280: {  	_ =	sdelay $0x1  }
0x281: {  	vm0 =	vgt.f32 v7, v8;
	vm1 =	veq.f32 v7, v8  }
0x282: {  	vm2 =	vgt.s32 v6, v9  }
0x283: {  	vm1 =	vmand vm1, vm2  }
0x284: {  	vm0 =	vmor vm0, vm1  }
0x285: {  	v7 =	vsel vm0, v7, v8  }
0x286: {  	v6 =	vsel vm0, v6, v9;
	[tilespmem:s26+$0xCC00] =	vst v7  }
0x287: {  	[tilespmem:s26+$0xCE80] =	vst v6  }
0x288: {  	[hbm4b:s9+s2] =	stream.linear.scatter [tilespmem:s19], [sflag:$0x2], $0x280, $0x38;
	[tilespmem:$0x12600] =	vst v63  }
0x289: {  	s25 =	sadd.s32 $0x1, s25;
	_ =	swait.ge [sflag:s18], $0x280  }
0x28a: {  	p0 =	sne.s32 s25, s14;
	[sflag:s18] =	ssyncset.done $0x0  }
.Ltmp20:
0x28b: {  	[sflag:s18] =	ssyncadd.s32 $0xFFFFFD80;
	(pc) =	sbr.rel @p0 .LBB2_1-.Ltmp20, $4  }
0x28c: {  	[hbm4b:s13+s2] =	stream.linear.scatter [tilespmem:s20], [sflag:$0x2], $0x280, $0x38;
	[tilespmem:$0x12600] =	vst v63  }
0x28d: {  	_ =	swait.ge [sflag:s18], $0x280  }
0x28e: {  	[sflag:s18] =	ssyncset.done $0x0  }
0x28f: {  	[sflag:s18] =	ssyncadd.s32 $0xFFFFFD80  }
0x290: {  	_ =	sfence.sel $0x180000  }
0x291: {  	[bflag:$0x0] =	sbarrier.arrive $0xFFFF  }
0x292: {  	_ =	strace $0x90000047  }
0x293: {  	s0 =	stileid.u32;
	[bflag:$0x2] =	sbarrier.arrive $0xFFFF  }
0x294: {  	p0 =	sne.s32 s0, $0x0;
	s0 =	rddreg [dreg:$0x4]  }
0x295: {  	s0 =	sadd.s32 @!p0 $0x100000, s0  }
0x296: {  	[sflag:s0] =	ssyncadd.tile.s32 @!p0 $0x1;
	_ =	shalt  }
.Lfunc_end2:
_tile_overlayer_lowered:
.L_overlay_start_2:
0x297: {  	(tag) =	ssettag $0x2  }
0x298: {  	s0 =	rddreg [dreg:$0x0];
	s2 =	stileid.u32  }
0x299: {  	s1 =	rddreg [dreg:$0x1];
	p0 =	sne.s32 s2, $0x0  }
0x29a: {  	s3 =	rddreg [dreg:$0x2];
	[bflag:$0x3] =	sbarrier.arrive $0xFFFF;
	s2 =	simm.s32 @!p0 $0x1C02  }
0x29b: {  	[timem:s3], [sflag:s2] =	dma.local @!p0 [hbm:s0], s1  }
0x29c: {  	s0 =	simm.s32 @!p0 $0x2  }
0x29d: {  	_ =	swait.ge @!p0 [sflag:s0], s1  }
0x29e: {  	s1 =	ssub.s32 @!p0 $0x0, s1;
	[sflag:s0] =	ssyncset.done @!p0 $0x0  }
0x29f: {  	[sflag:s0] =	ssyncadd.s32 @!p0 s1  }
0x2a0: {  	[bflag:$0x3] =	sbarrier.arrive $0xFFFF  }
0x2a1: {  	_ =	shalt  }

</sc_bundles>
